<compile_context>
chip_gen: v7x
topology: tpu7x:2x2x1
jax: 0.10.2.dev20260603
libtpu: 0.0.44.dev20260713+nightly
codegen_flags: <defaults>
</compile_context>

<pallas_src>
import functools

import jax
import jax.numpy as jnp
from jax import lax
from jax.experimental import pallas as pl
from jax.experimental.pallas import tpu as pltpu
from jax.experimental.pallas import tpu_sc as plsc

N_NODES = 10000
N_EDGES = 320000
CH = 128
NC = 2
NS = 16
NW = NC * NS
WIN = 128
NWIN = 79
EPW = NWIN * WIN
NP = 10112
RPT = NP // NS
PK_BITS = 14
NPAD = NW * EPW - N_EDGES

_mesh = plsc.VectorSubcoreMesh(core_axis_name="c", subcore_axis_name="s")



def _deg_body(pk_hbm, out_hbm, ipk, dsts, ones_v, zero_v, deg_sh, sem):
    c = lax.axis_index("c")
    s = lax.axis_index("s")
    wid = c * NS + s

    @pl.when(s == 0)
    def _():
        def zb(i, _):
            zero_v[pl.ds(i * 16, 16)] = jnp.zeros((16,), jnp.float32)
            return 0
        lax.fori_loop(0, NP // 16, zb, 0)
        pltpu.sync_copy(zero_v, deg_sh)

    for j in range(WIN // 16):
        ones_v[pl.ds(j * 16, 16)] = jnp.full((16,), 1.0, jnp.float32)
    pltpu.sync_copy(pk_hbm.at[pl.ds(wid * EPW, EPW)], ipk)

    def ub(w, _):
        for j in range(WIN // 16):
            v = ipk[pl.ds(w * WIN + j * 16, 16)]
            dsts[w, pl.ds(j * 16, 16)] = lax.shift_right_logical(v, PK_BITS)
        return 0
    lax.fori_loop(0, NWIN, ub, 0)
    plsc.subcore_barrier()

    def fire(w, _):
        pltpu.async_copy(ones_v, deg_sh.at[dsts.at[w]], sem, add=True)
        return 0
    lax.fori_loop(0, NWIN, fire, 0)

    def drain(w, _):
        pltpu.make_async_copy(ones_v, deg_sh.at[dsts.at[0]], sem).wait()
        return 0
    lax.fori_loop(0, NWIN, drain, 0)

    plsc.subcore_barrier()

    @pl.when(s == 0)
    def _():
        pltpu.sync_copy(deg_sh, zero_v)
        pltpu.sync_copy(zero_v, out_hbm.at[pl.ds(c * NP, NP)])


_deg_kernel = functools.partial(
    pl.kernel,
    mesh=_mesh,
    out_type=jax.ShapeDtypeStruct((NC * NP,), jnp.float32),
    scratch_types=[
        pltpu.VMEM((EPW,), jnp.int32),
        pltpu.VMEM((NWIN, WIN), jnp.int32),
        pltpu.VMEM((WIN,), jnp.float32),
        pltpu.VMEM((NP,), jnp.float32),
        pltpu.VMEM_SHARED((NP,), jnp.float32),
        pltpu.SemaphoreType.DMA,
    ],
)(_deg_body)


def _agg_body(hp_hbm, pk_hbm, out_hbm,
              ipk2, src_u, dst_u, rows0, rows1, acc_sh, sg0, sg1, sz):
    c = lax.axis_index("c")
    s = lax.axis_index("s")
    wid = c * NS + s

    pltpu.async_copy(pk_hbm.at[pl.ds(wid * EPW, EPW)], ipk2, sg1)

    def zf(r, _):
        for j in range(CH // 16):
            rows0[r, pl.ds(j * 16, 16)] = jnp.zeros((16,), jnp.float32)
        return 0
    lax.fori_loop(0, WIN, zf, 0)
    for k in range(4):
        pltpu.async_copy(rows0, acc_sh.at[pl.ds(s * RPT + k * 128, 128)], sz)
    pltpu.async_copy(rows0.at[pl.ds(0, 120)],
                     acc_sh.at[pl.ds(s * RPT + 512, 120)], sz)
    for k in range(4):
        pltpu.make_async_copy(rows0, acc_sh.at[pl.ds(s * RPT, 128)], sz).wait()
    pltpu.make_async_copy(rows0.at[pl.ds(0, 120)],
                          acc_sh.at[pl.ds(s * RPT, 120)], sz).wait()
    pltpu.make_async_copy(pk_hbm.at[pl.ds(wid * EPW, EPW)], ipk2, sg1).wait()
    plsc.subcore_barrier()

    def unpack(w, p):
        for j in range(WIN // 16):
            v = ipk2[pl.ds(w * WIN + j * 16, 16)]
            src_u[p, pl.ds(j * 16, 16)] = lax.bitwise_and(
                v, jnp.full((16,), (1 << PK_BITS) - 1, jnp.int32))
            dst_u[p, pl.ds(j * 16, 16)] = lax.shift_right_logical(v, PK_BITS)

    def gather(p, buf, sem):
        pltpu.async_copy(hp_hbm.at[src_u.at[p]], buf, sem)

    def gwait(buf, sem):
        pltpu.make_async_copy(hp_hbm.at[src_u.at[0]], buf, sem).wait()

    def scat(p, buf):
        pltpu.sync_copy(buf, acc_sh.at[dst_u.at[p]], add=True)

    unpack(0, 0)
    gather(0, rows0, sg0)
    unpack(1, 1)
    gather(1, rows1, sg1)

    def body(k, _):
        w = 2 * k
        gwait(rows0, sg0)
        scat(0, rows0)
        unpack(w + 2, 0)
        gather(0, rows0, sg0)
        gwait(rows1, sg1)
        scat(1, rows1)
        unpack(w + 3, 1)
        gather(1, rows1, sg1)
        return 0
    lax.fori_loop(0, (NWIN - 3) // 2, body, 0)

    gwait(rows0, sg0)
    scat(0, rows0)
    unpack(NWIN - 1, 0)
    gather(0, rows0, sg0)
    gwait(rows1, sg1)
    scat(1, rows1)
    gwait(rows0, sg0)
    scat(0, rows0)

    plsc.subcore_barrier()

    bufs = (rows0, rows1)
    sems = (sg0, sg1)
    sizes = [128] * 4 + [120]
    offs = [128 * k for k in range(5)]
    pltpu.sync_copy(acc_sh.at[pl.ds(s * RPT, 128)], rows0)
    for k in range(5):
        b, sm = bufs[k % 2], sems[k % 2]
        n = sizes[k]
        pltpu.async_copy(b.at[pl.ds(0, n)],
                         out_hbm.at[pl.ds(c * NP + s * RPT + offs[k], n)], sm)
        if k + 1 < 5:
            nb = bufs[(k + 1) % 2]
            pltpu.sync_copy(
                acc_sh.at[pl.ds(s * RPT + offs[k + 1], sizes[k + 1])],
                nb.at[pl.ds(0, sizes[k + 1])])
        pltpu.make_async_copy(
            b.at[pl.ds(0, n)],
            out_hbm.at[pl.ds(c * NP + s * RPT + offs[k], n)], sm).wait()


_agg_kernel = functools.partial(
    pl.kernel,
    mesh=_mesh,
    out_type=jax.ShapeDtypeStruct((NC * NP, CH), jnp.float32),
    scratch_types=[
        pltpu.VMEM((EPW,), jnp.int32),
        pltpu.VMEM((2, WIN), jnp.int32),
        pltpu.VMEM((2, WIN), jnp.int32),
        pltpu.VMEM((WIN, CH), jnp.float32),
        pltpu.VMEM((WIN, CH), jnp.float32),
        pltpu.VMEM_SHARED((NP, CH), jnp.float32),
        pltpu.SemaphoreType.DMA,
        pltpu.SemaphoreType.DMA,
        pltpu.SemaphoreType.DMA,
    ],
)(_agg_body)



def _pack_body(ei_ref, o_ref):
    sv = ei_ref[0:1, :]
    dv = ei_ref[1:2, :]
    pk = jnp.left_shift(dv, PK_BITS) | sv
    col = lax.broadcasted_iota(jnp.int32, (1, NPAD), 1)
    pads = (jnp.left_shift(N_NODES + col % (NP - N_NODES), PK_BITS)
            | (col % 8192))
    o_ref[...] = jnp.concatenate([pk, pads], axis=1).reshape(NW * EPW)


def _pack(ei):
    return pl.pallas_call(
        _pack_body,
        out_shape=jax.ShapeDtypeStruct((NW * EPW,), jnp.int32),
    )(ei)


_R = 1264
_G = NP // _R


def _dis(d_ref):
    d = lax.rsqrt(d_ref[0, 0:1, :] + d_ref[0, 1:2, :] + 1.0)
    return jnp.swapaxes(d, 0, 1)


def _mm_scale_body(x_ref, w_ref, d_ref, o_ref):
    o_ref[...] = jnp.dot(x_ref[...], w_ref[...],
                         preferred_element_type=jnp.float32) * _dis(d_ref)


def _mm_scale(x, w, dg):
    return pl.pallas_call(
        _mm_scale_body,
        grid=(_G,),
        in_specs=[
            pl.BlockSpec((_R, CH), lambda i: (i, 0)),
            pl.BlockSpec((CH, CH), lambda i: (0, 0)),
            pl.BlockSpec((1, 2, _R), lambda i: (i, 0, 0)),
        ],
        out_specs=pl.BlockSpec((_R, CH), lambda i: (i, 0)),
        out_shape=jax.ShapeDtypeStruct((NP, CH), jnp.float32),
    )(x, w, dg)


def _comb_mm_body(a0_ref, a1_ref, hp_ref, d_ref, b_ref, w_ref, o_ref):
    dis = _dis(d_ref)
    t = (a0_ref[...] + a1_ref[...] + hp_ref[...]) * dis + b_ref[...]
    t = jnp.maximum(t, 0.0)
    o_ref[...] = jnp.dot(t, w_ref[...],
                         preferred_element_type=jnp.float32) * dis


def _comb_mm(agg, hp, dg, b, w):
    return pl.pallas_call(
        _comb_mm_body,
        grid=(_G,),
        in_specs=[
            pl.BlockSpec((_R, CH), lambda i: (i, 0)),
            pl.BlockSpec((_R, CH), lambda i: (i + _G, 0)),
            pl.BlockSpec((_R, CH), lambda i: (i, 0)),
            pl.BlockSpec((1, 2, _R), lambda i: (i, 0, 0)),
            pl.BlockSpec((1, CH), lambda i: (0, 0)),
            pl.BlockSpec((CH, CH), lambda i: (0, 0)),
        ],
        out_specs=pl.BlockSpec((_R, CH), lambda i: (i, 0)),
        out_shape=jax.ShapeDtypeStruct((NP, CH), jnp.float32),
    )(agg, agg, hp, dg, b, w)


_OUT_PAD = 8


def _final_body(a0_ref, a1_ref, hp_ref, d_ref, b_ref, w_ref,
                b3_ref, o_ref):
    dis = _dis(d_ref)
    t = (a0_ref[...] + a1_ref[...] + hp_ref[...]) * dis + b_ref[...]
    t = jnp.maximum(t, 0.0)
    o_ref[...] = jnp.dot(t, w_ref[...],
                         preferred_element_type=jnp.float32) + b3_ref[...]


def _final(agg, hp, dg, b, w3p, b3p):
    return pl.pallas_call(
        _final_body,
        grid=(_G,),
        in_specs=[
            pl.BlockSpec((_R, CH), lambda i: (i, 0)),
            pl.BlockSpec((_R, CH), lambda i: (i + _G, 0)),
            pl.BlockSpec((_R, CH), lambda i: (i, 0)),
            pl.BlockSpec((1, 2, _R), lambda i: (i, 0, 0)),
            pl.BlockSpec((1, CH), lambda i: (0, 0)),
            pl.BlockSpec((CH, _OUT_PAD), lambda i: (0, 0)),
            pl.BlockSpec((1, _OUT_PAD), lambda i: (0, 0)),
        ],
        out_specs=pl.BlockSpec((_R, _OUT_PAD), lambda i: (i, 0)),
        out_shape=jax.ShapeDtypeStruct((NP, _OUT_PAD), jnp.float32),
    )(agg, agg, hp, dg, b, w3p, b3p)


def kernel(x, edge_index, W1, b1, W2, b2, W3, b3):
    packed = _pack(edge_index.astype(jnp.int32))

    deg = _deg_kernel(packed)
    dg = deg.reshape(NC, _G, _R).transpose(1, 0, 2)

    b1r = b1.reshape(1, CH)
    b2r = b2.reshape(1, CH)
    w3p = jnp.zeros((CH, _OUT_PAD), jnp.float32).at[:, :3].set(W3)
    b3p = jnp.zeros((1, _OUT_PAD), jnp.float32).at[0, :3].set(b3)

    h1p = _mm_scale(x, W1, dg)
    agg1 = _agg_kernel(h1p, packed)
    h2p = _comb_mm(agg1, h1p, dg, b1r, W2)
    agg2 = _agg_kernel(h2p, packed)
    outp = _final(agg2, h2p, dg, b2r, w3p, b3p)
    return outp[:N_NODES, :3]

# --- scband reference (transcript-rebuilt; emitter-appended) ---
"""Pipeline reference for scband-coordinate-predictor-68908455297211 (READ-ONLY COPY).

The authoritative reference and input builder live on the scoring server;
editing this copy changes nothing except your own understanding.
"""

import jax, jax.numpy as jnp
import numpy as np

N_NODES = 10000
N_EDGES = 320000
IN_CH = 128
HID_CH = 128
OUT_CH = 3


def setup_inputs(seed: int = 0) -> dict:
    key = jax.random.key(seed)
    ks = jax.random.split(key, 8)
    x = jax.random.normal(ks[0], (N_NODES, IN_CH), dtype=jnp.float32)
    edge_index = jax.random.randint(ks[1], (2, N_EDGES), 0, N_NODES, dtype=jnp.int64)
    W1 = jax.random.normal(ks[2], (IN_CH, HID_CH), dtype=jnp.float32) * (1.0 / np.sqrt(IN_CH))
    b1 = jnp.zeros((HID_CH,), dtype=jnp.float32)
    W2 = jax.random.normal(ks[3], (HID_CH, HID_CH), dtype=jnp.float32) * (1.0 / np.sqrt(HID_CH))
    b2 = jnp.zeros((HID_CH,), dtype=jnp.float32)
    W3 = jax.random.normal(ks[4], (HID_CH, OUT_CH), dtype=jnp.float32) * (1.0 / np.sqrt(HID_CH))
    b3 = jnp.zeros((OUT_CH,), dtype=jnp.float32)
    return {"x": x, "edge_index": edge_index, "W1": W1, "b1": b1, "W2": W2, "b2": b2, "W3": W3, "b3": b3}


def gcn_conv(x, edge_index, W, b, num_nodes):
    # GCNConv with self-loops and symmetric normalization:
    # out = D^{-1/2} (A + I) D^{-1/2} X W + b
    src = edge_index[0]
    dst = edge_index[1]
    loop = jnp.arange(num_nodes, dtype=src.dtype)
    src = jnp.concatenate([src, loop])
    dst = jnp.concatenate([dst, loop])
    deg = jnp.zeros((num_nodes,), dtype=x.dtype).at[dst].add(1.0)
    deg_inv_sqrt = jnp.where(deg > 0, jax.lax.rsqrt(deg), 0.0)
    norm = deg_inv_sqrt[src] * deg_inv_sqrt[dst]
    h = x @ W
    msg = h[src] * norm[:, None]
    out = jnp.zeros((num_nodes, W.shape[1]), dtype=x.dtype).at[dst].add(msg)
    return out + b


def reference(x, edge_index, W1, b1, W2, b2, W3, b3):
    h = gcn_conv(x, edge_index, W1, b1, N_NODES)
    h = jax.nn.relu(h)
    h = gcn_conv(h, edge_index, W2, b2, N_NODES)
    h = jax.nn.relu(h)
    out = h @ W3 + b3
    return out

if __name__ == "__main__":
    import jax
    _d = setup_inputs()
    print(jax.jit(kernel)(*tuple(_d.values())))

</pallas_src>

<mosaic_0001>
#map = affine_map<(d0, d1) -> (0)>
module attributes {stable_mosaic.version = 14 : i64} {
  func.func @_deg_body(%arg0: i32, %arg1: i32, %arg2: memref<323584xi32, #tpu.memory_space<hbm>>, %arg3: memref<20224xf32, #tpu.memory_space<hbm>>, %arg4: memref<10112xi32, #tpu.memory_space<vmem>>, %arg5: memref<79x128xi32, #tpu.memory_space<vmem>>, %arg6: memref<128xf32, #tpu.memory_space<vmem>>, %arg7: memref<10112xf32, #tpu.memory_space<vmem>>, %arg8: memref<10112xf32, #tpu.memory_space<vmem_shared>>, %arg9: memref<!tpu.dma_semaphore, #tpu.memory_space<semaphore_mem>>) attributes {dimension_semantics = [#tpu.dimension_semantics<core_parallel>, #tpu.dimension_semantics<subcore_parallel>], iteration_bounds = array<i64: 2, 16>, scalar_prefetch = 0 : i64, scratch_operands = 6 : i64, tpu.core_type = #tpu.core_type<sc_vector_subcore>, window_params = [{transform_indices = #map}, {transform_indices = #map}]} {
    %mul3A = arith.constant 16 : i32
    %mul3A_0 = arith.muli %arg0, %mul3A : i32
    %add3A = arith.addi %mul3A_0, %arg1 : i32
    %eq3A = arith.constant 0 : i32
    %eq3A_1 = arith.cmpi eq, %arg1, %eq3A : i32
    %convert_element_type3A = arith.extui %eq3A_1 : i1 to i32
    %cond3A = arith.constant 0 : i32
    %cond3A_2 = arith.cmpi ne, %convert_element_type3A, %cond3A : i32
    scf.if %cond3A_2 {
      %scan3A_77 = arith.constant 0 : i32
      %scan3A_78 = arith.constant 0 : i32
      %scan3A_79 = arith.constant 632 : i32
      %scan3A_80 = arith.addi %scan3A_78, %scan3A_79 : i32
      %scan3A_81 = arith.constant 1 : i32
      %scan3A_82 = scf.for %scan3A_84 = %scan3A_78 to %scan3A_80 step %scan3A_81 iter_args(%scan3A_85 = %scan3A_77) -> (i32)  : i32 {
        %broadcast_in_dim3A_86 = arith.constant 0.000000e+00 : f32
        %broadcast_in_dim3A_87 = vector.broadcast %broadcast_in_dim3A_86 : f32 to vector<16xf32>
        %mul3A_88 = arith.constant 16 : i32
        %mul3A_89 = arith.muli %scan3A_84, %mul3A_88 : i32
        %swap3A_90 = arith.index_cast %mul3A_89 : i32 to index
        %swap3A_91 = tpu.vector_load %arg7[%swap3A_90] {strides = array<i32>} : memref<10112xf32, #tpu.memory_space<vmem>>, vector<16xf32>,
        %swap3A_92 = vector.shape_cast %swap3A_91 : vector<16xf32> to vector<16xf32>
        %swap3A_93 = vector.shape_cast %broadcast_in_dim3A_87 : vector<16xf32> to vector<16xf32>
        tpu.vector_store %arg7[%swap3A_90], %swap3A_93 {strides = array<i32>} : memref<10112xf32, #tpu.memory_space<vmem>>, vector<16xf32>,
        %scan3A_94 = arith.constant 0 : i32
        scf.yield %scan3A_94 : i32
      }
      %scan3A_83 = arith.constant 632 : i32
      "tpu.region"() ({
        %run_scoped3A = tpu.sem_alloc : memref<!tpu.dma_semaphore, #tpu.memory_space<semaphore_mem>>
        tpu.enqueue_dma source(%arg7 : memref<10112xf32, #tpu.memory_space<vmem>>) target(%arg8 : memref<10112xf32, #tpu.memory_space<vmem_shared>>) target_semaphore(%run_scoped3A : memref<!tpu.dma_semaphore, #tpu.memory_space<semaphore_mem>>)
        tpu.wait_dma2 semaphore(%run_scoped3A : memref<!tpu.dma_semaphore, #tpu.memory_space<semaphore_mem>>) src(%arg7 : memref<10112xf32, #tpu.memory_space<vmem>>) dst(%arg8 : memref<10112xf32, #tpu.memory_space<vmem_shared>>)
        tpu.yield
      }) : () -> ()
    } else {
    }
    %broadcast_in_dim3A = arith.constant 1.000000e+00 : f32
    %broadcast_in_dim3A_3 = vector.broadcast %broadcast_in_dim3A : f32 to vector<16xf32>
    %swap3A = arith.constant 0 : index
    %swap3A_4 = tpu.vector_load %arg6[%swap3A] {strides = array<i32>} : memref<128xf32, #tpu.memory_space<vmem>>, vector<16xf32>,
    %swap3A_5 = vector.shape_cast %swap3A_4 : vector<16xf32> to vector<16xf32>
    %swap3A_6 = vector.shape_cast %broadcast_in_dim3A_3 : vector<16xf32> to vector<16xf32>
    tpu.vector_store %arg6[%swap3A], %swap3A_6 {strides = array<i32>} : memref<128xf32, #tpu.memory_space<vmem>>, vector<16xf32>,
    %broadcast_in_dim3A_7 = arith.constant 1.000000e+00 : f32
    %broadcast_in_dim3A_8 = vector.broadcast %broadcast_in_dim3A_7 : f32 to vector<16xf32>
    %swap3A_9 = arith.constant 16 : index
    %swap3A_10 = tpu.vector_load %arg6[%swap3A_9] {strides = array<i32>} : memref<128xf32, #tpu.memory_space<vmem>>, vector<16xf32>,
    %swap3A_11 = vector.shape_cast %swap3A_10 : vector<16xf32> to vector<16xf32>
    %swap3A_12 = vector.shape_cast %broadcast_in_dim3A_8 : vector<16xf32> to vector<16xf32>
    tpu.vector_store %arg6[%swap3A_9], %swap3A_12 {strides = array<i32>} : memref<128xf32, #tpu.memory_space<vmem>>, vector<16xf32>,
    %broadcast_in_dim3A_13 = arith.constant 1.000000e+00 : f32
    %broadcast_in_dim3A_14 = vector.broadcast %broadcast_in_dim3A_13 : f32 to vector<16xf32>
    %swap3A_15 = arith.constant 32 : index
    %swap3A_16 = tpu.vector_load %arg6[%swap3A_15] {strides = array<i32>} : memref<128xf32, #tpu.memory_space<vmem>>, vector<16xf32>,
    %swap3A_17 = vector.shape_cast %swap3A_16 : vector<16xf32> to vector<16xf32>
    %swap3A_18 = vector.shape_cast %broadcast_in_dim3A_14 : vector<16xf32> to vector<16xf32>
    tpu.vector_store %arg6[%swap3A_15], %swap3A_18 {strides = array<i32>} : memref<128xf32, #tpu.memory_space<vmem>>, vector<16xf32>,
    %broadcast_in_dim3A_19 = arith.constant 1.000000e+00 : f32
    %broadcast_in_dim3A_20 = vector.broadcast %broadcast_in_dim3A_19 : f32 to vector<16xf32>
    %swap3A_21 = arith.constant 48 : index
    %swap3A_22 = tpu.vector_load %arg6[%swap3A_21] {strides = array<i32>} : memref<128xf32, #tpu.memory_space<vmem>>, vector<16xf32>,
    %swap3A_23 = vector.shape_cast %swap3A_22 : vector<16xf32> to vector<16xf32>
    %swap3A_24 = vector.shape_cast %broadcast_in_dim3A_20 : vector<16xf32> to vector<16xf32>
    tpu.vector_store %arg6[%swap3A_21], %swap3A_24 {strides = array<i32>} : memref<128xf32, #tpu.memory_space<vmem>>, vector<16xf32>,
    %broadcast_in_dim3A_25 = arith.constant 1.000000e+00 : f32
    %broadcast_in_dim3A_26 = vector.broadcast %broadcast_in_dim3A_25 : f32 to vector<16xf32>
    %swap3A_27 = arith.constant 64 : index
    %swap3A_28 = tpu.vector_load %arg6[%swap3A_27] {strides = array<i32>} : memref<128xf32, #tpu.memory_space<vmem>>, vector<16xf32>,
    %swap3A_29 = vector.shape_cast %swap3A_28 : vector<16xf32> to vector<16xf32>
    %swap3A_30 = vector.shape_cast %broadcast_in_dim3A_26 : vector<16xf32> to vector<16xf32>
    tpu.vector_store %arg6[%swap3A_27], %swap3A_30 {strides = array<i32>} : memref<128xf32, #tpu.memory_space<vmem>>, vector<16xf32>,
    %broadcast_in_dim3A_31 = arith.constant 1.000000e+00 : f32
    %broadcast_in_dim3A_32 = vector.broadcast %broadcast_in_dim3A_31 : f32 to vector<16xf32>
    %swap3A_33 = arith.constant 80 : index
    %swap3A_34 = tpu.vector_load %arg6[%swap3A_33] {strides = array<i32>} : memref<128xf32, #tpu.memory_space<vmem>>, vector<16xf32>,
    %swap3A_35 = vector.shape_cast %swap3A_34 : vector<16xf32> to vector<16xf32>
    %swap3A_36 = vector.shape_cast %broadcast_in_dim3A_32 : vector<16xf32> to vector<16xf32>
    tpu.vector_store %arg6[%swap3A_33], %swap3A_36 {strides = array<i32>} : memref<128xf32, #tpu.memory_space<vmem>>, vector<16xf32>,
    %broadcast_in_dim3A_37 = arith.constant 1.000000e+00 : f32
    %broadcast_in_dim3A_38 = vector.broadcast %broadcast_in_dim3A_37 : f32 to vector<16xf32>
    %swap3A_39 = arith.constant 96 : index
    %swap3A_40 = tpu.vector_load %arg6[%swap3A_39] {strides = array<i32>} : memref<128xf32, #tpu.memory_space<vmem>>, vector<16xf32>,
    %swap3A_41 = vector.shape_cast %swap3A_40 : vector<16xf32> to vector<16xf32>
    %swap3A_42 = vector.shape_cast %broadcast_in_dim3A_38 : vector<16xf32> to vector<16xf32>
    tpu.vector_store %arg6[%swap3A_39], %swap3A_42 {strides = array<i32>} : memref<128xf32, #tpu.memory_space<vmem>>, vector<16xf32>,
    %broadcast_in_dim3A_43 = arith.constant 1.000000e+00 : f32
    %broadcast_in_dim3A_44 = vector.broadcast %broadcast_in_dim3A_43 : f32 to vector<16xf32>
    %swap3A_45 = arith.constant 112 : index
    %swap3A_46 = tpu.vector_load %arg6[%swap3A_45] {strides = array<i32>} : memref<128xf32, #tpu.memory_space<vmem>>, vector<16xf32>,
    %swap3A_47 = vector.shape_cast %swap3A_46 : vector<16xf32> to vector<16xf32>
    %swap3A_48 = vector.shape_cast %broadcast_in_dim3A_44 : vector<16xf32> to vector<16xf32>
    tpu.vector_store %arg6[%swap3A_45], %swap3A_48 {strides = array<i32>} : memref<128xf32, #tpu.memory_space<vmem>>, vector<16xf32>,
    %mul3A_49 = arith.constant 10112 : i32
    %mul3A_50 = arith.muli %add3A, %mul3A_49 : i32
    "tpu.region"() ({
      %run_scoped3A = tpu.sem_alloc : memref<!tpu.dma_semaphore, #tpu.memory_space<semaphore_mem>>
      %dma_start3A = tpu.memref_slice %arg2[%mul3A_50] : memref<323584xi32, #tpu.memory_space<hbm>> -> memref<10112xi32, #tpu.memory_space<hbm>>
      %dma_start3A_77 = tpu.memref_slice %arg2[%mul3A_50] : memref<323584xi32, #tpu.memory_space<hbm>> -> memref<10112xi32, #tpu.memory_space<hbm>>
      tpu.enqueue_dma source(%dma_start3A_77 : memref<10112xi32, #tpu.memory_space<hbm>>) target(%arg4 : memref<10112xi32, #tpu.memory_space<vmem>>) target_semaphore(%run_scoped3A : memref<!tpu.dma_semaphore, #tpu.memory_space<semaphore_mem>>)
      %dma_wait3A = tpu.memref_slice %arg2[%mul3A_50] : memref<323584xi32, #tpu.memory_space<hbm>> -> memref<10112xi32, #tpu.memory_space<hbm>>
      %dma_wait3A_78 = tpu.memref_slice %arg2[%mul3A_50] : memref<323584xi32, #tpu.memory_space<hbm>> -> memref<10112xi32, #tpu.memory_space<hbm>>
      tpu.wait_dma2 semaphore(%run_scoped3A : memref<!tpu.dma_semaphore, #tpu.memory_space<semaphore_mem>>) src(%dma_wait3A_78 : memref<10112xi32, #tpu.memory_space<hbm>>) dst(%arg4 : memref<10112xi32, #tpu.memory_space<vmem>>)
      tpu.yield
    }) : () -> ()
    %scan3A = arith.constant 0 : i32
    %scan3A_51 = arith.constant 0 : i32
    %scan3A_52 = arith.constant 79 : i32
    %scan3A_53 = arith.addi %scan3A_51, %scan3A_52 : i32
    %scan3A_54 = arith.constant 1 : i32
    %scan3A_55 = scf.for %scan3A_77 = %scan3A_51 to %scan3A_53 step %scan3A_54 iter_args(%scan3A_78 = %scan3A) -> (i32)  : i32 {
      %mul3A_79 = arith.constant 128 : i32
      %mul3A_80 = arith.muli %scan3A_77, %mul3A_79 : i32
      %add3A_81 = arith.constant 0 : i32
      %add3A_82 = arith.addi %mul3A_80, %add3A_81 : i32
      %get3A = arith.index_cast %add3A_82 : i32 to index
      %get3A_83 = tpu.vector_load %arg4[%get3A] {strides = array<i32>} : memref<10112xi32, #tpu.memory_space<vmem>>, vector<16xi32>,
      %get3A_84 = vector.shape_cast %get3A_83 : vector<16xi32> to vector<16xi32>
      %shift_right_logical3A = arith.constant 14 : i32
      %shift_right_logical3A_85 = vector.broadcast %shift_right_logical3A : i32 to vector<16xi32>
      %shift_right_logical3A_86 = arith.shrui %get3A_84, %shift_right_logical3A_85 : vector<16xi32>
      %swap3A_87 = arith.index_cast %scan3A_77 : i32 to index
      %swap3A_88 = arith.constant 0 : index
      %swap3A_89 = tpu.vector_load %arg5[%swap3A_87, %swap3A_88] {strides = array<i32>} : memref<79x128xi32, #tpu.memory_space<vmem>>, vector<1x16xi32>,
      %swap3A_90 = vector.shape_cast %swap3A_89 : vector<1x16xi32> to vector<16xi32>
      %swap3A_91 = vector.shape_cast %shift_right_logical3A_86 : vector<16xi32> to vector<1x16xi32>
      tpu.vector_store %arg5[%swap3A_87, %swap3A_88], %swap3A_91 {strides = array<i32>} : memref<79x128xi32, #tpu.memory_space<vmem>>, vector<1x16xi32>,
      %mul3A_92 = arith.constant 128 : i32
      %mul3A_93 = arith.muli %scan3A_77, %mul3A_92 : i32
      %add3A_94 = arith.constant 16 : i32
      %add3A_95 = arith.addi %mul3A_93, %add3A_94 : i32
      %get3A_96 = arith.index_cast %add3A_95 : i32 to index
      %get3A_97 = tpu.vector_load %arg4[%get3A_96] {strides = array<i32>} : memref<10112xi32, #tpu.memory_space<vmem>>, vector<16xi32>,
      %get3A_98 = vector.shape_cast %get3A_97 : vector<16xi32> to vector<16xi32>
      %shift_right_logical3A_99 = arith.constant 14 : i32
      %shift_right_logical3A_100 = vector.broadcast %shift_right_logical3A_99 : i32 to vector<16xi32>
      %shift_right_logical3A_101 = arith.shrui %get3A_98, %shift_right_logical3A_100 : vector<16xi32>
      %swap3A_102 = arith.index_cast %scan3A_77 : i32 to index
      %swap3A_103 = arith.constant 16 : index
      %swap3A_104 = tpu.vector_load %arg5[%swap3A_102, %swap3A_103] {strides = array<i32>} : memref<79x128xi32, #tpu.memory_space<vmem>>, vector<1x16xi32>,
      %swap3A_105 = vector.shape_cast %swap3A_104 : vector<1x16xi32> to vector<16xi32>
      %swap3A_106 = vector.shape_cast %shift_right_logical3A_101 : vector<16xi32> to vector<1x16xi32>
      tpu.vector_store %arg5[%swap3A_102, %swap3A_103], %swap3A_106 {strides = array<i32>} : memref<79x128xi32, #tpu.memory_space<vmem>>, vector<1x16xi32>,
      %mul3A_107 = arith.constant 128 : i32
      %mul3A_108 = arith.muli %scan3A_77, %mul3A_107 : i32
      %add3A_109 = arith.constant 32 : i32
      %add3A_110 = arith.addi %mul3A_108, %add3A_109 : i32
      %get3A_111 = arith.index_cast %add3A_110 : i32 to index
      %get3A_112 = tpu.vector_load %arg4[%get3A_111] {strides = array<i32>} : memref<10112xi32, #tpu.memory_space<vmem>>, vector<16xi32>,
      %get3A_113 = vector.shape_cast %get3A_112 : vector<16xi32> to vector<16xi32>
      %shift_right_logical3A_114 = arith.constant 14 : i32
      %shift_right_logical3A_115 = vector.broadcast %shift_right_logical3A_114 : i32 to vector<16xi32>
      %shift_right_logical3A_116 = arith.shrui %get3A_113, %shift_right_logical3A_115 : vector<16xi32>
      %swap3A_117 = arith.index_cast %scan3A_77 : i32 to index
      %swap3A_118 = arith.constant 32 : index
      %swap3A_119 = tpu.vector_load %arg5[%swap3A_117, %swap3A_118] {strides = array<i32>} : memref<79x128xi32, #tpu.memory_space<vmem>>, vector<1x16xi32>,
      %swap3A_120 = vector.shape_cast %swap3A_119 : vector<1x16xi32> to vector<16xi32>
      %swap3A_121 = vector.shape_cast %shift_right_logical3A_116 : vector<16xi32> to vector<1x16xi32>
      tpu.vector_store %arg5[%swap3A_117, %swap3A_118], %swap3A_121 {strides = array<i32>} : memref<79x128xi32, #tpu.memory_space<vmem>>, vector<1x16xi32>,
      %mul3A_122 = arith.constant 128 : i32
      %mul3A_123 = arith.muli %scan3A_77, %mul3A_122 : i32
      %add3A_124 = arith.constant 48 : i32
      %add3A_125 = arith.addi %mul3A_123, %add3A_124 : i32
      %get3A_126 = arith.index_cast %add3A_125 : i32 to index
      %get3A_127 = tpu.vector_load %arg4[%get3A_126] {strides = array<i32>} : memref<10112xi32, #tpu.memory_space<vmem>>, vector<16xi32>,
      %get3A_128 = vector.shape_cast %get3A_127 : vector<16xi32> to vector<16xi32>
      %shift_right_logical3A_129 = arith.constant 14 : i32
      %shift_right_logical3A_130 = vector.broadcast %shift_right_logical3A_129 : i32 to vector<16xi32>
      %shift_right_logical3A_131 = arith.shrui %get3A_128, %shift_right_logical3A_130 : vector<16xi32>
      %swap3A_132 = arith.index_cast %scan3A_77 : i32 to index
      %swap3A_133 = arith.constant 48 : index
      %swap3A_134 = tpu.vector_load %arg5[%swap3A_132, %swap3A_133] {strides = array<i32>} : memref<79x128xi32, #tpu.memory_space<vmem>>, vector<1x16xi32>,
      %swap3A_135 = vector.shape_cast %swap3A_134 : vector<1x16xi32> to vector<16xi32>
      %swap3A_136 = vector.shape_cast %shift_right_logical3A_131 : vector<16xi32> to vector<1x16xi32>
      tpu.vector_store %arg5[%swap3A_132, %swap3A_133], %swap3A_136 {strides = array<i32>} : memref<79x128xi32, #tpu.memory_space<vmem>>, vector<1x16xi32>,
      %mul3A_137 = arith.constant 128 : i32
      %mul3A_138 = arith.muli %scan3A_77, %mul3A_137 : i32
      %add3A_139 = arith.constant 64 : i32
      %add3A_140 = arith.addi %mul3A_138, %add3A_139 : i32
      %get3A_141 = arith.index_cast %add3A_140 : i32 to index
      %get3A_142 = tpu.vector_load %arg4[%get3A_141] {strides = array<i32>} : memref<10112xi32, #tpu.memory_space<vmem>>, vector<16xi32>,
      %get3A_143 = vector.shape_cast %get3A_142 : vector<16xi32> to vector<16xi32>
      %shift_right_logical3A_144 = arith.constant 14 : i32
      %shift_right_logical3A_145 = vector.broadcast %shift_right_logical3A_144 : i32 to vector<16xi32>
      %shift_right_logical3A_146 = arith.shrui %get3A_143, %shift_right_logical3A_145 : vector<16xi32>
      %swap3A_147 = arith.index_cast %scan3A_77 : i32 to index
      %swap3A_148 = arith.constant 64 : index
      %swap3A_149 = tpu.vector_load %arg5[%swap3A_147, %swap3A_148] {strides = array<i32>} : memref<79x128xi32, #tpu.memory_space<vmem>>, vector<1x16xi32>,
      %swap3A_150 = vector.shape_cast %swap3A_149 : vector<1x16xi32> to vector<16xi32>
      %swap3A_151 = vector.shape_cast %shift_right_logical3A_146 : vector<16xi32> to vector<1x16xi32>
      tpu.vector_store %arg5[%swap3A_147, %swap3A_148], %swap3A_151 {strides = array<i32>} : memref<79x128xi32, #tpu.memory_space<vmem>>, vector<1x16xi32>,
      %mul3A_152 = arith.constant 128 : i32
      %mul3A_153 = arith.muli %scan3A_77, %mul3A_152 : i32
      %add3A_154 = arith.constant 80 : i32
      %add3A_155 = arith.addi %mul3A_153, %add3A_154 : i32
      %get3A_156 = arith.index_cast %add3A_155 : i32 to index
      %get3A_157 = tpu.vector_load %arg4[%get3A_156] {strides = array<i32>} : memref<10112xi32, #tpu.memory_space<vmem>>, vector<16xi32>,
      %get3A_158 = vector.shape_cast %get3A_157 : vector<16xi32> to vector<16xi32>
      %shift_right_logical3A_159 = arith.constant 14 : i32
      %shift_right_logical3A_160 = vector.broadcast %shift_right_logical3A_159 : i32 to vector<16xi32>
      %shift_right_logical3A_161 = arith.shrui %get3A_158, %shift_right_logical3A_160 : vector<16xi32>
      %swap3A_162 = arith.index_cast %scan3A_77 : i32 to index
      %swap3A_163 = arith.constant 80 : index
      %swap3A_164 = tpu.vector_load %arg5[%swap3A_162, %swap3A_163] {strides = array<i32>} : memref<79x128xi32, #tpu.memory_space<vmem>>, vector<1x16xi32>,
      %swap3A_165 = vector.shape_cast %swap3A_164 : vector<1x16xi32> to vector<16xi32>
      %swap3A_166 = vector.shape_cast %shift_right_logical3A_161 : vector<16xi32> to vector<1x16xi32>
      tpu.vector_store %arg5[%swap3A_162, %swap3A_163], %swap3A_166 {strides = array<i32>} : memref<79x128xi32, #tpu.memory_space<vmem>>, vector<1x16xi32>,
      %mul3A_167 = arith.constant 128 : i32
      %mul3A_168 = arith.muli %scan3A_77, %mul3A_167 : i32
      %add3A_169 = arith.constant 96 : i32
      %add3A_170 = arith.addi %mul3A_168, %add3A_169 : i32
      %get3A_171 = arith.index_cast %add3A_170 : i32 to index
      %get3A_172 = tpu.vector_load %arg4[%get3A_171] {strides = array<i32>} : memref<10112xi32, #tpu.memory_space<vmem>>, vector<16xi32>,
      %get3A_173 = vector.shape_cast %get3A_172 : vector<16xi32> to vector<16xi32>
      %shift_right_logical3A_174 = arith.constant 14 : i32
      %shift_right_logical3A_175 = vector.broadcast %shift_right_logical3A_174 : i32 to vector<16xi32>
      %shift_right_logical3A_176 = arith.shrui %get3A_173, %shift_right_logical3A_175 : vector<16xi32>
      %swap3A_177 = arith.index_cast %scan3A_77 : i32 to index
      %swap3A_178 = arith.constant 96 : index
      %swap3A_179 = tpu.vector_load %arg5[%swap3A_177, %swap3A_178] {strides = array<i32>} : memref<79x128xi32, #tpu.memory_space<vmem>>, vector<1x16xi32>,
      %swap3A_180 = vector.shape_cast %swap3A_179 : vector<1x16xi32> to vector<16xi32>
      %swap3A_181 = vector.shape_cast %shift_right_logical3A_176 : vector<16xi32> to vector<1x16xi32>
      tpu.vector_store %arg5[%swap3A_177, %swap3A_178], %swap3A_181 {strides = array<i32>} : memref<79x128xi32, #tpu.memory_space<vmem>>, vector<1x16xi32>,
      %mul3A_182 = arith.constant 128 : i32
      %mul3A_183 = arith.muli %scan3A_77, %mul3A_182 : i32
      %add3A_184 = arith.constant 112 : i32
      %add3A_185 = arith.addi %mul3A_183, %add3A_184 : i32
      %get3A_186 = arith.index_cast %add3A_185 : i32 to index
      %get3A_187 = tpu.vector_load %arg4[%get3A_186] {strides = array<i32>} : memref<10112xi32, #tpu.memory_space<vmem>>, vector<16xi32>,
      %get3A_188 = vector.shape_cast %get3A_187 : vector<16xi32> to vector<16xi32>
      %shift_right_logical3A_189 = arith.constant 14 : i32
      %shift_right_logical3A_190 = vector.broadcast %shift_right_logical3A_189 : i32 to vector<16xi32>
      %shift_right_logical3A_191 = arith.shrui %get3A_188, %shift_right_logical3A_190 : vector<16xi32>
      %swap3A_192 = arith.index_cast %scan3A_77 : i32 to index
      %swap3A_193 = arith.constant 112 : index
      %swap3A_194 = tpu.vector_load %arg5[%swap3A_192, %swap3A_193] {strides = array<i32>} : memref<79x128xi32, #tpu.memory_space<vmem>>, vector<1x16xi32>,
      %swap3A_195 = vector.shape_cast %swap3A_194 : vector<1x16xi32> to vector<16xi32>
      %swap3A_196 = vector.shape_cast %shift_right_logical3A_191 : vector<16xi32> to vector<1x16xi32>
      tpu.vector_store %arg5[%swap3A_192, %swap3A_193], %swap3A_196 {strides = array<i32>} : memref<79x128xi32, #tpu.memory_space<vmem>>, vector<1x16xi32>,
      %scan3A_197 = arith.constant 0 : i32
      scf.yield %scan3A_197 : i32
    }
    %scan3A_56 = arith.constant 79 : i32
    %barrier3A = arith.constant 0 : index
    tpu.barrier barrier_id(%barrier3A)
    %scan3A_57 = arith.constant 0 : i32
    %scan3A_58 = arith.constant 0 : i32
    %scan3A_59 = arith.constant 79 : i32
    %scan3A_60 = arith.addi %scan3A_58, %scan3A_59 : i32
    %scan3A_61 = arith.constant 1 : i32
    %scan3A_62 = scf.for %scan3A_77 = %scan3A_58 to %scan3A_60 step %scan3A_61 iter_args(%scan3A_78 = %scan3A_57) -> (i32)  : i32 {
      %dma_start3A = arith.constant 0 : i32
      %dma_start3A_79 = tpu.memref_slice %arg5[%scan3A_77, %dma_start3A] : memref<79x128xi32, #tpu.memory_space<vmem>> -> memref<1x128xi32, #tpu.memory_space<vmem>>
      %dma_start3A_80 = tpu.memref_squeeze %dma_start3A_79 : memref<1x128xi32, #tpu.memory_space<vmem>> -> memref<128xi32, #tpu.memory_space<vmem>>
      %dma_start3A_81 = arith.constant 0 : i32
      %dma_start3A_82 = tpu.memref_slice %arg8[%dma_start3A_81] : memref<10112xf32, #tpu.memory_space<vmem_shared>> -> memref<10112xf32, #tpu.memory_space<vmem_shared>>
      tpu.enqueue_indirect_dma source(%arg6 : memref<128xf32, #tpu.memory_space<vmem>>) target(%dma_start3A_82 : memref<10112xf32, #tpu.memory_space<vmem_shared>>) offsets(%dma_start3A_80 : memref<128xi32, #tpu.memory_space<vmem>>) semaphore(%arg9 : memref<!tpu.dma_semaphore, #tpu.memory_space<semaphore_mem>>) {add = true}
      %scan3A_83 = arith.constant 0 : i32
      scf.yield %scan3A_83 : i32
    }
    %scan3A_63 = arith.constant 79 : i32
    %scan3A_64 = arith.constant 0 : i32
    %scan3A_65 = arith.constant 0 : i32
    %scan3A_66 = arith.constant 79 : i32
    %scan3A_67 = arith.addi %scan3A_65, %scan3A_66 : i32
    %scan3A_68 = arith.constant 1 : i32
    %scan3A_69 = scf.for %scan3A_77 = %scan3A_65 to %scan3A_67 step %scan3A_68 iter_args(%scan3A_78 = %scan3A_64) -> (i32)  : i32 {
      %dma_wait3A = arith.constant 0 : i32
      %dma_wait3A_79 = arith.constant 0 : i32
      %dma_wait3A_80 = tpu.memref_slice %arg5[%dma_wait3A, %dma_wait3A_79] : memref<79x128xi32, #tpu.memory_space<vmem>> -> memref<1x128xi32, #tpu.memory_space<vmem>>
      %dma_wait3A_81 = tpu.memref_squeeze %dma_wait3A_80 : memref<1x128xi32, #tpu.memory_space<vmem>> -> memref<128xi32, #tpu.memory_space<vmem>>
      %dma_wait3A_82 = arith.constant 0 : i32
      %dma_wait3A_83 = tpu.memref_slice %arg8[%dma_wait3A_82] : memref<10112xf32, #tpu.memory_space<vmem_shared>> -> memref<10112xf32, #tpu.memory_space<vmem_shared>>
      tpu.wait_indirect_dma semaphore(%arg9 : memref<!tpu.dma_semaphore, #tpu.memory_space<semaphore_mem>>) src(%arg6 : memref<128xf32, #tpu.memory_space<vmem>>) dst(%dma_wait3A_83 : memref<10112xf32, #tpu.memory_space<vmem_shared>>)
      %scan3A_84 = arith.constant 0 : i32
      scf.yield %scan3A_84 : i32
    }
    %scan3A_70 = arith.constant 79 : i32
    %barrier3A_71 = arith.constant 0 : index
    tpu.barrier barrier_id(%barrier3A_71)
    %eq3A_72 = arith.constant 0 : i32
    %eq3A_73 = arith.cmpi eq, %arg1, %eq3A_72 : i32
    %convert_element_type3A_74 = arith.extui %eq3A_73 : i1 to i32
    %cond3A_75 = arith.constant 0 : i32
    %cond3A_76 = arith.cmpi ne, %convert_element_type3A_74, %cond3A_75 : i32
    scf.if %cond3A_76 {
      "tpu.region"() ({
        %run_scoped3A = tpu.sem_alloc : memref<!tpu.dma_semaphore, #tpu.memory_space<semaphore_mem>>
        tpu.enqueue_dma source(%arg8 : memref<10112xf32, #tpu.memory_space<vmem_shared>>) target(%arg7 : memref<10112xf32, #tpu.memory_space<vmem>>) target_semaphore(%run_scoped3A : memref<!tpu.dma_semaphore, #tpu.memory_space<semaphore_mem>>)
        tpu.wait_dma2 semaphore(%run_scoped3A : memref<!tpu.dma_semaphore, #tpu.memory_space<semaphore_mem>>) src(%arg8 : memref<10112xf32, #tpu.memory_space<vmem_shared>>) dst(%arg7 : memref<10112xf32, #tpu.memory_space<vmem>>)
        tpu.yield
      }) : () -> ()
      %mul3A_77 = arith.constant 10112 : i32
      %mul3A_78 = arith.muli %arg0, %mul3A_77 : i32
      "tpu.region"() ({
        %run_scoped3A = tpu.sem_alloc : memref<!tpu.dma_semaphore, #tpu.memory_space<semaphore_mem>>
        %dma_start3A = tpu.memref_slice %arg3[%mul3A_78] : memref<20224xf32, #tpu.memory_space<hbm>> -> memref<10112xf32, #tpu.memory_space<hbm>>
        %dma_start3A_79 = tpu.memref_slice %arg3[%mul3A_78] : memref<20224xf32, #tpu.memory_space<hbm>> -> memref<10112xf32, #tpu.memory_space<hbm>>
        tpu.enqueue_dma source(%arg7 : memref<10112xf32, #tpu.memory_space<vmem>>) target(%dma_start3A_79 : memref<10112xf32, #tpu.memory_space<hbm>>) target_semaphore(%run_scoped3A : memref<!tpu.dma_semaphore, #tpu.memory_space<semaphore_mem>>)
        %dma_wait3A = tpu.memref_slice %arg3[%mul3A_78] : memref<20224xf32, #tpu.memory_space<hbm>> -> memref<10112xf32, #tpu.memory_space<hbm>>
        %dma_wait3A_80 = tpu.memref_slice %arg3[%mul3A_78] : memref<20224xf32, #tpu.memory_space<hbm>> -> memref<10112xf32, #tpu.memory_space<hbm>>
        tpu.wait_dma2 semaphore(%run_scoped3A : memref<!tpu.dma_semaphore, #tpu.memory_space<semaphore_mem>>) src(%arg7 : memref<10112xf32, #tpu.memory_space<vmem>>) dst(%dma_wait3A_80 : memref<10112xf32, #tpu.memory_space<hbm>>)
        tpu.yield
      }) : () -> ()
    } else {
    }
    return
  }
}

#map = affine_map<(d0, d1) -> (0, 0)>
#map1 = affine_map<(d0, d1) -> (0)>
module attributes {stable_mosaic.version = 14 : i64} {
  func.func @_agg_body(%arg0: i32, %arg1: i32, %arg2: memref<10112x128xf32, #tpu.memory_space<hbm>>, %arg3: memref<323584xi32, #tpu.memory_space<hbm>>, %arg4: memref<20224x128xf32, #tpu.memory_space<hbm>>, %arg5: memref<10112xi32, #tpu.memory_space<vmem>>, %arg6: memref<2x128xi32, #tpu.memory_space<vmem>>, %arg7: memref<2x128xi32, #tpu.memory_space<vmem>>, %arg8: memref<128x128xf32, #tpu.memory_space<vmem>>, %arg9: memref<128x128xf32, #tpu.memory_space<vmem>>, %arg10: memref<10112x128xf32, #tpu.memory_space<vmem_shared>>, %arg11: memref<!tpu.dma_semaphore, #tpu.memory_space<semaphore_mem>>, %arg12: memref<!tpu.dma_semaphore, #tpu.memory_space<semaphore_mem>>, %arg13: memref<!tpu.dma_semaphore, #tpu.memory_space<semaphore_mem>>) attributes {dimension_semantics = [#tpu.dimension_semantics<core_parallel>, #tpu.dimension_semantics<subcore_parallel>], iteration_bounds = array<i64: 2, 16>, scalar_prefetch = 0 : i64, scratch_operands = 9 : i64, tpu.core_type = #tpu.core_type<sc_vector_subcore>, window_params = [{transform_indices = #map}, {transform_indices = #map1}, {transform_indices = #map}]} {
    %mul3A = arith.constant 16 : i32
    %mul3A_0 = arith.muli %arg0, %mul3A : i32
    %add3A = arith.addi %mul3A_0, %arg1 : i32
    %mul3A_1 = arith.constant 10112 : i32
    %mul3A_2 = arith.muli %add3A, %mul3A_1 : i32
    %dma_start3A = tpu.memref_slice %arg3[%mul3A_2] : memref<323584xi32, #tpu.memory_space<hbm>> -> memref<10112xi32, #tpu.memory_space<hbm>>
    %dma_start3A_3 = tpu.memref_slice %arg3[%mul3A_2] : memref<323584xi32, #tpu.memory_space<hbm>> -> memref<10112xi32, #tpu.memory_space<hbm>>
    tpu.enqueue_dma source(%dma_start3A_3 : memref<10112xi32, #tpu.memory_space<hbm>>) target(%arg5 : memref<10112xi32, #tpu.memory_space<vmem>>) target_semaphore(%arg12 : memref<!tpu.dma_semaphore, #tpu.memory_space<semaphore_mem>>)
    %scan3A = arith.constant 0 : i32
    %scan3A_4 = arith.constant 0 : i32
    %scan3A_5 = arith.constant 128 : i32
    %scan3A_6 = arith.addi %scan3A_4, %scan3A_5 : i32
    %scan3A_7 = arith.constant 1 : i32
    %scan3A_8 = scf.for %scan3A_834 = %scan3A_4 to %scan3A_6 step %scan3A_7 iter_args(%scan3A_835 = %scan3A) -> (i32)  : i32 {
      %broadcast_in_dim3A_836 = arith.constant 0.000000e+00 : f32
      %broadcast_in_dim3A_837 = vector.broadcast %broadcast_in_dim3A_836 : f32 to vector<16xf32>
      %swap3A_838 = arith.index_cast %scan3A_834 : i32 to index
      %swap3A_839 = arith.constant 0 : index
      %swap3A_840 = tpu.vector_load %arg8[%swap3A_838, %swap3A_839] {strides = array<i32>} : memref<128x128xf32, #tpu.memory_space<vmem>>, vector<1x16xf32>,
      %swap3A_841 = vector.shape_cast %swap3A_840 : vector<1x16xf32> to vector<16xf32>
      %swap3A_842 = vector.shape_cast %broadcast_in_dim3A_837 : vector<16xf32> to vector<1x16xf32>
      tpu.vector_store %arg8[%swap3A_838, %swap3A_839], %swap3A_842 {strides = array<i32>} : memref<128x128xf32, #tpu.memory_space<vmem>>, vector<1x16xf32>,
      %broadcast_in_dim3A_843 = arith.constant 0.000000e+00 : f32
      %broadcast_in_dim3A_844 = vector.broadcast %broadcast_in_dim3A_843 : f32 to vector<16xf32>
      %swap3A_845 = arith.index_cast %scan3A_834 : i32 to index
      %swap3A_846 = arith.constant 16 : index
      %swap3A_847 = tpu.vector_load %arg8[%swap3A_845, %swap3A_846] {strides = array<i32>} : memref<128x128xf32, #tpu.memory_space<vmem>>, vector<1x16xf32>,
      %swap3A_848 = vector.shape_cast %swap3A_847 : vector<1x16xf32> to vector<16xf32>
      %swap3A_849 = vector.shape_cast %broadcast_in_dim3A_844 : vector<16xf32> to vector<1x16xf32>
      tpu.vector_store %arg8[%swap3A_845, %swap3A_846], %swap3A_849 {strides = array<i32>} : memref<128x128xf32, #tpu.memory_space<vmem>>, vector<1x16xf32>,
      %broadcast_in_dim3A_850 = arith.constant 0.000000e+00 : f32
      %broadcast_in_dim3A_851 = vector.broadcast %broadcast_in_dim3A_850 : f32 to vector<16xf32>
      %swap3A_852 = arith.index_cast %scan3A_834 : i32 to index
      %swap3A_853 = arith.constant 32 : index
      %swap3A_854 = tpu.vector_load %arg8[%swap3A_852, %swap3A_853] {strides = array<i32>} : memref<128x128xf32, #tpu.memory_space<vmem>>, vector<1x16xf32>,
      %swap3A_855 = vector.shape_cast %swap3A_854 : vector<1x16xf32> to vector<16xf32>
      %swap3A_856 = vector.shape_cast %broadcast_in_dim3A_851 : vector<16xf32> to vector<1x16xf32>
      tpu.vector_store %arg8[%swap3A_852, %swap3A_853], %swap3A_856 {strides = array<i32>} : memref<128x128xf32, #tpu.memory_space<vmem>>, vector<1x16xf32>,
      %broadcast_in_dim3A_857 = arith.constant 0.000000e+00 : f32
      %broadcast_in_dim3A_858 = vector.broadcast %broadcast_in_dim3A_857 : f32 to vector<16xf32>
      %swap3A_859 = arith.index_cast %scan3A_834 : i32 to index
      %swap3A_860 = arith.constant 48 : index
      %swap3A_861 = tpu.vector_load %arg8[%swap3A_859, %swap3A_860] {strides = array<i32>} : memref<128x128xf32, #tpu.memory_space<vmem>>, vector<1x16xf32>,
      %swap3A_862 = vector.shape_cast %swap3A_861 : vector<1x16xf32> to vector<16xf32>
      %swap3A_863 = vector.shape_cast %broadcast_in_dim3A_858 : vector<16xf32> to vector<1x16xf32>
      tpu.vector_store %arg8[%swap3A_859, %swap3A_860], %swap3A_863 {strides = array<i32>} : memref<128x128xf32, #tpu.memory_space<vmem>>, vector<1x16xf32>,
      %broadcast_in_dim3A_864 = arith.constant 0.000000e+00 : f32
      %broadcast_in_dim3A_865 = vector.broadcast %broadcast_in_dim3A_864 : f32 to vector<16xf32>
      %swap3A_866 = arith.index_cast %scan3A_834 : i32 to index
      %swap3A_867 = arith.constant 64 : index
      %swap3A_868 = tpu.vector_load %arg8[%swap3A_866, %swap3A_867] {strides = array<i32>} : memref<128x128xf32, #tpu.memory_space<vmem>>, vector<1x16xf32>,
      %swap3A_869 = vector.shape_cast %swap3A_868 : vector<1x16xf32> to vector<16xf32>
      %swap3A_870 = vector.shape_cast %broadcast_in_dim3A_865 : vector<16xf32> to vector<1x16xf32>
      tpu.vector_store %arg8[%swap3A_866, %swap3A_867], %swap3A_870 {strides = array<i32>} : memref<128x128xf32, #tpu.memory_space<vmem>>, vector<1x16xf32>,
      %broadcast_in_dim3A_871 = arith.constant 0.000000e+00 : f32
      %broadcast_in_dim3A_872 = vector.broadcast %broadcast_in_dim3A_871 : f32 to vector<16xf32>
      %swap3A_873 = arith.index_cast %scan3A_834 : i32 to index
      %swap3A_874 = arith.constant 80 : index
      %swap3A_875 = tpu.vector_load %arg8[%swap3A_873, %swap3A_874] {strides = array<i32>} : memref<128x128xf32, #tpu.memory_space<vmem>>, vector<1x16xf32>,
      %swap3A_876 = vector.shape_cast %swap3A_875 : vector<1x16xf32> to vector<16xf32>
      %swap3A_877 = vector.shape_cast %broadcast_in_dim3A_872 : vector<16xf32> to vector<1x16xf32>
      tpu.vector_store %arg8[%swap3A_873, %swap3A_874], %swap3A_877 {strides = array<i32>} : memref<128x128xf32, #tpu.memory_space<vmem>>, vector<1x16xf32>,
      %broadcast_in_dim3A_878 = arith.constant 0.000000e+00 : f32
      %broadcast_in_dim3A_879 = vector.broadcast %broadcast_in_dim3A_878 : f32 to vector<16xf32>
      %swap3A_880 = arith.index_cast %scan3A_834 : i32 to index
      %swap3A_881 = arith.constant 96 : index
      %swap3A_882 = tpu.vector_load %arg8[%swap3A_880, %swap3A_881] {strides = array<i32>} : memref<128x128xf32, #tpu.memory_space<vmem>>, vector<1x16xf32>,
      %swap3A_883 = vector.shape_cast %swap3A_882 : vector<1x16xf32> to vector<16xf32>
      %swap3A_884 = vector.shape_cast %broadcast_in_dim3A_879 : vector<16xf32> to vector<1x16xf32>
      tpu.vector_store %arg8[%swap3A_880, %swap3A_881], %swap3A_884 {strides = array<i32>} : memref<128x128xf32, #tpu.memory_space<vmem>>, vector<1x16xf32>,
      %broadcast_in_dim3A_885 = arith.constant 0.000000e+00 : f32
      %broadcast_in_dim3A_886 = vector.broadcast %broadcast_in_dim3A_885 : f32 to vector<16xf32>
      %swap3A_887 = arith.index_cast %scan3A_834 : i32 to index
      %swap3A_888 = arith.constant 112 : index
      %swap3A_889 = tpu.vector_load %arg8[%swap3A_887, %swap3A_888] {strides = array<i32>} : memref<128x128xf32, #tpu.memory_space<vmem>>, vector<1x16xf32>,
      %swap3A_890 = vector.shape_cast %swap3A_889 : vector<1x16xf32> to vector<16xf32>
      %swap3A_891 = vector.shape_cast %broadcast_in_dim3A_886 : vector<16xf32> to vector<1x16xf32>
      tpu.vector_store %arg8[%swap3A_887, %swap3A_888], %swap3A_891 {strides = array<i32>} : memref<128x128xf32, #tpu.memory_space<vmem>>, vector<1x16xf32>,
      %scan3A_892 = arith.constant 0 : i32
      scf.yield %scan3A_892 : i32
    }
    %scan3A_9 = arith.constant 128 : i32
    %mul3A_10 = arith.constant 632 : i32
    %mul3A_11 = arith.muli %arg1, %mul3A_10 : i32
    %add3A_12 = arith.constant 0 : i32
    %add3A_13 = arith.addi %mul3A_11, %add3A_12 : i32
    %dma_start3A_14 = arith.constant 0 : i32
    %dma_start3A_15 = tpu.memref_slice %arg10[%add3A_13, %dma_start3A_14] : memref<10112x128xf32, #tpu.memory_space<vmem_shared>> -> memref<128x128xf32, #tpu.memory_space<vmem_shared>>
    %dma_start3A_16 = arith.constant 0 : i32
    %dma_start3A_17 = tpu.memref_slice %arg10[%add3A_13, %dma_start3A_16] : memref<10112x128xf32, #tpu.memory_space<vmem_shared>> -> memref<128x128xf32, #tpu.memory_space<vmem_shared>>
    tpu.enqueue_dma source(%arg8 : memref<128x128xf32, #tpu.memory_space<vmem>>) target(%dma_start3A_17 : memref<128x128xf32, #tpu.memory_space<vmem_shared>>) target_semaphore(%arg13 : memref<!tpu.dma_semaphore, #tpu.memory_space<semaphore_mem>>)
    %mul3A_18 = arith.constant 632 : i32
    %mul3A_19 = arith.muli %arg1, %mul3A_18 : i32
    %add3A_20 = arith.constant 128 : i32
    %add3A_21 = arith.addi %mul3A_19, %add3A_20 : i32
    %dma_start3A_22 = arith.constant 0 : i32
    %dma_start3A_23 = tpu.memref_slice %arg10[%add3A_21, %dma_start3A_22] : memref<10112x128xf32, #tpu.memory_space<vmem_shared>> -> memref<128x128xf32, #tpu.memory_space<vmem_shared>>
    %dma_start3A_24 = arith.constant 0 : i32
    %dma_start3A_25 = tpu.memref_slice %arg10[%add3A_21, %dma_start3A_24] : memref<10112x128xf32, #tpu.memory_space<vmem_shared>> -> memref<128x128xf32, #tpu.memory_space<vmem_shared>>
    tpu.enqueue_dma source(%arg8 : memref<128x128xf32, #tpu.memory_space<vmem>>) target(%dma_start3A_25 : memref<128x128xf32, #tpu.memory_space<vmem_shared>>) target_semaphore(%arg13 : memref<!tpu.dma_semaphore, #tpu.memory_space<semaphore_mem>>)
    %mul3A_26 = arith.constant 632 : i32
    %mul3A_27 = arith.muli %arg1, %mul3A_26 : i32
    %add3A_28 = arith.constant 256 : i32
    %add3A_29 = arith.addi %mul3A_27, %add3A_28 : i32
    %dma_start3A_30 = arith.constant 0 : i32
    %dma_start3A_31 = tpu.memref_slice %arg10[%add3A_29, %dma_start3A_30] : memref<10112x128xf32, #tpu.memory_space<vmem_shared>> -> memref<128x128xf32, #tpu.memory_space<vmem_shared>>
    %dma_start3A_32 = arith.constant 0 : i32
    %dma_start3A_33 = tpu.memref_slice %arg10[%add3A_29, %dma_start3A_32] : memref<10112x128xf32, #tpu.memory_space<vmem_shared>> -> memref<128x128xf32, #tpu.memory_space<vmem_shared>>
    tpu.enqueue_dma source(%arg8 : memref<128x128xf32, #tpu.memory_space<vmem>>) target(%dma_start3A_33 : memref<128x128xf32, #tpu.memory_space<vmem_shared>>) target_semaphore(%arg13 : memref<!tpu.dma_semaphore, #tpu.memory_space<semaphore_mem>>)
    %mul3A_34 = arith.constant 632 : i32
    %mul3A_35 = arith.muli %arg1, %mul3A_34 : i32
    %add3A_36 = arith.constant 384 : i32
    %add3A_37 = arith.addi %mul3A_35, %add3A_36 : i32
    %dma_start3A_38 = arith.constant 0 : i32
    %dma_start3A_39 = tpu.memref_slice %arg10[%add3A_37, %dma_start3A_38] : memref<10112x128xf32, #tpu.memory_space<vmem_shared>> -> memref<128x128xf32, #tpu.memory_space<vmem_shared>>
    %dma_start3A_40 = arith.constant 0 : i32
    %dma_start3A_41 = tpu.memref_slice %arg10[%add3A_37, %dma_start3A_40] : memref<10112x128xf32, #tpu.memory_space<vmem_shared>> -> memref<128x128xf32, #tpu.memory_space<vmem_shared>>
    tpu.enqueue_dma source(%arg8 : memref<128x128xf32, #tpu.memory_space<vmem>>) target(%dma_start3A_41 : memref<128x128xf32, #tpu.memory_space<vmem_shared>>) target_semaphore(%arg13 : memref<!tpu.dma_semaphore, #tpu.memory_space<semaphore_mem>>)
    %mul3A_42 = arith.constant 632 : i32
    %mul3A_43 = arith.muli %arg1, %mul3A_42 : i32
    %add3A_44 = arith.constant 512 : i32
    %add3A_45 = arith.addi %mul3A_43, %add3A_44 : i32
    %dma_start3A_46 = arith.constant 0 : i32
    %dma_start3A_47 = arith.constant 0 : i32
    %dma_start3A_48 = tpu.memref_slice %arg8[%dma_start3A_46, %dma_start3A_47] : memref<128x128xf32, #tpu.memory_space<vmem>> -> memref<120x128xf32, #tpu.memory_space<vmem>>
    %dma_start3A_49 = arith.constant 0 : i32
    %dma_start3A_50 = tpu.memref_slice %arg10[%add3A_45, %dma_start3A_49] : memref<10112x128xf32, #tpu.memory_space<vmem_shared>> -> memref<120x128xf32, #tpu.memory_space<vmem_shared>>
    %dma_start3A_51 = arith.constant 0 : i32
    %dma_start3A_52 = tpu.memref_slice %arg10[%add3A_45, %dma_start3A_51] : memref<10112x128xf32, #tpu.memory_space<vmem_shared>> -> memref<120x128xf32, #tpu.memory_space<vmem_shared>>
    %dma_start3A_53 = arith.constant 0 : i32
    %dma_start3A_54 = arith.constant 0 : i32
    %dma_start3A_55 = tpu.memref_slice %arg8[%dma_start3A_53, %dma_start3A_54] : memref<128x128xf32, #tpu.memory_space<vmem>> -> memref<120x128xf32, #tpu.memory_space<vmem>>
    tpu.enqueue_dma source(%dma_start3A_55 : memref<120x128xf32, #tpu.memory_space<vmem>>) target(%dma_start3A_52 : memref<120x128xf32, #tpu.memory_space<vmem_shared>>) target_semaphore(%arg13 : memref<!tpu.dma_semaphore, #tpu.memory_space<semaphore_mem>>)
    %mul3A_56 = arith.constant 632 : i32
    %mul3A_57 = arith.muli %arg1, %mul3A_56 : i32
    %dma_wait3A = arith.constant 0 : i32
    %dma_wait3A_58 = tpu.memref_slice %arg10[%mul3A_57, %dma_wait3A] : memref<10112x128xf32, #tpu.memory_space<vmem_shared>> -> memref<128x128xf32, #tpu.memory_space<vmem_shared>>
    %dma_wait3A_59 = arith.constant 0 : i32
    %dma_wait3A_60 = tpu.memref_slice %arg10[%mul3A_57, %dma_wait3A_59] : memref<10112x128xf32, #tpu.memory_space<vmem_shared>> -> memref<128x128xf32, #tpu.memory_space<vmem_shared>>
    tpu.wait_dma2 semaphore(%arg13 : memref<!tpu.dma_semaphore, #tpu.memory_space<semaphore_mem>>) src(%arg8 : memref<128x128xf32, #tpu.memory_space<vmem>>) dst(%dma_wait3A_60 : memref<128x128xf32, #tpu.memory_space<vmem_shared>>)
    %mul3A_61 = arith.constant 632 : i32
    %mul3A_62 = arith.muli %arg1, %mul3A_61 : i32
    %dma_wait3A_63 = arith.constant 0 : i32
    %dma_wait3A_64 = tpu.memref_slice %arg10[%mul3A_62, %dma_wait3A_63] : memref<10112x128xf32, #tpu.memory_space<vmem_shared>> -> memref<128x128xf32, #tpu.memory_space<vmem_shared>>
    %dma_wait3A_65 = arith.constant 0 : i32
    %dma_wait3A_66 = tpu.memref_slice %arg10[%mul3A_62, %dma_wait3A_65] : memref<10112x128xf32, #tpu.memory_space<vmem_shared>> -> memref<128x128xf32, #tpu.memory_space<vmem_shared>>
    tpu.wait_dma2 semaphore(%arg13 : memref<!tpu.dma_semaphore, #tpu.memory_space<semaphore_mem>>) src(%arg8 : memref<128x128xf32, #tpu.memory_space<vmem>>) dst(%dma_wait3A_66 : memref<128x128xf32, #tpu.memory_space<vmem_shared>>)
    %mul3A_67 = arith.constant 632 : i32
    %mul3A_68 = arith.muli %arg1, %mul3A_67 : i32
    %dma_wait3A_69 = arith.constant 0 : i32
    %dma_wait3A_70 = tpu.memref_slice %arg10[%mul3A_68, %dma_wait3A_69] : memref<10112x128xf32, #tpu.memory_space<vmem_shared>> -> memref<128x128xf32, #tpu.memory_space<vmem_shared>>
    %dma_wait3A_71 = arith.constant 0 : i32
    %dma_wait3A_72 = tpu.memref_slice %arg10[%mul3A_68, %dma_wait3A_71] : memref<10112x128xf32, #tpu.memory_space<vmem_shared>> -> memref<128x128xf32, #tpu.memory_space<vmem_shared>>
    tpu.wait_dma2 semaphore(%arg13 : memref<!tpu.dma_semaphore, #tpu.memory_space<semaphore_mem>>) src(%arg8 : memref<128x128xf32, #tpu.memory_space<vmem>>) dst(%dma_wait3A_72 : memref<128x128xf32, #tpu.memory_space<vmem_shared>>)
    %mul3A_73 = arith.constant 632 : i32
    %mul3A_74 = arith.muli %arg1, %mul3A_73 : i32
    %dma_wait3A_75 = arith.constant 0 : i32
    %dma_wait3A_76 = tpu.memref_slice %arg10[%mul3A_74, %dma_wait3A_75] : memref<10112x128xf32, #tpu.memory_space<vmem_shared>> -> memref<128x128xf32, #tpu.memory_space<vmem_shared>>
    %dma_wait3A_77 = arith.constant 0 : i32
    %dma_wait3A_78 = tpu.memref_slice %arg10[%mul3A_74, %dma_wait3A_77] : memref<10112x128xf32, #tpu.memory_space<vmem_shared>> -> memref<128x128xf32, #tpu.memory_space<vmem_shared>>
    tpu.wait_dma2 semaphore(%arg13 : memref<!tpu.dma_semaphore, #tpu.memory_space<semaphore_mem>>) src(%arg8 : memref<128x128xf32, #tpu.memory_space<vmem>>) dst(%dma_wait3A_78 : memref<128x128xf32, #tpu.memory_space<vmem_shared>>)
    %mul3A_79 = arith.constant 632 : i32
    %mul3A_80 = arith.muli %arg1, %mul3A_79 : i32
    %dma_wait3A_81 = arith.constant 0 : i32
    %dma_wait3A_82 = arith.constant 0 : i32
    %dma_wait3A_83 = tpu.memref_slice %arg8[%dma_wait3A_81, %dma_wait3A_82] : memref<128x128xf32, #tpu.memory_space<vmem>> -> memref<120x128xf32, #tpu.memory_space<vmem>>
    %dma_wait3A_84 = arith.constant 0 : i32
    %dma_wait3A_85 = tpu.memref_slice %arg10[%mul3A_80, %dma_wait3A_84] : memref<10112x128xf32, #tpu.memory_space<vmem_shared>> -> memref<120x128xf32, #tpu.memory_space<vmem_shared>>
    %dma_wait3A_86 = arith.constant 0 : i32
    %dma_wait3A_87 = tpu.memref_slice %arg10[%mul3A_80, %dma_wait3A_86] : memref<10112x128xf32, #tpu.memory_space<vmem_shared>> -> memref<120x128xf32, #tpu.memory_space<vmem_shared>>
    %dma_wait3A_88 = arith.constant 0 : i32
    %dma_wait3A_89 = arith.constant 0 : i32
    %dma_wait3A_90 = tpu.memref_slice %arg8[%dma_wait3A_88, %dma_wait3A_89] : memref<128x128xf32, #tpu.memory_space<vmem>> -> memref<120x128xf32, #tpu.memory_space<vmem>>
    tpu.wait_dma2 semaphore(%arg13 : memref<!tpu.dma_semaphore, #tpu.memory_space<semaphore_mem>>) src(%dma_wait3A_90 : memref<120x128xf32, #tpu.memory_space<vmem>>) dst(%dma_wait3A_87 : memref<120x128xf32, #tpu.memory_space<vmem_shared>>)
    %mul3A_91 = arith.constant 10112 : i32
    %mul3A_92 = arith.muli %add3A, %mul3A_91 : i32
    %dma_wait3A_93 = tpu.memref_slice %arg3[%mul3A_92] : memref<323584xi32, #tpu.memory_space<hbm>> -> memref<10112xi32, #tpu.memory_space<hbm>>
    %dma_wait3A_94 = tpu.memref_slice %arg3[%mul3A_92] : memref<323584xi32, #tpu.memory_space<hbm>> -> memref<10112xi32, #tpu.memory_space<hbm>>
    tpu.wait_dma2 semaphore(%arg12 : memref<!tpu.dma_semaphore, #tpu.memory_space<semaphore_mem>>) src(%dma_wait3A_94 : memref<10112xi32, #tpu.memory_space<hbm>>) dst(%arg5 : memref<10112xi32, #tpu.memory_space<vmem>>)
    %barrier3A = arith.constant 0 : index
    tpu.barrier barrier_id(%barrier3A)
    %get3A = arith.constant 0 : index
    %get3A_95 = tpu.vector_load %arg5[%get3A] {strides = array<i32>} : memref<10112xi32, #tpu.memory_space<vmem>>, vector<16xi32>,
    %get3A_96 = vector.shape_cast %get3A_95 : vector<16xi32> to vector<16xi32>
    %broadcast_in_dim3A = arith.constant 16383 : i32
    %broadcast_in_dim3A_97 = vector.broadcast %broadcast_in_dim3A : i32 to vector<16xi32>
    %and3A = arith.andi %get3A_96, %broadcast_in_dim3A_97 : vector<16xi32>
    %swap3A = arith.constant 0 : i32
    %swap3A_98 = arith.index_cast %swap3A : i32 to index
    %swap3A_99 = arith.constant 0 : index
    %swap3A_100 = tpu.vector_load %arg6[%swap3A_98, %swap3A_99] {strides = array<i32>} : memref<2x128xi32, #tpu.memory_space<vmem>>, vector<1x16xi32>,
    %swap3A_101 = vector.shape_cast %swap3A_100 : vector<1x16xi32> to vector<16xi32>
    %swap3A_102 = vector.shape_cast %and3A : vector<16xi32> to vector<1x16xi32>
    tpu.vector_store %arg6[%swap3A_98, %swap3A_99], %swap3A_102 {strides = array<i32>} : memref<2x128xi32, #tpu.memory_space<vmem>>, vector<1x16xi32>,
    %shift_right_logical3A = arith.constant 14 : i32
    %shift_right_logical3A_103 = vector.broadcast %shift_right_logical3A : i32 to vector<16xi32>
    %shift_right_logical3A_104 = arith.shrui %get3A_96, %shift_right_logical3A_103 : vector<16xi32>
    %swap3A_105 = arith.constant 0 : i32
    %swap3A_106 = arith.index_cast %swap3A_105 : i32 to index
    %swap3A_107 = arith.constant 0 : index
    %swap3A_108 = tpu.vector_load %arg7[%swap3A_106, %swap3A_107] {strides = array<i32>} : memref<2x128xi32, #tpu.memory_space<vmem>>, vector<1x16xi32>,
    %swap3A_109 = vector.shape_cast %swap3A_108 : vector<1x16xi32> to vector<16xi32>
    %swap3A_110 = vector.shape_cast %shift_right_logical3A_104 : vector<16xi32> to vector<1x16xi32>
    tpu.vector_store %arg7[%swap3A_106, %swap3A_107], %swap3A_110 {strides = array<i32>} : memref<2x128xi32, #tpu.memory_space<vmem>>, vector<1x16xi32>,
    %get3A_111 = arith.constant 16 : index
    %get3A_112 = tpu.vector_load %arg5[%get3A_111] {strides = array<i32>} : memref<10112xi32, #tpu.memory_space<vmem>>, vector<16xi32>,
    %get3A_113 = vector.shape_cast %get3A_112 : vector<16xi32> to vector<16xi32>
    %broadcast_in_dim3A_114 = arith.constant 16383 : i32
    %broadcast_in_dim3A_115 = vector.broadcast %broadcast_in_dim3A_114 : i32 to vector<16xi32>
    %and3A_116 = arith.andi %get3A_113, %broadcast_in_dim3A_115 : vector<16xi32>
    %swap3A_117 = arith.constant 0 : i32
    %swap3A_118 = arith.index_cast %swap3A_117 : i32 to index
    %swap3A_119 = arith.constant 16 : index
    %swap3A_120 = tpu.vector_load %arg6[%swap3A_118, %swap3A_119] {strides = array<i32>} : memref<2x128xi32, #tpu.memory_space<vmem>>, vector<1x16xi32>,
    %swap3A_121 = vector.shape_cast %swap3A_120 : vector<1x16xi32> to vector<16xi32>
    %swap3A_122 = vector.shape_cast %and3A_116 : vector<16xi32> to vector<1x16xi32>
    tpu.vector_store %arg6[%swap3A_118, %swap3A_119], %swap3A_122 {strides = array<i32>} : memref<2x128xi32, #tpu.memory_space<vmem>>, vector<1x16xi32>,
    %shift_right_logical3A_123 = arith.constant 14 : i32
    %shift_right_logical3A_124 = vector.broadcast %shift_right_logical3A_123 : i32 to vector<16xi32>
    %shift_right_logical3A_125 = arith.shrui %get3A_113, %shift_right_logical3A_124 : vector<16xi32>
    %swap3A_126 = arith.constant 0 : i32
    %swap3A_127 = arith.index_cast %swap3A_126 : i32 to index
    %swap3A_128 = arith.constant 16 : index
    %swap3A_129 = tpu.vector_load %arg7[%swap3A_127, %swap3A_128] {strides = array<i32>} : memref<2x128xi32, #tpu.memory_space<vmem>>, vector<1x16xi32>,
    %swap3A_130 = vector.shape_cast %swap3A_129 : vector<1x16xi32> to vector<16xi32>
    %swap3A_131 = vector.shape_cast %shift_right_logical3A_125 : vector<16xi32> to vector<1x16xi32>
    tpu.vector_store %arg7[%swap3A_127, %swap3A_128], %swap3A_131 {strides = array<i32>} : memref<2x128xi32, #tpu.memory_space<vmem>>, vector<1x16xi32>,
    %get3A_132 = arith.constant 32 : index
    %get3A_133 = tpu.vector_load %arg5[%get3A_132] {strides = array<i32>} : memref<10112xi32, #tpu.memory_space<vmem>>, vector<16xi32>,
    %get3A_134 = vector.shape_cast %get3A_133 : vector<16xi32> to vector<16xi32>
    %broadcast_in_dim3A_135 = arith.constant 16383 : i32
    %broadcast_in_dim3A_136 = vector.broadcast %broadcast_in_dim3A_135 : i32 to vector<16xi32>
    %and3A_137 = arith.andi %get3A_134, %broadcast_in_dim3A_136 : vector<16xi32>
    %swap3A_138 = arith.constant 0 : i32
    %swap3A_139 = arith.index_cast %swap3A_138 : i32 to index
    %swap3A_140 = arith.constant 32 : index
    %swap3A_141 = tpu.vector_load %arg6[%swap3A_139, %swap3A_140] {strides = array<i32>} : memref<2x128xi32, #tpu.memory_space<vmem>>, vector<1x16xi32>,
    %swap3A_142 = vector.shape_cast %swap3A_141 : vector<1x16xi32> to vector<16xi32>
    %swap3A_143 = vector.shape_cast %and3A_137 : vector<16xi32> to vector<1x16xi32>
    tpu.vector_store %arg6[%swap3A_139, %swap3A_140], %swap3A_143 {strides = array<i32>} : memref<2x128xi32, #tpu.memory_space<vmem>>, vector<1x16xi32>,
    %shift_right_logical3A_144 = arith.constant 14 : i32
    %shift_right_logical3A_145 = vector.broadcast %shift_right_logical3A_144 : i32 to vector<16xi32>
    %shift_right_logical3A_146 = arith.shrui %get3A_134, %shift_right_logical3A_145 : vector<16xi32>
    %swap3A_147 = arith.constant 0 : i32
    %swap3A_148 = arith.index_cast %swap3A_147 : i32 to index
    %swap3A_149 = arith.constant 32 : index
    %swap3A_150 = tpu.vector_load %arg7[%swap3A_148, %swap3A_149] {strides = array<i32>} : memref<2x128xi32, #tpu.memory_space<vmem>>, vector<1x16xi32>,
    %swap3A_151 = vector.shape_cast %swap3A_150 : vector<1x16xi32> to vector<16xi32>
    %swap3A_152 = vector.shape_cast %shift_right_logical3A_146 : vector<16xi32> to vector<1x16xi32>
    tpu.vector_store %arg7[%swap3A_148, %swap3A_149], %swap3A_152 {strides = array<i32>} : memref<2x128xi32, #tpu.memory_space<vmem>>, vector<1x16xi32>,
    %get3A_153 = arith.constant 48 : index
    %get3A_154 = tpu.vector_load %arg5[%get3A_153] {strides = array<i32>} : memref<10112xi32, #tpu.memory_space<vmem>>, vector<16xi32>,
    %get3A_155 = vector.shape_cast %get3A_154 : vector<16xi32> to vector<16xi32>
    %broadcast_in_dim3A_156 = arith.constant 16383 : i32
    %broadcast_in_dim3A_157 = vector.broadcast %broadcast_in_dim3A_156 : i32 to vector<16xi32>
    %and3A_158 = arith.andi %get3A_155, %broadcast_in_dim3A_157 : vector<16xi32>
    %swap3A_159 = arith.constant 0 : i32
    %swap3A_160 = arith.index_cast %swap3A_159 : i32 to index
    %swap3A_161 = arith.constant 48 : index
    %swap3A_162 = tpu.vector_load %arg6[%swap3A_160, %swap3A_161] {strides = array<i32>} : memref<2x128xi32, #tpu.memory_space<vmem>>, vector<1x16xi32>,
    %swap3A_163 = vector.shape_cast %swap3A_162 : vector<1x16xi32> to vector<16xi32>
    %swap3A_164 = vector.shape_cast %and3A_158 : vector<16xi32> to vector<1x16xi32>
    tpu.vector_store %arg6[%swap3A_160, %swap3A_161], %swap3A_164 {strides = array<i32>} : memref<2x128xi32, #tpu.memory_space<vmem>>, vector<1x16xi32>,
    %shift_right_logical3A_165 = arith.constant 14 : i32
    %shift_right_logical3A_166 = vector.broadcast %shift_right_logical3A_165 : i32 to vector<16xi32>
    %shift_right_logical3A_167 = arith.shrui %get3A_155, %shift_right_logical3A_166 : vector<16xi32>
    %swap3A_168 = arith.constant 0 : i32
    %swap3A_169 = arith.index_cast %swap3A_168 : i32 to index
    %swap3A_170 = arith.constant 48 : index
    %swap3A_171 = tpu.vector_load %arg7[%swap3A_169, %swap3A_170] {strides = array<i32>} : memref<2x128xi32, #tpu.memory_space<vmem>>, vector<1x16xi32>,
    %swap3A_172 = vector.shape_cast %swap3A_171 : vector<1x16xi32> to vector<16xi32>
    %swap3A_173 = vector.shape_cast %shift_right_logical3A_167 : vector<16xi32> to vector<1x16xi32>
    tpu.vector_store %arg7[%swap3A_169, %swap3A_170], %swap3A_173 {strides = array<i32>} : memref<2x128xi32, #tpu.memory_space<vmem>>, vector<1x16xi32>,
    %get3A_174 = arith.constant 64 : index
    %get3A_175 = tpu.vector_load %arg5[%get3A_174] {strides = array<i32>} : memref<10112xi32, #tpu.memory_space<vmem>>, vector<16xi32>,
    %get3A_176 = vector.shape_cast %get3A_175 : vector<16xi32> to vector<16xi32>
    %broadcast_in_dim3A_177 = arith.constant 16383 : i32
    %broadcast_in_dim3A_178 = vector.broadcast %broadcast_in_dim3A_177 : i32 to vector<16xi32>
    %and3A_179 = arith.andi %get3A_176, %broadcast_in_dim3A_178 : vector<16xi32>
    %swap3A_180 = arith.constant 0 : i32
    %swap3A_181 = arith.index_cast %swap3A_180 : i32 to index
    %swap3A_182 = arith.constant 64 : index
    %swap3A_183 = tpu.vector_load %arg6[%swap3A_181, %swap3A_182] {strides = array<i32>} : memref<2x128xi32, #tpu.memory_space<vmem>>, vector<1x16xi32>,
    %swap3A_184 = vector.shape_cast %swap3A_183 : vector<1x16xi32> to vector<16xi32>
    %swap3A_185 = vector.shape_cast %and3A_179 : vector<16xi32> to vector<1x16xi32>
    tpu.vector_store %arg6[%swap3A_181, %swap3A_182], %swap3A_185 {strides = array<i32>} : memref<2x128xi32, #tpu.memory_space<vmem>>, vector<1x16xi32>,
    %shift_right_logical3A_186 = arith.constant 14 : i32
    %shift_right_logical3A_187 = vector.broadcast %shift_right_logical3A_186 : i32 to vector<16xi32>
    %shift_right_logical3A_188 = arith.shrui %get3A_176, %shift_right_logical3A_187 : vector<16xi32>
    %swap3A_189 = arith.constant 0 : i32
    %swap3A_190 = arith.index_cast %swap3A_189 : i32 to index
    %swap3A_191 = arith.constant 64 : index
    %swap3A_192 = tpu.vector_load %arg7[%swap3A_190, %swap3A_191] {strides = array<i32>} : memref<2x128xi32, #tpu.memory_space<vmem>>, vector<1x16xi32>,
    %swap3A_193 = vector.shape_cast %swap3A_192 : vector<1x16xi32> to vector<16xi32>
    %swap3A_194 = vector.shape_cast %shift_right_logical3A_188 : vector<16xi32> to vector<1x16xi32>
    tpu.vector_store %arg7[%swap3A_190, %swap3A_191], %swap3A_194 {strides = array<i32>} : memref<2x128xi32, #tpu.memory_space<vmem>>, vector<1x16xi32>,
    %get3A_195 = arith.constant 80 : index
    %get3A_196 = tpu.vector_load %arg5[%get3A_195] {strides = array<i32>} : memref<10112xi32, #tpu.memory_space<vmem>>, vector<16xi32>,
    %get3A_197 = vector.shape_cast %get3A_196 : vector<16xi32> to vector<16xi32>
    %broadcast_in_dim3A_198 = arith.constant 16383 : i32
    %broadcast_in_dim3A_199 = vector.broadcast %broadcast_in_dim3A_198 : i32 to vector<16xi32>
    %and3A_200 = arith.andi %get3A_197, %broadcast_in_dim3A_199 : vector<16xi32>
    %swap3A_201 = arith.constant 0 : i32
    %swap3A_202 = arith.index_cast %swap3A_201 : i32 to index
    %swap3A_203 = arith.constant 80 : index
    %swap3A_204 = tpu.vector_load %arg6[%swap3A_202, %swap3A_203] {strides = array<i32>} : memref<2x128xi32, #tpu.memory_space<vmem>>, vector<1x16xi32>,
    %swap3A_205 = vector.shape_cast %swap3A_204 : vector<1x16xi32> to vector<16xi32>
    %swap3A_206 = vector.shape_cast %and3A_200 : vector<16xi32> to vector<1x16xi32>
    tpu.vector_store %arg6[%swap3A_202, %swap3A_203], %swap3A_206 {strides = array<i32>} : memref<2x128xi32, #tpu.memory_space<vmem>>, vector<1x16xi32>,
    %shift_right_logical3A_207 = arith.constant 14 : i32
    %shift_right_logical3A_208 = vector.broadcast %shift_right_logical3A_207 : i32 to vector<16xi32>
    %shift_right_logical3A_209 = arith.shrui %get3A_197, %shift_right_logical3A_208 : vector<16xi32>
    %swap3A_210 = arith.constant 0 : i32
    %swap3A_211 = arith.index_cast %swap3A_210 : i32 to index
    %swap3A_212 = arith.constant 80 : index
    %swap3A_213 = tpu.vector_load %arg7[%swap3A_211, %swap3A_212] {strides = array<i32>} : memref<2x128xi32, #tpu.memory_space<vmem>>, vector<1x16xi32>,
    %swap3A_214 = vector.shape_cast %swap3A_213 : vector<1x16xi32> to vector<16xi32>
    %swap3A_215 = vector.shape_cast %shift_right_logical3A_209 : vector<16xi32> to vector<1x16xi32>
    tpu.vector_store %arg7[%swap3A_211, %swap3A_212], %swap3A_215 {strides = array<i32>} : memref<2x128xi32, #tpu.memory_space<vmem>>, vector<1x16xi32>,
    %get3A_216 = arith.constant 96 : index
    %get3A_217 = tpu.vector_load %arg5[%get3A_216] {strides = array<i32>} : memref<10112xi32, #tpu.memory_space<vmem>>, vector<16xi32>,
    %get3A_218 = vector.shape_cast %get3A_217 : vector<16xi32> to vector<16xi32>
    %broadcast_in_dim3A_219 = arith.constant 16383 : i32
    %broadcast_in_dim3A_220 = vector.broadcast %broadcast_in_dim3A_219 : i32 to vector<16xi32>
    %and3A_221 = arith.andi %get3A_218, %broadcast_in_dim3A_220 : vector<16xi32>
    %swap3A_222 = arith.constant 0 : i32
    %swap3A_223 = arith.index_cast %swap3A_222 : i32 to index
    %swap3A_224 = arith.constant 96 : index
    %swap3A_225 = tpu.vector_load %arg6[%swap3A_223, %swap3A_224] {strides = array<i32>} : memref<2x128xi32, #tpu.memory_space<vmem>>, vector<1x16xi32>,
    %swap3A_226 = vector.shape_cast %swap3A_225 : vector<1x16xi32> to vector<16xi32>
    %swap3A_227 = vector.shape_cast %and3A_221 : vector<16xi32> to vector<1x16xi32>
    tpu.vector_store %arg6[%swap3A_223, %swap3A_224], %swap3A_227 {strides = array<i32>} : memref<2x128xi32, #tpu.memory_space<vmem>>, vector<1x16xi32>,
    %shift_right_logical3A_228 = arith.constant 14 : i32
    %shift_right_logical3A_229 = vector.broadcast %shift_right_logical3A_228 : i32 to vector<16xi32>
    %shift_right_logical3A_230 = arith.shrui %get3A_218, %shift_right_logical3A_229 : vector<16xi32>
    %swap3A_231 = arith.constant 0 : i32
    %swap3A_232 = arith.index_cast %swap3A_231 : i32 to index
    %swap3A_233 = arith.constant 96 : index
    %swap3A_234 = tpu.vector_load %arg7[%swap3A_232, %swap3A_233] {strides = array<i32>} : memref<2x128xi32, #tpu.memory_space<vmem>>, vector<1x16xi32>,
    %swap3A_235 = vector.shape_cast %swap3A_234 : vector<1x16xi32> to vector<16xi32>
    %swap3A_236 = vector.shape_cast %shift_right_logical3A_230 : vector<16xi32> to vector<1x16xi32>
    tpu.vector_store %arg7[%swap3A_232, %swap3A_233], %swap3A_236 {strides = array<i32>} : memref<2x128xi32, #tpu.memory_space<vmem>>, vector<1x16xi32>,
    %get3A_237 = arith.constant 112 : index
    %get3A_238 = tpu.vector_load %arg5[%get3A_237] {strides = array<i32>} : memref<10112xi32, #tpu.memory_space<vmem>>, vector<16xi32>,
    %get3A_239 = vector.shape_cast %get3A_238 : vector<16xi32> to vector<16xi32>
    %broadcast_in_dim3A_240 = arith.constant 16383 : i32
    %broadcast_in_dim3A_241 = vector.broadcast %broadcast_in_dim3A_240 : i32 to vector<16xi32>
    %and3A_242 = arith.andi %get3A_239, %broadcast_in_dim3A_241 : vector<16xi32>
    %swap3A_243 = arith.constant 0 : i32
    %swap3A_244 = arith.index_cast %swap3A_243 : i32 to index
    %swap3A_245 = arith.constant 112 : index
    %swap3A_246 = tpu.vector_load %arg6[%swap3A_244, %swap3A_245] {strides = array<i32>} : memref<2x128xi32, #tpu.memory_space<vmem>>, vector<1x16xi32>,
    %swap3A_247 = vector.shape_cast %swap3A_246 : vector<1x16xi32> to vector<16xi32>
    %swap3A_248 = vector.shape_cast %and3A_242 : vector<16xi32> to vector<1x16xi32>
    tpu.vector_store %arg6[%swap3A_244, %swap3A_245], %swap3A_248 {strides = array<i32>} : memref<2x128xi32, #tpu.memory_space<vmem>>, vector<1x16xi32>,
    %shift_right_logical3A_249 = arith.constant 14 : i32
    %shift_right_logical3A_250 = vector.broadcast %shift_right_logical3A_249 : i32 to vector<16xi32>
    %shift_right_logical3A_251 = arith.shrui %get3A_239, %shift_right_logical3A_250 : vector<16xi32>
    %swap3A_252 = arith.constant 0 : i32
    %swap3A_253 = arith.index_cast %swap3A_252 : i32 to index
    %swap3A_254 = arith.constant 112 : index
    %swap3A_255 = tpu.vector_load %arg7[%swap3A_253, %swap3A_254] {strides = array<i32>} : memref<2x128xi32, #tpu.memory_space<vmem>>, vector<1x16xi32>,
    %swap3A_256 = vector.shape_cast %swap3A_255 : vector<1x16xi32> to vector<16xi32>
    %swap3A_257 = vector.shape_cast %shift_right_logical3A_251 : vector<16xi32> to vector<1x16xi32>
    tpu.vector_store %arg7[%swap3A_253, %swap3A_254], %swap3A_257 {strides = array<i32>} : memref<2x128xi32, #tpu.memory_space<vmem>>, vector<1x16xi32>,
    %dma_start3A_258 = arith.constant 0 : i32
    %dma_start3A_259 = arith.constant 0 : i32
    %dma_start3A_260 = tpu.memref_slice %arg6[%dma_start3A_258, %dma_start3A_259] : memref<2x128xi32, #tpu.memory_space<vmem>> -> memref<1x128xi32, #tpu.memory_space<vmem>>
    %dma_start3A_261 = tpu.memref_squeeze %dma_start3A_260 : memref<1x128xi32, #tpu.memory_space<vmem>> -> memref<128xi32, #tpu.memory_space<vmem>>
    %dma_start3A_262 = arith.constant 0 : i32
    %dma_start3A_263 = arith.constant 0 : i32
    %dma_start3A_264 = tpu.memref_slice %arg2[%dma_start3A_262, %dma_start3A_263] : memref<10112x128xf32, #tpu.memory_space<hbm>> -> memref<10112x128xf32, #tpu.memory_space<hbm>>
    tpu.enqueue_indirect_dma source(%dma_start3A_264 : memref<10112x128xf32, #tpu.memory_space<hbm>>) target(%arg8 : memref<128x128xf32, #tpu.memory_space<vmem>>) offsets(%dma_start3A_261 : memref<128xi32, #tpu.memory_space<vmem>>) semaphore(%arg11 : memref<!tpu.dma_semaphore, #tpu.memory_space<semaphore_mem>>)
    %get3A_265 = arith.constant 128 : index
    %get3A_266 = tpu.vector_load %arg5[%get3A_265] {strides = array<i32>} : memref<10112xi32, #tpu.memory_space<vmem>>, vector<16xi32>,
    %get3A_267 = vector.shape_cast %get3A_266 : vector<16xi32> to vector<16xi32>
    %broadcast_in_dim3A_268 = arith.constant 16383 : i32
    %broadcast_in_dim3A_269 = vector.broadcast %broadcast_in_dim3A_268 : i32 to vector<16xi32>
    %and3A_270 = arith.andi %get3A_267, %broadcast_in_dim3A_269 : vector<16xi32>
    %swap3A_271 = arith.constant 1 : i32
    %swap3A_272 = arith.index_cast %swap3A_271 : i32 to index
    %swap3A_273 = arith.constant 0 : index
    %swap3A_274 = tpu.vector_load %arg6[%swap3A_272, %swap3A_273] {strides = array<i32>} : memref<2x128xi32, #tpu.memory_space<vmem>>, vector<1x16xi32>,
    %swap3A_275 = vector.shape_cast %swap3A_274 : vector<1x16xi32> to vector<16xi32>
    %swap3A_276 = vector.shape_cast %and3A_270 : vector<16xi32> to vector<1x16xi32>
    tpu.vector_store %arg6[%swap3A_272, %swap3A_273], %swap3A_276 {strides = array<i32>} : memref<2x128xi32, #tpu.memory_space<vmem>>, vector<1x16xi32>,
    %shift_right_logical3A_277 = arith.constant 14 : i32
    %shift_right_logical3A_278 = vector.broadcast %shift_right_logical3A_277 : i32 to vector<16xi32>
    %shift_right_logical3A_279 = arith.shrui %get3A_267, %shift_right_logical3A_278 : vector<16xi32>
    %swap3A_280 = arith.constant 1 : i32
    %swap3A_281 = arith.index_cast %swap3A_280 : i32 to index
    %swap3A_282 = arith.constant 0 : index
    %swap3A_283 = tpu.vector_load %arg7[%swap3A_281, %swap3A_282] {strides = array<i32>} : memref<2x128xi32, #tpu.memory_space<vmem>>, vector<1x16xi32>,
    %swap3A_284 = vector.shape_cast %swap3A_283 : vector<1x16xi32> to vector<16xi32>
    %swap3A_285 = vector.shape_cast %shift_right_logical3A_279 : vector<16xi32> to vector<1x16xi32>
    tpu.vector_store %arg7[%swap3A_281, %swap3A_282], %swap3A_285 {strides = array<i32>} : memref<2x128xi32, #tpu.memory_space<vmem>>, vector<1x16xi32>,
    %get3A_286 = arith.constant 144 : index
    %get3A_287 = tpu.vector_load %arg5[%get3A_286] {strides = array<i32>} : memref<10112xi32, #tpu.memory_space<vmem>>, vector<16xi32>,
    %get3A_288 = vector.shape_cast %get3A_287 : vector<16xi32> to vector<16xi32>
    %broadcast_in_dim3A_289 = arith.constant 16383 : i32
    %broadcast_in_dim3A_290 = vector.broadcast %broadcast_in_dim3A_289 : i32 to vector<16xi32>
    %and3A_291 = arith.andi %get3A_288, %broadcast_in_dim3A_290 : vector<16xi32>
    %swap3A_292 = arith.constant 1 : i32
    %swap3A_293 = arith.index_cast %swap3A_292 : i32 to index
    %swap3A_294 = arith.constant 16 : index
    %swap3A_295 = tpu.vector_load %arg6[%swap3A_293, %swap3A_294] {strides = array<i32>} : memref<2x128xi32, #tpu.memory_space<vmem>>, vector<1x16xi32>,
    %swap3A_296 = vector.shape_cast %swap3A_295 : vector<1x16xi32> to vector<16xi32>
    %swap3A_297 = vector.shape_cast %and3A_291 : vector<16xi32> to vector<1x16xi32>
    tpu.vector_store %arg6[%swap3A_293, %swap3A_294], %swap3A_297 {strides = array<i32>} : memref<2x128xi32, #tpu.memory_space<vmem>>, vector<1x16xi32>,
    %shift_right_logical3A_298 = arith.constant 14 : i32
    %shift_right_logical3A_299 = vector.broadcast %shift_right_logical3A_298 : i32 to vector<16xi32>
    %shift_right_logical3A_300 = arith.shrui %get3A_288, %shift_right_logical3A_299 : vector<16xi32>
    %swap3A_301 = arith.constant 1 : i32
    %swap3A_302 = arith.index_cast %swap3A_301 : i32 to index
    %swap3A_303 = arith.constant 16 : index
    %swap3A_304 = tpu.vector_load %arg7[%swap3A_302, %swap3A_303] {strides = array<i32>} : memref<2x128xi32, #tpu.memory_space<vmem>>, vector<1x16xi32>,
    %swap3A_305 = vector.shape_cast %swap3A_304 : vector<1x16xi32> to vector<16xi32>
    %swap3A_306 = vector.shape_cast %shift_right_logical3A_300 : vector<16xi32> to vector<1x16xi32>
    tpu.vector_store %arg7[%swap3A_302, %swap3A_303], %swap3A_306 {strides = array<i32>} : memref<2x128xi32, #tpu.memory_space<vmem>>, vector<1x16xi32>,
    %get3A_307 = arith.constant 160 : index
    %get3A_308 = tpu.vector_load %arg5[%get3A_307] {strides = array<i32>} : memref<10112xi32, #tpu.memory_space<vmem>>, vector<16xi32>,
    %get3A_309 = vector.shape_cast %get3A_308 : vector<16xi32> to vector<16xi32>
    %broadcast_in_dim3A_310 = arith.constant 16383 : i32
    %broadcast_in_dim3A_311 = vector.broadcast %broadcast_in_dim3A_310 : i32 to vector<16xi32>
    %and3A_312 = arith.andi %get3A_309, %broadcast_in_dim3A_311 : vector<16xi32>
    %swap3A_313 = arith.constant 1 : i32
    %swap3A_314 = arith.index_cast %swap3A_313 : i32 to index
    %swap3A_315 = arith.constant 32 : index
    %swap3A_316 = tpu.vector_load %arg6[%swap3A_314, %swap3A_315] {strides = array<i32>} : memref<2x128xi32, #tpu.memory_space<vmem>>, vector<1x16xi32>,
    %swap3A_317 = vector.shape_cast %swap3A_316 : vector<1x16xi32> to vector<16xi32>
    %swap3A_318 = vector.shape_cast %and3A_312 : vector<16xi32> to vector<1x16xi32>
    tpu.vector_store %arg6[%swap3A_314, %swap3A_315], %swap3A_318 {strides = array<i32>} : memref<2x128xi32, #tpu.memory_space<vmem>>, vector<1x16xi32>,
    %shift_right_logical3A_319 = arith.constant 14 : i32
    %shift_right_logical3A_320 = vector.broadcast %shift_right_logical3A_319 : i32 to vector<16xi32>
    %shift_right_logical3A_321 = arith.shrui %get3A_309, %shift_right_logical3A_320 : vector<16xi32>
    %swap3A_322 = arith.constant 1 : i32
    %swap3A_323 = arith.index_cast %swap3A_322 : i32 to index
    %swap3A_324 = arith.constant 32 : index
    %swap3A_325 = tpu.vector_load %arg7[%swap3A_323, %swap3A_324] {strides = array<i32>} : memref<2x128xi32, #tpu.memory_space<vmem>>, vector<1x16xi32>,
    %swap3A_326 = vector.shape_cast %swap3A_325 : vector<1x16xi32> to vector<16xi32>
    %swap3A_327 = vector.shape_cast %shift_right_logical3A_321 : vector<16xi32> to vector<1x16xi32>
    tpu.vector_store %arg7[%swap3A_323, %swap3A_324], %swap3A_327 {strides = array<i32>} : memref<2x128xi32, #tpu.memory_space<vmem>>, vector<1x16xi32>,
    %get3A_328 = arith.constant 176 : index
    %get3A_329 = tpu.vector_load %arg5[%get3A_328] {strides = array<i32>} : memref<10112xi32, #tpu.memory_space<vmem>>, vector<16xi32>,
    %get3A_330 = vector.shape_cast %get3A_329 : vector<16xi32> to vector<16xi32>
    %broadcast_in_dim3A_331 = arith.constant 16383 : i32
    %broadcast_in_dim3A_332 = vector.broadcast %broadcast_in_dim3A_331 : i32 to vector<16xi32>
    %and3A_333 = arith.andi %get3A_330, %broadcast_in_dim3A_332 : vector<16xi32>
    %swap3A_334 = arith.constant 1 : i32
    %swap3A_335 = arith.index_cast %swap3A_334 : i32 to index
    %swap3A_336 = arith.constant 48 : index
    %swap3A_337 = tpu.vector_load %arg6[%swap3A_335, %swap3A_336] {strides = array<i32>} : memref<2x128xi32, #tpu.memory_space<vmem>>, vector<1x16xi32>,
    %swap3A_338 = vector.shape_cast %swap3A_337 : vector<1x16xi32> to vector<16xi32>
    %swap3A_339 = vector.shape_cast %and3A_333 : vector<16xi32> to vector<1x16xi32>
    tpu.vector_store %arg6[%swap3A_335, %swap3A_336], %swap3A_339 {strides = array<i32>} : memref<2x128xi32, #tpu.memory_space<vmem>>, vector<1x16xi32>,
    %shift_right_logical3A_340 = arith.constant 14 : i32
    %shift_right_logical3A_341 = vector.broadcast %shift_right_logical3A_340 : i32 to vector<16xi32>
    %shift_right_logical3A_342 = arith.shrui %get3A_330, %shift_right_logical3A_341 : vector<16xi32>
    %swap3A_343 = arith.constant 1 : i32
    %swap3A_344 = arith.index_cast %swap3A_343 : i32 to index
    %swap3A_345 = arith.constant 48 : index
    %swap3A_346 = tpu.vector_load %arg7[%swap3A_344, %swap3A_345] {strides = array<i32>} : memref<2x128xi32, #tpu.memory_space<vmem>>, vector<1x16xi32>,
    %swap3A_347 = vector.shape_cast %swap3A_346 : vector<1x16xi32> to vector<16xi32>
    %swap3A_348 = vector.shape_cast %shift_right_logical3A_342 : vector<16xi32> to vector<1x16xi32>
    tpu.vector_store %arg7[%swap3A_344, %swap3A_345], %swap3A_348 {strides = array<i32>} : memref<2x128xi32, #tpu.memory_space<vmem>>, vector<1x16xi32>,
    %get3A_349 = arith.constant 192 : index
    %get3A_350 = tpu.vector_load %arg5[%get3A_349] {strides = array<i32>} : memref<10112xi32, #tpu.memory_space<vmem>>, vector<16xi32>,
    %get3A_351 = vector.shape_cast %get3A_350 : vector<16xi32> to vector<16xi32>
    %broadcast_in_dim3A_352 = arith.constant 16383 : i32
    %broadcast_in_dim3A_353 = vector.broadcast %broadcast_in_dim3A_352 : i32 to vector<16xi32>
    %and3A_354 = arith.andi %get3A_351, %broadcast_in_dim3A_353 : vector<16xi32>
    %swap3A_355 = arith.constant 1 : i32
    %swap3A_356 = arith.index_cast %swap3A_355 : i32 to index
    %swap3A_357 = arith.constant 64 : index
    %swap3A_358 = tpu.vector_load %arg6[%swap3A_356, %swap3A_357] {strides = array<i32>} : memref<2x128xi32, #tpu.memory_space<vmem>>, vector<1x16xi32>,
    %swap3A_359 = vector.shape_cast %swap3A_358 : vector<1x16xi32> to vector<16xi32>
    %swap3A_360 = vector.shape_cast %and3A_354 : vector<16xi32> to vector<1x16xi32>
    tpu.vector_store %arg6[%swap3A_356, %swap3A_357], %swap3A_360 {strides = array<i32>} : memref<2x128xi32, #tpu.memory_space<vmem>>, vector<1x16xi32>,
    %shift_right_logical3A_361 = arith.constant 14 : i32
    %shift_right_logical3A_362 = vector.broadcast %shift_right_logical3A_361 : i32 to vector<16xi32>
    %shift_right_logical3A_363 = arith.shrui %get3A_351, %shift_right_logical3A_362 : vector<16xi32>
    %swap3A_364 = arith.constant 1 : i32
    %swap3A_365 = arith.index_cast %swap3A_364 : i32 to index
    %swap3A_366 = arith.constant 64 : index
    %swap3A_367 = tpu.vector_load %arg7[%swap3A_365, %swap3A_366] {strides = array<i32>} : memref<2x128xi32, #tpu.memory_space<vmem>>, vector<1x16xi32>,
    %swap3A_368 = vector.shape_cast %swap3A_367 : vector<1x16xi32> to vector<16xi32>
    %swap3A_369 = vector.shape_cast %shift_right_logical3A_363 : vector<16xi32> to vector<1x16xi32>
    tpu.vector_store %arg7[%swap3A_365, %swap3A_366], %swap3A_369 {strides = array<i32>} : memref<2x128xi32, #tpu.memory_space<vmem>>, vector<1x16xi32>,
    %get3A_370 = arith.constant 208 : index
    %get3A_371 = tpu.vector_load %arg5[%get3A_370] {strides = array<i32>} : memref<10112xi32, #tpu.memory_space<vmem>>, vector<16xi32>,
    %get3A_372 = vector.shape_cast %get3A_371 : vector<16xi32> to vector<16xi32>
    %broadcast_in_dim3A_373 = arith.constant 16383 : i32
    %broadcast_in_dim3A_374 = vector.broadcast %broadcast_in_dim3A_373 : i32 to vector<16xi32>
    %and3A_375 = arith.andi %get3A_372, %broadcast_in_dim3A_374 : vector<16xi32>
    %swap3A_376 = arith.constant 1 : i32
    %swap3A_377 = arith.index_cast %swap3A_376 : i32 to index
    %swap3A_378 = arith.constant 80 : index
    %swap3A_379 = tpu.vector_load %arg6[%swap3A_377, %swap3A_378] {strides = array<i32>} : memref<2x128xi32, #tpu.memory_space<vmem>>, vector<1x16xi32>,
    %swap3A_380 = vector.shape_cast %swap3A_379 : vector<1x16xi32> to vector<16xi32>
    %swap3A_381 = vector.shape_cast %and3A_375 : vector<16xi32> to vector<1x16xi32>
    tpu.vector_store %arg6[%swap3A_377, %swap3A_378], %swap3A_381 {strides = array<i32>} : memref<2x128xi32, #tpu.memory_space<vmem>>, vector<1x16xi32>,
    %shift_right_logical3A_382 = arith.constant 14 : i32
    %shift_right_logical3A_383 = vector.broadcast %shift_right_logical3A_382 : i32 to vector<16xi32>
    %shift_right_logical3A_384 = arith.shrui %get3A_372, %shift_right_logical3A_383 : vector<16xi32>
    %swap3A_385 = arith.constant 1 : i32
    %swap3A_386 = arith.index_cast %swap3A_385 : i32 to index
    %swap3A_387 = arith.constant 80 : index
    %swap3A_388 = tpu.vector_load %arg7[%swap3A_386, %swap3A_387] {strides = array<i32>} : memref<2x128xi32, #tpu.memory_space<vmem>>, vector<1x16xi32>,
    %swap3A_389 = vector.shape_cast %swap3A_388 : vector<1x16xi32> to vector<16xi32>
    %swap3A_390 = vector.shape_cast %shift_right_logical3A_384 : vector<16xi32> to vector<1x16xi32>
    tpu.vector_store %arg7[%swap3A_386, %swap3A_387], %swap3A_390 {strides = array<i32>} : memref<2x128xi32, #tpu.memory_space<vmem>>, vector<1x16xi32>,
    %get3A_391 = arith.constant 224 : index
    %get3A_392 = tpu.vector_load %arg5[%get3A_391] {strides = array<i32>} : memref<10112xi32, #tpu.memory_space<vmem>>, vector<16xi32>,
    %get3A_393 = vector.shape_cast %get3A_392 : vector<16xi32> to vector<16xi32>
    %broadcast_in_dim3A_394 = arith.constant 16383 : i32
    %broadcast_in_dim3A_395 = vector.broadcast %broadcast_in_dim3A_394 : i32 to vector<16xi32>
    %and3A_396 = arith.andi %get3A_393, %broadcast_in_dim3A_395 : vector<16xi32>
    %swap3A_397 = arith.constant 1 : i32
    %swap3A_398 = arith.index_cast %swap3A_397 : i32 to index
    %swap3A_399 = arith.constant 96 : index
    %swap3A_400 = tpu.vector_load %arg6[%swap3A_398, %swap3A_399] {strides = array<i32>} : memref<2x128xi32, #tpu.memory_space<vmem>>, vector<1x16xi32>,
    %swap3A_401 = vector.shape_cast %swap3A_400 : vector<1x16xi32> to vector<16xi32>
    %swap3A_402 = vector.shape_cast %and3A_396 : vector<16xi32> to vector<1x16xi32>
    tpu.vector_store %arg6[%swap3A_398, %swap3A_399], %swap3A_402 {strides = array<i32>} : memref<2x128xi32, #tpu.memory_space<vmem>>, vector<1x16xi32>,
    %shift_right_logical3A_403 = arith.constant 14 : i32
    %shift_right_logical3A_404 = vector.broadcast %shift_right_logical3A_403 : i32 to vector<16xi32>
    %shift_right_logical3A_405 = arith.shrui %get3A_393, %shift_right_logical3A_404 : vector<16xi32>
    %swap3A_406 = arith.constant 1 : i32
    %swap3A_407 = arith.index_cast %swap3A_406 : i32 to index
    %swap3A_408 = arith.constant 96 : index
    %swap3A_409 = tpu.vector_load %arg7[%swap3A_407, %swap3A_408] {strides = array<i32>} : memref<2x128xi32, #tpu.memory_space<vmem>>, vector<1x16xi32>,
    %swap3A_410 = vector.shape_cast %swap3A_409 : vector<1x16xi32> to vector<16xi32>
    %swap3A_411 = vector.shape_cast %shift_right_logical3A_405 : vector<16xi32> to vector<1x16xi32>
    tpu.vector_store %arg7[%swap3A_407, %swap3A_408], %swap3A_411 {strides = array<i32>} : memref<2x128xi32, #tpu.memory_space<vmem>>, vector<1x16xi32>,
    %get3A_412 = arith.constant 240 : index
    %get3A_413 = tpu.vector_load %arg5[%get3A_412] {strides = array<i32>} : memref<10112xi32, #tpu.memory_space<vmem>>, vector<16xi32>,
    %get3A_414 = vector.shape_cast %get3A_413 : vector<16xi32> to vector<16xi32>
    %broadcast_in_dim3A_415 = arith.constant 16383 : i32
    %broadcast_in_dim3A_416 = vector.broadcast %broadcast_in_dim3A_415 : i32 to vector<16xi32>
    %and3A_417 = arith.andi %get3A_414, %broadcast_in_dim3A_416 : vector<16xi32>
    %swap3A_418 = arith.constant 1 : i32
    %swap3A_419 = arith.index_cast %swap3A_418 : i32 to index
    %swap3A_420 = arith.constant 112 : index
    %swap3A_421 = tpu.vector_load %arg6[%swap3A_419, %swap3A_420] {strides = array<i32>} : memref<2x128xi32, #tpu.memory_space<vmem>>, vector<1x16xi32>,
    %swap3A_422 = vector.shape_cast %swap3A_421 : vector<1x16xi32> to vector<16xi32>
    %swap3A_423 = vector.shape_cast %and3A_417 : vector<16xi32> to vector<1x16xi32>
    tpu.vector_store %arg6[%swap3A_419, %swap3A_420], %swap3A_423 {strides = array<i32>} : memref<2x128xi32, #tpu.memory_space<vmem>>, vector<1x16xi32>,
    %shift_right_logical3A_424 = arith.constant 14 : i32
    %shift_right_logical3A_425 = vector.broadcast %shift_right_logical3A_424 : i32 to vector<16xi32>
    %shift_right_logical3A_426 = arith.shrui %get3A_414, %shift_right_logical3A_425 : vector<16xi32>
    %swap3A_427 = arith.constant 1 : i32
    %swap3A_428 = arith.index_cast %swap3A_427 : i32 to index
    %swap3A_429 = arith.constant 112 : index
    %swap3A_430 = tpu.vector_load %arg7[%swap3A_428, %swap3A_429] {strides = array<i32>} : memref<2x128xi32, #tpu.memory_space<vmem>>, vector<1x16xi32>,
    %swap3A_431 = vector.shape_cast %swap3A_430 : vector<1x16xi32> to vector<16xi32>
    %swap3A_432 = vector.shape_cast %shift_right_logical3A_426 : vector<16xi32> to vector<1x16xi32>
    tpu.vector_store %arg7[%swap3A_428, %swap3A_429], %swap3A_432 {strides = array<i32>} : memref<2x128xi32, #tpu.memory_space<vmem>>, vector<1x16xi32>,
    %dma_start3A_433 = arith.constant 1 : i32
    %dma_start3A_434 = arith.constant 0 : i32
    %dma_start3A_435 = tpu.memref_slice %arg6[%dma_start3A_433, %dma_start3A_434] : memref<2x128xi32, #tpu.memory_space<vmem>> -> memref<1x128xi32, #tpu.memory_space<vmem>>
    %dma_start3A_436 = tpu.memref_squeeze %dma_start3A_435 : memref<1x128xi32, #tpu.memory_space<vmem>> -> memref<128xi32, #tpu.memory_space<vmem>>
    %dma_start3A_437 = arith.constant 0 : i32
    %dma_start3A_438 = arith.constant 0 : i32
    %dma_start3A_439 = tpu.memref_slice %arg2[%dma_start3A_437, %dma_start3A_438] : memref<10112x128xf32, #tpu.memory_space<hbm>> -> memref<10112x128xf32, #tpu.memory_space<hbm>>
    tpu.enqueue_indirect_dma source(%dma_start3A_439 : memref<10112x128xf32, #tpu.memory_space<hbm>>) target(%arg9 : memref<128x128xf32, #tpu.memory_space<vmem>>) offsets(%dma_start3A_436 : memref<128xi32, #tpu.memory_space<vmem>>) semaphore(%arg12 : memref<!tpu.dma_semaphore, #tpu.memory_space<semaphore_mem>>)
    %scan3A_440 = arith.constant 0 : i32
    %scan3A_441 = arith.constant 0 : i32
    %scan3A_442 = arith.constant 38 : i32
    %scan3A_443 = arith.addi %scan3A_441, %scan3A_442 : i32
    %scan3A_444 = arith.constant 1 : i32
    %scan3A_445 = scf.for %scan3A_834 = %scan3A_441 to %scan3A_443 step %scan3A_444 iter_args(%scan3A_835 = %scan3A_440) -> (i32)  : i32 {
      %mul3A_836 = arith.constant 2 : i32
      %mul3A_837 = arith.muli %mul3A_836, %scan3A_834 : i32
      %dma_wait3A_838 = arith.constant 0 : i32
      %dma_wait3A_839 = arith.constant 0 : i32
      %dma_wait3A_840 = tpu.memref_slice %arg6[%dma_wait3A_838, %dma_wait3A_839] : memref<2x128xi32, #tpu.memory_space<vmem>> -> memref<1x128xi32, #tpu.memory_space<vmem>>
      %dma_wait3A_841 = tpu.memref_squeeze %dma_wait3A_840 : memref<1x128xi32, #tpu.memory_space<vmem>> -> memref<128xi32, #tpu.memory_space<vmem>>
      %dma_wait3A_842 = arith.constant 0 : i32
      %dma_wait3A_843 = arith.constant 0 : i32
      %dma_wait3A_844 = tpu.memref_slice %arg2[%dma_wait3A_842, %dma_wait3A_843] : memref<10112x128xf32, #tpu.memory_space<hbm>> -> memref<10112x128xf32, #tpu.memory_space<hbm>>
      tpu.wait_indirect_dma semaphore(%arg11 : memref<!tpu.dma_semaphore, #tpu.memory_space<semaphore_mem>>) src(%dma_wait3A_844 : memref<10112x128xf32, #tpu.memory_space<hbm>>) dst(%arg8 : memref<128x128xf32, #tpu.memory_space<vmem>>)
      %run_scoped3A_845 = arith.constant 0 : i32
      "tpu.region"() ({
        %run_scoped3A_1273 = tpu.sem_alloc : memref<!tpu.dma_semaphore, #tpu.memory_space<semaphore_mem>>
        %dma_start3A_1274 = arith.constant 0 : i32
        %dma_start3A_1275 = tpu.memref_slice %arg7[%run_scoped3A_845, %dma_start3A_1274] : memref<2x128xi32, #tpu.memory_space<vmem>> -> memref<1x128xi32, #tpu.memory_space<vmem>>
        %dma_start3A_1276 = tpu.memref_squeeze %dma_start3A_1275 : memref<1x128xi32, #tpu.memory_space<vmem>> -> memref<128xi32, #tpu.memory_space<vmem>>
        %dma_start3A_1277 = arith.constant 0 : i32
        %dma_start3A_1278 = arith.constant 0 : i32
        %dma_start3A_1279 = tpu.memref_slice %arg10[%dma_start3A_1277, %dma_start3A_1278] : memref<10112x128xf32, #tpu.memory_space<vmem_shared>> -> memref<10112x128xf32, #tpu.memory_space<vmem_shared>>
        tpu.enqueue_indirect_dma source(%arg8 : memref<128x128xf32, #tpu.memory_space<vmem>>) target(%dma_start3A_1279 : memref<10112x128xf32, #tpu.memory_space<vmem_shared>>) offsets(%dma_start3A_1276 : memref<128xi32, #tpu.memory_space<vmem>>) semaphore(%run_scoped3A_1273 : memref<!tpu.dma_semaphore, #tpu.memory_space<semaphore_mem>>) {add = true}
        %dma_wait3A_1280 = arith.constant 0 : i32
        %dma_wait3A_1281 = tpu.memref_slice %arg7[%run_scoped3A_845, %dma_wait3A_1280] : memref<2x128xi32, #tpu.memory_space<vmem>> -> memref<1x128xi32, #tpu.memory_space<vmem>>
        %dma_wait3A_1282 = tpu.memref_squeeze %dma_wait3A_1281 : memref<1x128xi32, #tpu.memory_space<vmem>> -> memref<128xi32, #tpu.memory_space<vmem>>
        %dma_wait3A_1283 = arith.constant 0 : i32
        %dma_wait3A_1284 = arith.constant 0 : i32
        %dma_wait3A_1285 = tpu.memref_slice %arg10[%dma_wait3A_1283, %dma_wait3A_1284] : memref<10112x128xf32, #tpu.memory_space<vmem_shared>> -> memref<10112x128xf32, #tpu.memory_space<vmem_shared>>
        tpu.wait_indirect_dma semaphore(%run_scoped3A_1273 : memref<!tpu.dma_semaphore, #tpu.memory_space<semaphore_mem>>) src(%arg8 : memref<128x128xf32, #tpu.memory_space<vmem>>) dst(%dma_wait3A_1285 : memref<10112x128xf32, #tpu.memory_space<vmem_shared>>)
        tpu.yield
      }) : () -> ()
      %add3A_846 = arith.constant 2 : i32
      %add3A_847 = arith.addi %mul3A_837, %add3A_846 : i32
      %mul3A_848 = arith.constant 128 : i32
      %mul3A_849 = arith.muli %add3A_847, %mul3A_848 : i32
      %add3A_850 = arith.constant 0 : i32
      %add3A_851 = arith.addi %mul3A_849, %add3A_850 : i32
      %get3A_852 = arith.index_cast %add3A_851 : i32 to index
      %get3A_853 = tpu.vector_load %arg5[%get3A_852] {strides = array<i32>} : memref<10112xi32, #tpu.memory_space<vmem>>, vector<16xi32>,
      %get3A_854 = vector.shape_cast %get3A_853 : vector<16xi32> to vector<16xi32>
      %broadcast_in_dim3A_855 = arith.constant 16383 : i32
      %broadcast_in_dim3A_856 = vector.broadcast %broadcast_in_dim3A_855 : i32 to vector<16xi32>
      %and3A_857 = arith.andi %get3A_854, %broadcast_in_dim3A_856 : vector<16xi32>
      %swap3A_858 = arith.constant 0 : i32
      %swap3A_859 = arith.index_cast %swap3A_858 : i32 to index
      %swap3A_860 = arith.constant 0 : index
      %swap3A_861 = tpu.vector_load %arg6[%swap3A_859, %swap3A_860] {strides = array<i32>} : memref<2x128xi32, #tpu.memory_space<vmem>>, vector<1x16xi32>,
      %swap3A_862 = vector.shape_cast %swap3A_861 : vector<1x16xi32> to vector<16xi32>
      %swap3A_863 = vector.shape_cast %and3A_857 : vector<16xi32> to vector<1x16xi32>
      tpu.vector_store %arg6[%swap3A_859, %swap3A_860], %swap3A_863 {strides = array<i32>} : memref<2x128xi32, #tpu.memory_space<vmem>>, vector<1x16xi32>,
      %shift_right_logical3A_864 = arith.constant 14 : i32
      %shift_right_logical3A_865 = vector.broadcast %shift_right_logical3A_864 : i32 to vector<16xi32>
      %shift_right_logical3A_866 = arith.shrui %get3A_854, %shift_right_logical3A_865 : vector<16xi32>
      %swap3A_867 = arith.constant 0 : i32
      %swap3A_868 = arith.index_cast %swap3A_867 : i32 to index
      %swap3A_869 = arith.constant 0 : index
      %swap3A_870 = tpu.vector_load %arg7[%swap3A_868, %swap3A_869] {strides = array<i32>} : memref<2x128xi32, #tpu.memory_space<vmem>>, vector<1x16xi32>,
      %swap3A_871 = vector.shape_cast %swap3A_870 : vector<1x16xi32> to vector<16xi32>
      %swap3A_872 = vector.shape_cast %shift_right_logical3A_866 : vector<16xi32> to vector<1x16xi32>
      tpu.vector_store %arg7[%swap3A_868, %swap3A_869], %swap3A_872 {strides = array<i32>} : memref<2x128xi32, #tpu.memory_space<vmem>>, vector<1x16xi32>,
      %mul3A_873 = arith.constant 128 : i32
      %mul3A_874 = arith.muli %add3A_847, %mul3A_873 : i32
      %add3A_875 = arith.constant 16 : i32
      %add3A_876 = arith.addi %mul3A_874, %add3A_875 : i32
      %get3A_877 = arith.index_cast %add3A_876 : i32 to index
      %get3A_878 = tpu.vector_load %arg5[%get3A_877] {strides = array<i32>} : memref<10112xi32, #tpu.memory_space<vmem>>, vector<16xi32>,
      %get3A_879 = vector.shape_cast %get3A_878 : vector<16xi32> to vector<16xi32>
      %broadcast_in_dim3A_880 = arith.constant 16383 : i32
      %broadcast_in_dim3A_881 = vector.broadcast %broadcast_in_dim3A_880 : i32 to vector<16xi32>
      %and3A_882 = arith.andi %get3A_879, %broadcast_in_dim3A_881 : vector<16xi32>
      %swap3A_883 = arith.constant 0 : i32
      %swap3A_884 = arith.index_cast %swap3A_883 : i32 to index
      %swap3A_885 = arith.constant 16 : index
      %swap3A_886 = tpu.vector_load %arg6[%swap3A_884, %swap3A_885] {strides = array<i32>} : memref<2x128xi32, #tpu.memory_space<vmem>>, vector<1x16xi32>,
      %swap3A_887 = vector.shape_cast %swap3A_886 : vector<1x16xi32> to vector<16xi32>
      %swap3A_888 = vector.shape_cast %and3A_882 : vector<16xi32> to vector<1x16xi32>
      tpu.vector_store %arg6[%swap3A_884, %swap3A_885], %swap3A_888 {strides = array<i32>} : memref<2x128xi32, #tpu.memory_space<vmem>>, vector<1x16xi32>,
      %shift_right_logical3A_889 = arith.constant 14 : i32
      %shift_right_logical3A_890 = vector.broadcast %shift_right_logical3A_889 : i32 to vector<16xi32>
      %shift_right_logical3A_891 = arith.shrui %get3A_879, %shift_right_logical3A_890 : vector<16xi32>
      %swap3A_892 = arith.constant 0 : i32
      %swap3A_893 = arith.index_cast %swap3A_892 : i32 to index
      %swap3A_894 = arith.constant 16 : index
      %swap3A_895 = tpu.vector_load %arg7[%swap3A_893, %swap3A_894] {strides = array<i32>} : memref<2x128xi32, #tpu.memory_space<vmem>>, vector<1x16xi32>,
      %swap3A_896 = vector.shape_cast %swap3A_895 : vector<1x16xi32> to vector<16xi32>
      %swap3A_897 = vector.shape_cast %shift_right_logical3A_891 : vector<16xi32> to vector<1x16xi32>
      tpu.vector_store %arg7[%swap3A_893, %swap3A_894], %swap3A_897 {strides = array<i32>} : memref<2x128xi32, #tpu.memory_space<vmem>>, vector<1x16xi32>,
      %mul3A_898 = arith.constant 128 : i32
      %mul3A_899 = arith.muli %add3A_847, %mul3A_898 : i32
      %add3A_900 = arith.constant 32 : i32
      %add3A_901 = arith.addi %mul3A_899, %add3A_900 : i32
      %get3A_902 = arith.index_cast %add3A_901 : i32 to index
      %get3A_903 = tpu.vector_load %arg5[%get3A_902] {strides = array<i32>} : memref<10112xi32, #tpu.memory_space<vmem>>, vector<16xi32>,
      %get3A_904 = vector.shape_cast %get3A_903 : vector<16xi32> to vector<16xi32>
      %broadcast_in_dim3A_905 = arith.constant 16383 : i32
      %broadcast_in_dim3A_906 = vector.broadcast %broadcast_in_dim3A_905 : i32 to vector<16xi32>
      %and3A_907 = arith.andi %get3A_904, %broadcast_in_dim3A_906 : vector<16xi32>
      %swap3A_908 = arith.constant 0 : i32
      %swap3A_909 = arith.index_cast %swap3A_908 : i32 to index
      %swap3A_910 = arith.constant 32 : index
      %swap3A_911 = tpu.vector_load %arg6[%swap3A_909, %swap3A_910] {strides = array<i32>} : memref<2x128xi32, #tpu.memory_space<vmem>>, vector<1x16xi32>,
      %swap3A_912 = vector.shape_cast %swap3A_911 : vector<1x16xi32> to vector<16xi32>
      %swap3A_913 = vector.shape_cast %and3A_907 : vector<16xi32> to vector<1x16xi32>
      tpu.vector_store %arg6[%swap3A_909, %swap3A_910], %swap3A_913 {strides = array<i32>} : memref<2x128xi32, #tpu.memory_space<vmem>>, vector<1x16xi32>,
      %shift_right_logical3A_914 = arith.constant 14 : i32
      %shift_right_logical3A_915 = vector.broadcast %shift_right_logical3A_914 : i32 to vector<16xi32>
      %shift_right_logical3A_916 = arith.shrui %get3A_904, %shift_right_logical3A_915 : vector<16xi32>
      %swap3A_917 = arith.constant 0 : i32
      %swap3A_918 = arith.index_cast %swap3A_917 : i32 to index
      %swap3A_919 = arith.constant 32 : index
      %swap3A_920 = tpu.vector_load %arg7[%swap3A_918, %swap3A_919] {strides = array<i32>} : memref<2x128xi32, #tpu.memory_space<vmem>>, vector<1x16xi32>,
      %swap3A_921 = vector.shape_cast %swap3A_920 : vector<1x16xi32> to vector<16xi32>
      %swap3A_922 = vector.shape_cast %shift_right_logical3A_916 : vector<16xi32> to vector<1x16xi32>
      tpu.vector_store %arg7[%swap3A_918, %swap3A_919], %swap3A_922 {strides = array<i32>} : memref<2x128xi32, #tpu.memory_space<vmem>>, vector<1x16xi32>,
      %mul3A_923 = arith.constant 128 : i32
      %mul3A_924 = arith.muli %add3A_847, %mul3A_923 : i32
      %add3A_925 = arith.constant 48 : i32
      %add3A_926 = arith.addi %mul3A_924, %add3A_925 : i32
      %get3A_927 = arith.index_cast %add3A_926 : i32 to index
      %get3A_928 = tpu.vector_load %arg5[%get3A_927] {strides = array<i32>} : memref<10112xi32, #tpu.memory_space<vmem>>, vector<16xi32>,
      %get3A_929 = vector.shape_cast %get3A_928 : vector<16xi32> to vector<16xi32>
      %broadcast_in_dim3A_930 = arith.constant 16383 : i32
      %broadcast_in_dim3A_931 = vector.broadcast %broadcast_in_dim3A_930 : i32 to vector<16xi32>
      %and3A_932 = arith.andi %get3A_929, %broadcast_in_dim3A_931 : vector<16xi32>
      %swap3A_933 = arith.constant 0 : i32
      %swap3A_934 = arith.index_cast %swap3A_933 : i32 to index
      %swap3A_935 = arith.constant 48 : index
      %swap3A_936 = tpu.vector_load %arg6[%swap3A_934, %swap3A_935] {strides = array<i32>} : memref<2x128xi32, #tpu.memory_space<vmem>>, vector<1x16xi32>,
      %swap3A_937 = vector.shape_cast %swap3A_936 : vector<1x16xi32> to vector<16xi32>
      %swap3A_938 = vector.shape_cast %and3A_932 : vector<16xi32> to vector<1x16xi32>
      tpu.vector_store %arg6[%swap3A_934, %swap3A_935], %swap3A_938 {strides = array<i32>} : memref<2x128xi32, #tpu.memory_space<vmem>>, vector<1x16xi32>,
      %shift_right_logical3A_939 = arith.constant 14 : i32
      %shift_right_logical3A_940 = vector.broadcast %shift_right_logical3A_939 : i32 to vector<16xi32>
      %shift_right_logical3A_941 = arith.shrui %get3A_929, %shift_right_logical3A_940 : vector<16xi32>
      %swap3A_942 = arith.constant 0 : i32
      %swap3A_943 = arith.index_cast %swap3A_942 : i32 to index
      %swap3A_944 = arith.constant 48 : index
      %swap3A_945 = tpu.vector_load %arg7[%swap3A_943, %swap3A_944] {strides = array<i32>} : memref<2x128xi32, #tpu.memory_space<vmem>>, vector<1x16xi32>,
      %swap3A_946 = vector.shape_cast %swap3A_945 : vector<1x16xi32> to vector<16xi32>
      %swap3A_947 = vector.shape_cast %shift_right_logical3A_941 : vector<16xi32> to vector<1x16xi32>
      tpu.vector_store %arg7[%swap3A_943, %swap3A_944], %swap3A_947 {strides = array<i32>} : memref<2x128xi32, #tpu.memory_space<vmem>>, vector<1x16xi32>,
      %mul3A_948 = arith.constant 128 : i32
      %mul3A_949 = arith.muli %add3A_847, %mul3A_948 : i32
      %add3A_950 = arith.constant 64 : i32
      %add3A_951 = arith.addi %mul3A_949, %add3A_950 : i32
      %get3A_952 = arith.index_cast %add3A_951 : i32 to index
      %get3A_953 = tpu.vector_load %arg5[%get3A_952] {strides = array<i32>} : memref<10112xi32, #tpu.memory_space<vmem>>, vector<16xi32>,
      %get3A_954 = vector.shape_cast %get3A_953 : vector<16xi32> to vector<16xi32>
      %broadcast_in_dim3A_955 = arith.constant 16383 : i32
      %broadcast_in_dim3A_956 = vector.broadcast %broadcast_in_dim3A_955 : i32 to vector<16xi32>
      %and3A_957 = arith.andi %get3A_954, %broadcast_in_dim3A_956 : vector<16xi32>
      %swap3A_958 = arith.constant 0 : i32
      %swap3A_959 = arith.index_cast %swap3A_958 : i32 to index
      %swap3A_960 = arith.constant 64 : index
      %swap3A_961 = tpu.vector_load %arg6[%swap3A_959, %swap3A_960] {strides = array<i32>} : memref<2x128xi32, #tpu.memory_space<vmem>>, vector<1x16xi32>,
      %swap3A_962 = vector.shape_cast %swap3A_961 : vector<1x16xi32> to vector<16xi32>
      %swap3A_963 = vector.shape_cast %and3A_957 : vector<16xi32> to vector<1x16xi32>
      tpu.vector_store %arg6[%swap3A_959, %swap3A_960], %swap3A_963 {strides = array<i32>} : memref<2x128xi32, #tpu.memory_space<vmem>>, vector<1x16xi32>,
      %shift_right_logical3A_964 = arith.constant 14 : i32
      %shift_right_logical3A_965 = vector.broadcast %shift_right_logical3A_964 : i32 to vector<16xi32>
      %shift_right_logical3A_966 = arith.shrui %get3A_954, %shift_right_logical3A_965 : vector<16xi32>
      %swap3A_967 = arith.constant 0 : i32
      %swap3A_968 = arith.index_cast %swap3A_967 : i32 to index
      %swap3A_969 = arith.constant 64 : index
      %swap3A_970 = tpu.vector_load %arg7[%swap3A_968, %swap3A_969] {strides = array<i32>} : memref<2x128xi32, #tpu.memory_space<vmem>>, vector<1x16xi32>,
      %swap3A_971 = vector.shape_cast %swap3A_970 : vector<1x16xi32> to vector<16xi32>
      %swap3A_972 = vector.shape_cast %shift_right_logical3A_966 : vector<16xi32> to vector<1x16xi32>
      tpu.vector_store %arg7[%swap3A_968, %swap3A_969], %swap3A_972 {strides = array<i32>} : memref<2x128xi32, #tpu.memory_space<vmem>>, vector<1x16xi32>,
      %mul3A_973 = arith.constant 128 : i32
      %mul3A_974 = arith.muli %add3A_847, %mul3A_973 : i32
      %add3A_975 = arith.constant 80 : i32
      %add3A_976 = arith.addi %mul3A_974, %add3A_975 : i32
      %get3A_977 = arith.index_cast %add3A_976 : i32 to index
      %get3A_978 = tpu.vector_load %arg5[%get3A_977] {strides = array<i32>} : memref<10112xi32, #tpu.memory_space<vmem>>, vector<16xi32>,
      %get3A_979 = vector.shape_cast %get3A_978 : vector<16xi32> to vector<16xi32>
      %broadcast_in_dim3A_980 = arith.constant 16383 : i32
      %broadcast_in_dim3A_981 = vector.broadcast %broadcast_in_dim3A_980 : i32 to vector<16xi32>
      %and3A_982 = arith.andi %get3A_979, %broadcast_in_dim3A_981 : vector<16xi32>
      %swap3A_983 = arith.constant 0 : i32
      %swap3A_984 = arith.index_cast %swap3A_983 : i32 to index
      %swap3A_985 = arith.constant 80 : index
      %swap3A_986 = tpu.vector_load %arg6[%swap3A_984, %swap3A_985] {strides = array<i32>} : memref<2x128xi32, #tpu.memory_space<vmem>>, vector<1x16xi32>,
      %swap3A_987 = vector.shape_cast %swap3A_986 : vector<1x16xi32> to vector<16xi32>
      %swap3A_988 = vector.shape_cast %and3A_982 : vector<16xi32> to vector<1x16xi32>
      tpu.vector_store %arg6[%swap3A_984, %swap3A_985], %swap3A_988 {strides = array<i32>} : memref<2x128xi32, #tpu.memory_space<vmem>>, vector<1x16xi32>,
      %shift_right_logical3A_989 = arith.constant 14 : i32
      %shift_right_logical3A_990 = vector.broadcast %shift_right_logical3A_989 : i32 to vector<16xi32>
      %shift_right_logical3A_991 = arith.shrui %get3A_979, %shift_right_logical3A_990 : vector<16xi32>
      %swap3A_992 = arith.constant 0 : i32
      %swap3A_993 = arith.index_cast %swap3A_992 : i32 to index
      %swap3A_994 = arith.constant 80 : index
      %swap3A_995 = tpu.vector_load %arg7[%swap3A_993, %swap3A_994] {strides = array<i32>} : memref<2x128xi32, #tpu.memory_space<vmem>>, vector<1x16xi32>,
      %swap3A_996 = vector.shape_cast %swap3A_995 : vector<1x16xi32> to vector<16xi32>
      %swap3A_997 = vector.shape_cast %shift_right_logical3A_991 : vector<16xi32> to vector<1x16xi32>
      tpu.vector_store %arg7[%swap3A_993, %swap3A_994], %swap3A_997 {strides = array<i32>} : memref<2x128xi32, #tpu.memory_space<vmem>>, vector<1x16xi32>,
      %mul3A_998 = arith.constant 128 : i32
      %mul3A_999 = arith.muli %add3A_847, %mul3A_998 : i32
      %add3A_1000 = arith.constant 96 : i32
      %add3A_1001 = arith.addi %mul3A_999, %add3A_1000 : i32
      %get3A_1002 = arith.index_cast %add3A_1001 : i32 to index
      %get3A_1003 = tpu.vector_load %arg5[%get3A_1002] {strides = array<i32>} : memref<10112xi32, #tpu.memory_space<vmem>>, vector<16xi32>,
      %get3A_1004 = vector.shape_cast %get3A_1003 : vector<16xi32> to vector<16xi32>
      %broadcast_in_dim3A_1005 = arith.constant 16383 : i32
      %broadcast_in_dim3A_1006 = vector.broadcast %broadcast_in_dim3A_1005 : i32 to vector<16xi32>
      %and3A_1007 = arith.andi %get3A_1004, %broadcast_in_dim3A_1006 : vector<16xi32>
      %swap3A_1008 = arith.constant 0 : i32
      %swap3A_1009 = arith.index_cast %swap3A_1008 : i32 to index
      %swap3A_1010 = arith.constant 96 : index
      %swap3A_1011 = tpu.vector_load %arg6[%swap3A_1009, %swap3A_1010] {strides = array<i32>} : memref<2x128xi32, #tpu.memory_space<vmem>>, vector<1x16xi32>,
      %swap3A_1012 = vector.shape_cast %swap3A_1011 : vector<1x16xi32> to vector<16xi32>
      %swap3A_1013 = vector.shape_cast %and3A_1007 : vector<16xi32> to vector<1x16xi32>
      tpu.vector_store %arg6[%swap3A_1009, %swap3A_1010], %swap3A_1013 {strides = array<i32>} : memref<2x128xi32, #tpu.memory_space<vmem>>, vector<1x16xi32>,
      %shift_right_logical3A_1014 = arith.constant 14 : i32
      %shift_right_logical3A_1015 = vector.broadcast %shift_right_logical3A_1014 : i32 to vector<16xi32>
      %shift_right_logical3A_1016 = arith.shrui %get3A_1004, %shift_right_logical3A_1015 : vector<16xi32>
      %swap3A_1017 = arith.constant 0 : i32
      %swap3A_1018 = arith.index_cast %swap3A_1017 : i32 to index
      %swap3A_1019 = arith.constant 96 : index
      %swap3A_1020 = tpu.vector_load %arg7[%swap3A_1018, %swap3A_1019] {strides = array<i32>} : memref<2x128xi32, #tpu.memory_space<vmem>>, vector<1x16xi32>,
      %swap3A_1021 = vector.shape_cast %swap3A_1020 : vector<1x16xi32> to vector<16xi32>
      %swap3A_1022 = vector.shape_cast %shift_right_logical3A_1016 : vector<16xi32> to vector<1x16xi32>
      tpu.vector_store %arg7[%swap3A_1018, %swap3A_1019], %swap3A_1022 {strides = array<i32>} : memref<2x128xi32, #tpu.memory_space<vmem>>, vector<1x16xi32>,
      %mul3A_1023 = arith.constant 128 : i32
      %mul3A_1024 = arith.muli %add3A_847, %mul3A_1023 : i32
      %add3A_1025 = arith.constant 112 : i32
      %add3A_1026 = arith.addi %mul3A_1024, %add3A_1025 : i32
      %get3A_1027 = arith.index_cast %add3A_1026 : i32 to index
      %get3A_1028 = tpu.vector_load %arg5[%get3A_1027] {strides = array<i32>} : memref<10112xi32, #tpu.memory_space<vmem>>, vector<16xi32>,
      %get3A_1029 = vector.shape_cast %get3A_1028 : vector<16xi32> to vector<16xi32>
      %broadcast_in_dim3A_1030 = arith.constant 16383 : i32
      %broadcast_in_dim3A_1031 = vector.broadcast %broadcast_in_dim3A_1030 : i32 to vector<16xi32>
      %and3A_1032 = arith.andi %get3A_1029, %broadcast_in_dim3A_1031 : vector<16xi32>
      %swap3A_1033 = arith.constant 0 : i32
      %swap3A_1034 = arith.index_cast %swap3A_1033 : i32 to index
      %swap3A_1035 = arith.constant 112 : index
      %swap3A_1036 = tpu.vector_load %arg6[%swap3A_1034, %swap3A_1035] {strides = array<i32>} : memref<2x128xi32, #tpu.memory_space<vmem>>, vector<1x16xi32>,
      %swap3A_1037 = vector.shape_cast %swap3A_1036 : vector<1x16xi32> to vector<16xi32>
      %swap3A_1038 = vector.shape_cast %and3A_1032 : vector<16xi32> to vector<1x16xi32>
      tpu.vector_store %arg6[%swap3A_1034, %swap3A_1035], %swap3A_1038 {strides = array<i32>} : memref<2x128xi32, #tpu.memory_space<vmem>>, vector<1x16xi32>,
      %shift_right_logical3A_1039 = arith.constant 14 : i32
      %shift_right_logical3A_1040 = vector.broadcast %shift_right_logical3A_1039 : i32 to vector<16xi32>
      %shift_right_logical3A_1041 = arith.shrui %get3A_1029, %shift_right_logical3A_1040 : vector<16xi32>
      %swap3A_1042 = arith.constant 0 : i32
      %swap3A_1043 = arith.index_cast %swap3A_1042 : i32 to index
      %swap3A_1044 = arith.constant 112 : index
      %swap3A_1045 = tpu.vector_load %arg7[%swap3A_1043, %swap3A_1044] {strides = array<i32>} : memref<2x128xi32, #tpu.memory_space<vmem>>, vector<1x16xi32>,
      %swap3A_1046 = vector.shape_cast %swap3A_1045 : vector<1x16xi32> to vector<16xi32>
      %swap3A_1047 = vector.shape_cast %shift_right_logical3A_1041 : vector<16xi32> to vector<1x16xi32>
      tpu.vector_store %arg7[%swap3A_1043, %swap3A_1044], %swap3A_1047 {strides = array<i32>} : memref<2x128xi32, #tpu.memory_space<vmem>>, vector<1x16xi32>,
      %dma_start3A_1048 = arith.constant 0 : i32
      %dma_start3A_1049 = arith.constant 0 : i32
      %dma_start3A_1050 = tpu.memref_slice %arg6[%dma_start3A_1048, %dma_start3A_1049] : memref<2x128xi32, #tpu.memory_space<vmem>> -> memref<1x128xi32, #tpu.memory_space<vmem>>
      %dma_start3A_1051 = tpu.memref_squeeze %dma_start3A_1050 : memref<1x128xi32, #tpu.memory_space<vmem>> -> memref<128xi32, #tpu.memory_space<vmem>>
      %dma_start3A_1052 = arith.constant 0 : i32
      %dma_start3A_1053 = arith.constant 0 : i32
      %dma_start3A_1054 = tpu.memref_slice %arg2[%dma_start3A_1052, %dma_start3A_1053] : memref<10112x128xf32, #tpu.memory_space<hbm>> -> memref<10112x128xf32, #tpu.memory_space<hbm>>
      tpu.enqueue_indirect_dma source(%dma_start3A_1054 : memref<10112x128xf32, #tpu.memory_space<hbm>>) target(%arg8 : memref<128x128xf32, #tpu.memory_space<vmem>>) offsets(%dma_start3A_1051 : memref<128xi32, #tpu.memory_space<vmem>>) semaphore(%arg11 : memref<!tpu.dma_semaphore, #tpu.memory_space<semaphore_mem>>)
      %dma_wait3A_1055 = arith.constant 0 : i32
      %dma_wait3A_1056 = arith.constant 0 : i32
      %dma_wait3A_1057 = tpu.memref_slice %arg6[%dma_wait3A_1055, %dma_wait3A_1056] : memref<2x128xi32, #tpu.memory_space<vmem>> -> memref<1x128xi32, #tpu.memory_space<vmem>>
      %dma_wait3A_1058 = tpu.memref_squeeze %dma_wait3A_1057 : memref<1x128xi32, #tpu.memory_space<vmem>> -> memref<128xi32, #tpu.memory_space<vmem>>
      %dma_wait3A_1059 = arith.constant 0 : i32
      %dma_wait3A_1060 = arith.constant 0 : i32
      %dma_wait3A_1061 = tpu.memref_slice %arg2[%dma_wait3A_1059, %dma_wait3A_1060] : memref<10112x128xf32, #tpu.memory_space<hbm>> -> memref<10112x128xf32, #tpu.memory_space<hbm>>
      tpu.wait_indirect_dma semaphore(%arg12 : memref<!tpu.dma_semaphore, #tpu.memory_space<semaphore_mem>>) src(%dma_wait3A_1061 : memref<10112x128xf32, #tpu.memory_space<hbm>>) dst(%arg9 : memref<128x128xf32, #tpu.memory_space<vmem>>)
      %run_scoped3A_1062 = arith.constant 1 : i32
      "tpu.region"() ({
        %run_scoped3A_1273 = tpu.sem_alloc : memref<!tpu.dma_semaphore, #tpu.memory_space<semaphore_mem>>
        %dma_start3A_1274 = arith.constant 0 : i32
        %dma_start3A_1275 = tpu.memref_slice %arg7[%run_scoped3A_1062, %dma_start3A_1274] : memref<2x128xi32, #tpu.memory_space<vmem>> -> memref<1x128xi32, #tpu.memory_space<vmem>>
        %dma_start3A_1276 = tpu.memref_squeeze %dma_start3A_1275 : memref<1x128xi32, #tpu.memory_space<vmem>> -> memref<128xi32, #tpu.memory_space<vmem>>
        %dma_start3A_1277 = arith.constant 0 : i32
        %dma_start3A_1278 = arith.constant 0 : i32
        %dma_start3A_1279 = tpu.memref_slice %arg10[%dma_start3A_1277, %dma_start3A_1278] : memref<10112x128xf32, #tpu.memory_space<vmem_shared>> -> memref<10112x128xf32, #tpu.memory_space<vmem_shared>>
        tpu.enqueue_indirect_dma source(%arg9 : memref<128x128xf32, #tpu.memory_space<vmem>>) target(%dma_start3A_1279 : memref<10112x128xf32, #tpu.memory_space<vmem_shared>>) offsets(%dma_start3A_1276 : memref<128xi32, #tpu.memory_space<vmem>>) semaphore(%run_scoped3A_1273 : memref<!tpu.dma_semaphore, #tpu.memory_space<semaphore_mem>>) {add = true}
        %dma_wait3A_1280 = arith.constant 0 : i32
        %dma_wait3A_1281 = tpu.memref_slice %arg7[%run_scoped3A_1062, %dma_wait3A_1280] : memref<2x128xi32, #tpu.memory_space<vmem>> -> memref<1x128xi32, #tpu.memory_space<vmem>>
        %dma_wait3A_1282 = tpu.memref_squeeze %dma_wait3A_1281 : memref<1x128xi32, #tpu.memory_space<vmem>> -> memref<128xi32, #tpu.memory_space<vmem>>
        %dma_wait3A_1283 = arith.constant 0 : i32
        %dma_wait3A_1284 = arith.constant 0 : i32
        %dma_wait3A_1285 = tpu.memref_slice %arg10[%dma_wait3A_1283, %dma_wait3A_1284] : memref<10112x128xf32, #tpu.memory_space<vmem_shared>> -> memref<10112x128xf32, #tpu.memory_space<vmem_shared>>
        tpu.wait_indirect_dma semaphore(%run_scoped3A_1273 : memref<!tpu.dma_semaphore, #tpu.memory_space<semaphore_mem>>) src(%arg9 : memref<128x128xf32, #tpu.memory_space<vmem>>) dst(%dma_wait3A_1285 : memref<10112x128xf32, #tpu.memory_space<vmem_shared>>)
        tpu.yield
      }) : () -> ()
      %add3A_1063 = arith.constant 3 : i32
      %add3A_1064 = arith.addi %mul3A_837, %add3A_1063 : i32
      %mul3A_1065 = arith.constant 128 : i32
      %mul3A_1066 = arith.muli %add3A_1064, %mul3A_1065 : i32
      %add3A_1067 = arith.constant 0 : i32
      %add3A_1068 = arith.addi %mul3A_1066, %add3A_1067 : i32
      %get3A_1069 = arith.index_cast %add3A_1068 : i32 to index
      %get3A_1070 = tpu.vector_load %arg5[%get3A_1069] {strides = array<i32>} : memref<10112xi32, #tpu.memory_space<vmem>>, vector<16xi32>,
      %get3A_1071 = vector.shape_cast %get3A_1070 : vector<16xi32> to vector<16xi32>
      %broadcast_in_dim3A_1072 = arith.constant 16383 : i32
      %broadcast_in_dim3A_1073 = vector.broadcast %broadcast_in_dim3A_1072 : i32 to vector<16xi32>
      %and3A_1074 = arith.andi %get3A_1071, %broadcast_in_dim3A_1073 : vector<16xi32>
      %swap3A_1075 = arith.constant 1 : i32
      %swap3A_1076 = arith.index_cast %swap3A_1075 : i32 to index
      %swap3A_1077 = arith.constant 0 : index
      %swap3A_1078 = tpu.vector_load %arg6[%swap3A_1076, %swap3A_1077] {strides = array<i32>} : memref<2x128xi32, #tpu.memory_space<vmem>>, vector<1x16xi32>,
      %swap3A_1079 = vector.shape_cast %swap3A_1078 : vector<1x16xi32> to vector<16xi32>
      %swap3A_1080 = vector.shape_cast %and3A_1074 : vector<16xi32> to vector<1x16xi32>
      tpu.vector_store %arg6[%swap3A_1076, %swap3A_1077], %swap3A_1080 {strides = array<i32>} : memref<2x128xi32, #tpu.memory_space<vmem>>, vector<1x16xi32>,
      %shift_right_logical3A_1081 = arith.constant 14 : i32
      %shift_right_logical3A_1082 = vector.broadcast %shift_right_logical3A_1081 : i32 to vector<16xi32>
      %shift_right_logical3A_1083 = arith.shrui %get3A_1071, %shift_right_logical3A_1082 : vector<16xi32>
      %swap3A_1084 = arith.constant 1 : i32
      %swap3A_1085 = arith.index_cast %swap3A_1084 : i32 to index
      %swap3A_1086 = arith.constant 0 : index
      %swap3A_1087 = tpu.vector_load %arg7[%swap3A_1085, %swap3A_1086] {strides = array<i32>} : memref<2x128xi32, #tpu.memory_space<vmem>>, vector<1x16xi32>,
      %swap3A_1088 = vector.shape_cast %swap3A_1087 : vector<1x16xi32> to vector<16xi32>
      %swap3A_1089 = vector.shape_cast %shift_right_logical3A_1083 : vector<16xi32> to vector<1x16xi32>
      tpu.vector_store %arg7[%swap3A_1085, %swap3A_1086], %swap3A_1089 {strides = array<i32>} : memref<2x128xi32, #tpu.memory_space<vmem>>, vector<1x16xi32>,
      %mul3A_1090 = arith.constant 128 : i32
      %mul3A_1091 = arith.muli %add3A_1064, %mul3A_1090 : i32
      %add3A_1092 = arith.constant 16 : i32
      %add3A_1093 = arith.addi %mul3A_1091, %add3A_1092 : i32
      %get3A_1094 = arith.index_cast %add3A_1093 : i32 to index
      %get3A_1095 = tpu.vector_load %arg5[%get3A_1094] {strides = array<i32>} : memref<10112xi32, #tpu.memory_space<vmem>>, vector<16xi32>,
      %get3A_1096 = vector.shape_cast %get3A_1095 : vector<16xi32> to vector<16xi32>
      %broadcast_in_dim3A_1097 = arith.constant 16383 : i32
      %broadcast_in_dim3A_1098 = vector.broadcast %broadcast_in_dim3A_1097 : i32 to vector<16xi32>
      %and3A_1099 = arith.andi %get3A_1096, %broadcast_in_dim3A_1098 : vector<16xi32>
      %swap3A_1100 = arith.constant 1 : i32
      %swap3A_1101 = arith.index_cast %swap3A_1100 : i32 to index
      %swap3A_1102 = arith.constant 16 : index
      %swap3A_1103 = tpu.vector_load %arg6[%swap3A_1101, %swap3A_1102] {strides = array<i32>} : memref<2x128xi32, #tpu.memory_space<vmem>>, vector<1x16xi32>,
      %swap3A_1104 = vector.shape_cast %swap3A_1103 : vector<1x16xi32> to vector<16xi32>
      %swap3A_1105 = vector.shape_cast %and3A_1099 : vector<16xi32> to vector<1x16xi32>
      tpu.vector_store %arg6[%swap3A_1101, %swap3A_1102], %swap3A_1105 {strides = array<i32>} : memref<2x128xi32, #tpu.memory_space<vmem>>, vector<1x16xi32>,
      %shift_right_logical3A_1106 = arith.constant 14 : i32
      %shift_right_logical3A_1107 = vector.broadcast %shift_right_logical3A_1106 : i32 to vector<16xi32>
      %shift_right_logical3A_1108 = arith.shrui %get3A_1096, %shift_right_logical3A_1107 : vector<16xi32>
      %swap3A_1109 = arith.constant 1 : i32
      %swap3A_1110 = arith.index_cast %swap3A_1109 : i32 to index
      %swap3A_1111 = arith.constant 16 : index
      %swap3A_1112 = tpu.vector_load %arg7[%swap3A_1110, %swap3A_1111] {strides = array<i32>} : memref<2x128xi32, #tpu.memory_space<vmem>>, vector<1x16xi32>,
      %swap3A_1113 = vector.shape_cast %swap3A_1112 : vector<1x16xi32> to vector<16xi32>
      %swap3A_1114 = vector.shape_cast %shift_right_logical3A_1108 : vector<16xi32> to vector<1x16xi32>
      tpu.vector_store %arg7[%swap3A_1110, %swap3A_1111], %swap3A_1114 {strides = array<i32>} : memref<2x128xi32, #tpu.memory_space<vmem>>, vector<1x16xi32>,
      %mul3A_1115 = arith.constant 128 : i32
      %mul3A_1116 = arith.muli %add3A_1064, %mul3A_1115 : i32
      %add3A_1117 = arith.constant 32 : i32
      %add3A_1118 = arith.addi %mul3A_1116, %add3A_1117 : i32
      %get3A_1119 = arith.index_cast %add3A_1118 : i32 to index
      %get3A_1120 = tpu.vector_load %arg5[%get3A_1119] {strides = array<i32>} : memref<10112xi32, #tpu.memory_space<vmem>>, vector<16xi32>,
      %get3A_1121 = vector.shape_cast %get3A_1120 : vector<16xi32> to vector<16xi32>
      %broadcast_in_dim3A_1122 = arith.constant 16383 : i32
      %broadcast_in_dim3A_1123 = vector.broadcast %broadcast_in_dim3A_1122 : i32 to vector<16xi32>
      %and3A_1124 = arith.andi %get3A_1121, %broadcast_in_dim3A_1123 : vector<16xi32>
      %swap3A_1125 = arith.constant 1 : i32
      %swap3A_1126 = arith.index_cast %swap3A_1125 : i32 to index
      %swap3A_1127 = arith.constant 32 : index
      %swap3A_1128 = tpu.vector_load %arg6[%swap3A_1126, %swap3A_1127] {strides = array<i32>} : memref<2x128xi32, #tpu.memory_space<vmem>>, vector<1x16xi32>,
      %swap3A_1129 = vector.shape_cast %swap3A_1128 : vector<1x16xi32> to vector<16xi32>
      %swap3A_1130 = vector.shape_cast %and3A_1124 : vector<16xi32> to vector<1x16xi32>
      tpu.vector_store %arg6[%swap3A_1126, %swap3A_1127], %swap3A_1130 {strides = array<i32>} : memref<2x128xi32, #tpu.memory_space<vmem>>, vector<1x16xi32>,
      %shift_right_logical3A_1131 = arith.constant 14 : i32
      %shift_right_logical3A_1132 = vector.broadcast %shift_right_logical3A_1131 : i32 to vector<16xi32>
      %shift_right_logical3A_1133 = arith.shrui %get3A_1121, %shift_right_logical3A_1132 : vector<16xi32>
      %swap3A_1134 = arith.constant 1 : i32
      %swap3A_1135 = arith.index_cast %swap3A_1134 : i32 to index
      %swap3A_1136 = arith.constant 32 : index
      %swap3A_1137 = tpu.vector_load %arg7[%swap3A_1135, %swap3A_1136] {strides = array<i32>} : memref<2x128xi32, #tpu.memory_space<vmem>>, vector<1x16xi32>,
      %swap3A_1138 = vector.shape_cast %swap3A_1137 : vector<1x16xi32> to vector<16xi32>
      %swap3A_1139 = vector.shape_cast %shift_right_logical3A_1133 : vector<16xi32> to vector<1x16xi32>
      tpu.vector_store %arg7[%swap3A_1135, %swap3A_1136], %swap3A_1139 {strides = array<i32>} : memref<2x128xi32, #tpu.memory_space<vmem>>, vector<1x16xi32>,
      %mul3A_1140 = arith.constant 128 : i32
      %mul3A_1141 = arith.muli %add3A_1064, %mul3A_1140 : i32
      %add3A_1142 = arith.constant 48 : i32
      %add3A_1143 = arith.addi %mul3A_1141, %add3A_1142 : i32
      %get3A_1144 = arith.index_cast %add3A_1143 : i32 to index
      %get3A_1145 = tpu.vector_load %arg5[%get3A_1144] {strides = array<i32>} : memref<10112xi32, #tpu.memory_space<vmem>>, vector<16xi32>,
      %get3A_1146 = vector.shape_cast %get3A_1145 : vector<16xi32> to vector<16xi32>
      %broadcast_in_dim3A_1147 = arith.constant 16383 : i32
      %broadcast_in_dim3A_1148 = vector.broadcast %broadcast_in_dim3A_1147 : i32 to vector<16xi32>
      %and3A_1149 = arith.andi %get3A_1146, %broadcast_in_dim3A_1148 : vector<16xi32>
      %swap3A_1150 = arith.constant 1 : i32
      %swap3A_1151 = arith.index_cast %swap3A_1150 : i32 to index
      %swap3A_1152 = arith.constant 48 : index
      %swap3A_1153 = tpu.vector_load %arg6[%swap3A_1151, %swap3A_1152] {strides = array<i32>} : memref<2x128xi32, #tpu.memory_space<vmem>>, vector<1x16xi32>,
      %swap3A_1154 = vector.shape_cast %swap3A_1153 : vector<1x16xi32> to vector<16xi32>
      %swap3A_1155 = vector.shape_cast %and3A_1149 : vector<16xi32> to vector<1x16xi32>
      tpu.vector_store %arg6[%swap3A_1151, %swap3A_1152], %swap3A_1155 {strides = array<i32>} : memref<2x128xi32, #tpu.memory_space<vmem>>, vector<1x16xi32>,
      %shift_right_logical3A_1156 = arith.constant 14 : i32
      %shift_right_logical3A_1157 = vector.broadcast %shift_right_logical3A_1156 : i32 to vector<16xi32>
      %shift_right_logical3A_1158 = arith.shrui %get3A_1146, %shift_right_logical3A_1157 : vector<16xi32>
      %swap3A_1159 = arith.constant 1 : i32
      %swap3A_1160 = arith.index_cast %swap3A_1159 : i32 to index
      %swap3A_1161 = arith.constant 48 : index
      %swap3A_1162 = tpu.vector_load %arg7[%swap3A_1160, %swap3A_1161] {strides = array<i32>} : memref<2x128xi32, #tpu.memory_space<vmem>>, vector<1x16xi32>,
      %swap3A_1163 = vector.shape_cast %swap3A_1162 : vector<1x16xi32> to vector<16xi32>
      %swap3A_1164 = vector.shape_cast %shift_right_logical3A_1158 : vector<16xi32> to vector<1x16xi32>
      tpu.vector_store %arg7[%swap3A_1160, %swap3A_1161], %swap3A_1164 {strides = array<i32>} : memref<2x128xi32, #tpu.memory_space<vmem>>, vector<1x16xi32>,
      %mul3A_1165 = arith.constant 128 : i32
      %mul3A_1166 = arith.muli %add3A_1064, %mul3A_1165 : i32
      %add3A_1167 = arith.constant 64 : i32
      %add3A_1168 = arith.addi %mul3A_1166, %add3A_1167 : i32
      %get3A_1169 = arith.index_cast %add3A_1168 : i32 to index
      %get3A_1170 = tpu.vector_load %arg5[%get3A_1169] {strides = array<i32>} : memref<10112xi32, #tpu.memory_space<vmem>>, vector<16xi32>,
      %get3A_1171 = vector.shape_cast %get3A_1170 : vector<16xi32> to vector<16xi32>
      %broadcast_in_dim3A_1172 = arith.constant 16383 : i32
      %broadcast_in_dim3A_1173 = vector.broadcast %broadcast_in_dim3A_1172 : i32 to vector<16xi32>
      %and3A_1174 = arith.andi %get3A_1171, %broadcast_in_dim3A_1173 : vector<16xi32>
      %swap3A_1175 = arith.constant 1 : i32
      %swap3A_1176 = arith.index_cast %swap3A_1175 : i32 to index
      %swap3A_1177 = arith.constant 64 : index
      %swap3A_1178 = tpu.vector_load %arg6[%swap3A_1176, %swap3A_1177] {strides = array<i32>} : memref<2x128xi32, #tpu.memory_space<vmem>>, vector<1x16xi32>,
      %swap3A_1179 = vector.shape_cast %swap3A_1178 : vector<1x16xi32> to vector<16xi32>
      %swap3A_1180 = vector.shape_cast %and3A_1174 : vector<16xi32> to vector<1x16xi32>
      tpu.vector_store %arg6[%swap3A_1176, %swap3A_1177], %swap3A_1180 {strides = array<i32>} : memref<2x128xi32, #tpu.memory_space<vmem>>, vector<1x16xi32>,
      %shift_right_logical3A_1181 = arith.constant 14 : i32
      %shift_right_logical3A_1182 = vector.broadcast %shift_right_logical3A_1181 : i32 to vector<16xi32>
      %shift_right_logical3A_1183 = arith.shrui %get3A_1171, %shift_right_logical3A_1182 : vector<16xi32>
      %swap3A_1184 = arith.constant 1 : i32
      %swap3A_1185 = arith.index_cast %swap3A_1184 : i32 to index
      %swap3A_1186 = arith.constant 64 : index
      %swap3A_1187 = tpu.vector_load %arg7[%swap3A_1185, %swap3A_1186] {strides = array<i32>} : memref<2x128xi32, #tpu.memory_space<vmem>>, vector<1x16xi32>,
      %swap3A_1188 = vector.shape_cast %swap3A_1187 : vector<1x16xi32> to vector<16xi32>
      %swap3A_1189 = vector.shape_cast %shift_right_logical3A_1183 : vector<16xi32> to vector<1x16xi32>
      tpu.vector_store %arg7[%swap3A_1185, %swap3A_1186], %swap3A_1189 {strides = array<i32>} : memref<2x128xi32, #tpu.memory_space<vmem>>, vector<1x16xi32>,
      %mul3A_1190 = arith.constant 128 : i32
      %mul3A_1191 = arith.muli %add3A_1064, %mul3A_1190 : i32
      %add3A_1192 = arith.constant 80 : i32
      %add3A_1193 = arith.addi %mul3A_1191, %add3A_1192 : i32
      %get3A_1194 = arith.index_cast %add3A_1193 : i32 to index
      %get3A_1195 = tpu.vector_load %arg5[%get3A_1194] {strides = array<i32>} : memref<10112xi32, #tpu.memory_space<vmem>>, vector<16xi32>,
      %get3A_1196 = vector.shape_cast %get3A_1195 : vector<16xi32> to vector<16xi32>
      %broadcast_in_dim3A_1197 = arith.constant 16383 : i32
      %broadcast_in_dim3A_1198 = vector.broadcast %broadcast_in_dim3A_1197 : i32 to vector<16xi32>
      %and3A_1199 = arith.andi %get3A_1196, %broadcast_in_dim3A_1198 : vector<16xi32>
      %swap3A_1200 = arith.constant 1 : i32
      %swap3A_1201 = arith.index_cast %swap3A_1200 : i32 to index
      %swap3A_1202 = arith.constant 80 : index
      %swap3A_1203 = tpu.vector_load %arg6[%swap3A_1201, %swap3A_1202] {strides = array<i32>} : memref<2x128xi32, #tpu.memory_space<vmem>>, vector<1x16xi32>,
      %swap3A_1204 = vector.shape_cast %swap3A_1203 : vector<1x16xi32> to vector<16xi32>
      %swap3A_1205 = vector.shape_cast %and3A_1199 : vector<16xi32> to vector<1x16xi32>
      tpu.vector_store %arg6[%swap3A_1201, %swap3A_1202], %swap3A_1205 {strides = array<i32>} : memref<2x128xi32, #tpu.memory_space<vmem>>, vector<1x16xi32>,
      %shift_right_logical3A_1206 = arith.constant 14 : i32
      %shift_right_logical3A_1207 = vector.broadcast %shift_right_logical3A_1206 : i32 to vector<16xi32>
      %shift_right_logical3A_1208 = arith.shrui %get3A_1196, %shift_right_logical3A_1207 : vector<16xi32>
      %swap3A_1209 = arith.constant 1 : i32
      %swap3A_1210 = arith.index_cast %swap3A_1209 : i32 to index
      %swap3A_1211 = arith.constant 80 : index
      %swap3A_1212 = tpu.vector_load %arg7[%swap3A_1210, %swap3A_1211] {strides = array<i32>} : memref<2x128xi32, #tpu.memory_space<vmem>>, vector<1x16xi32>,
      %swap3A_1213 = vector.shape_cast %swap3A_1212 : vector<1x16xi32> to vector<16xi32>
      %swap3A_1214 = vector.shape_cast %shift_right_logical3A_1208 : vector<16xi32> to vector<1x16xi32>
      tpu.vector_store %arg7[%swap3A_1210, %swap3A_1211], %swap3A_1214 {strides = array<i32>} : memref<2x128xi32, #tpu.memory_space<vmem>>, vector<1x16xi32>,
      %mul3A_1215 = arith.constant 128 : i32
      %mul3A_1216 = arith.muli %add3A_1064, %mul3A_1215 : i32
      %add3A_1217 = arith.constant 96 : i32
      %add3A_1218 = arith.addi %mul3A_1216, %add3A_1217 : i32
      %get3A_1219 = arith.index_cast %add3A_1218 : i32 to index
      %get3A_1220 = tpu.vector_load %arg5[%get3A_1219] {strides = array<i32>} : memref<10112xi32, #tpu.memory_space<vmem>>, vector<16xi32>,
      %get3A_1221 = vector.shape_cast %get3A_1220 : vector<16xi32> to vector<16xi32>
      %broadcast_in_dim3A_1222 = arith.constant 16383 : i32
      %broadcast_in_dim3A_1223 = vector.broadcast %broadcast_in_dim3A_1222 : i32 to vector<16xi32>
      %and3A_1224 = arith.andi %get3A_1221, %broadcast_in_dim3A_1223 : vector<16xi32>
      %swap3A_1225 = arith.constant 1 : i32
      %swap3A_1226 = arith.index_cast %swap3A_1225 : i32 to index
      %swap3A_1227 = arith.constant 96 : index
      %swap3A_1228 = tpu.vector_load %arg6[%swap3A_1226, %swap3A_1227] {strides = array<i32>} : memref<2x128xi32, #tpu.memory_space<vmem>>, vector<1x16xi32>,
      %swap3A_1229 = vector.shape_cast %swap3A_1228 : vector<1x16xi32> to vector<16xi32>
      %swap3A_1230 = vector.shape_cast %and3A_1224 : vector<16xi32> to vector<1x16xi32>
      tpu.vector_store %arg6[%swap3A_1226, %swap3A_1227], %swap3A_1230 {strides = array<i32>} : memref<2x128xi32, #tpu.memory_space<vmem>>, vector<1x16xi32>,
      %shift_right_logical3A_1231 = arith.constant 14 : i32
      %shift_right_logical3A_1232 = vector.broadcast %shift_right_logical3A_1231 : i32 to vector<16xi32>
      %shift_right_logical3A_1233 = arith.shrui %get3A_1221, %shift_right_logical3A_1232 : vector<16xi32>
      %swap3A_1234 = arith.constant 1 : i32
      %swap3A_1235 = arith.index_cast %swap3A_1234 : i32 to index
      %swap3A_1236 = arith.constant 96 : index
      %swap3A_1237 = tpu.vector_load %arg7[%swap3A_1235, %swap3A_1236] {strides = array<i32>} : memref<2x128xi32, #tpu.memory_space<vmem>>, vector<1x16xi32>,
      %swap3A_1238 = vector.shape_cast %swap3A_1237 : vector<1x16xi32> to vector<16xi32>
      %swap3A_1239 = vector.shape_cast %shift_right_logical3A_1233 : vector<16xi32> to vector<1x16xi32>
      tpu.vector_store %arg7[%swap3A_1235, %swap3A_1236], %swap3A_1239 {strides = array<i32>} : memref<2x128xi32, #tpu.memory_space<vmem>>, vector<1x16xi32>,
      %mul3A_1240 = arith.constant 128 : i32
      %mul3A_1241 = arith.muli %add3A_1064, %mul3A_1240 : i32
      %add3A_1242 = arith.constant 112 : i32
      %add3A_1243 = arith.addi %mul3A_1241, %add3A_1242 : i32
      %get3A_1244 = arith.index_cast %add3A_1243 : i32 to index
      %get3A_1245 = tpu.vector_load %arg5[%get3A_1244] {strides = array<i32>} : memref<10112xi32, #tpu.memory_space<vmem>>, vector<16xi32>,
      %get3A_1246 = vector.shape_cast %get3A_1245 : vector<16xi32> to vector<16xi32>
      %broadcast_in_dim3A_1247 = arith.constant 16383 : i32
      %broadcast_in_dim3A_1248 = vector.broadcast %broadcast_in_dim3A_1247 : i32 to vector<16xi32>
      %and3A_1249 = arith.andi %get3A_1246, %broadcast_in_dim3A_1248 : vector<16xi32>
      %swap3A_1250 = arith.constant 1 : i32
      %swap3A_1251 = arith.index_cast %swap3A_1250 : i32 to index
      %swap3A_1252 = arith.constant 112 : index
      %swap3A_1253 = tpu.vector_load %arg6[%swap3A_1251, %swap3A_1252] {strides = array<i32>} : memref<2x128xi32, #tpu.memory_space<vmem>>, vector<1x16xi32>,
      %swap3A_1254 = vector.shape_cast %swap3A_1253 : vector<1x16xi32> to vector<16xi32>
      %swap3A_1255 = vector.shape_cast %and3A_1249 : vector<16xi32> to vector<1x16xi32>
      tpu.vector_store %arg6[%swap3A_1251, %swap3A_1252], %swap3A_1255 {strides = array<i32>} : memref<2x128xi32, #tpu.memory_space<vmem>>, vector<1x16xi32>,
      %shift_right_logical3A_1256 = arith.constant 14 : i32
      %shift_right_logical3A_1257 = vector.broadcast %shift_right_logical3A_1256 : i32 to vector<16xi32>
      %shift_right_logical3A_1258 = arith.shrui %get3A_1246, %shift_right_logical3A_1257 : vector<16xi32>
      %swap3A_1259 = arith.constant 1 : i32
      %swap3A_1260 = arith.index_cast %swap3A_1259 : i32 to index
      %swap3A_1261 = arith.constant 112 : index
      %swap3A_1262 = tpu.vector_load %arg7[%swap3A_1260, %swap3A_1261] {strides = array<i32>} : memref<2x128xi32, #tpu.memory_space<vmem>>, vector<1x16xi32>,
      %swap3A_1263 = vector.shape_cast %swap3A_1262 : vector<1x16xi32> to vector<16xi32>
      %swap3A_1264 = vector.shape_cast %shift_right_logical3A_1258 : vector<16xi32> to vector<1x16xi32>
      tpu.vector_store %arg7[%swap3A_1260, %swap3A_1261], %swap3A_1264 {strides = array<i32>} : memref<2x128xi32, #tpu.memory_space<vmem>>, vector<1x16xi32>,
      %dma_start3A_1265 = arith.constant 1 : i32
      %dma_start3A_1266 = arith.constant 0 : i32
      %dma_start3A_1267 = tpu.memref_slice %arg6[%dma_start3A_1265, %dma_start3A_1266] : memref<2x128xi32, #tpu.memory_space<vmem>> -> memref<1x128xi32, #tpu.memory_space<vmem>>
      %dma_start3A_1268 = tpu.memref_squeeze %dma_start3A_1267 : memref<1x128xi32, #tpu.memory_space<vmem>> -> memref<128xi32, #tpu.memory_space<vmem>>
      %dma_start3A_1269 = arith.constant 0 : i32
      %dma_start3A_1270 = arith.constant 0 : i32
      %dma_start3A_1271 = tpu.memref_slice %arg2[%dma_start3A_1269, %dma_start3A_1270] : memref<10112x128xf32, #tpu.memory_space<hbm>> -> memref<10112x128xf32, #tpu.memory_space<hbm>>
      tpu.enqueue_indirect_dma source(%dma_start3A_1271 : memref<10112x128xf32, #tpu.memory_space<hbm>>) target(%arg9 : memref<128x128xf32, #tpu.memory_space<vmem>>) offsets(%dma_start3A_1268 : memref<128xi32, #tpu.memory_space<vmem>>) semaphore(%arg12 : memref<!tpu.dma_semaphore, #tpu.memory_space<semaphore_mem>>)
      %scan3A_1272 = arith.constant 0 : i32
      scf.yield %scan3A_1272 : i32
    }
    %scan3A_446 = arith.constant 38 : i32
    %dma_wait3A_447 = arith.constant 0 : i32
    %dma_wait3A_448 = arith.constant 0 : i32
    %dma_wait3A_449 = tpu.memref_slice %arg6[%dma_wait3A_447, %dma_wait3A_448] : memref<2x128xi32, #tpu.memory_space<vmem>> -> memref<1x128xi32, #tpu.memory_space<vmem>>
    %dma_wait3A_450 = tpu.memref_squeeze %dma_wait3A_449 : memref<1x128xi32, #tpu.memory_space<vmem>> -> memref<128xi32, #tpu.memory_space<vmem>>
    %dma_wait3A_451 = arith.constant 0 : i32
    %dma_wait3A_452 = arith.constant 0 : i32
    %dma_wait3A_453 = tpu.memref_slice %arg2[%dma_wait3A_451, %dma_wait3A_452] : memref<10112x128xf32, #tpu.memory_space<hbm>> -> memref<10112x128xf32, #tpu.memory_space<hbm>>
    tpu.wait_indirect_dma semaphore(%arg11 : memref<!tpu.dma_semaphore, #tpu.memory_space<semaphore_mem>>) src(%dma_wait3A_453 : memref<10112x128xf32, #tpu.memory_space<hbm>>) dst(%arg8 : memref<128x128xf32, #tpu.memory_space<vmem>>)
    %run_scoped3A = arith.constant 0 : i32
    "tpu.region"() ({
      %run_scoped3A_834 = tpu.sem_alloc : memref<!tpu.dma_semaphore, #tpu.memory_space<semaphore_mem>>
      %dma_start3A_835 = arith.constant 0 : i32
      %dma_start3A_836 = tpu.memref_slice %arg7[%run_scoped3A, %dma_start3A_835] : memref<2x128xi32, #tpu.memory_space<vmem>> -> memref<1x128xi32, #tpu.memory_space<vmem>>
      %dma_start3A_837 = tpu.memref_squeeze %dma_start3A_836 : memref<1x128xi32, #tpu.memory_space<vmem>> -> memref<128xi32, #tpu.memory_space<vmem>>
      %dma_start3A_838 = arith.constant 0 : i32
      %dma_start3A_839 = arith.constant 0 : i32
      %dma_start3A_840 = tpu.memref_slice %arg10[%dma_start3A_838, %dma_start3A_839] : memref<10112x128xf32, #tpu.memory_space<vmem_shared>> -> memref<10112x128xf32, #tpu.memory_space<vmem_shared>>
      tpu.enqueue_indirect_dma source(%arg8 : memref<128x128xf32, #tpu.memory_space<vmem>>) target(%dma_start3A_840 : memref<10112x128xf32, #tpu.memory_space<vmem_shared>>) offsets(%dma_start3A_837 : memref<128xi32, #tpu.memory_space<vmem>>) semaphore(%run_scoped3A_834 : memref<!tpu.dma_semaphore, #tpu.memory_space<semaphore_mem>>) {add = true}
      %dma_wait3A_841 = arith.constant 0 : i32
      %dma_wait3A_842 = tpu.memref_slice %arg7[%run_scoped3A, %dma_wait3A_841] : memref<2x128xi32, #tpu.memory_space<vmem>> -> memref<1x128xi32, #tpu.memory_space<vmem>>
      %dma_wait3A_843 = tpu.memref_squeeze %dma_wait3A_842 : memref<1x128xi32, #tpu.memory_space<vmem>> -> memref<128xi32, #tpu.memory_space<vmem>>
      %dma_wait3A_844 = arith.constant 0 : i32
      %dma_wait3A_845 = arith.constant 0 : i32
      %dma_wait3A_846 = tpu.memref_slice %arg10[%dma_wait3A_844, %dma_wait3A_845] : memref<10112x128xf32, #tpu.memory_space<vmem_shared>> -> memref<10112x128xf32, #tpu.memory_space<vmem_shared>>
      tpu.wait_indirect_dma semaphore(%run_scoped3A_834 : memref<!tpu.dma_semaphore, #tpu.memory_space<semaphore_mem>>) src(%arg8 : memref<128x128xf32, #tpu.memory_space<vmem>>) dst(%dma_wait3A_846 : memref<10112x128xf32, #tpu.memory_space<vmem_shared>>)
      tpu.yield
    }) : () -> ()
    %get3A_454 = arith.constant 9984 : index
    %get3A_455 = tpu.vector_load %arg5[%get3A_454] {strides = array<i32>} : memref<10112xi32, #tpu.memory_space<vmem>>, vector<16xi32>,
    %get3A_456 = vector.shape_cast %get3A_455 : vector<16xi32> to vector<16xi32>
    %broadcast_in_dim3A_457 = arith.constant 16383 : i32
    %broadcast_in_dim3A_458 = vector.broadcast %broadcast_in_dim3A_457 : i32 to vector<16xi32>
    %and3A_459 = arith.andi %get3A_456, %broadcast_in_dim3A_458 : vector<16xi32>
    %swap3A_460 = arith.constant 0 : i32
    %swap3A_461 = arith.index_cast %swap3A_460 : i32 to index
    %swap3A_462 = arith.constant 0 : index
    %swap3A_463 = tpu.vector_load %arg6[%swap3A_461, %swap3A_462] {strides = array<i32>} : memref<2x128xi32, #tpu.memory_space<vmem>>, vector<1x16xi32>,
    %swap3A_464 = vector.shape_cast %swap3A_463 : vector<1x16xi32> to vector<16xi32>
    %swap3A_465 = vector.shape_cast %and3A_459 : vector<16xi32> to vector<1x16xi32>
    tpu.vector_store %arg6[%swap3A_461, %swap3A_462], %swap3A_465 {strides = array<i32>} : memref<2x128xi32, #tpu.memory_space<vmem>>, vector<1x16xi32>,
    %shift_right_logical3A_466 = arith.constant 14 : i32
    %shift_right_logical3A_467 = vector.broadcast %shift_right_logical3A_466 : i32 to vector<16xi32>
    %shift_right_logical3A_468 = arith.shrui %get3A_456, %shift_right_logical3A_467 : vector<16xi32>
    %swap3A_469 = arith.constant 0 : i32
    %swap3A_470 = arith.index_cast %swap3A_469 : i32 to index
    %swap3A_471 = arith.constant 0 : index
    %swap3A_472 = tpu.vector_load %arg7[%swap3A_470, %swap3A_471] {strides = array<i32>} : memref<2x128xi32, #tpu.memory_space<vmem>>, vector<1x16xi32>,
    %swap3A_473 = vector.shape_cast %swap3A_472 : vector<1x16xi32> to vector<16xi32>
    %swap3A_474 = vector.shape_cast %shift_right_logical3A_468 : vector<16xi32> to vector<1x16xi32>
    tpu.vector_store %arg7[%swap3A_470, %swap3A_471], %swap3A_474 {strides = array<i32>} : memref<2x128xi32, #tpu.memory_space<vmem>>, vector<1x16xi32>,
    %get3A_475 = arith.constant 10000 : index
    %get3A_476 = tpu.vector_load %arg5[%get3A_475] {strides = array<i32>} : memref<10112xi32, #tpu.memory_space<vmem>>, vector<16xi32>,
    %get3A_477 = vector.shape_cast %get3A_476 : vector<16xi32> to vector<16xi32>
    %broadcast_in_dim3A_478 = arith.constant 16383 : i32
    %broadcast_in_dim3A_479 = vector.broadcast %broadcast_in_dim3A_478 : i32 to vector<16xi32>
    %and3A_480 = arith.andi %get3A_477, %broadcast_in_dim3A_479 : vector<16xi32>
    %swap3A_481 = arith.constant 0 : i32
    %swap3A_482 = arith.index_cast %swap3A_481 : i32 to index
    %swap3A_483 = arith.constant 16 : index
    %swap3A_484 = tpu.vector_load %arg6[%swap3A_482, %swap3A_483] {strides = array<i32>} : memref<2x128xi32, #tpu.memory_space<vmem>>, vector<1x16xi32>,
    %swap3A_485 = vector.shape_cast %swap3A_484 : vector<1x16xi32> to vector<16xi32>
    %swap3A_486 = vector.shape_cast %and3A_480 : vector<16xi32> to vector<1x16xi32>
    tpu.vector_store %arg6[%swap3A_482, %swap3A_483], %swap3A_486 {strides = array<i32>} : memref<2x128xi32, #tpu.memory_space<vmem>>, vector<1x16xi32>,
    %shift_right_logical3A_487 = arith.constant 14 : i32
    %shift_right_logical3A_488 = vector.broadcast %shift_right_logical3A_487 : i32 to vector<16xi32>
    %shift_right_logical3A_489 = arith.shrui %get3A_477, %shift_right_logical3A_488 : vector<16xi32>
    %swap3A_490 = arith.constant 0 : i32
    %swap3A_491 = arith.index_cast %swap3A_490 : i32 to index
    %swap3A_492 = arith.constant 16 : index
    %swap3A_493 = tpu.vector_load %arg7[%swap3A_491, %swap3A_492] {strides = array<i32>} : memref<2x128xi32, #tpu.memory_space<vmem>>, vector<1x16xi32>,
    %swap3A_494 = vector.shape_cast %swap3A_493 : vector<1x16xi32> to vector<16xi32>
    %swap3A_495 = vector.shape_cast %shift_right_logical3A_489 : vector<16xi32> to vector<1x16xi32>
    tpu.vector_store %arg7[%swap3A_491, %swap3A_492], %swap3A_495 {strides = array<i32>} : memref<2x128xi32, #tpu.memory_space<vmem>>, vector<1x16xi32>,
    %get3A_496 = arith.constant 10016 : index
    %get3A_497 = tpu.vector_load %arg5[%get3A_496] {strides = array<i32>} : memref<10112xi32, #tpu.memory_space<vmem>>, vector<16xi32>,
    %get3A_498 = vector.shape_cast %get3A_497 : vector<16xi32> to vector<16xi32>
    %broadcast_in_dim3A_499 = arith.constant 16383 : i32
    %broadcast_in_dim3A_500 = vector.broadcast %broadcast_in_dim3A_499 : i32 to vector<16xi32>
    %and3A_501 = arith.andi %get3A_498, %broadcast_in_dim3A_500 : vector<16xi32>
    %swap3A_502 = arith.constant 0 : i32
    %swap3A_503 = arith.index_cast %swap3A_502 : i32 to index
    %swap3A_504 = arith.constant 32 : index
    %swap3A_505 = tpu.vector_load %arg6[%swap3A_503, %swap3A_504] {strides = array<i32>} : memref<2x128xi32, #tpu.memory_space<vmem>>, vector<1x16xi32>,
    %swap3A_506 = vector.shape_cast %swap3A_505 : vector<1x16xi32> to vector<16xi32>
    %swap3A_507 = vector.shape_cast %and3A_501 : vector<16xi32> to vector<1x16xi32>
    tpu.vector_store %arg6[%swap3A_503, %swap3A_504], %swap3A_507 {strides = array<i32>} : memref<2x128xi32, #tpu.memory_space<vmem>>, vector<1x16xi32>,
    %shift_right_logical3A_508 = arith.constant 14 : i32
    %shift_right_logical3A_509 = vector.broadcast %shift_right_logical3A_508 : i32 to vector<16xi32>
    %shift_right_logical3A_510 = arith.shrui %get3A_498, %shift_right_logical3A_509 : vector<16xi32>
    %swap3A_511 = arith.constant 0 : i32
    %swap3A_512 = arith.index_cast %swap3A_511 : i32 to index
    %swap3A_513 = arith.constant 32 : index
    %swap3A_514 = tpu.vector_load %arg7[%swap3A_512, %swap3A_513] {strides = array<i32>} : memref<2x128xi32, #tpu.memory_space<vmem>>, vector<1x16xi32>,
    %swap3A_515 = vector.shape_cast %swap3A_514 : vector<1x16xi32> to vector<16xi32>
    %swap3A_516 = vector.shape_cast %shift_right_logical3A_510 : vector<16xi32> to vector<1x16xi32>
    tpu.vector_store %arg7[%swap3A_512, %swap3A_513], %swap3A_516 {strides = array<i32>} : memref<2x128xi32, #tpu.memory_space<vmem>>, vector<1x16xi32>,
    %get3A_517 = arith.constant 10032 : index
    %get3A_518 = tpu.vector_load %arg5[%get3A_517] {strides = array<i32>} : memref<10112xi32, #tpu.memory_space<vmem>>, vector<16xi32>,
    %get3A_519 = vector.shape_cast %get3A_518 : vector<16xi32> to vector<16xi32>
    %broadcast_in_dim3A_520 = arith.constant 16383 : i32
    %broadcast_in_dim3A_521 = vector.broadcast %broadcast_in_dim3A_520 : i32 to vector<16xi32>
    %and3A_522 = arith.andi %get3A_519, %broadcast_in_dim3A_521 : vector<16xi32>
    %swap3A_523 = arith.constant 0 : i32
    %swap3A_524 = arith.index_cast %swap3A_523 : i32 to index
    %swap3A_525 = arith.constant 48 : index
    %swap3A_526 = tpu.vector_load %arg6[%swap3A_524, %swap3A_525] {strides = array<i32>} : memref<2x128xi32, #tpu.memory_space<vmem>>, vector<1x16xi32>,
    %swap3A_527 = vector.shape_cast %swap3A_526 : vector<1x16xi32> to vector<16xi32>
    %swap3A_528 = vector.shape_cast %and3A_522 : vector<16xi32> to vector<1x16xi32>
    tpu.vector_store %arg6[%swap3A_524, %swap3A_525], %swap3A_528 {strides = array<i32>} : memref<2x128xi32, #tpu.memory_space<vmem>>, vector<1x16xi32>,
    %shift_right_logical3A_529 = arith.constant 14 : i32
    %shift_right_logical3A_530 = vector.broadcast %shift_right_logical3A_529 : i32 to vector<16xi32>
    %shift_right_logical3A_531 = arith.shrui %get3A_519, %shift_right_logical3A_530 : vector<16xi32>
    %swap3A_532 = arith.constant 0 : i32
    %swap3A_533 = arith.index_cast %swap3A_532 : i32 to index
    %swap3A_534 = arith.constant 48 : index
    %swap3A_535 = tpu.vector_load %arg7[%swap3A_533, %swap3A_534] {strides = array<i32>} : memref<2x128xi32, #tpu.memory_space<vmem>>, vector<1x16xi32>,
    %swap3A_536 = vector.shape_cast %swap3A_535 : vector<1x16xi32> to vector<16xi32>
    %swap3A_537 = vector.shape_cast %shift_right_logical3A_531 : vector<16xi32> to vector<1x16xi32>
    tpu.vector_store %arg7[%swap3A_533, %swap3A_534], %swap3A_537 {strides = array<i32>} : memref<2x128xi32, #tpu.memory_space<vmem>>, vector<1x16xi32>,
    %get3A_538 = arith.constant 10048 : index
    %get3A_539 = tpu.vector_load %arg5[%get3A_538] {strides = array<i32>} : memref<10112xi32, #tpu.memory_space<vmem>>, vector<16xi32>,
    %get3A_540 = vector.shape_cast %get3A_539 : vector<16xi32> to vector<16xi32>
    %broadcast_in_dim3A_541 = arith.constant 16383 : i32
    %broadcast_in_dim3A_542 = vector.broadcast %broadcast_in_dim3A_541 : i32 to vector<16xi32>
    %and3A_543 = arith.andi %get3A_540, %broadcast_in_dim3A_542 : vector<16xi32>
    %swap3A_544 = arith.constant 0 : i32
    %swap3A_545 = arith.index_cast %swap3A_544 : i32 to index
    %swap3A_546 = arith.constant 64 : index
    %swap3A_547 = tpu.vector_load %arg6[%swap3A_545, %swap3A_546] {strides = array<i32>} : memref<2x128xi32, #tpu.memory_space<vmem>>, vector<1x16xi32>,
    %swap3A_548 = vector.shape_cast %swap3A_547 : vector<1x16xi32> to vector<16xi32>
    %swap3A_549 = vector.shape_cast %and3A_543 : vector<16xi32> to vector<1x16xi32>
    tpu.vector_store %arg6[%swap3A_545, %swap3A_546], %swap3A_549 {strides = array<i32>} : memref<2x128xi32, #tpu.memory_space<vmem>>, vector<1x16xi32>,
    %shift_right_logical3A_550 = arith.constant 14 : i32
    %shift_right_logical3A_551 = vector.broadcast %shift_right_logical3A_550 : i32 to vector<16xi32>
    %shift_right_logical3A_552 = arith.shrui %get3A_540, %shift_right_logical3A_551 : vector<16xi32>
    %swap3A_553 = arith.constant 0 : i32
    %swap3A_554 = arith.index_cast %swap3A_553 : i32 to index
    %swap3A_555 = arith.constant 64 : index
    %swap3A_556 = tpu.vector_load %arg7[%swap3A_554, %swap3A_555] {strides = array<i32>} : memref<2x128xi32, #tpu.memory_space<vmem>>, vector<1x16xi32>,
    %swap3A_557 = vector.shape_cast %swap3A_556 : vector<1x16xi32> to vector<16xi32>
    %swap3A_558 = vector.shape_cast %shift_right_logical3A_552 : vector<16xi32> to vector<1x16xi32>
    tpu.vector_store %arg7[%swap3A_554, %swap3A_555], %swap3A_558 {strides = array<i32>} : memref<2x128xi32, #tpu.memory_space<vmem>>, vector<1x16xi32>,
    %get3A_559 = arith.constant 10064 : index
    %get3A_560 = tpu.vector_load %arg5[%get3A_559] {strides = array<i32>} : memref<10112xi32, #tpu.memory_space<vmem>>, vector<16xi32>,
    %get3A_561 = vector.shape_cast %get3A_560 : vector<16xi32> to vector<16xi32>
    %broadcast_in_dim3A_562 = arith.constant 16383 : i32
    %broadcast_in_dim3A_563 = vector.broadcast %broadcast_in_dim3A_562 : i32 to vector<16xi32>
    %and3A_564 = arith.andi %get3A_561, %broadcast_in_dim3A_563 : vector<16xi32>
    %swap3A_565 = arith.constant 0 : i32
    %swap3A_566 = arith.index_cast %swap3A_565 : i32 to index
    %swap3A_567 = arith.constant 80 : index
    %swap3A_568 = tpu.vector_load %arg6[%swap3A_566, %swap3A_567] {strides = array<i32>} : memref<2x128xi32, #tpu.memory_space<vmem>>, vector<1x16xi32>,
    %swap3A_569 = vector.shape_cast %swap3A_568 : vector<1x16xi32> to vector<16xi32>
    %swap3A_570 = vector.shape_cast %and3A_564 : vector<16xi32> to vector<1x16xi32>
    tpu.vector_store %arg6[%swap3A_566, %swap3A_567], %swap3A_570 {strides = array<i32>} : memref<2x128xi32, #tpu.memory_space<vmem>>, vector<1x16xi32>,
    %shift_right_logical3A_571 = arith.constant 14 : i32
    %shift_right_logical3A_572 = vector.broadcast %shift_right_logical3A_571 : i32 to vector<16xi32>
    %shift_right_logical3A_573 = arith.shrui %get3A_561, %shift_right_logical3A_572 : vector<16xi32>
    %swap3A_574 = arith.constant 0 : i32
    %swap3A_575 = arith.index_cast %swap3A_574 : i32 to index
    %swap3A_576 = arith.constant 80 : index
    %swap3A_577 = tpu.vector_load %arg7[%swap3A_575, %swap3A_576] {strides = array<i32>} : memref<2x128xi32, #tpu.memory_space<vmem>>, vector<1x16xi32>,
    %swap3A_578 = vector.shape_cast %swap3A_577 : vector<1x16xi32> to vector<16xi32>
    %swap3A_579 = vector.shape_cast %shift_right_logical3A_573 : vector<16xi32> to vector<1x16xi32>
    tpu.vector_store %arg7[%swap3A_575, %swap3A_576], %swap3A_579 {strides = array<i32>} : memref<2x128xi32, #tpu.memory_space<vmem>>, vector<1x16xi32>,
    %get3A_580 = arith.constant 10080 : index
    %get3A_581 = tpu.vector_load %arg5[%get3A_580] {strides = array<i32>} : memref<10112xi32, #tpu.memory_space<vmem>>, vector<16xi32>,
    %get3A_582 = vector.shape_cast %get3A_581 : vector<16xi32> to vector<16xi32>
    %broadcast_in_dim3A_583 = arith.constant 16383 : i32
    %broadcast_in_dim3A_584 = vector.broadcast %broadcast_in_dim3A_583 : i32 to vector<16xi32>
    %and3A_585 = arith.andi %get3A_582, %broadcast_in_dim3A_584 : vector<16xi32>
    %swap3A_586 = arith.constant 0 : i32
    %swap3A_587 = arith.index_cast %swap3A_586 : i32 to index
    %swap3A_588 = arith.constant 96 : index
    %swap3A_589 = tpu.vector_load %arg6[%swap3A_587, %swap3A_588] {strides = array<i32>} : memref<2x128xi32, #tpu.memory_space<vmem>>, vector<1x16xi32>,
    %swap3A_590 = vector.shape_cast %swap3A_589 : vector<1x16xi32> to vector<16xi32>
    %swap3A_591 = vector.shape_cast %and3A_585 : vector<16xi32> to vector<1x16xi32>
    tpu.vector_store %arg6[%swap3A_587, %swap3A_588], %swap3A_591 {strides = array<i32>} : memref<2x128xi32, #tpu.memory_space<vmem>>, vector<1x16xi32>,
    %shift_right_logical3A_592 = arith.constant 14 : i32
    %shift_right_logical3A_593 = vector.broadcast %shift_right_logical3A_592 : i32 to vector<16xi32>
    %shift_right_logical3A_594 = arith.shrui %get3A_582, %shift_right_logical3A_593 : vector<16xi32>
    %swap3A_595 = arith.constant 0 : i32
    %swap3A_596 = arith.index_cast %swap3A_595 : i32 to index
    %swap3A_597 = arith.constant 96 : index
    %swap3A_598 = tpu.vector_load %arg7[%swap3A_596, %swap3A_597] {strides = array<i32>} : memref<2x128xi32, #tpu.memory_space<vmem>>, vector<1x16xi32>,
    %swap3A_599 = vector.shape_cast %swap3A_598 : vector<1x16xi32> to vector<16xi32>
    %swap3A_600 = vector.shape_cast %shift_right_logical3A_594 : vector<16xi32> to vector<1x16xi32>
    tpu.vector_store %arg7[%swap3A_596, %swap3A_597], %swap3A_600 {strides = array<i32>} : memref<2x128xi32, #tpu.memory_space<vmem>>, vector<1x16xi32>,
    %get3A_601 = arith.constant 10096 : index
    %get3A_602 = tpu.vector_load %arg5[%get3A_601] {strides = array<i32>} : memref<10112xi32, #tpu.memory_space<vmem>>, vector<16xi32>,
    %get3A_603 = vector.shape_cast %get3A_602 : vector<16xi32> to vector<16xi32>
    %broadcast_in_dim3A_604 = arith.constant 16383 : i32
    %broadcast_in_dim3A_605 = vector.broadcast %broadcast_in_dim3A_604 : i32 to vector<16xi32>
    %and3A_606 = arith.andi %get3A_603, %broadcast_in_dim3A_605 : vector<16xi32>
    %swap3A_607 = arith.constant 0 : i32
    %swap3A_608 = arith.index_cast %swap3A_607 : i32 to index
    %swap3A_609 = arith.constant 112 : index
    %swap3A_610 = tpu.vector_load %arg6[%swap3A_608, %swap3A_609] {strides = array<i32>} : memref<2x128xi32, #tpu.memory_space<vmem>>, vector<1x16xi32>,
    %swap3A_611 = vector.shape_cast %swap3A_610 : vector<1x16xi32> to vector<16xi32>
    %swap3A_612 = vector.shape_cast %and3A_606 : vector<16xi32> to vector<1x16xi32>
    tpu.vector_store %arg6[%swap3A_608, %swap3A_609], %swap3A_612 {strides = array<i32>} : memref<2x128xi32, #tpu.memory_space<vmem>>, vector<1x16xi32>,
    %shift_right_logical3A_613 = arith.constant 14 : i32
    %shift_right_logical3A_614 = vector.broadcast %shift_right_logical3A_613 : i32 to vector<16xi32>
    %shift_right_logical3A_615 = arith.shrui %get3A_603, %shift_right_logical3A_614 : vector<16xi32>
    %swap3A_616 = arith.constant 0 : i32
    %swap3A_617 = arith.index_cast %swap3A_616 : i32 to index
    %swap3A_618 = arith.constant 112 : index
    %swap3A_619 = tpu.vector_load %arg7[%swap3A_617, %swap3A_618] {strides = array<i32>} : memref<2x128xi32, #tpu.memory_space<vmem>>, vector<1x16xi32>,
    %swap3A_620 = vector.shape_cast %swap3A_619 : vector<1x16xi32> to vector<16xi32>
    %swap3A_621 = vector.shape_cast %shift_right_logical3A_615 : vector<16xi32> to vector<1x16xi32>
    tpu.vector_store %arg7[%swap3A_617, %swap3A_618], %swap3A_621 {strides = array<i32>} : memref<2x128xi32, #tpu.memory_space<vmem>>, vector<1x16xi32>,
    %dma_start3A_622 = arith.constant 0 : i32
    %dma_start3A_623 = arith.constant 0 : i32
    %dma_start3A_624 = tpu.memref_slice %arg6[%dma_start3A_622, %dma_start3A_623] : memref<2x128xi32, #tpu.memory_space<vmem>> -> memref<1x128xi32, #tpu.memory_space<vmem>>
    %dma_start3A_625 = tpu.memref_squeeze %dma_start3A_624 : memref<1x128xi32, #tpu.memory_space<vmem>> -> memref<128xi32, #tpu.memory_space<vmem>>
    %dma_start3A_626 = arith.constant 0 : i32
    %dma_start3A_627 = arith.constant 0 : i32
    %dma_start3A_628 = tpu.memref_slice %arg2[%dma_start3A_626, %dma_start3A_627] : memref<10112x128xf32, #tpu.memory_space<hbm>> -> memref<10112x128xf32, #tpu.memory_space<hbm>>
    tpu.enqueue_indirect_dma source(%dma_start3A_628 : memref<10112x128xf32, #tpu.memory_space<hbm>>) target(%arg8 : memref<128x128xf32, #tpu.memory_space<vmem>>) offsets(%dma_start3A_625 : memref<128xi32, #tpu.memory_space<vmem>>) semaphore(%arg11 : memref<!tpu.dma_semaphore, #tpu.memory_space<semaphore_mem>>)
    %dma_wait3A_629 = arith.constant 0 : i32
    %dma_wait3A_630 = arith.constant 0 : i32
    %dma_wait3A_631 = tpu.memref_slice %arg6[%dma_wait3A_629, %dma_wait3A_630] : memref<2x128xi32, #tpu.memory_space<vmem>> -> memref<1x128xi32, #tpu.memory_space<vmem>>
    %dma_wait3A_632 = tpu.memref_squeeze %dma_wait3A_631 : memref<1x128xi32, #tpu.memory_space<vmem>> -> memref<128xi32, #tpu.memory_space<vmem>>
    %dma_wait3A_633 = arith.constant 0 : i32
    %dma_wait3A_634 = arith.constant 0 : i32
    %dma_wait3A_635 = tpu.memref_slice %arg2[%dma_wait3A_633, %dma_wait3A_634] : memref<10112x128xf32, #tpu.memory_space<hbm>> -> memref<10112x128xf32, #tpu.memory_space<hbm>>
    tpu.wait_indirect_dma semaphore(%arg12 : memref<!tpu.dma_semaphore, #tpu.memory_space<semaphore_mem>>) src(%dma_wait3A_635 : memref<10112x128xf32, #tpu.memory_space<hbm>>) dst(%arg9 : memref<128x128xf32, #tpu.memory_space<vmem>>)
    %run_scoped3A_636 = arith.constant 1 : i32
    "tpu.region"() ({
      %run_scoped3A_834 = tpu.sem_alloc : memref<!tpu.dma_semaphore, #tpu.memory_space<semaphore_mem>>
      %dma_start3A_835 = arith.constant 0 : i32
      %dma_start3A_836 = tpu.memref_slice %arg7[%run_scoped3A_636, %dma_start3A_835] : memref<2x128xi32, #tpu.memory_space<vmem>> -> memref<1x128xi32, #tpu.memory_space<vmem>>
      %dma_start3A_837 = tpu.memref_squeeze %dma_start3A_836 : memref<1x128xi32, #tpu.memory_space<vmem>> -> memref<128xi32, #tpu.memory_space<vmem>>
      %dma_start3A_838 = arith.constant 0 : i32
      %dma_start3A_839 = arith.constant 0 : i32
      %dma_start3A_840 = tpu.memref_slice %arg10[%dma_start3A_838, %dma_start3A_839] : memref<10112x128xf32, #tpu.memory_space<vmem_shared>> -> memref<10112x128xf32, #tpu.memory_space<vmem_shared>>
      tpu.enqueue_indirect_dma source(%arg9 : memref<128x128xf32, #tpu.memory_space<vmem>>) target(%dma_start3A_840 : memref<10112x128xf32, #tpu.memory_space<vmem_shared>>) offsets(%dma_start3A_837 : memref<128xi32, #tpu.memory_space<vmem>>) semaphore(%run_scoped3A_834 : memref<!tpu.dma_semaphore, #tpu.memory_space<semaphore_mem>>) {add = true}
      %dma_wait3A_841 = arith.constant 0 : i32
      %dma_wait3A_842 = tpu.memref_slice %arg7[%run_scoped3A_636, %dma_wait3A_841] : memref<2x128xi32, #tpu.memory_space<vmem>> -> memref<1x128xi32, #tpu.memory_space<vmem>>
      %dma_wait3A_843 = tpu.memref_squeeze %dma_wait3A_842 : memref<1x128xi32, #tpu.memory_space<vmem>> -> memref<128xi32, #tpu.memory_space<vmem>>
      %dma_wait3A_844 = arith.constant 0 : i32
      %dma_wait3A_845 = arith.constant 0 : i32
      %dma_wait3A_846 = tpu.memref_slice %arg10[%dma_wait3A_844, %dma_wait3A_845] : memref<10112x128xf32, #tpu.memory_space<vmem_shared>> -> memref<10112x128xf32, #tpu.memory_space<vmem_shared>>
      tpu.wait_indirect_dma semaphore(%run_scoped3A_834 : memref<!tpu.dma_semaphore, #tpu.memory_space<semaphore_mem>>) src(%arg9 : memref<128x128xf32, #tpu.memory_space<vmem>>) dst(%dma_wait3A_846 : memref<10112x128xf32, #tpu.memory_space<vmem_shared>>)
      tpu.yield
    }) : () -> ()
    %dma_wait3A_637 = arith.constant 0 : i32
    %dma_wait3A_638 = arith.constant 0 : i32
    %dma_wait3A_639 = tpu.memref_slice %arg6[%dma_wait3A_637, %dma_wait3A_638] : memref<2x128xi32, #tpu.memory_space<vmem>> -> memref<1x128xi32, #tpu.memory_space<vmem>>
    %dma_wait3A_640 = tpu.memref_squeeze %dma_wait3A_639 : memref<1x128xi32, #tpu.memory_space<vmem>> -> memref<128xi32, #tpu.memory_space<vmem>>
    %dma_wait3A_641 = arith.constant 0 : i32
    %dma_wait3A_642 = arith.constant 0 : i32
    %dma_wait3A_643 = tpu.memref_slice %arg2[%dma_wait3A_641, %dma_wait3A_642] : memref<10112x128xf32, #tpu.memory_space<hbm>> -> memref<10112x128xf32, #tpu.memory_space<hbm>>
    tpu.wait_indirect_dma semaphore(%arg11 : memref<!tpu.dma_semaphore, #tpu.memory_space<semaphore_mem>>) src(%dma_wait3A_643 : memref<10112x128xf32, #tpu.memory_space<hbm>>) dst(%arg8 : memref<128x128xf32, #tpu.memory_space<vmem>>)
    %run_scoped3A_644 = arith.constant 0 : i32
    "tpu.region"() ({
      %run_scoped3A_834 = tpu.sem_alloc : memref<!tpu.dma_semaphore, #tpu.memory_space<semaphore_mem>>
      %dma_start3A_835 = arith.constant 0 : i32
      %dma_start3A_836 = tpu.memref_slice %arg7[%run_scoped3A_644, %dma_start3A_835] : memref<2x128xi32, #tpu.memory_space<vmem>> -> memref<1x128xi32, #tpu.memory_space<vmem>>
      %dma_start3A_837 = tpu.memref_squeeze %dma_start3A_836 : memref<1x128xi32, #tpu.memory_space<vmem>> -> memref<128xi32, #tpu.memory_space<vmem>>
      %dma_start3A_838 = arith.constant 0 : i32
      %dma_start3A_839 = arith.constant 0 : i32
      %dma_start3A_840 = tpu.memref_slice %arg10[%dma_start3A_838, %dma_start3A_839] : memref<10112x128xf32, #tpu.memory_space<vmem_shared>> -> memref<10112x128xf32, #tpu.memory_space<vmem_shared>>
      tpu.enqueue_indirect_dma source(%arg8 : memref<128x128xf32, #tpu.memory_space<vmem>>) target(%dma_start3A_840 : memref<10112x128xf32, #tpu.memory_space<vmem_shared>>) offsets(%dma_start3A_837 : memref<128xi32, #tpu.memory_space<vmem>>) semaphore(%run_scoped3A_834 : memref<!tpu.dma_semaphore, #tpu.memory_space<semaphore_mem>>) {add = true}
      %dma_wait3A_841 = arith.constant 0 : i32
      %dma_wait3A_842 = tpu.memref_slice %arg7[%run_scoped3A_644, %dma_wait3A_841] : memref<2x128xi32, #tpu.memory_space<vmem>> -> memref<1x128xi32, #tpu.memory_space<vmem>>
      %dma_wait3A_843 = tpu.memref_squeeze %dma_wait3A_842 : memref<1x128xi32, #tpu.memory_space<vmem>> -> memref<128xi32, #tpu.memory_space<vmem>>
      %dma_wait3A_844 = arith.constant 0 : i32
      %dma_wait3A_845 = arith.constant 0 : i32
      %dma_wait3A_846 = tpu.memref_slice %arg10[%dma_wait3A_844, %dma_wait3A_845] : memref<10112x128xf32, #tpu.memory_space<vmem_shared>> -> memref<10112x128xf32, #tpu.memory_space<vmem_shared>>
      tpu.wait_indirect_dma semaphore(%run_scoped3A_834 : memref<!tpu.dma_semaphore, #tpu.memory_space<semaphore_mem>>) src(%arg8 : memref<128x128xf32, #tpu.memory_space<vmem>>) dst(%dma_wait3A_846 : memref<10112x128xf32, #tpu.memory_space<vmem_shared>>)
      tpu.yield
    }) : () -> ()
    %barrier3A_645 = arith.constant 0 : index
    tpu.barrier barrier_id(%barrier3A_645)
    %mul3A_646 = arith.constant 632 : i32
    %mul3A_647 = arith.muli %arg1, %mul3A_646 : i32
    "tpu.region"() ({
      %run_scoped3A_834 = tpu.sem_alloc : memref<!tpu.dma_semaphore, #tpu.memory_space<semaphore_mem>>
      %dma_start3A_835 = arith.constant 0 : i32
      %dma_start3A_836 = tpu.memref_slice %arg10[%mul3A_647, %dma_start3A_835] : memref<10112x128xf32, #tpu.memory_space<vmem_shared>> -> memref<128x128xf32, #tpu.memory_space<vmem_shared>>
      %dma_start3A_837 = arith.constant 0 : i32
      %dma_start3A_838 = tpu.memref_slice %arg10[%mul3A_647, %dma_start3A_837] : memref<10112x128xf32, #tpu.memory_space<vmem_shared>> -> memref<128x128xf32, #tpu.memory_space<vmem_shared>>
      tpu.enqueue_dma source(%dma_start3A_838 : memref<128x128xf32, #tpu.memory_space<vmem_shared>>) target(%arg8 : memref<128x128xf32, #tpu.memory_space<vmem>>) target_semaphore(%run_scoped3A_834 : memref<!tpu.dma_semaphore, #tpu.memory_space<semaphore_mem>>)
      %dma_wait3A_839 = arith.constant 0 : i32
      %dma_wait3A_840 = tpu.memref_slice %arg10[%mul3A_647, %dma_wait3A_839] : memref<10112x128xf32, #tpu.memory_space<vmem_shared>> -> memref<128x128xf32, #tpu.memory_space<vmem_shared>>
      %dma_wait3A_841 = arith.constant 0 : i32
      %dma_wait3A_842 = tpu.memref_slice %arg10[%mul3A_647, %dma_wait3A_841] : memref<10112x128xf32, #tpu.memory_space<vmem_shared>> -> memref<128x128xf32, #tpu.memory_space<vmem_shared>>
      tpu.wait_dma2 semaphore(%run_scoped3A_834 : memref<!tpu.dma_semaphore, #tpu.memory_space<semaphore_mem>>) src(%dma_wait3A_842 : memref<128x128xf32, #tpu.memory_space<vmem_shared>>) dst(%arg8 : memref<128x128xf32, #tpu.memory_space<vmem>>)
      tpu.yield
    }) : () -> ()
    %mul3A_648 = arith.constant 10112 : i32
    %mul3A_649 = arith.muli %arg0, %mul3A_648 : i32
    %mul3A_650 = arith.constant 632 : i32
    %mul3A_651 = arith.muli %arg1, %mul3A_650 : i32
    %add3A_652 = arith.addi %mul3A_649, %mul3A_651 : i32
    %add3A_653 = arith.constant 0 : i32
    %add3A_654 = arith.addi %add3A_652, %add3A_653 : i32
    %dma_start3A_655 = arith.constant 0 : i32
    %dma_start3A_656 = arith.constant 0 : i32
    %dma_start3A_657 = tpu.memref_slice %arg8[%dma_start3A_655, %dma_start3A_656] : memref<128x128xf32, #tpu.memory_space<vmem>> -> memref<128x128xf32, #tpu.memory_space<vmem>>
    %dma_start3A_658 = arith.constant 0 : i32
    %dma_start3A_659 = tpu.memref_slice %arg4[%add3A_654, %dma_start3A_658] : memref<20224x128xf32, #tpu.memory_space<hbm>> -> memref<128x128xf32, #tpu.memory_space<hbm>>
    %dma_start3A_660 = arith.constant 0 : i32
    %dma_start3A_661 = tpu.memref_slice %arg4[%add3A_654, %dma_start3A_660] : memref<20224x128xf32, #tpu.memory_space<hbm>> -> memref<128x128xf32, #tpu.memory_space<hbm>>
    %dma_start3A_662 = arith.constant 0 : i32
    %dma_start3A_663 = arith.constant 0 : i32
    %dma_start3A_664 = tpu.memref_slice %arg8[%dma_start3A_662, %dma_start3A_663] : memref<128x128xf32, #tpu.memory_space<vmem>> -> memref<128x128xf32, #tpu.memory_space<vmem>>
    tpu.enqueue_dma source(%dma_start3A_664 : memref<128x128xf32, #tpu.memory_space<vmem>>) target(%dma_start3A_661 : memref<128x128xf32, #tpu.memory_space<hbm>>) target_semaphore(%arg11 : memref<!tpu.dma_semaphore, #tpu.memory_space<semaphore_mem>>)
    %mul3A_665 = arith.constant 632 : i32
    %mul3A_666 = arith.muli %arg1, %mul3A_665 : i32
    %add3A_667 = arith.constant 128 : i32
    %add3A_668 = arith.addi %mul3A_666, %add3A_667 : i32
    "tpu.region"() ({
      %run_scoped3A_834 = tpu.sem_alloc : memref<!tpu.dma_semaphore, #tpu.memory_space<semaphore_mem>>
      %dma_start3A_835 = arith.constant 0 : i32
      %dma_start3A_836 = arith.constant 0 : i32
      %dma_start3A_837 = tpu.memref_slice %arg9[%dma_start3A_835, %dma_start3A_836] : memref<128x128xf32, #tpu.memory_space<vmem>> -> memref<128x128xf32, #tpu.memory_space<vmem>>
      %dma_start3A_838 = arith.constant 0 : i32
      %dma_start3A_839 = tpu.memref_slice %arg10[%add3A_668, %dma_start3A_838] : memref<10112x128xf32, #tpu.memory_space<vmem_shared>> -> memref<128x128xf32, #tpu.memory_space<vmem_shared>>
      %dma_start3A_840 = arith.constant 0 : i32
      %dma_start3A_841 = arith.constant 0 : i32
      %dma_start3A_842 = tpu.memref_slice %arg9[%dma_start3A_840, %dma_start3A_841] : memref<128x128xf32, #tpu.memory_space<vmem>> -> memref<128x128xf32, #tpu.memory_space<vmem>>
      %dma_start3A_843 = arith.constant 0 : i32
      %dma_start3A_844 = tpu.memref_slice %arg10[%add3A_668, %dma_start3A_843] : memref<10112x128xf32, #tpu.memory_space<vmem_shared>> -> memref<128x128xf32, #tpu.memory_space<vmem_shared>>
      tpu.enqueue_dma source(%dma_start3A_844 : memref<128x128xf32, #tpu.memory_space<vmem_shared>>) target(%dma_start3A_842 : memref<128x128xf32, #tpu.memory_space<vmem>>) target_semaphore(%run_scoped3A_834 : memref<!tpu.dma_semaphore, #tpu.memory_space<semaphore_mem>>)
      %dma_wait3A_845 = arith.constant 0 : i32
      %dma_wait3A_846 = arith.constant 0 : i32
      %dma_wait3A_847 = tpu.memref_slice %arg9[%dma_wait3A_845, %dma_wait3A_846] : memref<128x128xf32, #tpu.memory_space<vmem>> -> memref<128x128xf32, #tpu.memory_space<vmem>>
      %dma_wait3A_848 = arith.constant 0 : i32
      %dma_wait3A_849 = tpu.memref_slice %arg10[%add3A_668, %dma_wait3A_848] : memref<10112x128xf32, #tpu.memory_space<vmem_shared>> -> memref<128x128xf32, #tpu.memory_space<vmem_shared>>
      %dma_wait3A_850 = arith.constant 0 : i32
      %dma_wait3A_851 = arith.constant 0 : i32
      %dma_wait3A_852 = tpu.memref_slice %arg9[%dma_wait3A_850, %dma_wait3A_851] : memref<128x128xf32, #tpu.memory_space<vmem>> -> memref<128x128xf32, #tpu.memory_space<vmem>>
      %dma_wait3A_853 = arith.constant 0 : i32
      %dma_wait3A_854 = tpu.memref_slice %arg10[%add3A_668, %dma_wait3A_853] : memref<10112x128xf32, #tpu.memory_space<vmem_shared>> -> memref<128x128xf32, #tpu.memory_space<vmem_shared>>
      tpu.wait_dma2 semaphore(%run_scoped3A_834 : memref<!tpu.dma_semaphore, #tpu.memory_space<semaphore_mem>>) src(%dma_wait3A_854 : memref<128x128xf32, #tpu.memory_space<vmem_shared>>) dst(%dma_wait3A_852 : memref<128x128xf32, #tpu.memory_space<vmem>>)
      tpu.yield
    }) : () -> ()
    %mul3A_669 = arith.constant 10112 : i32
    %mul3A_670 = arith.muli %arg0, %mul3A_669 : i32
    %mul3A_671 = arith.constant 632 : i32
    %mul3A_672 = arith.muli %arg1, %mul3A_671 : i32
    %add3A_673 = arith.addi %mul3A_670, %mul3A_672 : i32
    %add3A_674 = arith.constant 0 : i32
    %add3A_675 = arith.addi %add3A_673, %add3A_674 : i32
    %dma_wait3A_676 = arith.constant 0 : i32
    %dma_wait3A_677 = arith.constant 0 : i32
    %dma_wait3A_678 = tpu.memref_slice %arg8[%dma_wait3A_676, %dma_wait3A_677] : memref<128x128xf32, #tpu.memory_space<vmem>> -> memref<128x128xf32, #tpu.memory_space<vmem>>
    %dma_wait3A_679 = arith.constant 0 : i32
    %dma_wait3A_680 = tpu.memref_slice %arg4[%add3A_675, %dma_wait3A_679] : memref<20224x128xf32, #tpu.memory_space<hbm>> -> memref<128x128xf32, #tpu.memory_space<hbm>>
    %dma_wait3A_681 = arith.constant 0 : i32
    %dma_wait3A_682 = tpu.memref_slice %arg4[%add3A_675, %dma_wait3A_681] : memref<20224x128xf32, #tpu.memory_space<hbm>> -> memref<128x128xf32, #tpu.memory_space<hbm>>
    %dma_wait3A_683 = arith.constant 0 : i32
    %dma_wait3A_684 = arith.constant 0 : i32
    %dma_wait3A_685 = tpu.memref_slice %arg8[%dma_wait3A_683, %dma_wait3A_684] : memref<128x128xf32, #tpu.memory_space<vmem>> -> memref<128x128xf32, #tpu.memory_space<vmem>>
    tpu.wait_dma2 semaphore(%arg11 : memref<!tpu.dma_semaphore, #tpu.memory_space<semaphore_mem>>) src(%dma_wait3A_685 : memref<128x128xf32, #tpu.memory_space<vmem>>) dst(%dma_wait3A_682 : memref<128x128xf32, #tpu.memory_space<hbm>>)
    %mul3A_686 = arith.constant 10112 : i32
    %mul3A_687 = arith.muli %arg0, %mul3A_686 : i32
    %mul3A_688 = arith.constant 632 : i32
    %mul3A_689 = arith.muli %arg1, %mul3A_688 : i32
    %add3A_690 = arith.addi %mul3A_687, %mul3A_689 : i32
    %add3A_691 = arith.constant 128 : i32
    %add3A_692 = arith.addi %add3A_690, %add3A_691 : i32
    %dma_start3A_693 = arith.constant 0 : i32
    %dma_start3A_694 = arith.constant 0 : i32
    %dma_start3A_695 = tpu.memref_slice %arg9[%dma_start3A_693, %dma_start3A_694] : memref<128x128xf32, #tpu.memory_space<vmem>> -> memref<128x128xf32, #tpu.memory_space<vmem>>
    %dma_start3A_696 = arith.constant 0 : i32
    %dma_start3A_697 = tpu.memref_slice %arg4[%add3A_692, %dma_start3A_696] : memref<20224x128xf32, #tpu.memory_space<hbm>> -> memref<128x128xf32, #tpu.memory_space<hbm>>
    %dma_start3A_698 = arith.constant 0 : i32
    %dma_start3A_699 = tpu.memref_slice %arg4[%add3A_692, %dma_start3A_698] : memref<20224x128xf32, #tpu.memory_space<hbm>> -> memref<128x128xf32, #tpu.memory_space<hbm>>
    %dma_start3A_700 = arith.constant 0 : i32
    %dma_start3A_701 = arith.constant 0 : i32
    %dma_start3A_702 = tpu.memref_slice %arg9[%dma_start3A_700, %dma_start3A_701] : memref<128x128xf32, #tpu.memory_space<vmem>> -> memref<128x128xf32, #tpu.memory_space<vmem>>
    tpu.enqueue_dma source(%dma_start3A_702 : memref<128x128xf32, #tpu.memory_space<vmem>>) target(%dma_start3A_699 : memref<128x128xf32, #tpu.memory_space<hbm>>) target_semaphore(%arg12 : memref<!tpu.dma_semaphore, #tpu.memory_space<semaphore_mem>>)
    %mul3A_703 = arith.constant 632 : i32
    %mul3A_704 = arith.muli %arg1, %mul3A_703 : i32
    %add3A_705 = arith.constant 256 : i32
    %add3A_706 = arith.addi %mul3A_704, %add3A_705 : i32
    "tpu.region"() ({
      %run_scoped3A_834 = tpu.sem_alloc : memref<!tpu.dma_semaphore, #tpu.memory_space<semaphore_mem>>
      %dma_start3A_835 = arith.constant 0 : i32
      %dma_start3A_836 = arith.constant 0 : i32
      %dma_start3A_837 = tpu.memref_slice %arg8[%dma_start3A_835, %dma_start3A_836] : memref<128x128xf32, #tpu.memory_space<vmem>> -> memref<128x128xf32, #tpu.memory_space<vmem>>
      %dma_start3A_838 = arith.constant 0 : i32
      %dma_start3A_839 = tpu.memref_slice %arg10[%add3A_706, %dma_start3A_838] : memref<10112x128xf32, #tpu.memory_space<vmem_shared>> -> memref<128x128xf32, #tpu.memory_space<vmem_shared>>
      %dma_start3A_840 = arith.constant 0 : i32
      %dma_start3A_841 = arith.constant 0 : i32
      %dma_start3A_842 = tpu.memref_slice %arg8[%dma_start3A_840, %dma_start3A_841] : memref<128x128xf32, #tpu.memory_space<vmem>> -> memref<128x128xf32, #tpu.memory_space<vmem>>
      %dma_start3A_843 = arith.constant 0 : i32
      %dma_start3A_844 = tpu.memref_slice %arg10[%add3A_706, %dma_start3A_843] : memref<10112x128xf32, #tpu.memory_space<vmem_shared>> -> memref<128x128xf32, #tpu.memory_space<vmem_shared>>
      tpu.enqueue_dma source(%dma_start3A_844 : memref<128x128xf32, #tpu.memory_space<vmem_shared>>) target(%dma_start3A_842 : memref<128x128xf32, #tpu.memory_space<vmem>>) target_semaphore(%run_scoped3A_834 : memref<!tpu.dma_semaphore, #tpu.memory_space<semaphore_mem>>)
      %dma_wait3A_845 = arith.constant 0 : i32
      %dma_wait3A_846 = arith.constant 0 : i32
      %dma_wait3A_847 = tpu.memref_slice %arg8[%dma_wait3A_845, %dma_wait3A_846] : memref<128x128xf32, #tpu.memory_space<vmem>> -> memref<128x128xf32, #tpu.memory_space<vmem>>
      %dma_wait3A_848 = arith.constant 0 : i32
      %dma_wait3A_849 = tpu.memref_slice %arg10[%add3A_706, %dma_wait3A_848] : memref<10112x128xf32, #tpu.memory_space<vmem_shared>> -> memref<128x128xf32, #tpu.memory_space<vmem_shared>>
      %dma_wait3A_850 = arith.constant 0 : i32
      %dma_wait3A_851 = arith.constant 0 : i32
      %dma_wait3A_852 = tpu.memref_slice %arg8[%dma_wait3A_850, %dma_wait3A_851] : memref<128x128xf32, #tpu.memory_space<vmem>> -> memref<128x128xf32, #tpu.memory_space<vmem>>
      %dma_wait3A_853 = arith.constant 0 : i32
      %dma_wait3A_854 = tpu.memref_slice %arg10[%add3A_706, %dma_wait3A_853] : memref<10112x128xf32, #tpu.memory_space<vmem_shared>> -> memref<128x128xf32, #tpu.memory_space<vmem_shared>>
      tpu.wait_dma2 semaphore(%run_scoped3A_834 : memref<!tpu.dma_semaphore, #tpu.memory_space<semaphore_mem>>) src(%dma_wait3A_854 : memref<128x128xf32, #tpu.memory_space<vmem_shared>>) dst(%dma_wait3A_852 : memref<128x128xf32, #tpu.memory_space<vmem>>)
      tpu.yield
    }) : () -> ()
    %mul3A_707 = arith.constant 10112 : i32
    %mul3A_708 = arith.muli %arg0, %mul3A_707 : i32
    %mul3A_709 = arith.constant 632 : i32
    %mul3A_710 = arith.muli %arg1, %mul3A_709 : i32
    %add3A_711 = arith.addi %mul3A_708, %mul3A_710 : i32
    %add3A_712 = arith.constant 128 : i32
    %add3A_713 = arith.addi %add3A_711, %add3A_712 : i32
    %dma_wait3A_714 = arith.constant 0 : i32
    %dma_wait3A_715 = arith.constant 0 : i32
    %dma_wait3A_716 = tpu.memref_slice %arg9[%dma_wait3A_714, %dma_wait3A_715] : memref<128x128xf32, #tpu.memory_space<vmem>> -> memref<128x128xf32, #tpu.memory_space<vmem>>
    %dma_wait3A_717 = arith.constant 0 : i32
    %dma_wait3A_718 = tpu.memref_slice %arg4[%add3A_713, %dma_wait3A_717] : memref<20224x128xf32, #tpu.memory_space<hbm>> -> memref<128x128xf32, #tpu.memory_space<hbm>>
    %dma_wait3A_719 = arith.constant 0 : i32
    %dma_wait3A_720 = tpu.memref_slice %arg4[%add3A_713, %dma_wait3A_719] : memref<20224x128xf32, #tpu.memory_space<hbm>> -> memref<128x128xf32, #tpu.memory_space<hbm>>
    %dma_wait3A_721 = arith.constant 0 : i32
    %dma_wait3A_722 = arith.constant 0 : i32
    %dma_wait3A_723 = tpu.memref_slice %arg9[%dma_wait3A_721, %dma_wait3A_722] : memref<128x128xf32, #tpu.memory_space<vmem>> -> memref<128x128xf32, #tpu.memory_space<vmem>>
    tpu.wait_dma2 semaphore(%arg12 : memref<!tpu.dma_semaphore, #tpu.memory_space<semaphore_mem>>) src(%dma_wait3A_723 : memref<128x128xf32, #tpu.memory_space<vmem>>) dst(%dma_wait3A_720 : memref<128x128xf32, #tpu.memory_space<hbm>>)
    %mul3A_724 = arith.constant 10112 : i32
    %mul3A_725 = arith.muli %arg0, %mul3A_724 : i32
    %mul3A_726 = arith.constant 632 : i32
    %mul3A_727 = arith.muli %arg1, %mul3A_726 : i32
    %add3A_728 = arith.addi %mul3A_725, %mul3A_727 : i32
    %add3A_729 = arith.constant 256 : i32
    %add3A_730 = arith.addi %add3A_728, %add3A_729 : i32
    %dma_start3A_731 = arith.constant 0 : i32
    %dma_start3A_732 = arith.constant 0 : i32
    %dma_start3A_733 = tpu.memref_slice %arg8[%dma_start3A_731, %dma_start3A_732] : memref<128x128xf32, #tpu.memory_space<vmem>> -> memref<128x128xf32, #tpu.memory_space<vmem>>
    %dma_start3A_734 = arith.constant 0 : i32
    %dma_start3A_735 = tpu.memref_slice %arg4[%add3A_730, %dma_start3A_734] : memref<20224x128xf32, #tpu.memory_space<hbm>> -> memref<128x128xf32, #tpu.memory_space<hbm>>
    %dma_start3A_736 = arith.constant 0 : i32
    %dma_start3A_737 = tpu.memref_slice %arg4[%add3A_730, %dma_start3A_736] : memref<20224x128xf32, #tpu.memory_space<hbm>> -> memref<128x128xf32, #tpu.memory_space<hbm>>
    %dma_start3A_738 = arith.constant 0 : i32
    %dma_start3A_739 = arith.constant 0 : i32
    %dma_start3A_740 = tpu.memref_slice %arg8[%dma_start3A_738, %dma_start3A_739] : memref<128x128xf32, #tpu.memory_space<vmem>> -> memref<128x128xf32, #tpu.memory_space<vmem>>
    tpu.enqueue_dma source(%dma_start3A_740 : memref<128x128xf32, #tpu.memory_space<vmem>>) target(%dma_start3A_737 : memref<128x128xf32, #tpu.memory_space<hbm>>) target_semaphore(%arg11 : memref<!tpu.dma_semaphore, #tpu.memory_space<semaphore_mem>>)
    %mul3A_741 = arith.constant 632 : i32
    %mul3A_742 = arith.muli %arg1, %mul3A_741 : i32
    %add3A_743 = arith.constant 384 : i32
    %add3A_744 = arith.addi %mul3A_742, %add3A_743 : i32
    "tpu.region"() ({
      %run_scoped3A_834 = tpu.sem_alloc : memref<!tpu.dma_semaphore, #tpu.memory_space<semaphore_mem>>
      %dma_start3A_835 = arith.constant 0 : i32
      %dma_start3A_836 = arith.constant 0 : i32
      %dma_start3A_837 = tpu.memref_slice %arg9[%dma_start3A_835, %dma_start3A_836] : memref<128x128xf32, #tpu.memory_space<vmem>> -> memref<128x128xf32, #tpu.memory_space<vmem>>
      %dma_start3A_838 = arith.constant 0 : i32
      %dma_start3A_839 = tpu.memref_slice %arg10[%add3A_744, %dma_start3A_838] : memref<10112x128xf32, #tpu.memory_space<vmem_shared>> -> memref<128x128xf32, #tpu.memory_space<vmem_shared>>
      %dma_start3A_840 = arith.constant 0 : i32
      %dma_start3A_841 = arith.constant 0 : i32
      %dma_start3A_842 = tpu.memref_slice %arg9[%dma_start3A_840, %dma_start3A_841] : memref<128x128xf32, #tpu.memory_space<vmem>> -> memref<128x128xf32, #tpu.memory_space<vmem>>
      %dma_start3A_843 = arith.constant 0 : i32
      %dma_start3A_844 = tpu.memref_slice %arg10[%add3A_744, %dma_start3A_843] : memref<10112x128xf32, #tpu.memory_space<vmem_shared>> -> memref<128x128xf32, #tpu.memory_space<vmem_shared>>
      tpu.enqueue_dma source(%dma_start3A_844 : memref<128x128xf32, #tpu.memory_space<vmem_shared>>) target(%dma_start3A_842 : memref<128x128xf32, #tpu.memory_space<vmem>>) target_semaphore(%run_scoped3A_834 : memref<!tpu.dma_semaphore, #tpu.memory_space<semaphore_mem>>)
      %dma_wait3A_845 = arith.constant 0 : i32
      %dma_wait3A_846 = arith.constant 0 : i32
      %dma_wait3A_847 = tpu.memref_slice %arg9[%dma_wait3A_845, %dma_wait3A_846] : memref<128x128xf32, #tpu.memory_space<vmem>> -> memref<128x128xf32, #tpu.memory_space<vmem>>
      %dma_wait3A_848 = arith.constant 0 : i32
      %dma_wait3A_849 = tpu.memref_slice %arg10[%add3A_744, %dma_wait3A_848] : memref<10112x128xf32, #tpu.memory_space<vmem_shared>> -> memref<128x128xf32, #tpu.memory_space<vmem_shared>>
      %dma_wait3A_850 = arith.constant 0 : i32
      %dma_wait3A_851 = arith.constant 0 : i32
      %dma_wait3A_852 = tpu.memref_slice %arg9[%dma_wait3A_850, %dma_wait3A_851] : memref<128x128xf32, #tpu.memory_space<vmem>> -> memref<128x128xf32, #tpu.memory_space<vmem>>
      %dma_wait3A_853 = arith.constant 0 : i32
      %dma_wait3A_854 = tpu.memref_slice %arg10[%add3A_744, %dma_wait3A_853] : memref<10112x128xf32, #tpu.memory_space<vmem_shared>> -> memref<128x128xf32, #tpu.memory_space<vmem_shared>>
      tpu.wait_dma2 semaphore(%run_scoped3A_834 : memref<!tpu.dma_semaphore, #tpu.memory_space<semaphore_mem>>) src(%dma_wait3A_854 : memref<128x128xf32, #tpu.memory_space<vmem_shared>>) dst(%dma_wait3A_852 : memref<128x128xf32, #tpu.memory_space<vmem>>)
      tpu.yield
    }) : () -> ()
    %mul3A_745 = arith.constant 10112 : i32
    %mul3A_746 = arith.muli %arg0, %mul3A_745 : i32
    %mul3A_747 = arith.constant 632 : i32
    %mul3A_748 = arith.muli %arg1, %mul3A_747 : i32
    %add3A_749 = arith.addi %mul3A_746, %mul3A_748 : i32
    %add3A_750 = arith.constant 256 : i32
    %add3A_751 = arith.addi %add3A_749, %add3A_750 : i32
    %dma_wait3A_752 = arith.constant 0 : i32
    %dma_wait3A_753 = arith.constant 0 : i32
    %dma_wait3A_754 = tpu.memref_slice %arg8[%dma_wait3A_752, %dma_wait3A_753] : memref<128x128xf32, #tpu.memory_space<vmem>> -> memref<128x128xf32, #tpu.memory_space<vmem>>
    %dma_wait3A_755 = arith.constant 0 : i32
    %dma_wait3A_756 = tpu.memref_slice %arg4[%add3A_751, %dma_wait3A_755] : memref<20224x128xf32, #tpu.memory_space<hbm>> -> memref<128x128xf32, #tpu.memory_space<hbm>>
    %dma_wait3A_757 = arith.constant 0 : i32
    %dma_wait3A_758 = tpu.memref_slice %arg4[%add3A_751, %dma_wait3A_757] : memref<20224x128xf32, #tpu.memory_space<hbm>> -> memref<128x128xf32, #tpu.memory_space<hbm>>
    %dma_wait3A_759 = arith.constant 0 : i32
    %dma_wait3A_760 = arith.constant 0 : i32
    %dma_wait3A_761 = tpu.memref_slice %arg8[%dma_wait3A_759, %dma_wait3A_760] : memref<128x128xf32, #tpu.memory_space<vmem>> -> memref<128x128xf32, #tpu.memory_space<vmem>>
    tpu.wait_dma2 semaphore(%arg11 : memref<!tpu.dma_semaphore, #tpu.memory_space<semaphore_mem>>) src(%dma_wait3A_761 : memref<128x128xf32, #tpu.memory_space<vmem>>) dst(%dma_wait3A_758 : memref<128x128xf32, #tpu.memory_space<hbm>>)
    %mul3A_762 = arith.constant 10112 : i32
    %mul3A_763 = arith.muli %arg0, %mul3A_762 : i32
    %mul3A_764 = arith.constant 632 : i32
    %mul3A_765 = arith.muli %arg1, %mul3A_764 : i32
    %add3A_766 = arith.addi %mul3A_763, %mul3A_765 : i32
    %add3A_767 = arith.constant 384 : i32
    %add3A_768 = arith.addi %add3A_766, %add3A_767 : i32
    %dma_start3A_769 = arith.constant 0 : i32
    %dma_start3A_770 = arith.constant 0 : i32
    %dma_start3A_771 = tpu.memref_slice %arg9[%dma_start3A_769, %dma_start3A_770] : memref<128x128xf32, #tpu.memory_space<vmem>> -> memref<128x128xf32, #tpu.memory_space<vmem>>
    %dma_start3A_772 = arith.constant 0 : i32
    %dma_start3A_773 = tpu.memref_slice %arg4[%add3A_768, %dma_start3A_772] : memref<20224x128xf32, #tpu.memory_space<hbm>> -> memref<128x128xf32, #tpu.memory_space<hbm>>
    %dma_start3A_774 = arith.constant 0 : i32
    %dma_start3A_775 = tpu.memref_slice %arg4[%add3A_768, %dma_start3A_774] : memref<20224x128xf32, #tpu.memory_space<hbm>> -> memref<128x128xf32, #tpu.memory_space<hbm>>
    %dma_start3A_776 = arith.constant 0 : i32
    %dma_start3A_777 = arith.constant 0 : i32
    %dma_start3A_778 = tpu.memref_slice %arg9[%dma_start3A_776, %dma_start3A_777] : memref<128x128xf32, #tpu.memory_space<vmem>> -> memref<128x128xf32, #tpu.memory_space<vmem>>
    tpu.enqueue_dma source(%dma_start3A_778 : memref<128x128xf32, #tpu.memory_space<vmem>>) target(%dma_start3A_775 : memref<128x128xf32, #tpu.memory_space<hbm>>) target_semaphore(%arg12 : memref<!tpu.dma_semaphore, #tpu.memory_space<semaphore_mem>>)
    %mul3A_779 = arith.constant 632 : i32
    %mul3A_780 = arith.muli %arg1, %mul3A_779 : i32
    %add3A_781 = arith.constant 512 : i32
    %add3A_782 = arith.addi %mul3A_780, %add3A_781 : i32
    "tpu.region"() ({
      %run_scoped3A_834 = tpu.sem_alloc : memref<!tpu.dma_semaphore, #tpu.memory_space<semaphore_mem>>
      %dma_start3A_835 = arith.constant 0 : i32
      %dma_start3A_836 = arith.constant 0 : i32
      %dma_start3A_837 = tpu.memref_slice %arg8[%dma_start3A_835, %dma_start3A_836] : memref<128x128xf32, #tpu.memory_space<vmem>> -> memref<120x128xf32, #tpu.memory_space<vmem>>
      %dma_start3A_838 = arith.constant 0 : i32
      %dma_start3A_839 = tpu.memref_slice %arg10[%add3A_782, %dma_start3A_838] : memref<10112x128xf32, #tpu.memory_space<vmem_shared>> -> memref<120x128xf32, #tpu.memory_space<vmem_shared>>
      %dma_start3A_840 = arith.constant 0 : i32
      %dma_start3A_841 = arith.constant 0 : i32
      %dma_start3A_842 = tpu.memref_slice %arg8[%dma_start3A_840, %dma_start3A_841] : memref<128x128xf32, #tpu.memory_space<vmem>> -> memref<120x128xf32, #tpu.memory_space<vmem>>
      %dma_start3A_843 = arith.constant 0 : i32
      %dma_start3A_844 = tpu.memref_slice %arg10[%add3A_782, %dma_start3A_843] : memref<10112x128xf32, #tpu.memory_space<vmem_shared>> -> memref<120x128xf32, #tpu.memory_space<vmem_shared>>
      tpu.enqueue_dma source(%dma_start3A_844 : memref<120x128xf32, #tpu.memory_space<vmem_shared>>) target(%dma_start3A_842 : memref<120x128xf32, #tpu.memory_space<vmem>>) target_semaphore(%run_scoped3A_834 : memref<!tpu.dma_semaphore, #tpu.memory_space<semaphore_mem>>)
      %dma_wait3A_845 = arith.constant 0 : i32
      %dma_wait3A_846 = arith.constant 0 : i32
      %dma_wait3A_847 = tpu.memref_slice %arg8[%dma_wait3A_845, %dma_wait3A_846] : memref<128x128xf32, #tpu.memory_space<vmem>> -> memref<120x128xf32, #tpu.memory_space<vmem>>
      %dma_wait3A_848 = arith.constant 0 : i32
      %dma_wait3A_849 = tpu.memref_slice %arg10[%add3A_782, %dma_wait3A_848] : memref<10112x128xf32, #tpu.memory_space<vmem_shared>> -> memref<120x128xf32, #tpu.memory_space<vmem_shared>>
      %dma_wait3A_850 = arith.constant 0 : i32
      %dma_wait3A_851 = arith.constant 0 : i32
      %dma_wait3A_852 = tpu.memref_slice %arg8[%dma_wait3A_850, %dma_wait3A_851] : memref<128x128xf32, #tpu.memory_space<vmem>> -> memref<120x128xf32, #tpu.memory_space<vmem>>
      %dma_wait3A_853 = arith.constant 0 : i32
      %dma_wait3A_854 = tpu.memref_slice %arg10[%add3A_782, %dma_wait3A_853] : memref<10112x128xf32, #tpu.memory_space<vmem_shared>> -> memref<120x128xf32, #tpu.memory_space<vmem_shared>>
      tpu.wait_dma2 semaphore(%run_scoped3A_834 : memref<!tpu.dma_semaphore, #tpu.memory_space<semaphore_mem>>) src(%dma_wait3A_854 : memref<120x128xf32, #tpu.memory_space<vmem_shared>>) dst(%dma_wait3A_852 : memref<120x128xf32, #tpu.memory_space<vmem>>)
      tpu.yield
    }) : () -> ()
    %mul3A_783 = arith.constant 10112 : i32
    %mul3A_784 = arith.muli %arg0, %mul3A_783 : i32
    %mul3A_785 = arith.constant 632 : i32
    %mul3A_786 = arith.muli %arg1, %mul3A_785 : i32
    %add3A_787 = arith.addi %mul3A_784, %mul3A_786 : i32
    %add3A_788 = arith.constant 384 : i32
    %add3A_789 = arith.addi %add3A_787, %add3A_788 : i32
    %dma_wait3A_790 = arith.constant 0 : i32
    %dma_wait3A_791 = arith.constant 0 : i32
    %dma_wait3A_792 = tpu.memref_slice %arg9[%dma_wait3A_790, %dma_wait3A_791] : memref<128x128xf32, #tpu.memory_space<vmem>> -> memref<128x128xf32, #tpu.memory_space<vmem>>
    %dma_wait3A_793 = arith.constant 0 : i32
    %dma_wait3A_794 = tpu.memref_slice %arg4[%add3A_789, %dma_wait3A_793] : memref<20224x128xf32, #tpu.memory_space<hbm>> -> memref<128x128xf32, #tpu.memory_space<hbm>>
    %dma_wait3A_795 = arith.constant 0 : i32
    %dma_wait3A_796 = tpu.memref_slice %arg4[%add3A_789, %dma_wait3A_795] : memref<20224x128xf32, #tpu.memory_space<hbm>> -> memref<128x128xf32, #tpu.memory_space<hbm>>
    %dma_wait3A_797 = arith.constant 0 : i32
    %dma_wait3A_798 = arith.constant 0 : i32
    %dma_wait3A_799 = tpu.memref_slice %arg9[%dma_wait3A_797, %dma_wait3A_798] : memref<128x128xf32, #tpu.memory_space<vmem>> -> memref<128x128xf32, #tpu.memory_space<vmem>>
    tpu.wait_dma2 semaphore(%arg12 : memref<!tpu.dma_semaphore, #tpu.memory_space<semaphore_mem>>) src(%dma_wait3A_799 : memref<128x128xf32, #tpu.memory_space<vmem>>) dst(%dma_wait3A_796 : memref<128x128xf32, #tpu.memory_space<hbm>>)
    %mul3A_800 = arith.constant 10112 : i32
    %mul3A_801 = arith.muli %arg0, %mul3A_800 : i32
    %mul3A_802 = arith.constant 632 : i32
    %mul3A_803 = arith.muli %arg1, %mul3A_802 : i32
    %add3A_804 = arith.addi %mul3A_801, %mul3A_803 : i32
    %add3A_805 = arith.constant 512 : i32
    %add3A_806 = arith.addi %add3A_804, %add3A_805 : i32
    %dma_start3A_807 = arith.constant 0 : i32
    %dma_start3A_808 = arith.constant 0 : i32
    %dma_start3A_809 = tpu.memref_slice %arg8[%dma_start3A_807, %dma_start3A_808] : memref<128x128xf32, #tpu.memory_space<vmem>> -> memref<120x128xf32, #tpu.memory_space<vmem>>
    %dma_start3A_810 = arith.constant 0 : i32
    %dma_start3A_811 = tpu.memref_slice %arg4[%add3A_806, %dma_start3A_810] : memref<20224x128xf32, #tpu.memory_space<hbm>> -> memref<120x128xf32, #tpu.memory_space<hbm>>
    %dma_start3A_812 = arith.constant 0 : i32
    %dma_start3A_813 = tpu.memref_slice %arg4[%add3A_806, %dma_start3A_812] : memref<20224x128xf32, #tpu.memory_space<hbm>> -> memref<120x128xf32, #tpu.memory_space<hbm>>
    %dma_start3A_814 = arith.constant 0 : i32
    %dma_start3A_815 = arith.constant 0 : i32
    %dma_start3A_816 = tpu.memref_slice %arg8[%dma_start3A_814, %dma_start3A_815] : memref<128x128xf32, #tpu.memory_space<vmem>> -> memref<120x128xf32, #tpu.memory_space<vmem>>
    tpu.enqueue_dma source(%dma_start3A_816 : memref<120x128xf32, #tpu.memory_space<vmem>>) target(%dma_start3A_813 : memref<120x128xf32, #tpu.memory_space<hbm>>) target_semaphore(%arg11 : memref<!tpu.dma_semaphore, #tpu.memory_space<semaphore_mem>>)
    %mul3A_817 = arith.constant 10112 : i32
    %mul3A_818 = arith.muli %arg0, %mul3A_817 : i32
    %mul3A_819 = arith.constant 632 : i32
    %mul3A_820 = arith.muli %arg1, %mul3A_819 : i32
    %add3A_821 = arith.addi %mul3A_818, %mul3A_820 : i32
    %add3A_822 = arith.constant 512 : i32
    %add3A_823 = arith.addi %add3A_821, %add3A_822 : i32
    %dma_wait3A_824 = arith.constant 0 : i32
    %dma_wait3A_825 = arith.constant 0 : i32
    %dma_wait3A_826 = tpu.memref_slice %arg8[%dma_wait3A_824, %dma_wait3A_825] : memref<128x128xf32, #tpu.memory_space<vmem>> -> memref<120x128xf32, #tpu.memory_space<vmem>>
    %dma_wait3A_827 = arith.constant 0 : i32
    %dma_wait3A_828 = tpu.memref_slice %arg4[%add3A_823, %dma_wait3A_827] : memref<20224x128xf32, #tpu.memory_space<hbm>> -> memref<120x128xf32, #tpu.memory_space<hbm>>
    %dma_wait3A_829 = arith.constant 0 : i32
    %dma_wait3A_830 = tpu.memref_slice %arg4[%add3A_823, %dma_wait3A_829] : memref<20224x128xf32, #tpu.memory_space<hbm>> -> memref<120x128xf32, #tpu.memory_space<hbm>>
    %dma_wait3A_831 = arith.constant 0 : i32
    %dma_wait3A_832 = arith.constant 0 : i32
    %dma_wait3A_833 = tpu.memref_slice %arg8[%dma_wait3A_831, %dma_wait3A_832] : memref<128x128xf32, #tpu.memory_space<vmem>> -> memref<120x128xf32, #tpu.memory_space<vmem>>
    tpu.wait_dma2 semaphore(%arg11 : memref<!tpu.dma_semaphore, #tpu.memory_space<semaphore_mem>>) src(%dma_wait3A_833 : memref<120x128xf32, #tpu.memory_space<vmem>>) dst(%dma_wait3A_830 : memref<120x128xf32, #tpu.memory_space<hbm>>)
    return
  }
}

#map = affine_map<(d0, d1) -> (0, 0)>
#map1 = affine_map<(d0, d1) -> (0)>
module attributes {stable_mosaic.version = 14 : i64} {
  func.func @_agg_body(%arg0: i32, %arg1: i32, %arg2: memref<10112x128xf32, #tpu.memory_space<hbm>>, %arg3: memref<323584xi32, #tpu.memory_space<hbm>>, %arg4: memref<20224x128xf32, #tpu.memory_space<hbm>>, %arg5: memref<10112xi32, #tpu.memory_space<vmem>>, %arg6: memref<2x128xi32, #tpu.memory_space<vmem>>, %arg7: memref<2x128xi32, #tpu.memory_space<vmem>>, %arg8: memref<128x128xf32, #tpu.memory_space<vmem>>, %arg9: memref<128x128xf32, #tpu.memory_space<vmem>>, %arg10: memref<10112x128xf32, #tpu.memory_space<vmem_shared>>, %arg11: memref<!tpu.dma_semaphore, #tpu.memory_space<semaphore_mem>>, %arg12: memref<!tpu.dma_semaphore, #tpu.memory_space<semaphore_mem>>, %arg13: memref<!tpu.dma_semaphore, #tpu.memory_space<semaphore_mem>>) attributes {dimension_semantics = [#tpu.dimension_semantics<core_parallel>, #tpu.dimension_semantics<subcore_parallel>], iteration_bounds = array<i64: 2, 16>, scalar_prefetch = 0 : i64, scratch_operands = 9 : i64, tpu.core_type = #tpu.core_type<sc_vector_subcore>, window_params = [{transform_indices = #map}, {transform_indices = #map1}, {transform_indices = #map}]} {
    %mul3A = arith.constant 16 : i32
    %mul3A_0 = arith.muli %arg0, %mul3A : i32
    %add3A = arith.addi %mul3A_0, %arg1 : i32
    %mul3A_1 = arith.constant 10112 : i32
    %mul3A_2 = arith.muli %add3A, %mul3A_1 : i32
    %dma_start3A = tpu.memref_slice %arg3[%mul3A_2] : memref<323584xi32, #tpu.memory_space<hbm>> -> memref<10112xi32, #tpu.memory_space<hbm>>
    %dma_start3A_3 = tpu.memref_slice %arg3[%mul3A_2] : memref<323584xi32, #tpu.memory_space<hbm>> -> memref<10112xi32, #tpu.memory_space<hbm>>
    tpu.enqueue_dma source(%dma_start3A_3 : memref<10112xi32, #tpu.memory_space<hbm>>) target(%arg5 : memref<10112xi32, #tpu.memory_space<vmem>>) target_semaphore(%arg12 : memref<!tpu.dma_semaphore, #tpu.memory_space<semaphore_mem>>)
    %scan3A = arith.constant 0 : i32
    %scan3A_4 = arith.constant 0 : i32
    %scan3A_5 = arith.constant 128 : i32
    %scan3A_6 = arith.addi %scan3A_4, %scan3A_5 : i32
    %scan3A_7 = arith.constant 1 : i32
    %scan3A_8 = scf.for %scan3A_834 = %scan3A_4 to %scan3A_6 step %scan3A_7 iter_args(%scan3A_835 = %scan3A) -> (i32)  : i32 {
      %broadcast_in_dim3A_836 = arith.constant 0.000000e+00 : f32
      %broadcast_in_dim3A_837 = vector.broadcast %broadcast_in_dim3A_836 : f32 to vector<16xf32>
      %swap3A_838 = arith.index_cast %scan3A_834 : i32 to index
      %swap3A_839 = arith.constant 0 : index
      %swap3A_840 = tpu.vector_load %arg8[%swap3A_838, %swap3A_839] {strides = array<i32>} : memref<128x128xf32, #tpu.memory_space<vmem>>, vector<1x16xf32>,
      %swap3A_841 = vector.shape_cast %swap3A_840 : vector<1x16xf32> to vector<16xf32>
      %swap3A_842 = vector.shape_cast %broadcast_in_dim3A_837 : vector<16xf32> to vector<1x16xf32>
      tpu.vector_store %arg8[%swap3A_838, %swap3A_839], %swap3A_842 {strides = array<i32>} : memref<128x128xf32, #tpu.memory_space<vmem>>, vector<1x16xf32>,
      %broadcast_in_dim3A_843 = arith.constant 0.000000e+00 : f32
      %broadcast_in_dim3A_844 = vector.broadcast %broadcast_in_dim3A_843 : f32 to vector<16xf32>
      %swap3A_845 = arith.index_cast %scan3A_834 : i32 to index
      %swap3A_846 = arith.constant 16 : index
      %swap3A_847 = tpu.vector_load %arg8[%swap3A_845, %swap3A_846] {strides = array<i32>} : memref<128x128xf32, #tpu.memory_space<vmem>>, vector<1x16xf32>,
      %swap3A_848 = vector.shape_cast %swap3A_847 : vector<1x16xf32> to vector<16xf32>
      %swap3A_849 = vector.shape_cast %broadcast_in_dim3A_844 : vector<16xf32> to vector<1x16xf32>
      tpu.vector_store %arg8[%swap3A_845, %swap3A_846], %swap3A_849 {strides = array<i32>} : memref<128x128xf32, #tpu.memory_space<vmem>>, vector<1x16xf32>,
      %broadcast_in_dim3A_850 = arith.constant 0.000000e+00 : f32
      %broadcast_in_dim3A_851 = vector.broadcast %broadcast_in_dim3A_850 : f32 to vector<16xf32>
      %swap3A_852 = arith.index_cast %scan3A_834 : i32 to index
      %swap3A_853 = arith.constant 32 : index
      %swap3A_854 = tpu.vector_load %arg8[%swap3A_852, %swap3A_853] {strides = array<i32>} : memref<128x128xf32, #tpu.memory_space<vmem>>, vector<1x16xf32>,
      %swap3A_855 = vector.shape_cast %swap3A_854 : vector<1x16xf32> to vector<16xf32>
      %swap3A_856 = vector.shape_cast %broadcast_in_dim3A_851 : vector<16xf32> to vector<1x16xf32>
      tpu.vector_store %arg8[%swap3A_852, %swap3A_853], %swap3A_856 {strides = array<i32>} : memref<128x128xf32, #tpu.memory_space<vmem>>, vector<1x16xf32>,
      %broadcast_in_dim3A_857 = arith.constant 0.000000e+00 : f32
      %broadcast_in_dim3A_858 = vector.broadcast %broadcast_in_dim3A_857 : f32 to vector<16xf32>
      %swap3A_859 = arith.index_cast %scan3A_834 : i32 to index
      %swap3A_860 = arith.constant 48 : index
      %swap3A_861 = tpu.vector_load %arg8[%swap3A_859, %swap3A_860] {strides = array<i32>} : memref<128x128xf32, #tpu.memory_space<vmem>>, vector<1x16xf32>,
      %swap3A_862 = vector.shape_cast %swap3A_861 : vector<1x16xf32> to vector<16xf32>
      %swap3A_863 = vector.shape_cast %broadcast_in_dim3A_858 : vector<16xf32> to vector<1x16xf32>
      tpu.vector_store %arg8[%swap3A_859, %swap3A_860], %swap3A_863 {strides = array<i32>} : memref<128x128xf32, #tpu.memory_space<vmem>>, vector<1x16xf32>,
      %broadcast_in_dim3A_864 = arith.constant 0.000000e+00 : f32
      %broadcast_in_dim3A_865 = vector.broadcast %broadcast_in_dim3A_864 : f32 to vector<16xf32>
      %swap3A_866 = arith.index_cast %scan3A_834 : i32 to index
      %swap3A_867 = arith.constant 64 : index
      %swap3A_868 = tpu.vector_load %arg8[%swap3A_866, %swap3A_867] {strides = array<i32>} : memref<128x128xf32, #tpu.memory_space<vmem>>, vector<1x16xf32>,
      %swap3A_869 = vector.shape_cast %swap3A_868 : vector<1x16xf32> to vector<16xf32>
      %swap3A_870 = vector.shape_cast %broadcast_in_dim3A_865 : vector<16xf32> to vector<1x16xf32>
      tpu.vector_store %arg8[%swap3A_866, %swap3A_867], %swap3A_870 {strides = array<i32>} : memref<128x128xf32, #tpu.memory_space<vmem>>, vector<1x16xf32>,
      %broadcast_in_dim3A_871 = arith.constant 0.000000e+00 : f32
      %broadcast_in_dim3A_872 = vector.broadcast %broadcast_in_dim3A_871 : f32 to vector<16xf32>
      %swap3A_873 = arith.index_cast %scan3A_834 : i32 to index
      %swap3A_874 = arith.constant 80 : index
      %swap3A_875 = tpu.vector_load %arg8[%swap3A_873, %swap3A_874] {strides = array<i32>} : memref<128x128xf32, #tpu.memory_space<vmem>>, vector<1x16xf32>,
      %swap3A_876 = vector.shape_cast %swap3A_875 : vector<1x16xf32> to vector<16xf32>
      %swap3A_877 = vector.shape_cast %broadcast_in_dim3A_872 : vector<16xf32> to vector<1x16xf32>
      tpu.vector_store %arg8[%swap3A_873, %swap3A_874], %swap3A_877 {strides = array<i32>} : memref<128x128xf32, #tpu.memory_space<vmem>>, vector<1x16xf32>,
      %broadcast_in_dim3A_878 = arith.constant 0.000000e+00 : f32
      %broadcast_in_dim3A_879 = vector.broadcast %broadcast_in_dim3A_878 : f32 to vector<16xf32>
      %swap3A_880 = arith.index_cast %scan3A_834 : i32 to index
      %swap3A_881 = arith.constant 96 : index
      %swap3A_882 = tpu.vector_load %arg8[%swap3A_880, %swap3A_881] {strides = array<i32>} : memref<128x128xf32, #tpu.memory_space<vmem>>, vector<1x16xf32>,
      %swap3A_883 = vector.shape_cast %swap3A_882 : vector<1x16xf32> to vector<16xf32>
      %swap3A_884 = vector.shape_cast %broadcast_in_dim3A_879 : vector<16xf32> to vector<1x16xf32>
      tpu.vector_store %arg8[%swap3A_880, %swap3A_881], %swap3A_884 {strides = array<i32>} : memref<128x128xf32, #tpu.memory_space<vmem>>, vector<1x16xf32>,
      %broadcast_in_dim3A_885 = arith.constant 0.000000e+00 : f32
      %broadcast_in_dim3A_886 = vector.broadcast %broadcast_in_dim3A_885 : f32 to vector<16xf32>
      %swap3A_887 = arith.index_cast %scan3A_834 : i32 to index
      %swap3A_888 = arith.constant 112 : index
      %swap3A_889 = tpu.vector_load %arg8[%swap3A_887, %swap3A_888] {strides = array<i32>} : memref<128x128xf32, #tpu.memory_space<vmem>>, vector<1x16xf32>,
      %swap3A_890 = vector.shape_cast %swap3A_889 : vector<1x16xf32> to vector<16xf32>
      %swap3A_891 = vector.shape_cast %broadcast_in_dim3A_886 : vector<16xf32> to vector<1x16xf32>
      tpu.vector_store %arg8[%swap3A_887, %swap3A_888], %swap3A_891 {strides = array<i32>} : memref<128x128xf32, #tpu.memory_space<vmem>>, vector<1x16xf32>,
      %scan3A_892 = arith.constant 0 : i32
      scf.yield %scan3A_892 : i32
    }
    %scan3A_9 = arith.constant 128 : i32
    %mul3A_10 = arith.constant 632 : i32
    %mul3A_11 = arith.muli %arg1, %mul3A_10 : i32
    %add3A_12 = arith.constant 0 : i32
    %add3A_13 = arith.addi %mul3A_11, %add3A_12 : i32
    %dma_start3A_14 = arith.constant 0 : i32
    %dma_start3A_15 = tpu.memref_slice %arg10[%add3A_13, %dma_start3A_14] : memref<10112x128xf32, #tpu.memory_space<vmem_shared>> -> memref<128x128xf32, #tpu.memory_space<vmem_shared>>
    %dma_start3A_16 = arith.constant 0 : i32
    %dma_start3A_17 = tpu.memref_slice %arg10[%add3A_13, %dma_start3A_16] : memref<10112x128xf32, #tpu.memory_space<vmem_shared>> -> memref<128x128xf32, #tpu.memory_space<vmem_shared>>
    tpu.enqueue_dma source(%arg8 : memref<128x128xf32, #tpu.memory_space<vmem>>) target(%dma_start3A_17 : memref<128x128xf32, #tpu.memory_space<vmem_shared>>) target_semaphore(%arg13 : memref<!tpu.dma_semaphore, #tpu.memory_space<semaphore_mem>>)
    %mul3A_18 = arith.constant 632 : i32
    %mul3A_19 = arith.muli %arg1, %mul3A_18 : i32
    %add3A_20 = arith.constant 128 : i32
    %add3A_21 = arith.addi %mul3A_19, %add3A_20 : i32
    %dma_start3A_22 = arith.constant 0 : i32
    %dma_start3A_23 = tpu.memref_slice %arg10[%add3A_21, %dma_start3A_22] : memref<10112x128xf32, #tpu.memory_space<vmem_shared>> -> memref<128x128xf32, #tpu.memory_space<vmem_shared>>
    %dma_start3A_24 = arith.constant 0 : i32
    %dma_start3A_25 = tpu.memref_slice %arg10[%add3A_21, %dma_start3A_24] : memref<10112x128xf32, #tpu.memory_space<vmem_shared>> -> memref<128x128xf32, #tpu.memory_space<vmem_shared>>
    tpu.enqueue_dma source(%arg8 : memref<128x128xf32, #tpu.memory_space<vmem>>) target(%dma_start3A_25 : memref<128x128xf32, #tpu.memory_space<vmem_shared>>) target_semaphore(%arg13 : memref<!tpu.dma_semaphore, #tpu.memory_space<semaphore_mem>>)
    %mul3A_26 = arith.constant 632 : i32
    %mul3A_27 = arith.muli %arg1, %mul3A_26 : i32
    %add3A_28 = arith.constant 256 : i32
    %add3A_29 = arith.addi %mul3A_27, %add3A_28 : i32
    %dma_start3A_30 = arith.constant 0 : i32
    %dma_start3A_31 = tpu.memref_slice %arg10[%add3A_29, %dma_start3A_30] : memref<10112x128xf32, #tpu.memory_space<vmem_shared>> -> memref<128x128xf32, #tpu.memory_space<vmem_shared>>
    %dma_start3A_32 = arith.constant 0 : i32
    %dma_start3A_33 = tpu.memref_slice %arg10[%add3A_29, %dma_start3A_32] : memref<10112x128xf32, #tpu.memory_space<vmem_shared>> -> memref<128x128xf32, #tpu.memory_space<vmem_shared>>
    tpu.enqueue_dma source(%arg8 : memref<128x128xf32, #tpu.memory_space<vmem>>) target(%dma_start3A_33 : memref<128x128xf32, #tpu.memory_space<vmem_shared>>) target_semaphore(%arg13 : memref<!tpu.dma_semaphore, #tpu.memory_space<semaphore_mem>>)
    %mul3A_34 = arith.constant 632 : i32
    %mul3A_35 = arith.muli %arg1, %mul3A_34 : i32
    %add3A_36 = arith.constant 384 : i32
    %add3A_37 = arith.addi %mul3A_35, %add3A_36 : i32
    %dma_start3A_38 = arith.constant 0 : i32
    %dma_start3A_39 = tpu.memref_slice %arg10[%add3A_37, %dma_start3A_38] : memref<10112x128xf32, #tpu.memory_space<vmem_shared>> -> memref<128x128xf32, #tpu.memory_space<vmem_shared>>
    %dma_start3A_40 = arith.constant 0 : i32
    %dma_start3A_41 = tpu.memref_slice %arg10[%add3A_37, %dma_start3A_40] : memref<10112x128xf32, #tpu.memory_space<vmem_shared>> -> memref<128x128xf32, #tpu.memory_space<vmem_shared>>
    tpu.enqueue_dma source(%arg8 : memref<128x128xf32, #tpu.memory_space<vmem>>) target(%dma_start3A_41 : memref<128x128xf32, #tpu.memory_space<vmem_shared>>) target_semaphore(%arg13 : memref<!tpu.dma_semaphore, #tpu.memory_space<semaphore_mem>>)
    %mul3A_42 = arith.constant 632 : i32
    %mul3A_43 = arith.muli %arg1, %mul3A_42 : i32
    %add3A_44 = arith.constant 512 : i32
    %add3A_45 = arith.addi %mul3A_43, %add3A_44 : i32
    %dma_start3A_46 = arith.constant 0 : i32
    %dma_start3A_47 = arith.constant 0 : i32
    %dma_start3A_48 = tpu.memref_slice %arg8[%dma_start3A_46, %dma_start3A_47] : memref<128x128xf32, #tpu.memory_space<vmem>> -> memref<120x128xf32, #tpu.memory_space<vmem>>
    %dma_start3A_49 = arith.constant 0 : i32
    %dma_start3A_50 = tpu.memref_slice %arg10[%add3A_45, %dma_start3A_49] : memref<10112x128xf32, #tpu.memory_space<vmem_shared>> -> memref<120x128xf32, #tpu.memory_space<vmem_shared>>
    %dma_start3A_51 = arith.constant 0 : i32
    %dma_start3A_52 = tpu.memref_slice %arg10[%add3A_45, %dma_start3A_51] : memref<10112x128xf32, #tpu.memory_space<vmem_shared>> -> memref<120x128xf32, #tpu.memory_space<vmem_shared>>
    %dma_start3A_53 = arith.constant 0 : i32
    %dma_start3A_54 = arith.constant 0 : i32
    %dma_start3A_55 = tpu.memref_slice %arg8[%dma_start3A_53, %dma_start3A_54] : memref<128x128xf32, #tpu.memory_space<vmem>> -> memref<120x128xf32, #tpu.memory_space<vmem>>
    tpu.enqueue_dma source(%dma_start3A_55 : memref<120x128xf32, #tpu.memory_space<vmem>>) target(%dma_start3A_52 : memref<120x128xf32, #tpu.memory_space<vmem_shared>>) target_semaphore(%arg13 : memref<!tpu.dma_semaphore, #tpu.memory_space<semaphore_mem>>)
    %mul3A_56 = arith.constant 632 : i32
    %mul3A_57 = arith.muli %arg1, %mul3A_56 : i32
    %dma_wait3A = arith.constant 0 : i32
    %dma_wait3A_58 = tpu.memref_slice %arg10[%mul3A_57, %dma_wait3A] : memref<10112x128xf32, #tpu.memory_space<vmem_shared>> -> memref<128x128xf32, #tpu.memory_space<vmem_shared>>
    %dma_wait3A_59 = arith.constant 0 : i32
    %dma_wait3A_60 = tpu.memref_slice %arg10[%mul3A_57, %dma_wait3A_59] : memref<10112x128xf32, #tpu.memory_space<vmem_shared>> -> memref<128x128xf32, #tpu.memory_space<vmem_shared>>
    tpu.wait_dma2 semaphore(%arg13 : memref<!tpu.dma_semaphore, #tpu.memory_space<semaphore_mem>>) src(%arg8 : memref<128x128xf32, #tpu.memory_space<vmem>>) dst(%dma_wait3A_60 : memref<128x128xf32, #tpu.memory_space<vmem_shared>>)
    %mul3A_61 = arith.constant 632 : i32
    %mul3A_62 = arith.muli %arg1, %mul3A_61 : i32
    %dma_wait3A_63 = arith.constant 0 : i32
    %dma_wait3A_64 = tpu.memref_slice %arg10[%mul3A_62, %dma_wait3A_63] : memref<10112x128xf32, #tpu.memory_space<vmem_shared>> -> memref<128x128xf32, #tpu.memory_space<vmem_shared>>
    %dma_wait3A_65 = arith.constant 0 : i32
    %dma_wait3A_66 = tpu.memref_slice %arg10[%mul3A_62, %dma_wait3A_65] : memref<10112x128xf32, #tpu.memory_space<vmem_shared>> -> memref<128x128xf32, #tpu.memory_space<vmem_shared>>
    tpu.wait_dma2 semaphore(%arg13 : memref<!tpu.dma_semaphore, #tpu.memory_space<semaphore_mem>>) src(%arg8 : memref<128x128xf32, #tpu.memory_space<vmem>>) dst(%dma_wait3A_66 : memref<128x128xf32, #tpu.memory_space<vmem_shared>>)
    %mul3A_67 = arith.constant 632 : i32
    %mul3A_68 = arith.muli %arg1, %mul3A_67 : i32
    %dma_wait3A_69 = arith.constant 0 : i32
    %dma_wait3A_70 = tpu.memref_slice %arg10[%mul3A_68, %dma_wait3A_69] : memref<10112x128xf32, #tpu.memory_space<vmem_shared>> -> memref<128x128xf32, #tpu.memory_space<vmem_shared>>
    %dma_wait3A_71 = arith.constant 0 : i32
    %dma_wait3A_72 = tpu.memref_slice %arg10[%mul3A_68, %dma_wait3A_71] : memref<10112x128xf32, #tpu.memory_space<vmem_shared>> -> memref<128x128xf32, #tpu.memory_space<vmem_shared>>
    tpu.wait_dma2 semaphore(%arg13 : memref<!tpu.dma_semaphore, #tpu.memory_space<semaphore_mem>>) src(%arg8 : memref<128x128xf32, #tpu.memory_space<vmem>>) dst(%dma_wait3A_72 : memref<128x128xf32, #tpu.memory_space<vmem_shared>>)
    %mul3A_73 = arith.constant 632 : i32
    %mul3A_74 = arith.muli %arg1, %mul3A_73 : i32
    %dma_wait3A_75 = arith.constant 0 : i32
    %dma_wait3A_76 = tpu.memref_slice %arg10[%mul3A_74, %dma_wait3A_75] : memref<10112x128xf32, #tpu.memory_space<vmem_shared>> -> memref<128x128xf32, #tpu.memory_space<vmem_shared>>
    %dma_wait3A_77 = arith.constant 0 : i32
    %dma_wait3A_78 = tpu.memref_slice %arg10[%mul3A_74, %dma_wait3A_77] : memref<10112x128xf32, #tpu.memory_space<vmem_shared>> -> memref<128x128xf32, #tpu.memory_space<vmem_shared>>
    tpu.wait_dma2 semaphore(%arg13 : memref<!tpu.dma_semaphore, #tpu.memory_space<semaphore_mem>>) src(%arg8 : memref<128x128xf32, #tpu.memory_space<vmem>>) dst(%dma_wait3A_78 : memref<128x128xf32, #tpu.memory_space<vmem_shared>>)
    %mul3A_79 = arith.constant 632 : i32
    %mul3A_80 = arith.muli %arg1, %mul3A_79 : i32
    %dma_wait3A_81 = arith.constant 0 : i32
    %dma_wait3A_82 = arith.constant 0 : i32
    %dma_wait3A_83 = tpu.memref_slice %arg8[%dma_wait3A_81, %dma_wait3A_82] : memref<128x128xf32, #tpu.memory_space<vmem>> -> memref<120x128xf32, #tpu.memory_space<vmem>>
    %dma_wait3A_84 = arith.constant 0 : i32
    %dma_wait3A_85 = tpu.memref_slice %arg10[%mul3A_80, %dma_wait3A_84] : memref<10112x128xf32, #tpu.memory_space<vmem_shared>> -> memref<120x128xf32, #tpu.memory_space<vmem_shared>>
    %dma_wait3A_86 = arith.constant 0 : i32
    %dma_wait3A_87 = tpu.memref_slice %arg10[%mul3A_80, %dma_wait3A_86] : memref<10112x128xf32, #tpu.memory_space<vmem_shared>> -> memref<120x128xf32, #tpu.memory_space<vmem_shared>>
    %dma_wait3A_88 = arith.constant 0 : i32
    %dma_wait3A_89 = arith.constant 0 : i32
    %dma_wait3A_90 = tpu.memref_slice %arg8[%dma_wait3A_88, %dma_wait3A_89] : memref<128x128xf32, #tpu.memory_space<vmem>> -> memref<120x128xf32, #tpu.memory_space<vmem>>
    tpu.wait_dma2 semaphore(%arg13 : memref<!tpu.dma_semaphore, #tpu.memory_space<semaphore_mem>>) src(%dma_wait3A_90 : memref<120x128xf32, #tpu.memory_space<vmem>>) dst(%dma_wait3A_87 : memref<120x128xf32, #tpu.memory_space<vmem_shared>>)
    %mul3A_91 = arith.constant 10112 : i32
    %mul3A_92 = arith.muli %add3A, %mul3A_91 : i32
    %dma_wait3A_93 = tpu.memref_slice %arg3[%mul3A_92] : memref<323584xi32, #tpu.memory_space<hbm>> -> memref<10112xi32, #tpu.memory_space<hbm>>
    %dma_wait3A_94 = tpu.memref_slice %arg3[%mul3A_92] : memref<323584xi32, #tpu.memory_space<hbm>> -> memref<10112xi32, #tpu.memory_space<hbm>>
    tpu.wait_dma2 semaphore(%arg12 : memref<!tpu.dma_semaphore, #tpu.memory_space<semaphore_mem>>) src(%dma_wait3A_94 : memref<10112xi32, #tpu.memory_space<hbm>>) dst(%arg5 : memref<10112xi32, #tpu.memory_space<vmem>>)
    %barrier3A = arith.constant 0 : index
    tpu.barrier barrier_id(%barrier3A)
    %get3A = arith.constant 0 : index
    %get3A_95 = tpu.vector_load %arg5[%get3A] {strides = array<i32>} : memref<10112xi32, #tpu.memory_space<vmem>>, vector<16xi32>,
    %get3A_96 = vector.shape_cast %get3A_95 : vector<16xi32> to vector<16xi32>
    %broadcast_in_dim3A = arith.constant 16383 : i32
    %broadcast_in_dim3A_97 = vector.broadcast %broadcast_in_dim3A : i32 to vector<16xi32>
    %and3A = arith.andi %get3A_96, %broadcast_in_dim3A_97 : vector<16xi32>
    %swap3A = arith.constant 0 : i32
    %swap3A_98 = arith.index_cast %swap3A : i32 to index
    %swap3A_99 = arith.constant 0 : index
    %swap3A_100 = tpu.vector_load %arg6[%swap3A_98, %swap3A_99] {strides = array<i32>} : memref<2x128xi32, #tpu.memory_space<vmem>>, vector<1x16xi32>,
    %swap3A_101 = vector.shape_cast %swap3A_100 : vector<1x16xi32> to vector<16xi32>
    %swap3A_102 = vector.shape_cast %and3A : vector<16xi32> to vector<1x16xi32>
    tpu.vector_store %arg6[%swap3A_98, %swap3A_99], %swap3A_102 {strides = array<i32>} : memref<2x128xi32, #tpu.memory_space<vmem>>, vector<1x16xi32>,
    %shift_right_logical3A = arith.constant 14 : i32
    %shift_right_logical3A_103 = vector.broadcast %shift_right_logical3A : i32 to vector<16xi32>
    %shift_right_logical3A_104 = arith.shrui %get3A_96, %shift_right_logical3A_103 : vector<16xi32>
    %swap3A_105 = arith.constant 0 : i32
    %swap3A_106 = arith.index_cast %swap3A_105 : i32 to index
    %swap3A_107 = arith.constant 0 : index
    %swap3A_108 = tpu.vector_load %arg7[%swap3A_106, %swap3A_107] {strides = array<i32>} : memref<2x128xi32, #tpu.memory_space<vmem>>, vector<1x16xi32>,
    %swap3A_109 = vector.shape_cast %swap3A_108 : vector<1x16xi32> to vector<16xi32>
    %swap3A_110 = vector.shape_cast %shift_right_logical3A_104 : vector<16xi32> to vector<1x16xi32>
    tpu.vector_store %arg7[%swap3A_106, %swap3A_107], %swap3A_110 {strides = array<i32>} : memref<2x128xi32, #tpu.memory_space<vmem>>, vector<1x16xi32>,
    %get3A_111 = arith.constant 16 : index
    %get3A_112 = tpu.vector_load %arg5[%get3A_111] {strides = array<i32>} : memref<10112xi32, #tpu.memory_space<vmem>>, vector<16xi32>,
    %get3A_113 = vector.shape_cast %get3A_112 : vector<16xi32> to vector<16xi32>
    %broadcast_in_dim3A_114 = arith.constant 16383 : i32
    %broadcast_in_dim3A_115 = vector.broadcast %broadcast_in_dim3A_114 : i32 to vector<16xi32>
    %and3A_116 = arith.andi %get3A_113, %broadcast_in_dim3A_115 : vector<16xi32>
    %swap3A_117 = arith.constant 0 : i32
    %swap3A_118 = arith.index_cast %swap3A_117 : i32 to index
    %swap3A_119 = arith.constant 16 : index
    %swap3A_120 = tpu.vector_load %arg6[%swap3A_118, %swap3A_119] {strides = array<i32>} : memref<2x128xi32, #tpu.memory_space<vmem>>, vector<1x16xi32>,
    %swap3A_121 = vector.shape_cast %swap3A_120 : vector<1x16xi32> to vector<16xi32>
    %swap3A_122 = vector.shape_cast %and3A_116 : vector<16xi32> to vector<1x16xi32>
    tpu.vector_store %arg6[%swap3A_118, %swap3A_119], %swap3A_122 {strides = array<i32>} : memref<2x128xi32, #tpu.memory_space<vmem>>, vector<1x16xi32>,
    %shift_right_logical3A_123 = arith.constant 14 : i32
    %shift_right_logical3A_124 = vector.broadcast %shift_right_logical3A_123 : i32 to vector<16xi32>
    %shift_right_logical3A_125 = arith.shrui %get3A_113, %shift_right_logical3A_124 : vector<16xi32>
    %swap3A_126 = arith.constant 0 : i32
    %swap3A_127 = arith.index_cast %swap3A_126 : i32 to index
    %swap3A_128 = arith.constant 16 : index
    %swap3A_129 = tpu.vector_load %arg7[%swap3A_127, %swap3A_128] {strides = array<i32>} : memref<2x128xi32, #tpu.memory_space<vmem>>, vector<1x16xi32>,
    %swap3A_130 = vector.shape_cast %swap3A_129 : vector<1x16xi32> to vector<16xi32>
    %swap3A_131 = vector.shape_cast %shift_right_logical3A_125 : vector<16xi32> to vector<1x16xi32>
    tpu.vector_store %arg7[%swap3A_127, %swap3A_128], %swap3A_131 {strides = array<i32>} : memref<2x128xi32, #tpu.memory_space<vmem>>, vector<1x16xi32>,
    %get3A_132 = arith.constant 32 : index
    %get3A_133 = tpu.vector_load %arg5[%get3A_132] {strides = array<i32>} : memref<10112xi32, #tpu.memory_space<vmem>>, vector<16xi32>,
    %get3A_134 = vector.shape_cast %get3A_133 : vector<16xi32> to vector<16xi32>
    %broadcast_in_dim3A_135 = arith.constant 16383 : i32
    %broadcast_in_dim3A_136 = vector.broadcast %broadcast_in_dim3A_135 : i32 to vector<16xi32>
    %and3A_137 = arith.andi %get3A_134, %broadcast_in_dim3A_136 : vector<16xi32>
    %swap3A_138 = arith.constant 0 : i32
    %swap3A_139 = arith.index_cast %swap3A_138 : i32 to index
    %swap3A_140 = arith.constant 32 : index
    %swap3A_141 = tpu.vector_load %arg6[%swap3A_139, %swap3A_140] {strides = array<i32>} : memref<2x128xi32, #tpu.memory_space<vmem>>, vector<1x16xi32>,
    %swap3A_142 = vector.shape_cast %swap3A_141 : vector<1x16xi32> to vector<16xi32>
    %swap3A_143 = vector.shape_cast %and3A_137 : vector<16xi32> to vector<1x16xi32>
    tpu.vector_store %arg6[%swap3A_139, %swap3A_140], %swap3A_143 {strides = array<i32>} : memref<2x128xi32, #tpu.memory_space<vmem>>, vector<1x16xi32>,
    %shift_right_logical3A_144 = arith.constant 14 : i32
    %shift_right_logical3A_145 = vector.broadcast %shift_right_logical3A_144 : i32 to vector<16xi32>
    %shift_right_logical3A_146 = arith.shrui %get3A_134, %shift_right_logical3A_145 : vector<16xi32>
    %swap3A_147 = arith.constant 0 : i32
    %swap3A_148 = arith.index_cast %swap3A_147 : i32 to index
    %swap3A_149 = arith.constant 32 : index
    %swap3A_150 = tpu.vector_load %arg7[%swap3A_148, %swap3A_149] {strides = array<i32>} : memref<2x128xi32, #tpu.memory_space<vmem>>, vector<1x16xi32>,
    %swap3A_151 = vector.shape_cast %swap3A_150 : vector<1x16xi32> to vector<16xi32>
    %swap3A_152 = vector.shape_cast %shift_right_logical3A_146 : vector<16xi32> to vector<1x16xi32>
    tpu.vector_store %arg7[%swap3A_148, %swap3A_149], %swap3A_152 {strides = array<i32>} : memref<2x128xi32, #tpu.memory_space<vmem>>, vector<1x16xi32>,
    %get3A_153 = arith.constant 48 : index
    %get3A_154 = tpu.vector_load %arg5[%get3A_153] {strides = array<i32>} : memref<10112xi32, #tpu.memory_space<vmem>>, vector<16xi32>,
    %get3A_155 = vector.shape_cast %get3A_154 : vector<16xi32> to vector<16xi32>
    %broadcast_in_dim3A_156 = arith.constant 16383 : i32
    %broadcast_in_dim3A_157 = vector.broadcast %broadcast_in_dim3A_156 : i32 to vector<16xi32>
    %and3A_158 = arith.andi %get3A_155, %broadcast_in_dim3A_157 : vector<16xi32>
    %swap3A_159 = arith.constant 0 : i32
    %swap3A_160 = arith.index_cast %swap3A_159 : i32 to index
    %swap3A_161 = arith.constant 48 : index
    %swap3A_162 = tpu.vector_load %arg6[%swap3A_160, %swap3A_161] {strides = array<i32>} : memref<2x128xi32, #tpu.memory_space<vmem>>, vector<1x16xi32>,
    %swap3A_163 = vector.shape_cast %swap3A_162 : vector<1x16xi32> to vector<16xi32>
    %swap3A_164 = vector.shape_cast %and3A_158 : vector<16xi32> to vector<1x16xi32>
    tpu.vector_store %arg6[%swap3A_160, %swap3A_161], %swap3A_164 {strides = array<i32>} : memref<2x128xi32, #tpu.memory_space<vmem>>, vector<1x16xi32>,
    %shift_right_logical3A_165 = arith.constant 14 : i32
    %shift_right_logical3A_166 = vector.broadcast %shift_right_logical3A_165 : i32 to vector<16xi32>
    %shift_right_logical3A_167 = arith.shrui %get3A_155, %shift_right_logical3A_166 : vector<16xi32>
    %swap3A_168 = arith.constant 0 : i32
    %swap3A_169 = arith.index_cast %swap3A_168 : i32 to index
    %swap3A_170 = arith.constant 48 : index
    %swap3A_171 = tpu.vector_load %arg7[%swap3A_169, %swap3A_170] {strides = array<i32>} : memref<2x128xi32, #tpu.memory_space<vmem>>, vector<1x16xi32>,
    %swap3A_172 = vector.shape_cast %swap3A_171 : vector<1x16xi32> to vector<16xi32>
    %swap3A_173 = vector.shape_cast %shift_right_logical3A_167 : vector<16xi32> to vector<1x16xi32>
    tpu.vector_store %arg7[%swap3A_169, %swap3A_170], %swap3A_173 {strides = array<i32>} : memref<2x128xi32, #tpu.memory_space<vmem>>, vector<1x16xi32>,
    %get3A_174 = arith.constant 64 : index
    %get3A_175 = tpu.vector_load %arg5[%get3A_174] {strides = array<i32>} : memref<10112xi32, #tpu.memory_space<vmem>>, vector<16xi32>,
    %get3A_176 = vector.shape_cast %get3A_175 : vector<16xi32> to vector<16xi32>
    %broadcast_in_dim3A_177 = arith.constant 16383 : i32
    %broadcast_in_dim3A_178 = vector.broadcast %broadcast_in_dim3A_177 : i32 to vector<16xi32>
    %and3A_179 = arith.andi %get3A_176, %broadcast_in_dim3A_178 : vector<16xi32>
    %swap3A_180 = arith.constant 0 : i32
    %swap3A_181 = arith.index_cast %swap3A_180 : i32 to index
    %swap3A_182 = arith.constant 64 : index
    %swap3A_183 = tpu.vector_load %arg6[%swap3A_181, %swap3A_182] {strides = array<i32>} : memref<2x128xi32, #tpu.memory_space<vmem>>, vector<1x16xi32>,
    %swap3A_184 = vector.shape_cast %swap3A_183 : vector<1x16xi32> to vector<16xi32>
    %swap3A_185 = vector.shape_cast %and3A_179 : vector<16xi32> to vector<1x16xi32>
    tpu.vector_store %arg6[%swap3A_181, %swap3A_182], %swap3A_185 {strides = array<i32>} : memref<2x128xi32, #tpu.memory_space<vmem>>, vector<1x16xi32>,
    %shift_right_logical3A_186 = arith.constant 14 : i32
    %shift_right_logical3A_187 = vector.broadcast %shift_right_logical3A_186 : i32 to vector<16xi32>
    %shift_right_logical3A_188 = arith.shrui %get3A_176, %shift_right_logical3A_187 : vector<16xi32>
    %swap3A_189 = arith.constant 0 : i32
    %swap3A_190 = arith.index_cast %swap3A_189 : i32 to index
    %swap3A_191 = arith.constant 64 : index
    %swap3A_192 = tpu.vector_load %arg7[%swap3A_190, %swap3A_191] {strides = array<i32>} : memref<2x128xi32, #tpu.memory_space<vmem>>, vector<1x16xi32>,
    %swap3A_193 = vector.shape_cast %swap3A_192 : vector<1x16xi32> to vector<16xi32>
    %swap3A_194 = vector.shape_cast %shift_right_logical3A_188 : vector<16xi32> to vector<1x16xi32>
    tpu.vector_store %arg7[%swap3A_190, %swap3A_191], %swap3A_194 {strides = array<i32>} : memref<2x128xi32, #tpu.memory_space<vmem>>, vector<1x16xi32>,
    %get3A_195 = arith.constant 80 : index
    %get3A_196 = tpu.vector_load %arg5[%get3A_195] {strides = array<i32>} : memref<10112xi32, #tpu.memory_space<vmem>>, vector<16xi32>,
    %get3A_197 = vector.shape_cast %get3A_196 : vector<16xi32> to vector<16xi32>
    %broadcast_in_dim3A_198 = arith.constant 16383 : i32
    %broadcast_in_dim3A_199 = vector.broadcast %broadcast_in_dim3A_198 : i32 to vector<16xi32>
    %and3A_200 = arith.andi %get3A_197, %broadcast_in_dim3A_199 : vector<16xi32>
    %swap3A_201 = arith.constant 0 : i32
    %swap3A_202 = arith.index_cast %swap3A_201 : i32 to index
    %swap3A_203 = arith.constant 80 : index
    %swap3A_204 = tpu.vector_load %arg6[%swap3A_202, %swap3A_203] {strides = array<i32>} : memref<2x128xi32, #tpu.memory_space<vmem>>, vector<1x16xi32>,
    %swap3A_205 = vector.shape_cast %swap3A_204 : vector<1x16xi32> to vector<16xi32>
    %swap3A_206 = vector.shape_cast %and3A_200 : vector<16xi32> to vector<1x16xi32>
    tpu.vector_store %arg6[%swap3A_202, %swap3A_203], %swap3A_206 {strides = array<i32>} : memref<2x128xi32, #tpu.memory_space<vmem>>, vector<1x16xi32>,
    %shift_right_logical3A_207 = arith.constant 14 : i32
    %shift_right_logical3A_208 = vector.broadcast %shift_right_logical3A_207 : i32 to vector<16xi32>
    %shift_right_logical3A_209 = arith.shrui %get3A_197, %shift_right_logical3A_208 : vector<16xi32>
    %swap3A_210 = arith.constant 0 : i32
    %swap3A_211 = arith.index_cast %swap3A_210 : i32 to index
    %swap3A_212 = arith.constant 80 : index
    %swap3A_213 = tpu.vector_load %arg7[%swap3A_211, %swap3A_212] {strides = array<i32>} : memref<2x128xi32, #tpu.memory_space<vmem>>, vector<1x16xi32>,
    %swap3A_214 = vector.shape_cast %swap3A_213 : vector<1x16xi32> to vector<16xi32>
    %swap3A_215 = vector.shape_cast %shift_right_logical3A_209 : vector<16xi32> to vector<1x16xi32>
    tpu.vector_store %arg7[%swap3A_211, %swap3A_212], %swap3A_215 {strides = array<i32>} : memref<2x128xi32, #tpu.memory_space<vmem>>, vector<1x16xi32>,
    %get3A_216 = arith.constant 96 : index
    %get3A_217 = tpu.vector_load %arg5[%get3A_216] {strides = array<i32>} : memref<10112xi32, #tpu.memory_space<vmem>>, vector<16xi32>,
    %get3A_218 = vector.shape_cast %get3A_217 : vector<16xi32> to vector<16xi32>
    %broadcast_in_dim3A_219 = arith.constant 16383 : i32
    %broadcast_in_dim3A_220 = vector.broadcast %broadcast_in_dim3A_219 : i32 to vector<16xi32>
    %and3A_221 = arith.andi %get3A_218, %broadcast_in_dim3A_220 : vector<16xi32>
    %swap3A_222 = arith.constant 0 : i32
    %swap3A_223 = arith.index_cast %swap3A_222 : i32 to index
    %swap3A_224 = arith.constant 96 : index
    %swap3A_225 = tpu.vector_load %arg6[%swap3A_223, %swap3A_224] {strides = array<i32>} : memref<2x128xi32, #tpu.memory_space<vmem>>, vector<1x16xi32>,
    %swap3A_226 = vector.shape_cast %swap3A_225 : vector<1x16xi32> to vector<16xi32>
    %swap3A_227 = vector.shape_cast %and3A_221 : vector<16xi32> to vector<1x16xi32>
    tpu.vector_store %arg6[%swap3A_223, %swap3A_224], %swap3A_227 {strides = array<i32>} : memref<2x128xi32, #tpu.memory_space<vmem>>, vector<1x16xi32>,
    %shift_right_logical3A_228 = arith.constant 14 : i32
    %shift_right_logical3A_229 = vector.broadcast %shift_right_logical3A_228 : i32 to vector<16xi32>
    %shift_right_logical3A_230 = arith.shrui %get3A_218, %shift_right_logical3A_229 : vector<16xi32>
    %swap3A_231 = arith.constant 0 : i32
    %swap3A_232 = arith.index_cast %swap3A_231 : i32 to index
    %swap3A_233 = arith.constant 96 : index
    %swap3A_234 = tpu.vector_load %arg7[%swap3A_232, %swap3A_233] {strides = array<i32>} : memref<2x128xi32, #tpu.memory_space<vmem>>, vector<1x16xi32>,
    %swap3A_235 = vector.shape_cast %swap3A_234 : vector<1x16xi32> to vector<16xi32>
    %swap3A_236 = vector.shape_cast %shift_right_logical3A_230 : vector<16xi32> to vector<1x16xi32>
    tpu.vector_store %arg7[%swap3A_232, %swap3A_233], %swap3A_236 {strides = array<i32>} : memref<2x128xi32, #tpu.memory_space<vmem>>, vector<1x16xi32>,
    %get3A_237 = arith.constant 112 : index
    %get3A_238 = tpu.vector_load %arg5[%get3A_237] {strides = array<i32>} : memref<10112xi32, #tpu.memory_space<vmem>>, vector<16xi32>,
    %get3A_239 = vector.shape_cast %get3A_238 : vector<16xi32> to vector<16xi32>
    %broadcast_in_dim3A_240 = arith.constant 16383 : i32
    %broadcast_in_dim3A_241 = vector.broadcast %broadcast_in_dim3A_240 : i32 to vector<16xi32>
    %and3A_242 = arith.andi %get3A_239, %broadcast_in_dim3A_241 : vector<16xi32>
    %swap3A_243 = arith.constant 0 : i32
    %swap3A_244 = arith.index_cast %swap3A_243 : i32 to index
    %swap3A_245 = arith.constant 112 : index
    %swap3A_246 = tpu.vector_load %arg6[%swap3A_244, %swap3A_245] {strides = array<i32>} : memref<2x128xi32, #tpu.memory_space<vmem>>, vector<1x16xi32>,
    %swap3A_247 = vector.shape_cast %swap3A_246 : vector<1x16xi32> to vector<16xi32>
    %swap3A_248 = vector.shape_cast %and3A_242 : vector<16xi32> to vector<1x16xi32>
    tpu.vector_store %arg6[%swap3A_244, %swap3A_245], %swap3A_248 {strides = array<i32>} : memref<2x128xi32, #tpu.memory_space<vmem>>, vector<1x16xi32>,
    %shift_right_logical3A_249 = arith.constant 14 : i32
    %shift_right_logical3A_250 = vector.broadcast %shift_right_logical3A_249 : i32 to vector<16xi32>
    %shift_right_logical3A_251 = arith.shrui %get3A_239, %shift_right_logical3A_250 : vector<16xi32>
    %swap3A_252 = arith.constant 0 : i32
    %swap3A_253 = arith.index_cast %swap3A_252 : i32 to index
    %swap3A_254 = arith.constant 112 : index
    %swap3A_255 = tpu.vector_load %arg7[%swap3A_253, %swap3A_254] {strides = array<i32>} : memref<2x128xi32, #tpu.memory_space<vmem>>, vector<1x16xi32>,
    %swap3A_256 = vector.shape_cast %swap3A_255 : vector<1x16xi32> to vector<16xi32>
    %swap3A_257 = vector.shape_cast %shift_right_logical3A_251 : vector<16xi32> to vector<1x16xi32>
    tpu.vector_store %arg7[%swap3A_253, %swap3A_254], %swap3A_257 {strides = array<i32>} : memref<2x128xi32, #tpu.memory_space<vmem>>, vector<1x16xi32>,
    %dma_start3A_258 = arith.constant 0 : i32
    %dma_start3A_259 = arith.constant 0 : i32
    %dma_start3A_260 = tpu.memref_slice %arg6[%dma_start3A_258, %dma_start3A_259] : memref<2x128xi32, #tpu.memory_space<vmem>> -> memref<1x128xi32, #tpu.memory_space<vmem>>
    %dma_start3A_261 = tpu.memref_squeeze %dma_start3A_260 : memref<1x128xi32, #tpu.memory_space<vmem>> -> memref<128xi32, #tpu.memory_space<vmem>>
    %dma_start3A_262 = arith.constant 0 : i32
    %dma_start3A_263 = arith.constant 0 : i32
    %dma_start3A_264 = tpu.memref_slice %arg2[%dma_start3A_262, %dma_start3A_263] : memref<10112x128xf32, #tpu.memory_space<hbm>> -> memref<10112x128xf32, #tpu.memory_space<hbm>>
    tpu.enqueue_indirect_dma source(%dma_start3A_264 : memref<10112x128xf32, #tpu.memory_space<hbm>>) target(%arg8 : memref<128x128xf32, #tpu.memory_space<vmem>>) offsets(%dma_start3A_261 : memref<128xi32, #tpu.memory_space<vmem>>) semaphore(%arg11 : memref<!tpu.dma_semaphore, #tpu.memory_space<semaphore_mem>>)
    %get3A_265 = arith.constant 128 : index
    %get3A_266 = tpu.vector_load %arg5[%get3A_265] {strides = array<i32>} : memref<10112xi32, #tpu.memory_space<vmem>>, vector<16xi32>,
    %get3A_267 = vector.shape_cast %get3A_266 : vector<16xi32> to vector<16xi32>
    %broadcast_in_dim3A_268 = arith.constant 16383 : i32
    %broadcast_in_dim3A_269 = vector.broadcast %broadcast_in_dim3A_268 : i32 to vector<16xi32>
    %and3A_270 = arith.andi %get3A_267, %broadcast_in_dim3A_269 : vector<16xi32>
    %swap3A_271 = arith.constant 1 : i32
    %swap3A_272 = arith.index_cast %swap3A_271 : i32 to index
    %swap3A_273 = arith.constant 0 : index
    %swap3A_274 = tpu.vector_load %arg6[%swap3A_272, %swap3A_273] {strides = array<i32>} : memref<2x128xi32, #tpu.memory_space<vmem>>, vector<1x16xi32>,
    %swap3A_275 = vector.shape_cast %swap3A_274 : vector<1x16xi32> to vector<16xi32>
    %swap3A_276 = vector.shape_cast %and3A_270 : vector<16xi32> to vector<1x16xi32>
    tpu.vector_store %arg6[%swap3A_272, %swap3A_273], %swap3A_276 {strides = array<i32>} : memref<2x128xi32, #tpu.memory_space<vmem>>, vector<1x16xi32>,
    %shift_right_logical3A_277 = arith.constant 14 : i32
    %shift_right_logical3A_278 = vector.broadcast %shift_right_logical3A_277 : i32 to vector<16xi32>
    %shift_right_logical3A_279 = arith.shrui %get3A_267, %shift_right_logical3A_278 : vector<16xi32>
    %swap3A_280 = arith.constant 1 : i32
    %swap3A_281 = arith.index_cast %swap3A_280 : i32 to index
    %swap3A_282 = arith.constant 0 : index
    %swap3A_283 = tpu.vector_load %arg7[%swap3A_281, %swap3A_282] {strides = array<i32>} : memref<2x128xi32, #tpu.memory_space<vmem>>, vector<1x16xi32>,
    %swap3A_284 = vector.shape_cast %swap3A_283 : vector<1x16xi32> to vector<16xi32>
    %swap3A_285 = vector.shape_cast %shift_right_logical3A_279 : vector<16xi32> to vector<1x16xi32>
    tpu.vector_store %arg7[%swap3A_281, %swap3A_282], %swap3A_285 {strides = array<i32>} : memref<2x128xi32, #tpu.memory_space<vmem>>, vector<1x16xi32>,
    %get3A_286 = arith.constant 144 : index
    %get3A_287 = tpu.vector_load %arg5[%get3A_286] {strides = array<i32>} : memref<10112xi32, #tpu.memory_space<vmem>>, vector<16xi32>,
    %get3A_288 = vector.shape_cast %get3A_287 : vector<16xi32> to vector<16xi32>
    %broadcast_in_dim3A_289 = arith.constant 16383 : i32
    %broadcast_in_dim3A_290 = vector.broadcast %broadcast_in_dim3A_289 : i32 to vector<16xi32>
    %and3A_291 = arith.andi %get3A_288, %broadcast_in_dim3A_290 : vector<16xi32>
    %swap3A_292 = arith.constant 1 : i32
    %swap3A_293 = arith.index_cast %swap3A_292 : i32 to index
    %swap3A_294 = arith.constant 16 : index
    %swap3A_295 = tpu.vector_load %arg6[%swap3A_293, %swap3A_294] {strides = array<i32>} : memref<2x128xi32, #tpu.memory_space<vmem>>, vector<1x16xi32>,
    %swap3A_296 = vector.shape_cast %swap3A_295 : vector<1x16xi32> to vector<16xi32>
    %swap3A_297 = vector.shape_cast %and3A_291 : vector<16xi32> to vector<1x16xi32>
    tpu.vector_store %arg6[%swap3A_293, %swap3A_294], %swap3A_297 {strides = array<i32>} : memref<2x128xi32, #tpu.memory_space<vmem>>, vector<1x16xi32>,
    %shift_right_logical3A_298 = arith.constant 14 : i32
    %shift_right_logical3A_299 = vector.broadcast %shift_right_logical3A_298 : i32 to vector<16xi32>
    %shift_right_logical3A_300 = arith.shrui %get3A_288, %shift_right_logical3A_299 : vector<16xi32>
    %swap3A_301 = arith.constant 1 : i32
    %swap3A_302 = arith.index_cast %swap3A_301 : i32 to index
    %swap3A_303 = arith.constant 16 : index
    %swap3A_304 = tpu.vector_load %arg7[%swap3A_302, %swap3A_303] {strides = array<i32>} : memref<2x128xi32, #tpu.memory_space<vmem>>, vector<1x16xi32>,
    %swap3A_305 = vector.shape_cast %swap3A_304 : vector<1x16xi32> to vector<16xi32>
    %swap3A_306 = vector.shape_cast %shift_right_logical3A_300 : vector<16xi32> to vector<1x16xi32>
    tpu.vector_store %arg7[%swap3A_302, %swap3A_303], %swap3A_306 {strides = array<i32>} : memref<2x128xi32, #tpu.memory_space<vmem>>, vector<1x16xi32>,
    %get3A_307 = arith.constant 160 : index
    %get3A_308 = tpu.vector_load %arg5[%get3A_307] {strides = array<i32>} : memref<10112xi32, #tpu.memory_space<vmem>>, vector<16xi32>,
    %get3A_309 = vector.shape_cast %get3A_308 : vector<16xi32> to vector<16xi32>
    %broadcast_in_dim3A_310 = arith.constant 16383 : i32
    %broadcast_in_dim3A_311 = vector.broadcast %broadcast_in_dim3A_310 : i32 to vector<16xi32>
    %and3A_312 = arith.andi %get3A_309, %broadcast_in_dim3A_311 : vector<16xi32>
    %swap3A_313 = arith.constant 1 : i32
    %swap3A_314 = arith.index_cast %swap3A_313 : i32 to index
    %swap3A_315 = arith.constant 32 : index
    %swap3A_316 = tpu.vector_load %arg6[%swap3A_314, %swap3A_315] {strides = array<i32>} : memref<2x128xi32, #tpu.memory_space<vmem>>, vector<1x16xi32>,
    %swap3A_317 = vector.shape_cast %swap3A_316 : vector<1x16xi32> to vector<16xi32>
    %swap3A_318 = vector.shape_cast %and3A_312 : vector<16xi32> to vector<1x16xi32>
    tpu.vector_store %arg6[%swap3A_314, %swap3A_315], %swap3A_318 {strides = array<i32>} : memref<2x128xi32, #tpu.memory_space<vmem>>, vector<1x16xi32>,
    %shift_right_logical3A_319 = arith.constant 14 : i32
    %shift_right_logical3A_320 = vector.broadcast %shift_right_logical3A_319 : i32 to vector<16xi32>
    %shift_right_logical3A_321 = arith.shrui %get3A_309, %shift_right_logical3A_320 : vector<16xi32>
    %swap3A_322 = arith.constant 1 : i32
    %swap3A_323 = arith.index_cast %swap3A_322 : i32 to index
    %swap3A_324 = arith.constant 32 : index
    %swap3A_325 = tpu.vector_load %arg7[%swap3A_323, %swap3A_324] {strides = array<i32>} : memref<2x128xi32, #tpu.memory_space<vmem>>, vector<1x16xi32>,
    %swap3A_326 = vector.shape_cast %swap3A_325 : vector<1x16xi32> to vector<16xi32>
    %swap3A_327 = vector.shape_cast %shift_right_logical3A_321 : vector<16xi32> to vector<1x16xi32>
    tpu.vector_store %arg7[%swap3A_323, %swap3A_324], %swap3A_327 {strides = array<i32>} : memref<2x128xi32, #tpu.memory_space<vmem>>, vector<1x16xi32>,
    %get3A_328 = arith.constant 176 : index
    %get3A_329 = tpu.vector_load %arg5[%get3A_328] {strides = array<i32>} : memref<10112xi32, #tpu.memory_space<vmem>>, vector<16xi32>,
    %get3A_330 = vector.shape_cast %get3A_329 : vector<16xi32> to vector<16xi32>
    %broadcast_in_dim3A_331 = arith.constant 16383 : i32
    %broadcast_in_dim3A_332 = vector.broadcast %broadcast_in_dim3A_331 : i32 to vector<16xi32>
    %and3A_333 = arith.andi %get3A_330, %broadcast_in_dim3A_332 : vector<16xi32>
    %swap3A_334 = arith.constant 1 : i32
    %swap3A_335 = arith.index_cast %swap3A_334 : i32 to index
    %swap3A_336 = arith.constant 48 : index
    %swap3A_337 = tpu.vector_load %arg6[%swap3A_335, %swap3A_336] {strides = array<i32>} : memref<2x128xi32, #tpu.memory_space<vmem>>, vector<1x16xi32>,
    %swap3A_338 = vector.shape_cast %swap3A_337 : vector<1x16xi32> to vector<16xi32>
    %swap3A_339 = vector.shape_cast %and3A_333 : vector<16xi32> to vector<1x16xi32>
    tpu.vector_store %arg6[%swap3A_335, %swap3A_336], %swap3A_339 {strides = array<i32>} : memref<2x128xi32, #tpu.memory_space<vmem>>, vector<1x16xi32>,
    %shift_right_logical3A_340 = arith.constant 14 : i32
    %shift_right_logical3A_341 = vector.broadcast %shift_right_logical3A_340 : i32 to vector<16xi32>
    %shift_right_logical3A_342 = arith.shrui %get3A_330, %shift_right_logical3A_341 : vector<16xi32>
    %swap3A_343 = arith.constant 1 : i32
    %swap3A_344 = arith.index_cast %swap3A_343 : i32 to index
    %swap3A_345 = arith.constant 48 : index
    %swap3A_346 = tpu.vector_load %arg7[%swap3A_344, %swap3A_345] {strides = array<i32>} : memref<2x128xi32, #tpu.memory_space<vmem>>, vector<1x16xi32>,
    %swap3A_347 = vector.shape_cast %swap3A_346 : vector<1x16xi32> to vector<16xi32>
    %swap3A_348 = vector.shape_cast %shift_right_logical3A_342 : vector<16xi32> to vector<1x16xi32>
    tpu.vector_store %arg7[%swap3A_344, %swap3A_345], %swap3A_348 {strides = array<i32>} : memref<2x128xi32, #tpu.memory_space<vmem>>, vector<1x16xi32>,
    %get3A_349 = arith.constant 192 : index
    %get3A_350 = tpu.vector_load %arg5[%get3A_349] {strides = array<i32>} : memref<10112xi32, #tpu.memory_space<vmem>>, vector<16xi32>,
    %get3A_351 = vector.shape_cast %get3A_350 : vector<16xi32> to vector<16xi32>
    %broadcast_in_dim3A_352 = arith.constant 16383 : i32
    %broadcast_in_dim3A_353 = vector.broadcast %broadcast_in_dim3A_352 : i32 to vector<16xi32>
    %and3A_354 = arith.andi %get3A_351, %broadcast_in_dim3A_353 : vector<16xi32>
    %swap3A_355 = arith.constant 1 : i32
    %swap3A_356 = arith.index_cast %swap3A_355 : i32 to index
    %swap3A_357 = arith.constant 64 : index
    %swap3A_358 = tpu.vector_load %arg6[%swap3A_356, %swap3A_357] {strides = array<i32>} : memref<2x128xi32, #tpu.memory_space<vmem>>, vector<1x16xi32>,
    %swap3A_359 = vector.shape_cast %swap3A_358 : vector<1x16xi32> to vector<16xi32>
    %swap3A_360 = vector.shape_cast %and3A_354 : vector<16xi32> to vector<1x16xi32>
    tpu.vector_store %arg6[%swap3A_356, %swap3A_357], %swap3A_360 {strides = array<i32>} : memref<2x128xi32, #tpu.memory_space<vmem>>, vector<1x16xi32>,
    %shift_right_logical3A_361 = arith.constant 14 : i32
    %shift_right_logical3A_362 = vector.broadcast %shift_right_logical3A_361 : i32 to vector<16xi32>
    %shift_right_logical3A_363 = arith.shrui %get3A_351, %shift_right_logical3A_362 : vector<16xi32>
    %swap3A_364 = arith.constant 1 : i32
    %swap3A_365 = arith.index_cast %swap3A_364 : i32 to index
    %swap3A_366 = arith.constant 64 : index
    %swap3A_367 = tpu.vector_load %arg7[%swap3A_365, %swap3A_366] {strides = array<i32>} : memref<2x128xi32, #tpu.memory_space<vmem>>, vector<1x16xi32>,
    %swap3A_368 = vector.shape_cast %swap3A_367 : vector<1x16xi32> to vector<16xi32>
    %swap3A_369 = vector.shape_cast %shift_right_logical3A_363 : vector<16xi32> to vector<1x16xi32>
    tpu.vector_store %arg7[%swap3A_365, %swap3A_366], %swap3A_369 {strides = array<i32>} : memref<2x128xi32, #tpu.memory_space<vmem>>, vector<1x16xi32>,
    %get3A_370 = arith.constant 208 : index
    %get3A_371 = tpu.vector_load %arg5[%get3A_370] {strides = array<i32>} : memref<10112xi32, #tpu.memory_space<vmem>>, vector<16xi32>,
    %get3A_372 = vector.shape_cast %get3A_371 : vector<16xi32> to vector<16xi32>
    %broadcast_in_dim3A_373 = arith.constant 16383 : i32
    %broadcast_in_dim3A_374 = vector.broadcast %broadcast_in_dim3A_373 : i32 to vector<16xi32>
    %and3A_375 = arith.andi %get3A_372, %broadcast_in_dim3A_374 : vector<16xi32>
    %swap3A_376 = arith.constant 1 : i32
    %swap3A_377 = arith.index_cast %swap3A_376 : i32 to index
    %swap3A_378 = arith.constant 80 : index
    %swap3A_379 = tpu.vector_load %arg6[%swap3A_377, %swap3A_378] {strides = array<i32>} : memref<2x128xi32, #tpu.memory_space<vmem>>, vector<1x16xi32>,
    %swap3A_380 = vector.shape_cast %swap3A_379 : vector<1x16xi32> to vector<16xi32>
    %swap3A_381 = vector.shape_cast %and3A_375 : vector<16xi32> to vector<1x16xi32>
    tpu.vector_store %arg6[%swap3A_377, %swap3A_378], %swap3A_381 {strides = array<i32>} : memref<2x128xi32, #tpu.memory_space<vmem>>, vector<1x16xi32>,
    %shift_right_logical3A_382 = arith.constant 14 : i32
    %shift_right_logical3A_383 = vector.broadcast %shift_right_logical3A_382 : i32 to vector<16xi32>
    %shift_right_logical3A_384 = arith.shrui %get3A_372, %shift_right_logical3A_383 : vector<16xi32>
    %swap3A_385 = arith.constant 1 : i32
    %swap3A_386 = arith.index_cast %swap3A_385 : i32 to index
    %swap3A_387 = arith.constant 80 : index
    %swap3A_388 = tpu.vector_load %arg7[%swap3A_386, %swap3A_387] {strides = array<i32>} : memref<2x128xi32, #tpu.memory_space<vmem>>, vector<1x16xi32>,
    %swap3A_389 = vector.shape_cast %swap3A_388 : vector<1x16xi32> to vector<16xi32>
    %swap3A_390 = vector.shape_cast %shift_right_logical3A_384 : vector<16xi32> to vector<1x16xi32>
    tpu.vector_store %arg7[%swap3A_386, %swap3A_387], %swap3A_390 {strides = array<i32>} : memref<2x128xi32, #tpu.memory_space<vmem>>, vector<1x16xi32>,
    %get3A_391 = arith.constant 224 : index
    %get3A_392 = tpu.vector_load %arg5[%get3A_391] {strides = array<i32>} : memref<10112xi32, #tpu.memory_space<vmem>>, vector<16xi32>,
    %get3A_393 = vector.shape_cast %get3A_392 : vector<16xi32> to vector<16xi32>
    %broadcast_in_dim3A_394 = arith.constant 16383 : i32
    %broadcast_in_dim3A_395 = vector.broadcast %broadcast_in_dim3A_394 : i32 to vector<16xi32>
    %and3A_396 = arith.andi %get3A_393, %broadcast_in_dim3A_395 : vector<16xi32>
    %swap3A_397 = arith.constant 1 : i32
    %swap3A_398 = arith.index_cast %swap3A_397 : i32 to index
    %swap3A_399 = arith.constant 96 : index
    %swap3A_400 = tpu.vector_load %arg6[%swap3A_398, %swap3A_399] {strides = array<i32>} : memref<2x128xi32, #tpu.memory_space<vmem>>, vector<1x16xi32>,
    %swap3A_401 = vector.shape_cast %swap3A_400 : vector<1x16xi32> to vector<16xi32>
    %swap3A_402 = vector.shape_cast %and3A_396 : vector<16xi32> to vector<1x16xi32>
    tpu.vector_store %arg6[%swap3A_398, %swap3A_399], %swap3A_402 {strides = array<i32>} : memref<2x128xi32, #tpu.memory_space<vmem>>, vector<1x16xi32>,
    %shift_right_logical3A_403 = arith.constant 14 : i32
    %shift_right_logical3A_404 = vector.broadcast %shift_right_logical3A_403 : i32 to vector<16xi32>
    %shift_right_logical3A_405 = arith.shrui %get3A_393, %shift_right_logical3A_404 : vector<16xi32>
    %swap3A_406 = arith.constant 1 : i32
    %swap3A_407 = arith.index_cast %swap3A_406 : i32 to index
    %swap3A_408 = arith.constant 96 : index
    %swap3A_409 = tpu.vector_load %arg7[%swap3A_407, %swap3A_408] {strides = array<i32>} : memref<2x128xi32, #tpu.memory_space<vmem>>, vector<1x16xi32>,
    %swap3A_410 = vector.shape_cast %swap3A_409 : vector<1x16xi32> to vector<16xi32>
    %swap3A_411 = vector.shape_cast %shift_right_logical3A_405 : vector<16xi32> to vector<1x16xi32>
    tpu.vector_store %arg7[%swap3A_407, %swap3A_408], %swap3A_411 {strides = array<i32>} : memref<2x128xi32, #tpu.memory_space<vmem>>, vector<1x16xi32>,
    %get3A_412 = arith.constant 240 : index
    %get3A_413 = tpu.vector_load %arg5[%get3A_412] {strides = array<i32>} : memref<10112xi32, #tpu.memory_space<vmem>>, vector<16xi32>,
    %get3A_414 = vector.shape_cast %get3A_413 : vector<16xi32> to vector<16xi32>
    %broadcast_in_dim3A_415 = arith.constant 16383 : i32
    %broadcast_in_dim3A_416 = vector.broadcast %broadcast_in_dim3A_415 : i32 to vector<16xi32>
    %and3A_417 = arith.andi %get3A_414, %broadcast_in_dim3A_416 : vector<16xi32>
    %swap3A_418 = arith.constant 1 : i32
    %swap3A_419 = arith.index_cast %swap3A_418 : i32 to index
    %swap3A_420 = arith.constant 112 : index
    %swap3A_421 = tpu.vector_load %arg6[%swap3A_419, %swap3A_420] {strides = array<i32>} : memref<2x128xi32, #tpu.memory_space<vmem>>, vector<1x16xi32>,
    %swap3A_422 = vector.shape_cast %swap3A_421 : vector<1x16xi32> to vector<16xi32>
    %swap3A_423 = vector.shape_cast %and3A_417 : vector<16xi32> to vector<1x16xi32>
    tpu.vector_store %arg6[%swap3A_419, %swap3A_420], %swap3A_423 {strides = array<i32>} : memref<2x128xi32, #tpu.memory_space<vmem>>, vector<1x16xi32>,
    %shift_right_logical3A_424 = arith.constant 14 : i32
    %shift_right_logical3A_425 = vector.broadcast %shift_right_logical3A_424 : i32 to vector<16xi32>
    %shift_right_logical3A_426 = arith.shrui %get3A_414, %shift_right_logical3A_425 : vector<16xi32>
    %swap3A_427 = arith.constant 1 : i32
    %swap3A_428 = arith.index_cast %swap3A_427 : i32 to index
    %swap3A_429 = arith.constant 112 : index
    %swap3A_430 = tpu.vector_load %arg7[%swap3A_428, %swap3A_429] {strides = array<i32>} : memref<2x128xi32, #tpu.memory_space<vmem>>, vector<1x16xi32>,
    %swap3A_431 = vector.shape_cast %swap3A_430 : vector<1x16xi32> to vector<16xi32>
    %swap3A_432 = vector.shape_cast %shift_right_logical3A_426 : vector<16xi32> to vector<1x16xi32>
    tpu.vector_store %arg7[%swap3A_428, %swap3A_429], %swap3A_432 {strides = array<i32>} : memref<2x128xi32, #tpu.memory_space<vmem>>, vector<1x16xi32>,
    %dma_start3A_433 = arith.constant 1 : i32
    %dma_start3A_434 = arith.constant 0 : i32
    %dma_start3A_435 = tpu.memref_slice %arg6[%dma_start3A_433, %dma_start3A_434] : memref<2x128xi32, #tpu.memory_space<vmem>> -> memref<1x128xi32, #tpu.memory_space<vmem>>
    %dma_start3A_436 = tpu.memref_squeeze %dma_start3A_435 : memref<1x128xi32, #tpu.memory_space<vmem>> -> memref<128xi32, #tpu.memory_space<vmem>>
    %dma_start3A_437 = arith.constant 0 : i32
    %dma_start3A_438 = arith.constant 0 : i32
    %dma_start3A_439 = tpu.memref_slice %arg2[%dma_start3A_437, %dma_start3A_438] : memref<10112x128xf32, #tpu.memory_space<hbm>> -> memref<10112x128xf32, #tpu.memory_space<hbm>>
    tpu.enqueue_indirect_dma source(%dma_start3A_439 : memref<10112x128xf32, #tpu.memory_space<hbm>>) target(%arg9 : memref<128x128xf32, #tpu.memory_space<vmem>>) offsets(%dma_start3A_436 : memref<128xi32, #tpu.memory_space<vmem>>) semaphore(%arg12 : memref<!tpu.dma_semaphore, #tpu.memory_space<semaphore_mem>>)
    %scan3A_440 = arith.constant 0 : i32
    %scan3A_441 = arith.constant 0 : i32
    %scan3A_442 = arith.constant 38 : i32
    %scan3A_443 = arith.addi %scan3A_441, %scan3A_442 : i32
    %scan3A_444 = arith.constant 1 : i32
    %scan3A_445 = scf.for %scan3A_834 = %scan3A_441 to %scan3A_443 step %scan3A_444 iter_args(%scan3A_835 = %scan3A_440) -> (i32)  : i32 {
      %mul3A_836 = arith.constant 2 : i32
      %mul3A_837 = arith.muli %mul3A_836, %scan3A_834 : i32
      %dma_wait3A_838 = arith.constant 0 : i32
      %dma_wait3A_839 = arith.constant 0 : i32
      %dma_wait3A_840 = tpu.memref_slice %arg6[%dma_wait3A_838, %dma_wait3A_839] : memref<2x128xi32, #tpu.memory_space<vmem>> -> memref<1x128xi32, #tpu.memory_space<vmem>>
      %dma_wait3A_841 = tpu.memref_squeeze %dma_wait3A_840 : memref<1x128xi32, #tpu.memory_space<vmem>> -> memref<128xi32, #tpu.memory_space<vmem>>
      %dma_wait3A_842 = arith.constant 0 : i32
      %dma_wait3A_843 = arith.constant 0 : i32
      %dma_wait3A_844 = tpu.memref_slice %arg2[%dma_wait3A_842, %dma_wait3A_843] : memref<10112x128xf32, #tpu.memory_space<hbm>> -> memref<10112x128xf32, #tpu.memory_space<hbm>>
      tpu.wait_indirect_dma semaphore(%arg11 : memref<!tpu.dma_semaphore, #tpu.memory_space<semaphore_mem>>) src(%dma_wait3A_844 : memref<10112x128xf32, #tpu.memory_space<hbm>>) dst(%arg8 : memref<128x128xf32, #tpu.memory_space<vmem>>)
      %run_scoped3A_845 = arith.constant 0 : i32
      "tpu.region"() ({
        %run_scoped3A_1273 = tpu.sem_alloc : memref<!tpu.dma_semaphore, #tpu.memory_space<semaphore_mem>>
        %dma_start3A_1274 = arith.constant 0 : i32
        %dma_start3A_1275 = tpu.memref_slice %arg7[%run_scoped3A_845, %dma_start3A_1274] : memref<2x128xi32, #tpu.memory_space<vmem>> -> memref<1x128xi32, #tpu.memory_space<vmem>>
        %dma_start3A_1276 = tpu.memref_squeeze %dma_start3A_1275 : memref<1x128xi32, #tpu.memory_space<vmem>> -> memref<128xi32, #tpu.memory_space<vmem>>
        %dma_start3A_1277 = arith.constant 0 : i32
        %dma_start3A_1278 = arith.constant 0 : i32
        %dma_start3A_1279 = tpu.memref_slice %arg10[%dma_start3A_1277, %dma_start3A_1278] : memref<10112x128xf32, #tpu.memory_space<vmem_shared>> -> memref<10112x128xf32, #tpu.memory_space<vmem_shared>>
        tpu.enqueue_indirect_dma source(%arg8 : memref<128x128xf32, #tpu.memory_space<vmem>>) target(%dma_start3A_1279 : memref<10112x128xf32, #tpu.memory_space<vmem_shared>>) offsets(%dma_start3A_1276 : memref<128xi32, #tpu.memory_space<vmem>>) semaphore(%run_scoped3A_1273 : memref<!tpu.dma_semaphore, #tpu.memory_space<semaphore_mem>>) {add = true}
        %dma_wait3A_1280 = arith.constant 0 : i32
        %dma_wait3A_1281 = tpu.memref_slice %arg7[%run_scoped3A_845, %dma_wait3A_1280] : memref<2x128xi32, #tpu.memory_space<vmem>> -> memref<1x128xi32, #tpu.memory_space<vmem>>
        %dma_wait3A_1282 = tpu.memref_squeeze %dma_wait3A_1281 : memref<1x128xi32, #tpu.memory_space<vmem>> -> memref<128xi32, #tpu.memory_space<vmem>>
        %dma_wait3A_1283 = arith.constant 0 : i32
        %dma_wait3A_1284 = arith.constant 0 : i32
        %dma_wait3A_1285 = tpu.memref_slice %arg10[%dma_wait3A_1283, %dma_wait3A_1284] : memref<10112x128xf32, #tpu.memory_space<vmem_shared>> -> memref<10112x128xf32, #tpu.memory_space<vmem_shared>>
        tpu.wait_indirect_dma semaphore(%run_scoped3A_1273 : memref<!tpu.dma_semaphore, #tpu.memory_space<semaphore_mem>>) src(%arg8 : memref<128x128xf32, #tpu.memory_space<vmem>>) dst(%dma_wait3A_1285 : memref<10112x128xf32, #tpu.memory_space<vmem_shared>>)
        tpu.yield
      }) : () -> ()
      %add3A_846 = arith.constant 2 : i32
      %add3A_847 = arith.addi %mul3A_837, %add3A_846 : i32
      %mul3A_848 = arith.constant 128 : i32
      %mul3A_849 = arith.muli %add3A_847, %mul3A_848 : i32
      %add3A_850 = arith.constant 0 : i32
      %add3A_851 = arith.addi %mul3A_849, %add3A_850 : i32
      %get3A_852 = arith.index_cast %add3A_851 : i32 to index
      %get3A_853 = tpu.vector_load %arg5[%get3A_852] {strides = array<i32>} : memref<10112xi32, #tpu.memory_space<vmem>>, vector<16xi32>,
      %get3A_854 = vector.shape_cast %get3A_853 : vector<16xi32> to vector<16xi32>
      %broadcast_in_dim3A_855 = arith.constant 16383 : i32
      %broadcast_in_dim3A_856 = vector.broadcast %broadcast_in_dim3A_855 : i32 to vector<16xi32>
      %and3A_857 = arith.andi %get3A_854, %broadcast_in_dim3A_856 : vector<16xi32>
      %swap3A_858 = arith.constant 0 : i32
      %swap3A_859 = arith.index_cast %swap3A_858 : i32 to index
      %swap3A_860 = arith.constant 0 : index
      %swap3A_861 = tpu.vector_load %arg6[%swap3A_859, %swap3A_860] {strides = array<i32>} : memref<2x128xi32, #tpu.memory_space<vmem>>, vector<1x16xi32>,
      %swap3A_862 = vector.shape_cast %swap3A_861 : vector<1x16xi32> to vector<16xi32>
      %swap3A_863 = vector.shape_cast %and3A_857 : vector<16xi32> to vector<1x16xi32>
      tpu.vector_store %arg6[%swap3A_859, %swap3A_860], %swap3A_863 {strides = array<i32>} : memref<2x128xi32, #tpu.memory_space<vmem>>, vector<1x16xi32>,
      %shift_right_logical3A_864 = arith.constant 14 : i32
      %shift_right_logical3A_865 = vector.broadcast %shift_right_logical3A_864 : i32 to vector<16xi32>
      %shift_right_logical3A_866 = arith.shrui %get3A_854, %shift_right_logical3A_865 : vector<16xi32>
      %swap3A_867 = arith.constant 0 : i32
      %swap3A_868 = arith.index_cast %swap3A_867 : i32 to index
      %swap3A_869 = arith.constant 0 : index
      %swap3A_870 = tpu.vector_load %arg7[%swap3A_868, %swap3A_869] {strides = array<i32>} : memref<2x128xi32, #tpu.memory_space<vmem>>, vector<1x16xi32>,
      %swap3A_871 = vector.shape_cast %swap3A_870 : vector<1x16xi32> to vector<16xi32>
      %swap3A_872 = vector.shape_cast %shift_right_logical3A_866 : vector<16xi32> to vector<1x16xi32>
      tpu.vector_store %arg7[%swap3A_868, %swap3A_869], %swap3A_872 {strides = array<i32>} : memref<2x128xi32, #tpu.memory_space<vmem>>, vector<1x16xi32>,
      %mul3A_873 = arith.constant 128 : i32
      %mul3A_874 = arith.muli %add3A_847, %mul3A_873 : i32
      %add3A_875 = arith.constant 16 : i32
      %add3A_876 = arith.addi %mul3A_874, %add3A_875 : i32
      %get3A_877 = arith.index_cast %add3A_876 : i32 to index
      %get3A_878 = tpu.vector_load %arg5[%get3A_877] {strides = array<i32>} : memref<10112xi32, #tpu.memory_space<vmem>>, vector<16xi32>,
      %get3A_879 = vector.shape_cast %get3A_878 : vector<16xi32> to vector<16xi32>
      %broadcast_in_dim3A_880 = arith.constant 16383 : i32
      %broadcast_in_dim3A_881 = vector.broadcast %broadcast_in_dim3A_880 : i32 to vector<16xi32>
      %and3A_882 = arith.andi %get3A_879, %broadcast_in_dim3A_881 : vector<16xi32>
      %swap3A_883 = arith.constant 0 : i32
      %swap3A_884 = arith.index_cast %swap3A_883 : i32 to index
      %swap3A_885 = arith.constant 16 : index
      %swap3A_886 = tpu.vector_load %arg6[%swap3A_884, %swap3A_885] {strides = array<i32>} : memref<2x128xi32, #tpu.memory_space<vmem>>, vector<1x16xi32>,
      %swap3A_887 = vector.shape_cast %swap3A_886 : vector<1x16xi32> to vector<16xi32>
      %swap3A_888 = vector.shape_cast %and3A_882 : vector<16xi32> to vector<1x16xi32>
      tpu.vector_store %arg6[%swap3A_884, %swap3A_885], %swap3A_888 {strides = array<i32>} : memref<2x128xi32, #tpu.memory_space<vmem>>, vector<1x16xi32>,
      %shift_right_logical3A_889 = arith.constant 14 : i32
      %shift_right_logical3A_890 = vector.broadcast %shift_right_logical3A_889 : i32 to vector<16xi32>
      %shift_right_logical3A_891 = arith.shrui %get3A_879, %shift_right_logical3A_890 : vector<16xi32>
      %swap3A_892 = arith.constant 0 : i32
      %swap3A_893 = arith.index_cast %swap3A_892 : i32 to index
      %swap3A_894 = arith.constant 16 : index
      %swap3A_895 = tpu.vector_load %arg7[%swap3A_893, %swap3A_894] {strides = array<i32>} : memref<2x128xi32, #tpu.memory_space<vmem>>, vector<1x16xi32>,
      %swap3A_896 = vector.shape_cast %swap3A_895 : vector<1x16xi32> to vector<16xi32>
      %swap3A_897 = vector.shape_cast %shift_right_logical3A_891 : vector<16xi32> to vector<1x16xi32>
      tpu.vector_store %arg7[%swap3A_893, %swap3A_894], %swap3A_897 {strides = array<i32>} : memref<2x128xi32, #tpu.memory_space<vmem>>, vector<1x16xi32>,
      %mul3A_898 = arith.constant 128 : i32
      %mul3A_899 = arith.muli %add3A_847, %mul3A_898 : i32
      %add3A_900 = arith.constant 32 : i32
      %add3A_901 = arith.addi %mul3A_899, %add3A_900 : i32
      %get3A_902 = arith.index_cast %add3A_901 : i32 to index
      %get3A_903 = tpu.vector_load %arg5[%get3A_902] {strides = array<i32>} : memref<10112xi32, #tpu.memory_space<vmem>>, vector<16xi32>,
      %get3A_904 = vector.shape_cast %get3A_903 : vector<16xi32> to vector<16xi32>
      %broadcast_in_dim3A_905 = arith.constant 16383 : i32
      %broadcast_in_dim3A_906 = vector.broadcast %broadcast_in_dim3A_905 : i32 to vector<16xi32>
      %and3A_907 = arith.andi %get3A_904, %broadcast_in_dim3A_906 : vector<16xi32>
      %swap3A_908 = arith.constant 0 : i32
      %swap3A_909 = arith.index_cast %swap3A_908 : i32 to index
      %swap3A_910 = arith.constant 32 : index
      %swap3A_911 = tpu.vector_load %arg6[%swap3A_909, %swap3A_910] {strides = array<i32>} : memref<2x128xi32, #tpu.memory_space<vmem>>, vector<1x16xi32>,
      %swap3A_912 = vector.shape_cast %swap3A_911 : vector<1x16xi32> to vector<16xi32>
      %swap3A_913 = vector.shape_cast %and3A_907 : vector<16xi32> to vector<1x16xi32>
      tpu.vector_store %arg6[%swap3A_909, %swap3A_910], %swap3A_913 {strides = array<i32>} : memref<2x128xi32, #tpu.memory_space<vmem>>, vector<1x16xi32>,
      %shift_right_logical3A_914 = arith.constant 14 : i32
      %shift_right_logical3A_915 = vector.broadcast %shift_right_logical3A_914 : i32 to vector<16xi32>
      %shift_right_logical3A_916 = arith.shrui %get3A_904, %shift_right_logical3A_915 : vector<16xi32>
      %swap3A_917 = arith.constant 0 : i32
      %swap3A_918 = arith.index_cast %swap3A_917 : i32 to index
      %swap3A_919 = arith.constant 32 : index
      %swap3A_920 = tpu.vector_load %arg7[%swap3A_918, %swap3A_919] {strides = array<i32>} : memref<2x128xi32, #tpu.memory_space<vmem>>, vector<1x16xi32>,
      %swap3A_921 = vector.shape_cast %swap3A_920 : vector<1x16xi32> to vector<16xi32>
      %swap3A_922 = vector.shape_cast %shift_right_logical3A_916 : vector<16xi32> to vector<1x16xi32>
      tpu.vector_store %arg7[%swap3A_918, %swap3A_919], %swap3A_922 {strides = array<i32>} : memref<2x128xi32, #tpu.memory_space<vmem>>, vector<1x16xi32>,
      %mul3A_923 = arith.constant 128 : i32
      %mul3A_924 = arith.muli %add3A_847, %mul3A_923 : i32
      %add3A_925 = arith.constant 48 : i32
      %add3A_926 = arith.addi %mul3A_924, %add3A_925 : i32
      %get3A_927 = arith.index_cast %add3A_926 : i32 to index
      %get3A_928 = tpu.vector_load %arg5[%get3A_927] {strides = array<i32>} : memref<10112xi32, #tpu.memory_space<vmem>>, vector<16xi32>,
      %get3A_929 = vector.shape_cast %get3A_928 : vector<16xi32> to vector<16xi32>
      %broadcast_in_dim3A_930 = arith.constant 16383 : i32
      %broadcast_in_dim3A_931 = vector.broadcast %broadcast_in_dim3A_930 : i32 to vector<16xi32>
      %and3A_932 = arith.andi %get3A_929, %broadcast_in_dim3A_931 : vector<16xi32>
      %swap3A_933 = arith.constant 0 : i32
      %swap3A_934 = arith.index_cast %swap3A_933 : i32 to index
      %swap3A_935 = arith.constant 48 : index
      %swap3A_936 = tpu.vector_load %arg6[%swap3A_934, %swap3A_935] {strides = array<i32>} : memref<2x128xi32, #tpu.memory_space<vmem>>, vector<1x16xi32>,
      %swap3A_937 = vector.shape_cast %swap3A_936 : vector<1x16xi32> to vector<16xi32>
      %swap3A_938 = vector.shape_cast %and3A_932 : vector<16xi32> to vector<1x16xi32>
      tpu.vector_store %arg6[%swap3A_934, %swap3A_935], %swap3A_938 {strides = array<i32>} : memref<2x128xi32, #tpu.memory_space<vmem>>, vector<1x16xi32>,
      %shift_right_logical3A_939 = arith.constant 14 : i32
      %shift_right_logical3A_940 = vector.broadcast %shift_right_logical3A_939 : i32 to vector<16xi32>
      %shift_right_logical3A_941 = arith.shrui %get3A_929, %shift_right_logical3A_940 : vector<16xi32>
      %swap3A_942 = arith.constant 0 : i32
      %swap3A_943 = arith.index_cast %swap3A_942 : i32 to index
      %swap3A_944 = arith.constant 48 : index
      %swap3A_945 = tpu.vector_load %arg7[%swap3A_943, %swap3A_944] {strides = array<i32>} : memref<2x128xi32, #tpu.memory_space<vmem>>, vector<1x16xi32>,
      %swap3A_946 = vector.shape_cast %swap3A_945 : vector<1x16xi32> to vector<16xi32>
      %swap3A_947 = vector.shape_cast %shift_right_logical3A_941 : vector<16xi32> to vector<1x16xi32>
      tpu.vector_store %arg7[%swap3A_943, %swap3A_944], %swap3A_947 {strides = array<i32>} : memref<2x128xi32, #tpu.memory_space<vmem>>, vector<1x16xi32>,
      %mul3A_948 = arith.constant 128 : i32
      %mul3A_949 = arith.muli %add3A_847, %mul3A_948 : i32
      %add3A_950 = arith.constant 64 : i32
      %add3A_951 = arith.addi %mul3A_949, %add3A_950 : i32
      %get3A_952 = arith.index_cast %add3A_951 : i32 to index
      %get3A_953 = tpu.vector_load %arg5[%get3A_952] {strides = array<i32>} : memref<10112xi32, #tpu.memory_space<vmem>>, vector<16xi32>,
      %get3A_954 = vector.shape_cast %get3A_953 : vector<16xi32> to vector<16xi32>
      %broadcast_in_dim3A_955 = arith.constant 16383 : i32
      %broadcast_in_dim3A_956 = vector.broadcast %broadcast_in_dim3A_955 : i32 to vector<16xi32>
      %and3A_957 = arith.andi %get3A_954, %broadcast_in_dim3A_956 : vector<16xi32>
      %swap3A_958 = arith.constant 0 : i32
      %swap3A_959 = arith.index_cast %swap3A_958 : i32 to index
      %swap3A_960 = arith.constant 64 : index
      %swap3A_961 = tpu.vector_load %arg6[%swap3A_959, %swap3A_960] {strides = array<i32>} : memref<2x128xi32, #tpu.memory_space<vmem>>, vector<1x16xi32>,
      %swap3A_962 = vector.shape_cast %swap3A_961 : vector<1x16xi32> to vector<16xi32>
      %swap3A_963 = vector.shape_cast %and3A_957 : vector<16xi32> to vector<1x16xi32>
      tpu.vector_store %arg6[%swap3A_959, %swap3A_960], %swap3A_963 {strides = array<i32>} : memref<2x128xi32, #tpu.memory_space<vmem>>, vector<1x16xi32>,
      %shift_right_logical3A_964 = arith.constant 14 : i32
      %shift_right_logical3A_965 = vector.broadcast %shift_right_logical3A_964 : i32 to vector<16xi32>
      %shift_right_logical3A_966 = arith.shrui %get3A_954, %shift_right_logical3A_965 : vector<16xi32>
      %swap3A_967 = arith.constant 0 : i32
      %swap3A_968 = arith.index_cast %swap3A_967 : i32 to index
      %swap3A_969 = arith.constant 64 : index
      %swap3A_970 = tpu.vector_load %arg7[%swap3A_968, %swap3A_969] {strides = array<i32>} : memref<2x128xi32, #tpu.memory_space<vmem>>, vector<1x16xi32>,
      %swap3A_971 = vector.shape_cast %swap3A_970 : vector<1x16xi32> to vector<16xi32>
      %swap3A_972 = vector.shape_cast %shift_right_logical3A_966 : vector<16xi32> to vector<1x16xi32>
      tpu.vector_store %arg7[%swap3A_968, %swap3A_969], %swap3A_972 {strides = array<i32>} : memref<2x128xi32, #tpu.memory_space<vmem>>, vector<1x16xi32>,
      %mul3A_973 = arith.constant 128 : i32
      %mul3A_974 = arith.muli %add3A_847, %mul3A_973 : i32
      %add3A_975 = arith.constant 80 : i32
      %add3A_976 = arith.addi %mul3A_974, %add3A_975 : i32
      %get3A_977 = arith.index_cast %add3A_976 : i32 to index
      %get3A_978 = tpu.vector_load %arg5[%get3A_977] {strides = array<i32>} : memref<10112xi32, #tpu.memory_space<vmem>>, vector<16xi32>,
      %get3A_979 = vector.shape_cast %get3A_978 : vector<16xi32> to vector<16xi32>
      %broadcast_in_dim3A_980 = arith.constant 16383 : i32
      %broadcast_in_dim3A_981 = vector.broadcast %broadcast_in_dim3A_980 : i32 to vector<16xi32>
      %and3A_982 = arith.andi %get3A_979, %broadcast_in_dim3A_981 : vector<16xi32>
      %swap3A_983 = arith.constant 0 : i32
      %swap3A_984 = arith.index_cast %swap3A_983 : i32 to index
      %swap3A_985 = arith.constant 80 : index
      %swap3A_986 = tpu.vector_load %arg6[%swap3A_984, %swap3A_985] {strides = array<i32>} : memref<2x128xi32, #tpu.memory_space<vmem>>, vector<1x16xi32>,
      %swap3A_987 = vector.shape_cast %swap3A_986 : vector<1x16xi32> to vector<16xi32>
      %swap3A_988 = vector.shape_cast %and3A_982 : vector<16xi32> to vector<1x16xi32>
      tpu.vector_store %arg6[%swap3A_984, %swap3A_985], %swap3A_988 {strides = array<i32>} : memref<2x128xi32, #tpu.memory_space<vmem>>, vector<1x16xi32>,
      %shift_right_logical3A_989 = arith.constant 14 : i32
      %shift_right_logical3A_990 = vector.broadcast %shift_right_logical3A_989 : i32 to vector<16xi32>
      %shift_right_logical3A_991 = arith.shrui %get3A_979, %shift_right_logical3A_990 : vector<16xi32>
      %swap3A_992 = arith.constant 0 : i32
      %swap3A_993 = arith.index_cast %swap3A_992 : i32 to index
      %swap3A_994 = arith.constant 80 : index
      %swap3A_995 = tpu.vector_load %arg7[%swap3A_993, %swap3A_994] {strides = array<i32>} : memref<2x128xi32, #tpu.memory_space<vmem>>, vector<1x16xi32>,
      %swap3A_996 = vector.shape_cast %swap3A_995 : vector<1x16xi32> to vector<16xi32>
      %swap3A_997 = vector.shape_cast %shift_right_logical3A_991 : vector<16xi32> to vector<1x16xi32>
      tpu.vector_store %arg7[%swap3A_993, %swap3A_994], %swap3A_997 {strides = array<i32>} : memref<2x128xi32, #tpu.memory_space<vmem>>, vector<1x16xi32>,
      %mul3A_998 = arith.constant 128 : i32
      %mul3A_999 = arith.muli %add3A_847, %mul3A_998 : i32
      %add3A_1000 = arith.constant 96 : i32
      %add3A_1001 = arith.addi %mul3A_999, %add3A_1000 : i32
      %get3A_1002 = arith.index_cast %add3A_1001 : i32 to index
      %get3A_1003 = tpu.vector_load %arg5[%get3A_1002] {strides = array<i32>} : memref<10112xi32, #tpu.memory_space<vmem>>, vector<16xi32>,
      %get3A_1004 = vector.shape_cast %get3A_1003 : vector<16xi32> to vector<16xi32>
      %broadcast_in_dim3A_1005 = arith.constant 16383 : i32
      %broadcast_in_dim3A_1006 = vector.broadcast %broadcast_in_dim3A_1005 : i32 to vector<16xi32>
      %and3A_1007 = arith.andi %get3A_1004, %broadcast_in_dim3A_1006 : vector<16xi32>
      %swap3A_1008 = arith.constant 0 : i32
      %swap3A_1009 = arith.index_cast %swap3A_1008 : i32 to index
      %swap3A_1010 = arith.constant 96 : index
      %swap3A_1011 = tpu.vector_load %arg6[%swap3A_1009, %swap3A_1010] {strides = array<i32>} : memref<2x128xi32, #tpu.memory_space<vmem>>, vector<1x16xi32>,
      %swap3A_1012 = vector.shape_cast %swap3A_1011 : vector<1x16xi32> to vector<16xi32>
      %swap3A_1013 = vector.shape_cast %and3A_1007 : vector<16xi32> to vector<1x16xi32>
      tpu.vector_store %arg6[%swap3A_1009, %swap3A_1010], %swap3A_1013 {strides = array<i32>} : memref<2x128xi32, #tpu.memory_space<vmem>>, vector<1x16xi32>,
      %shift_right_logical3A_1014 = arith.constant 14 : i32
      %shift_right_logical3A_1015 = vector.broadcast %shift_right_logical3A_1014 : i32 to vector<16xi32>
      %shift_right_logical3A_1016 = arith.shrui %get3A_1004, %shift_right_logical3A_1015 : vector<16xi32>
      %swap3A_1017 = arith.constant 0 : i32
      %swap3A_1018 = arith.index_cast %swap3A_1017 : i32 to index
      %swap3A_1019 = arith.constant 96 : index
      %swap3A_1020 = tpu.vector_load %arg7[%swap3A_1018, %swap3A_1019] {strides = array<i32>} : memref<2x128xi32, #tpu.memory_space<vmem>>, vector<1x16xi32>,
      %swap3A_1021 = vector.shape_cast %swap3A_1020 : vector<1x16xi32> to vector<16xi32>
      %swap3A_1022 = vector.shape_cast %shift_right_logical3A_1016 : vector<16xi32> to vector<1x16xi32>
      tpu.vector_store %arg7[%swap3A_1018, %swap3A_1019], %swap3A_1022 {strides = array<i32>} : memref<2x128xi32, #tpu.memory_space<vmem>>, vector<1x16xi32>,
      %mul3A_1023 = arith.constant 128 : i32
      %mul3A_1024 = arith.muli %add3A_847, %mul3A_1023 : i32
      %add3A_1025 = arith.constant 112 : i32
      %add3A_1026 = arith.addi %mul3A_1024, %add3A_1025 : i32
      %get3A_1027 = arith.index_cast %add3A_1026 : i32 to index
      %get3A_1028 = tpu.vector_load %arg5[%get3A_1027] {strides = array<i32>} : memref<10112xi32, #tpu.memory_space<vmem>>, vector<16xi32>,
      %get3A_1029 = vector.shape_cast %get3A_1028 : vector<16xi32> to vector<16xi32>
      %broadcast_in_dim3A_1030 = arith.constant 16383 : i32
      %broadcast_in_dim3A_1031 = vector.broadcast %broadcast_in_dim3A_1030 : i32 to vector<16xi32>
      %and3A_1032 = arith.andi %get3A_1029, %broadcast_in_dim3A_1031 : vector<16xi32>
      %swap3A_1033 = arith.constant 0 : i32
      %swap3A_1034 = arith.index_cast %swap3A_1033 : i32 to index
      %swap3A_1035 = arith.constant 112 : index
      %swap3A_1036 = tpu.vector_load %arg6[%swap3A_1034, %swap3A_1035] {strides = array<i32>} : memref<2x128xi32, #tpu.memory_space<vmem>>, vector<1x16xi32>,
      %swap3A_1037 = vector.shape_cast %swap3A_1036 : vector<1x16xi32> to vector<16xi32>
      %swap3A_1038 = vector.shape_cast %and3A_1032 : vector<16xi32> to vector<1x16xi32>
      tpu.vector_store %arg6[%swap3A_1034, %swap3A_1035], %swap3A_1038 {strides = array<i32>} : memref<2x128xi32, #tpu.memory_space<vmem>>, vector<1x16xi32>,
      %shift_right_logical3A_1039 = arith.constant 14 : i32
      %shift_right_logical3A_1040 = vector.broadcast %shift_right_logical3A_1039 : i32 to vector<16xi32>
      %shift_right_logical3A_1041 = arith.shrui %get3A_1029, %shift_right_logical3A_1040 : vector<16xi32>
      %swap3A_1042 = arith.constant 0 : i32
      %swap3A_1043 = arith.index_cast %swap3A_1042 : i32 to index
      %swap3A_1044 = arith.constant 112 : index
      %swap3A_1045 = tpu.vector_load %arg7[%swap3A_1043, %swap3A_1044] {strides = array<i32>} : memref<2x128xi32, #tpu.memory_space<vmem>>, vector<1x16xi32>,
      %swap3A_1046 = vector.shape_cast %swap3A_1045 : vector<1x16xi32> to vector<16xi32>
      %swap3A_1047 = vector.shape_cast %shift_right_logical3A_1041 : vector<16xi32> to vector<1x16xi32>
      tpu.vector_store %arg7[%swap3A_1043, %swap3A_1044], %swap3A_1047 {strides = array<i32>} : memref<2x128xi32, #tpu.memory_space<vmem>>, vector<1x16xi32>,
      %dma_start3A_1048 = arith.constant 0 : i32
      %dma_start3A_1049 = arith.constant 0 : i32
      %dma_start3A_1050 = tpu.memref_slice %arg6[%dma_start3A_1048, %dma_start3A_1049] : memref<2x128xi32, #tpu.memory_space<vmem>> -> memref<1x128xi32, #tpu.memory_space<vmem>>
      %dma_start3A_1051 = tpu.memref_squeeze %dma_start3A_1050 : memref<1x128xi32, #tpu.memory_space<vmem>> -> memref<128xi32, #tpu.memory_space<vmem>>
      %dma_start3A_1052 = arith.constant 0 : i32
      %dma_start3A_1053 = arith.constant 0 : i32
      %dma_start3A_1054 = tpu.memref_slice %arg2[%dma_start3A_1052, %dma_start3A_1053] : memref<10112x128xf32, #tpu.memory_space<hbm>> -> memref<10112x128xf32, #tpu.memory_space<hbm>>
      tpu.enqueue_indirect_dma source(%dma_start3A_1054 : memref<10112x128xf32, #tpu.memory_space<hbm>>) target(%arg8 : memref<128x128xf32, #tpu.memory_space<vmem>>) offsets(%dma_start3A_1051 : memref<128xi32, #tpu.memory_space<vmem>>) semaphore(%arg11 : memref<!tpu.dma_semaphore, #tpu.memory_space<semaphore_mem>>)
      %dma_wait3A_1055 = arith.constant 0 : i32
      %dma_wait3A_1056 = arith.constant 0 : i32
      %dma_wait3A_1057 = tpu.memref_slice %arg6[%dma_wait3A_1055, %dma_wait3A_1056] : memref<2x128xi32, #tpu.memory_space<vmem>> -> memref<1x128xi32, #tpu.memory_space<vmem>>
      %dma_wait3A_1058 = tpu.memref_squeeze %dma_wait3A_1057 : memref<1x128xi32, #tpu.memory_space<vmem>> -> memref<128xi32, #tpu.memory_space<vmem>>
      %dma_wait3A_1059 = arith.constant 0 : i32
      %dma_wait3A_1060 = arith.constant 0 : i32
      %dma_wait3A_1061 = tpu.memref_slice %arg2[%dma_wait3A_1059, %dma_wait3A_1060] : memref<10112x128xf32, #tpu.memory_space<hbm>> -> memref<10112x128xf32, #tpu.memory_space<hbm>>
      tpu.wait_indirect_dma semaphore(%arg12 : memref<!tpu.dma_semaphore, #tpu.memory_space<semaphore_mem>>) src(%dma_wait3A_1061 : memref<10112x128xf32, #tpu.memory_space<hbm>>) dst(%arg9 : memref<128x128xf32, #tpu.memory_space<vmem>>)
      %run_scoped3A_1062 = arith.constant 1 : i32
      "tpu.region"() ({
        %run_scoped3A_1273 = tpu.sem_alloc : memref<!tpu.dma_semaphore, #tpu.memory_space<semaphore_mem>>
        %dma_start3A_1274 = arith.constant 0 : i32
        %dma_start3A_1275 = tpu.memref_slice %arg7[%run_scoped3A_1062, %dma_start3A_1274] : memref<2x128xi32, #tpu.memory_space<vmem>> -> memref<1x128xi32, #tpu.memory_space<vmem>>
        %dma_start3A_1276 = tpu.memref_squeeze %dma_start3A_1275 : memref<1x128xi32, #tpu.memory_space<vmem>> -> memref<128xi32, #tpu.memory_space<vmem>>
        %dma_start3A_1277 = arith.constant 0 : i32
        %dma_start3A_1278 = arith.constant 0 : i32
        %dma_start3A_1279 = tpu.memref_slice %arg10[%dma_start3A_1277, %dma_start3A_1278] : memref<10112x128xf32, #tpu.memory_space<vmem_shared>> -> memref<10112x128xf32, #tpu.memory_space<vmem_shared>>
        tpu.enqueue_indirect_dma source(%arg9 : memref<128x128xf32, #tpu.memory_space<vmem>>) target(%dma_start3A_1279 : memref<10112x128xf32, #tpu.memory_space<vmem_shared>>) offsets(%dma_start3A_1276 : memref<128xi32, #tpu.memory_space<vmem>>) semaphore(%run_scoped3A_1273 : memref<!tpu.dma_semaphore, #tpu.memory_space<semaphore_mem>>) {add = true}
        %dma_wait3A_1280 = arith.constant 0 : i32
        %dma_wait3A_1281 = tpu.memref_slice %arg7[%run_scoped3A_1062, %dma_wait3A_1280] : memref<2x128xi32, #tpu.memory_space<vmem>> -> memref<1x128xi32, #tpu.memory_space<vmem>>
        %dma_wait3A_1282 = tpu.memref_squeeze %dma_wait3A_1281 : memref<1x128xi32, #tpu.memory_space<vmem>> -> memref<128xi32, #tpu.memory_space<vmem>>
        %dma_wait3A_1283 = arith.constant 0 : i32
        %dma_wait3A_1284 = arith.constant 0 : i32
        %dma_wait3A_1285 = tpu.memref_slice %arg10[%dma_wait3A_1283, %dma_wait3A_1284] : memref<10112x128xf32, #tpu.memory_space<vmem_shared>> -> memref<10112x128xf32, #tpu.memory_space<vmem_shared>>
        tpu.wait_indirect_dma semaphore(%run_scoped3A_1273 : memref<!tpu.dma_semaphore, #tpu.memory_space<semaphore_mem>>) src(%arg9 : memref<128x128xf32, #tpu.memory_space<vmem>>) dst(%dma_wait3A_1285 : memref<10112x128xf32, #tpu.memory_space<vmem_shared>>)
        tpu.yield
      }) : () -> ()
      %add3A_1063 = arith.constant 3 : i32
      %add3A_1064 = arith.addi %mul3A_837, %add3A_1063 : i32
      %mul3A_1065 = arith.constant 128 : i32
      %mul3A_1066 = arith.muli %add3A_1064, %mul3A_1065 : i32
      %add3A_1067 = arith.constant 0 : i32
      %add3A_1068 = arith.addi %mul3A_1066, %add3A_1067 : i32
      %get3A_1069 = arith.index_cast %add3A_1068 : i32 to index
      %get3A_1070 = tpu.vector_load %arg5[%get3A_1069] {strides = array<i32>} : memref<10112xi32, #tpu.memory_space<vmem>>, vector<16xi32>,
      %get3A_1071 = vector.shape_cast %get3A_1070 : vector<16xi32> to vector<16xi32>
      %broadcast_in_dim3A_1072 = arith.constant 16383 : i32
      %broadcast_in_dim3A_1073 = vector.broadcast %broadcast_in_dim3A_1072 : i32 to vector<16xi32>
      %and3A_1074 = arith.andi %get3A_1071, %broadcast_in_dim3A_1073 : vector<16xi32>
      %swap3A_1075 = arith.constant 1 : i32
      %swap3A_1076 = arith.index_cast %swap3A_1075 : i32 to index
      %swap3A_1077 = arith.constant 0 : index
      %swap3A_1078 = tpu.vector_load %arg6[%swap3A_1076, %swap3A_1077] {strides = array<i32>} : memref<2x128xi32, #tpu.memory_space<vmem>>, vector<1x16xi32>,
      %swap3A_1079 = vector.shape_cast %swap3A_1078 : vector<1x16xi32> to vector<16xi32>
      %swap3A_1080 = vector.shape_cast %and3A_1074 : vector<16xi32> to vector<1x16xi32>
      tpu.vector_store %arg6[%swap3A_1076, %swap3A_1077], %swap3A_1080 {strides = array<i32>} : memref<2x128xi32, #tpu.memory_space<vmem>>, vector<1x16xi32>,
      %shift_right_logical3A_1081 = arith.constant 14 : i32
      %shift_right_logical3A_1082 = vector.broadcast %shift_right_logical3A_1081 : i32 to vector<16xi32>
      %shift_right_logical3A_1083 = arith.shrui %get3A_1071, %shift_right_logical3A_1082 : vector<16xi32>
      %swap3A_1084 = arith.constant 1 : i32
      %swap3A_1085 = arith.index_cast %swap3A_1084 : i32 to index
      %swap3A_1086 = arith.constant 0 : index
      %swap3A_1087 = tpu.vector_load %arg7[%swap3A_1085, %swap3A_1086] {strides = array<i32>} : memref<2x128xi32, #tpu.memory_space<vmem>>, vector<1x16xi32>,
      %swap3A_1088 = vector.shape_cast %swap3A_1087 : vector<1x16xi32> to vector<16xi32>
      %swap3A_1089 = vector.shape_cast %shift_right_logical3A_1083 : vector<16xi32> to vector<1x16xi32>
      tpu.vector_store %arg7[%swap3A_1085, %swap3A_1086], %swap3A_1089 {strides = array<i32>} : memref<2x128xi32, #tpu.memory_space<vmem>>, vector<1x16xi32>,
      %mul3A_1090 = arith.constant 128 : i32
      %mul3A_1091 = arith.muli %add3A_1064, %mul3A_1090 : i32
      %add3A_1092 = arith.constant 16 : i32
      %add3A_1093 = arith.addi %mul3A_1091, %add3A_1092 : i32
      %get3A_1094 = arith.index_cast %add3A_1093 : i32 to index
      %get3A_1095 = tpu.vector_load %arg5[%get3A_1094] {strides = array<i32>} : memref<10112xi32, #tpu.memory_space<vmem>>, vector<16xi32>,
      %get3A_1096 = vector.shape_cast %get3A_1095 : vector<16xi32> to vector<16xi32>
      %broadcast_in_dim3A_1097 = arith.constant 16383 : i32
      %broadcast_in_dim3A_1098 = vector.broadcast %broadcast_in_dim3A_1097 : i32 to vector<16xi32>
      %and3A_1099 = arith.andi %get3A_1096, %broadcast_in_dim3A_1098 : vector<16xi32>
      %swap3A_1100 = arith.constant 1 : i32
      %swap3A_1101 = arith.index_cast %swap3A_1100 : i32 to index
      %swap3A_1102 = arith.constant 16 : index
      %swap3A_1103 = tpu.vector_load %arg6[%swap3A_1101, %swap3A_1102] {strides = array<i32>} : memref<2x128xi32, #tpu.memory_space<vmem>>, vector<1x16xi32>,
      %swap3A_1104 = vector.shape_cast %swap3A_1103 : vector<1x16xi32> to vector<16xi32>
      %swap3A_1105 = vector.shape_cast %and3A_1099 : vector<16xi32> to vector<1x16xi32>
      tpu.vector_store %arg6[%swap3A_1101, %swap3A_1102], %swap3A_1105 {strides = array<i32>} : memref<2x128xi32, #tpu.memory_space<vmem>>, vector<1x16xi32>,
      %shift_right_logical3A_1106 = arith.constant 14 : i32
      %shift_right_logical3A_1107 = vector.broadcast %shift_right_logical3A_1106 : i32 to vector<16xi32>
      %shift_right_logical3A_1108 = arith.shrui %get3A_1096, %shift_right_logical3A_1107 : vector<16xi32>
      %swap3A_1109 = arith.constant 1 : i32
      %swap3A_1110 = arith.index_cast %swap3A_1109 : i32 to index
      %swap3A_1111 = arith.constant 16 : index
      %swap3A_1112 = tpu.vector_load %arg7[%swap3A_1110, %swap3A_1111] {strides = array<i32>} : memref<2x128xi32, #tpu.memory_space<vmem>>, vector<1x16xi32>,
      %swap3A_1113 = vector.shape_cast %swap3A_1112 : vector<1x16xi32> to vector<16xi32>
      %swap3A_1114 = vector.shape_cast %shift_right_logical3A_1108 : vector<16xi32> to vector<1x16xi32>
      tpu.vector_store %arg7[%swap3A_1110, %swap3A_1111], %swap3A_1114 {strides = array<i32>} : memref<2x128xi32, #tpu.memory_space<vmem>>, vector<1x16xi32>,
      %mul3A_1115 = arith.constant 128 : i32
      %mul3A_1116 = arith.muli %add3A_1064, %mul3A_1115 : i32
      %add3A_1117 = arith.constant 32 : i32
      %add3A_1118 = arith.addi %mul3A_1116, %add3A_1117 : i32
      %get3A_1119 = arith.index_cast %add3A_1118 : i32 to index
      %get3A_1120 = tpu.vector_load %arg5[%get3A_1119] {strides = array<i32>} : memref<10112xi32, #tpu.memory_space<vmem>>, vector<16xi32>,
      %get3A_1121 = vector.shape_cast %get3A_1120 : vector<16xi32> to vector<16xi32>
      %broadcast_in_dim3A_1122 = arith.constant 16383 : i32
      %broadcast_in_dim3A_1123 = vector.broadcast %broadcast_in_dim3A_1122 : i32 to vector<16xi32>
      %and3A_1124 = arith.andi %get3A_1121, %broadcast_in_dim3A_1123 : vector<16xi32>
      %swap3A_1125 = arith.constant 1 : i32
      %swap3A_1126 = arith.index_cast %swap3A_1125 : i32 to index
      %swap3A_1127 = arith.constant 32 : index
      %swap3A_1128 = tpu.vector_load %arg6[%swap3A_1126, %swap3A_1127] {strides = array<i32>} : memref<2x128xi32, #tpu.memory_space<vmem>>, vector<1x16xi32>,
      %swap3A_1129 = vector.shape_cast %swap3A_1128 : vector<1x16xi32> to vector<16xi32>
      %swap3A_1130 = vector.shape_cast %and3A_1124 : vector<16xi32> to vector<1x16xi32>
      tpu.vector_store %arg6[%swap3A_1126, %swap3A_1127], %swap3A_1130 {strides = array<i32>} : memref<2x128xi32, #tpu.memory_space<vmem>>, vector<1x16xi32>,
      %shift_right_logical3A_1131 = arith.constant 14 : i32
      %shift_right_logical3A_1132 = vector.broadcast %shift_right_logical3A_1131 : i32 to vector<16xi32>
      %shift_right_logical3A_1133 = arith.shrui %get3A_1121, %shift_right_logical3A_1132 : vector<16xi32>
      %swap3A_1134 = arith.constant 1 : i32
      %swap3A_1135 = arith.index_cast %swap3A_1134 : i32 to index
      %swap3A_1136 = arith.constant 32 : index
      %swap3A_1137 = tpu.vector_load %arg7[%swap3A_1135, %swap3A_1136] {strides = array<i32>} : memref<2x128xi32, #tpu.memory_space<vmem>>, vector<1x16xi32>,
      %swap3A_1138 = vector.shape_cast %swap3A_1137 : vector<1x16xi32> to vector<16xi32>
      %swap3A_1139 = vector.shape_cast %shift_right_logical3A_1133 : vector<16xi32> to vector<1x16xi32>
      tpu.vector_store %arg7[%swap3A_1135, %swap3A_1136], %swap3A_1139 {strides = array<i32>} : memref<2x128xi32, #tpu.memory_space<vmem>>, vector<1x16xi32>,
      %mul3A_1140 = arith.constant 128 : i32
      %mul3A_1141 = arith.muli %add3A_1064, %mul3A_1140 : i32
      %add3A_1142 = arith.constant 48 : i32
      %add3A_1143 = arith.addi %mul3A_1141, %add3A_1142 : i32
      %get3A_1144 = arith.index_cast %add3A_1143 : i32 to index
      %get3A_1145 = tpu.vector_load %arg5[%get3A_1144] {strides = array<i32>} : memref<10112xi32, #tpu.memory_space<vmem>>, vector<16xi32>,
      %get3A_1146 = vector.shape_cast %get3A_1145 : vector<16xi32> to vector<16xi32>
      %broadcast_in_dim3A_1147 = arith.constant 16383 : i32
      %broadcast_in_dim3A_1148 = vector.broadcast %broadcast_in_dim3A_1147 : i32 to vector<16xi32>
      %and3A_1149 = arith.andi %get3A_1146, %broadcast_in_dim3A_1148 : vector<16xi32>
      %swap3A_1150 = arith.constant 1 : i32
      %swap3A_1151 = arith.index_cast %swap3A_1150 : i32 to index
      %swap3A_1152 = arith.constant 48 : index
      %swap3A_1153 = tpu.vector_load %arg6[%swap3A_1151, %swap3A_1152] {strides = array<i32>} : memref<2x128xi32, #tpu.memory_space<vmem>>, vector<1x16xi32>,
      %swap3A_1154 = vector.shape_cast %swap3A_1153 : vector<1x16xi32> to vector<16xi32>
      %swap3A_1155 = vector.shape_cast %and3A_1149 : vector<16xi32> to vector<1x16xi32>
      tpu.vector_store %arg6[%swap3A_1151, %swap3A_1152], %swap3A_1155 {strides = array<i32>} : memref<2x128xi32, #tpu.memory_space<vmem>>, vector<1x16xi32>,
      %shift_right_logical3A_1156 = arith.constant 14 : i32
      %shift_right_logical3A_1157 = vector.broadcast %shift_right_logical3A_1156 : i32 to vector<16xi32>
      %shift_right_logical3A_1158 = arith.shrui %get3A_1146, %shift_right_logical3A_1157 : vector<16xi32>
      %swap3A_1159 = arith.constant 1 : i32
      %swap3A_1160 = arith.index_cast %swap3A_1159 : i32 to index
      %swap3A_1161 = arith.constant 48 : index
      %swap3A_1162 = tpu.vector_load %arg7[%swap3A_1160, %swap3A_1161] {strides = array<i32>} : memref<2x128xi32, #tpu.memory_space<vmem>>, vector<1x16xi32>,
      %swap3A_1163 = vector.shape_cast %swap3A_1162 : vector<1x16xi32> to vector<16xi32>
      %swap3A_1164 = vector.shape_cast %shift_right_logical3A_1158 : vector<16xi32> to vector<1x16xi32>
      tpu.vector_store %arg7[%swap3A_1160, %swap3A_1161], %swap3A_1164 {strides = array<i32>} : memref<2x128xi32, #tpu.memory_space<vmem>>, vector<1x16xi32>,
      %mul3A_1165 = arith.constant 128 : i32
      %mul3A_1166 = arith.muli %add3A_1064, %mul3A_1165 : i32
      %add3A_1167 = arith.constant 64 : i32
      %add3A_1168 = arith.addi %mul3A_1166, %add3A_1167 : i32
      %get3A_1169 = arith.index_cast %add3A_1168 : i32 to index
      %get3A_1170 = tpu.vector_load %arg5[%get3A_1169] {strides = array<i32>} : memref<10112xi32, #tpu.memory_space<vmem>>, vector<16xi32>,
      %get3A_1171 = vector.shape_cast %get3A_1170 : vector<16xi32> to vector<16xi32>
      %broadcast_in_dim3A_1172 = arith.constant 16383 : i32
      %broadcast_in_dim3A_1173 = vector.broadcast %broadcast_in_dim3A_1172 : i32 to vector<16xi32>
      %and3A_1174 = arith.andi %get3A_1171, %broadcast_in_dim3A_1173 : vector<16xi32>
      %swap3A_1175 = arith.constant 1 : i32
      %swap3A_1176 = arith.index_cast %swap3A_1175 : i32 to index
      %swap3A_1177 = arith.constant 64 : index
      %swap3A_1178 = tpu.vector_load %arg6[%swap3A_1176, %swap3A_1177] {strides = array<i32>} : memref<2x128xi32, #tpu.memory_space<vmem>>, vector<1x16xi32>,
      %swap3A_1179 = vector.shape_cast %swap3A_1178 : vector<1x16xi32> to vector<16xi32>
      %swap3A_1180 = vector.shape_cast %and3A_1174 : vector<16xi32> to vector<1x16xi32>
      tpu.vector_store %arg6[%swap3A_1176, %swap3A_1177], %swap3A_1180 {strides = array<i32>} : memref<2x128xi32, #tpu.memory_space<vmem>>, vector<1x16xi32>,
      %shift_right_logical3A_1181 = arith.constant 14 : i32
      %shift_right_logical3A_1182 = vector.broadcast %shift_right_logical3A_1181 : i32 to vector<16xi32>
      %shift_right_logical3A_1183 = arith.shrui %get3A_1171, %shift_right_logical3A_1182 : vector<16xi32>
      %swap3A_1184 = arith.constant 1 : i32
      %swap3A_1185 = arith.index_cast %swap3A_1184 : i32 to index
      %swap3A_1186 = arith.constant 64 : index
      %swap3A_1187 = tpu.vector_load %arg7[%swap3A_1185, %swap3A_1186] {strides = array<i32>} : memref<2x128xi32, #tpu.memory_space<vmem>>, vector<1x16xi32>,
      %swap3A_1188 = vector.shape_cast %swap3A_1187 : vector<1x16xi32> to vector<16xi32>
      %swap3A_1189 = vector.shape_cast %shift_right_logical3A_1183 : vector<16xi32> to vector<1x16xi32>
      tpu.vector_store %arg7[%swap3A_1185, %swap3A_1186], %swap3A_1189 {strides = array<i32>} : memref<2x128xi32, #tpu.memory_space<vmem>>, vector<1x16xi32>,
      %mul3A_1190 = arith.constant 128 : i32
      %mul3A_1191 = arith.muli %add3A_1064, %mul3A_1190 : i32
      %add3A_1192 = arith.constant 80 : i32
      %add3A_1193 = arith.addi %mul3A_1191, %add3A_1192 : i32
      %get3A_1194 = arith.index_cast %add3A_1193 : i32 to index
      %get3A_1195 = tpu.vector_load %arg5[%get3A_1194] {strides = array<i32>} : memref<10112xi32, #tpu.memory_space<vmem>>, vector<16xi32>,
      %get3A_1196 = vector.shape_cast %get3A_1195 : vector<16xi32> to vector<16xi32>
      %broadcast_in_dim3A_1197 = arith.constant 16383 : i32
      %broadcast_in_dim3A_1198 = vector.broadcast %broadcast_in_dim3A_1197 : i32 to vector<16xi32>
      %and3A_1199 = arith.andi %get3A_1196, %broadcast_in_dim3A_1198 : vector<16xi32>
      %swap3A_1200 = arith.constant 1 : i32
      %swap3A_1201 = arith.index_cast %swap3A_1200 : i32 to index
      %swap3A_1202 = arith.constant 80 : index
      %swap3A_1203 = tpu.vector_load %arg6[%swap3A_1201, %swap3A_1202] {strides = array<i32>} : memref<2x128xi32, #tpu.memory_space<vmem>>, vector<1x16xi32>,
      %swap3A_1204 = vector.shape_cast %swap3A_1203 : vector<1x16xi32> to vector<16xi32>
      %swap3A_1205 = vector.shape_cast %and3A_1199 : vector<16xi32> to vector<1x16xi32>
      tpu.vector_store %arg6[%swap3A_1201, %swap3A_1202], %swap3A_1205 {strides = array<i32>} : memref<2x128xi32, #tpu.memory_space<vmem>>, vector<1x16xi32>,
      %shift_right_logical3A_1206 = arith.constant 14 : i32
      %shift_right_logical3A_1207 = vector.broadcast %shift_right_logical3A_1206 : i32 to vector<16xi32>
      %shift_right_logical3A_1208 = arith.shrui %get3A_1196, %shift_right_logical3A_1207 : vector<16xi32>
      %swap3A_1209 = arith.constant 1 : i32
      %swap3A_1210 = arith.index_cast %swap3A_1209 : i32 to index
      %swap3A_1211 = arith.constant 80 : index
      %swap3A_1212 = tpu.vector_load %arg7[%swap3A_1210, %swap3A_1211] {strides = array<i32>} : memref<2x128xi32, #tpu.memory_space<vmem>>, vector<1x16xi32>,
      %swap3A_1213 = vector.shape_cast %swap3A_1212 : vector<1x16xi32> to vector<16xi32>
      %swap3A_1214 = vector.shape_cast %shift_right_logical3A_1208 : vector<16xi32> to vector<1x16xi32>
      tpu.vector_store %arg7[%swap3A_1210, %swap3A_1211], %swap3A_1214 {strides = array<i32>} : memref<2x128xi32, #tpu.memory_space<vmem>>, vector<1x16xi32>,
      %mul3A_1215 = arith.constant 128 : i32
      %mul3A_1216 = arith.muli %add3A_1064, %mul3A_1215 : i32
      %add3A_1217 = arith.constant 96 : i32
      %add3A_1218 = arith.addi %mul3A_1216, %add3A_1217 : i32
      %get3A_1219 = arith.index_cast %add3A_1218 : i32 to index
      %get3A_1220 = tpu.vector_load %arg5[%get3A_1219] {strides = array<i32>} : memref<10112xi32, #tpu.memory_space<vmem>>, vector<16xi32>,
      %get3A_1221 = vector.shape_cast %get3A_1220 : vector<16xi32> to vector<16xi32>
      %broadcast_in_dim3A_1222 = arith.constant 16383 : i32
      %broadcast_in_dim3A_1223 = vector.broadcast %broadcast_in_dim3A_1222 : i32 to vector<16xi32>
      %and3A_1224 = arith.andi %get3A_1221, %broadcast_in_dim3A_1223 : vector<16xi32>
      %swap3A_1225 = arith.constant 1 : i32
      %swap3A_1226 = arith.index_cast %swap3A_1225 : i32 to index
      %swap3A_1227 = arith.constant 96 : index
      %swap3A_1228 = tpu.vector_load %arg6[%swap3A_1226, %swap3A_1227] {strides = array<i32>} : memref<2x128xi32, #tpu.memory_space<vmem>>, vector<1x16xi32>,
      %swap3A_1229 = vector.shape_cast %swap3A_1228 : vector<1x16xi32> to vector<16xi32>
      %swap3A_1230 = vector.shape_cast %and3A_1224 : vector<16xi32> to vector<1x16xi32>
      tpu.vector_store %arg6[%swap3A_1226, %swap3A_1227], %swap3A_1230 {strides = array<i32>} : memref<2x128xi32, #tpu.memory_space<vmem>>, vector<1x16xi32>,
      %shift_right_logical3A_1231 = arith.constant 14 : i32
      %shift_right_logical3A_1232 = vector.broadcast %shift_right_logical3A_1231 : i32 to vector<16xi32>
      %shift_right_logical3A_1233 = arith.shrui %get3A_1221, %shift_right_logical3A_1232 : vector<16xi32>
      %swap3A_1234 = arith.constant 1 : i32
      %swap3A_1235 = arith.index_cast %swap3A_1234 : i32 to index
      %swap3A_1236 = arith.constant 96 : index
      %swap3A_1237 = tpu.vector_load %arg7[%swap3A_1235, %swap3A_1236] {strides = array<i32>} : memref<2x128xi32, #tpu.memory_space<vmem>>, vector<1x16xi32>,
      %swap3A_1238 = vector.shape_cast %swap3A_1237 : vector<1x16xi32> to vector<16xi32>
      %swap3A_1239 = vector.shape_cast %shift_right_logical3A_1233 : vector<16xi32> to vector<1x16xi32>
      tpu.vector_store %arg7[%swap3A_1235, %swap3A_1236], %swap3A_1239 {strides = array<i32>} : memref<2x128xi32, #tpu.memory_space<vmem>>, vector<1x16xi32>,
      %mul3A_1240 = arith.constant 128 : i32
      %mul3A_1241 = arith.muli %add3A_1064, %mul3A_1240 : i32
      %add3A_1242 = arith.constant 112 : i32
      %add3A_1243 = arith.addi %mul3A_1241, %add3A_1242 : i32
      %get3A_1244 = arith.index_cast %add3A_1243 : i32 to index
      %get3A_1245 = tpu.vector_load %arg5[%get3A_1244] {strides = array<i32>} : memref<10112xi32, #tpu.memory_space<vmem>>, vector<16xi32>,
      %get3A_1246 = vector.shape_cast %get3A_1245 : vector<16xi32> to vector<16xi32>
      %broadcast_in_dim3A_1247 = arith.constant 16383 : i32
      %broadcast_in_dim3A_1248 = vector.broadcast %broadcast_in_dim3A_1247 : i32 to vector<16xi32>
      %and3A_1249 = arith.andi %get3A_1246, %broadcast_in_dim3A_1248 : vector<16xi32>
      %swap3A_1250 = arith.constant 1 : i32
      %swap3A_1251 = arith.index_cast %swap3A_1250 : i32 to index
      %swap3A_1252 = arith.constant 112 : index
      %swap3A_1253 = tpu.vector_load %arg6[%swap3A_1251, %swap3A_1252] {strides = array<i32>} : memref<2x128xi32, #tpu.memory_space<vmem>>, vector<1x16xi32>,
      %swap3A_1254 = vector.shape_cast %swap3A_1253 : vector<1x16xi32> to vector<16xi32>
      %swap3A_1255 = vector.shape_cast %and3A_1249 : vector<16xi32> to vector<1x16xi32>
      tpu.vector_store %arg6[%swap3A_1251, %swap3A_1252], %swap3A_1255 {strides = array<i32>} : memref<2x128xi32, #tpu.memory_space<vmem>>, vector<1x16xi32>,
      %shift_right_logical3A_1256 = arith.constant 14 : i32
      %shift_right_logical3A_1257 = vector.broadcast %shift_right_logical3A_1256 : i32 to vector<16xi32>
      %shift_right_logical3A_1258 = arith.shrui %get3A_1246, %shift_right_logical3A_1257 : vector<16xi32>
      %swap3A_1259 = arith.constant 1 : i32
      %swap3A_1260 = arith.index_cast %swap3A_1259 : i32 to index
      %swap3A_1261 = arith.constant 112 : index
      %swap3A_1262 = tpu.vector_load %arg7[%swap3A_1260, %swap3A_1261] {strides = array<i32>} : memref<2x128xi32, #tpu.memory_space<vmem>>, vector<1x16xi32>,
      %swap3A_1263 = vector.shape_cast %swap3A_1262 : vector<1x16xi32> to vector<16xi32>
      %swap3A_1264 = vector.shape_cast %shift_right_logical3A_1258 : vector<16xi32> to vector<1x16xi32>
      tpu.vector_store %arg7[%swap3A_1260, %swap3A_1261], %swap3A_1264 {strides = array<i32>} : memref<2x128xi32, #tpu.memory_space<vmem>>, vector<1x16xi32>,
      %dma_start3A_1265 = arith.constant 1 : i32
      %dma_start3A_1266 = arith.constant 0 : i32
      %dma_start3A_1267 = tpu.memref_slice %arg6[%dma_start3A_1265, %dma_start3A_1266] : memref<2x128xi32, #tpu.memory_space<vmem>> -> memref<1x128xi32, #tpu.memory_space<vmem>>
      %dma_start3A_1268 = tpu.memref_squeeze %dma_start3A_1267 : memref<1x128xi32, #tpu.memory_space<vmem>> -> memref<128xi32, #tpu.memory_space<vmem>>
      %dma_start3A_1269 = arith.constant 0 : i32
      %dma_start3A_1270 = arith.constant 0 : i32
      %dma_start3A_1271 = tpu.memref_slice %arg2[%dma_start3A_1269, %dma_start3A_1270] : memref<10112x128xf32, #tpu.memory_space<hbm>> -> memref<10112x128xf32, #tpu.memory_space<hbm>>
      tpu.enqueue_indirect_dma source(%dma_start3A_1271 : memref<10112x128xf32, #tpu.memory_space<hbm>>) target(%arg9 : memref<128x128xf32, #tpu.memory_space<vmem>>) offsets(%dma_start3A_1268 : memref<128xi32, #tpu.memory_space<vmem>>) semaphore(%arg12 : memref<!tpu.dma_semaphore, #tpu.memory_space<semaphore_mem>>)
      %scan3A_1272 = arith.constant 0 : i32
      scf.yield %scan3A_1272 : i32
    }
    %scan3A_446 = arith.constant 38 : i32
    %dma_wait3A_447 = arith.constant 0 : i32
    %dma_wait3A_448 = arith.constant 0 : i32
    %dma_wait3A_449 = tpu.memref_slice %arg6[%dma_wait3A_447, %dma_wait3A_448] : memref<2x128xi32, #tpu.memory_space<vmem>> -> memref<1x128xi32, #tpu.memory_space<vmem>>
    %dma_wait3A_450 = tpu.memref_squeeze %dma_wait3A_449 : memref<1x128xi32, #tpu.memory_space<vmem>> -> memref<128xi32, #tpu.memory_space<vmem>>
    %dma_wait3A_451 = arith.constant 0 : i32
    %dma_wait3A_452 = arith.constant 0 : i32
    %dma_wait3A_453 = tpu.memref_slice %arg2[%dma_wait3A_451, %dma_wait3A_452] : memref<10112x128xf32, #tpu.memory_space<hbm>> -> memref<10112x128xf32, #tpu.memory_space<hbm>>
    tpu.wait_indirect_dma semaphore(%arg11 : memref<!tpu.dma_semaphore, #tpu.memory_space<semaphore_mem>>) src(%dma_wait3A_453 : memref<10112x128xf32, #tpu.memory_space<hbm>>) dst(%arg8 : memref<128x128xf32, #tpu.memory_space<vmem>>)
    %run_scoped3A = arith.constant 0 : i32
    "tpu.region"() ({
      %run_scoped3A_834 = tpu.sem_alloc : memref<!tpu.dma_semaphore, #tpu.memory_space<semaphore_mem>>
      %dma_start3A_835 = arith.constant 0 : i32
      %dma_start3A_836 = tpu.memref_slice %arg7[%run_scoped3A, %dma_start3A_835] : memref<2x128xi32, #tpu.memory_space<vmem>> -> memref<1x128xi32, #tpu.memory_space<vmem>>
      %dma_start3A_837 = tpu.memref_squeeze %dma_start3A_836 : memref<1x128xi32, #tpu.memory_space<vmem>> -> memref<128xi32, #tpu.memory_space<vmem>>
      %dma_start3A_838 = arith.constant 0 : i32
      %dma_start3A_839 = arith.constant 0 : i32
      %dma_start3A_840 = tpu.memref_slice %arg10[%dma_start3A_838, %dma_start3A_839] : memref<10112x128xf32, #tpu.memory_space<vmem_shared>> -> memref<10112x128xf32, #tpu.memory_space<vmem_shared>>
      tpu.enqueue_indirect_dma source(%arg8 : memref<128x128xf32, #tpu.memory_space<vmem>>) target(%dma_start3A_840 : memref<10112x128xf32, #tpu.memory_space<vmem_shared>>) offsets(%dma_start3A_837 : memref<128xi32, #tpu.memory_space<vmem>>) semaphore(%run_scoped3A_834 : memref<!tpu.dma_semaphore, #tpu.memory_space<semaphore_mem>>) {add = true}
      %dma_wait3A_841 = arith.constant 0 : i32
      %dma_wait3A_842 = tpu.memref_slice %arg7[%run_scoped3A, %dma_wait3A_841] : memref<2x128xi32, #tpu.memory_space<vmem>> -> memref<1x128xi32, #tpu.memory_space<vmem>>
      %dma_wait3A_843 = tpu.memref_squeeze %dma_wait3A_842 : memref<1x128xi32, #tpu.memory_space<vmem>> -> memref<128xi32, #tpu.memory_space<vmem>>
      %dma_wait3A_844 = arith.constant 0 : i32
      %dma_wait3A_845 = arith.constant 0 : i32
      %dma_wait3A_846 = tpu.memref_slice %arg10[%dma_wait3A_844, %dma_wait3A_845] : memref<10112x128xf32, #tpu.memory_space<vmem_shared>> -> memref<10112x128xf32, #tpu.memory_space<vmem_shared>>
      tpu.wait_indirect_dma semaphore(%run_scoped3A_834 : memref<!tpu.dma_semaphore, #tpu.memory_space<semaphore_mem>>) src(%arg8 : memref<128x128xf32, #tpu.memory_space<vmem>>) dst(%dma_wait3A_846 : memref<10112x128xf32, #tpu.memory_space<vmem_shared>>)
      tpu.yield
    }) : () -> ()
    %get3A_454 = arith.constant 9984 : index
    %get3A_455 = tpu.vector_load %arg5[%get3A_454] {strides = array<i32>} : memref<10112xi32, #tpu.memory_space<vmem>>, vector<16xi32>,
    %get3A_456 = vector.shape_cast %get3A_455 : vector<16xi32> to vector<16xi32>
    %broadcast_in_dim3A_457 = arith.constant 16383 : i32
    %broadcast_in_dim3A_458 = vector.broadcast %broadcast_in_dim3A_457 : i32 to vector<16xi32>
    %and3A_459 = arith.andi %get3A_456, %broadcast_in_dim3A_458 : vector<16xi32>
    %swap3A_460 = arith.constant 0 : i32
    %swap3A_461 = arith.index_cast %swap3A_460 : i32 to index
    %swap3A_462 = arith.constant 0 : index
    %swap3A_463 = tpu.vector_load %arg6[%swap3A_461, %swap3A_462] {strides = array<i32>} : memref<2x128xi32, #tpu.memory_space<vmem>>, vector<1x16xi32>,
    %swap3A_464 = vector.shape_cast %swap3A_463 : vector<1x16xi32> to vector<16xi32>
    %swap3A_465 = vector.shape_cast %and3A_459 : vector<16xi32> to vector<1x16xi32>
    tpu.vector_store %arg6[%swap3A_461, %swap3A_462], %swap3A_465 {strides = array<i32>} : memref<2x128xi32, #tpu.memory_space<vmem>>, vector<1x16xi32>,
    %shift_right_logical3A_466 = arith.constant 14 : i32
    %shift_right_logical3A_467 = vector.broadcast %shift_right_logical3A_466 : i32 to vector<16xi32>
    %shift_right_logical3A_468 = arith.shrui %get3A_456, %shift_right_logical3A_467 : vector<16xi32>
    %swap3A_469 = arith.constant 0 : i32
    %swap3A_470 = arith.index_cast %swap3A_469 : i32 to index
    %swap3A_471 = arith.constant 0 : index
    %swap3A_472 = tpu.vector_load %arg7[%swap3A_470, %swap3A_471] {strides = array<i32>} : memref<2x128xi32, #tpu.memory_space<vmem>>, vector<1x16xi32>,
    %swap3A_473 = vector.shape_cast %swap3A_472 : vector<1x16xi32> to vector<16xi32>
    %swap3A_474 = vector.shape_cast %shift_right_logical3A_468 : vector<16xi32> to vector<1x16xi32>
    tpu.vector_store %arg7[%swap3A_470, %swap3A_471], %swap3A_474 {strides = array<i32>} : memref<2x128xi32, #tpu.memory_space<vmem>>, vector<1x16xi32>,
    %get3A_475 = arith.constant 10000 : index
    %get3A_476 = tpu.vector_load %arg5[%get3A_475] {strides = array<i32>} : memref<10112xi32, #tpu.memory_space<vmem>>, vector<16xi32>,
    %get3A_477 = vector.shape_cast %get3A_476 : vector<16xi32> to vector<16xi32>
    %broadcast_in_dim3A_478 = arith.constant 16383 : i32
    %broadcast_in_dim3A_479 = vector.broadcast %broadcast_in_dim3A_478 : i32 to vector<16xi32>
    %and3A_480 = arith.andi %get3A_477, %broadcast_in_dim3A_479 : vector<16xi32>
    %swap3A_481 = arith.constant 0 : i32
    %swap3A_482 = arith.index_cast %swap3A_481 : i32 to index
    %swap3A_483 = arith.constant 16 : index
    %swap3A_484 = tpu.vector_load %arg6[%swap3A_482, %swap3A_483] {strides = array<i32>} : memref<2x128xi32, #tpu.memory_space<vmem>>, vector<1x16xi32>,
    %swap3A_485 = vector.shape_cast %swap3A_484 : vector<1x16xi32> to vector<16xi32>
    %swap3A_486 = vector.shape_cast %and3A_480 : vector<16xi32> to vector<1x16xi32>
    tpu.vector_store %arg6[%swap3A_482, %swap3A_483], %swap3A_486 {strides = array<i32>} : memref<2x128xi32, #tpu.memory_space<vmem>>, vector<1x16xi32>,
    %shift_right_logical3A_487 = arith.constant 14 : i32
    %shift_right_logical3A_488 = vector.broadcast %shift_right_logical3A_487 : i32 to vector<16xi32>
    %shift_right_logical3A_489 = arith.shrui %get3A_477, %shift_right_logical3A_488 : vector<16xi32>
    %swap3A_490 = arith.constant 0 : i32
    %swap3A_491 = arith.index_cast %swap3A_490 : i32 to index
    %swap3A_492 = arith.constant 16 : index
    %swap3A_493 = tpu.vector_load %arg7[%swap3A_491, %swap3A_492] {strides = array<i32>} : memref<2x128xi32, #tpu.memory_space<vmem>>, vector<1x16xi32>,
    %swap3A_494 = vector.shape_cast %swap3A_493 : vector<1x16xi32> to vector<16xi32>
    %swap3A_495 = vector.shape_cast %shift_right_logical3A_489 : vector<16xi32> to vector<1x16xi32>
    tpu.vector_store %arg7[%swap3A_491, %swap3A_492], %swap3A_495 {strides = array<i32>} : memref<2x128xi32, #tpu.memory_space<vmem>>, vector<1x16xi32>,
    %get3A_496 = arith.constant 10016 : index
    %get3A_497 = tpu.vector_load %arg5[%get3A_496] {strides = array<i32>} : memref<10112xi32, #tpu.memory_space<vmem>>, vector<16xi32>,
    %get3A_498 = vector.shape_cast %get3A_497 : vector<16xi32> to vector<16xi32>
    %broadcast_in_dim3A_499 = arith.constant 16383 : i32
    %broadcast_in_dim3A_500 = vector.broadcast %broadcast_in_dim3A_499 : i32 to vector<16xi32>
    %and3A_501 = arith.andi %get3A_498, %broadcast_in_dim3A_500 : vector<16xi32>
    %swap3A_502 = arith.constant 0 : i32
    %swap3A_503 = arith.index_cast %swap3A_502 : i32 to index
    %swap3A_504 = arith.constant 32 : index
    %swap3A_505 = tpu.vector_load %arg6[%swap3A_503, %swap3A_504] {strides = array<i32>} : memref<2x128xi32, #tpu.memory_space<vmem>>, vector<1x16xi32>,
    %swap3A_506 = vector.shape_cast %swap3A_505 : vector<1x16xi32> to vector<16xi32>
    %swap3A_507 = vector.shape_cast %and3A_501 : vector<16xi32> to vector<1x16xi32>
    tpu.vector_store %arg6[%swap3A_503, %swap3A_504], %swap3A_507 {strides = array<i32>} : memref<2x128xi32, #tpu.memory_space<vmem>>, vector<1x16xi32>,
    %shift_right_logical3A_508 = arith.constant 14 : i32
    %shift_right_logical3A_509 = vector.broadcast %shift_right_logical3A_508 : i32 to vector<16xi32>
    %shift_right_logical3A_510 = arith.shrui %get3A_498, %shift_right_logical3A_509 : vector<16xi32>
    %swap3A_511 = arith.constant 0 : i32
    %swap3A_512 = arith.index_cast %swap3A_511 : i32 to index
    %swap3A_513 = arith.constant 32 : index
    %swap3A_514 = tpu.vector_load %arg7[%swap3A_512, %swap3A_513] {strides = array<i32>} : memref<2x128xi32, #tpu.memory_space<vmem>>, vector<1x16xi32>,
    %swap3A_515 = vector.shape_cast %swap3A_514 : vector<1x16xi32> to vector<16xi32>
    %swap3A_516 = vector.shape_cast %shift_right_logical3A_510 : vector<16xi32> to vector<1x16xi32>
    tpu.vector_store %arg7[%swap3A_512, %swap3A_513], %swap3A_516 {strides = array<i32>} : memref<2x128xi32, #tpu.memory_space<vmem>>, vector<1x16xi32>,
    %get3A_517 = arith.constant 10032 : index
    %get3A_518 = tpu.vector_load %arg5[%get3A_517] {strides = array<i32>} : memref<10112xi32, #tpu.memory_space<vmem>>, vector<16xi32>,
    %get3A_519 = vector.shape_cast %get3A_518 : vector<16xi32> to vector<16xi32>
    %broadcast_in_dim3A_520 = arith.constant 16383 : i32
    %broadcast_in_dim3A_521 = vector.broadcast %broadcast_in_dim3A_520 : i32 to vector<16xi32>
    %and3A_522 = arith.andi %get3A_519, %broadcast_in_dim3A_521 : vector<16xi32>
    %swap3A_523 = arith.constant 0 : i32
    %swap3A_524 = arith.index_cast %swap3A_523 : i32 to index
    %swap3A_525 = arith.constant 48 : index
    %swap3A_526 = tpu.vector_load %arg6[%swap3A_524, %swap3A_525] {strides = array<i32>} : memref<2x128xi32, #tpu.memory_space<vmem>>, vector<1x16xi32>,
    %swap3A_527 = vector.shape_cast %swap3A_526 : vector<1x16xi32> to vector<16xi32>
    %swap3A_528 = vector.shape_cast %and3A_522 : vector<16xi32> to vector<1x16xi32>
    tpu.vector_store %arg6[%swap3A_524, %swap3A_525], %swap3A_528 {strides = array<i32>} : memref<2x128xi32, #tpu.memory_space<vmem>>, vector<1x16xi32>,
    %shift_right_logical3A_529 = arith.constant 14 : i32
    %shift_right_logical3A_530 = vector.broadcast %shift_right_logical3A_529 : i32 to vector<16xi32>
    %shift_right_logical3A_531 = arith.shrui %get3A_519, %shift_right_logical3A_530 : vector<16xi32>
    %swap3A_532 = arith.constant 0 : i32
    %swap3A_533 = arith.index_cast %swap3A_532 : i32 to index
    %swap3A_534 = arith.constant 48 : index
    %swap3A_535 = tpu.vector_load %arg7[%swap3A_533, %swap3A_534] {strides = array<i32>} : memref<2x128xi32, #tpu.memory_space<vmem>>, vector<1x16xi32>,
    %swap3A_536 = vector.shape_cast %swap3A_535 : vector<1x16xi32> to vector<16xi32>
    %swap3A_537 = vector.shape_cast %shift_right_logical3A_531 : vector<16xi32> to vector<1x16xi32>
    tpu.vector_store %arg7[%swap3A_533, %swap3A_534], %swap3A_537 {strides = array<i32>} : memref<2x128xi32, #tpu.memory_space<vmem>>, vector<1x16xi32>,
    %get3A_538 = arith.constant 10048 : index
    %get3A_539 = tpu.vector_load %arg5[%get3A_538] {strides = array<i32>} : memref<10112xi32, #tpu.memory_space<vmem>>, vector<16xi32>,
    %get3A_540 = vector.shape_cast %get3A_539 : vector<16xi32> to vector<16xi32>
    %broadcast_in_dim3A_541 = arith.constant 16383 : i32
    %broadcast_in_dim3A_542 = vector.broadcast %broadcast_in_dim3A_541 : i32 to vector<16xi32>
    %and3A_543 = arith.andi %get3A_540, %broadcast_in_dim3A_542 : vector<16xi32>
    %swap3A_544 = arith.constant 0 : i32
    %swap3A_545 = arith.index_cast %swap3A_544 : i32 to index
    %swap3A_546 = arith.constant 64 : index
    %swap3A_547 = tpu.vector_load %arg6[%swap3A_545, %swap3A_546] {strides = array<i32>} : memref<2x128xi32, #tpu.memory_space<vmem>>, vector<1x16xi32>,
    %swap3A_548 = vector.shape_cast %swap3A_547 : vector<1x16xi32> to vector<16xi32>
    %swap3A_549 = vector.shape_cast %and3A_543 : vector<16xi32> to vector<1x16xi32>
    tpu.vector_store %arg6[%swap3A_545, %swap3A_546], %swap3A_549 {strides = array<i32>} : memref<2x128xi32, #tpu.memory_space<vmem>>, vector<1x16xi32>,
    %shift_right_logical3A_550 = arith.constant 14 : i32
    %shift_right_logical3A_551 = vector.broadcast %shift_right_logical3A_550 : i32 to vector<16xi32>
    %shift_right_logical3A_552 = arith.shrui %get3A_540, %shift_right_logical3A_551 : vector<16xi32>
    %swap3A_553 = arith.constant 0 : i32
    %swap3A_554 = arith.index_cast %swap3A_553 : i32 to index
    %swap3A_555 = arith.constant 64 : index
    %swap3A_556 = tpu.vector_load %arg7[%swap3A_554, %swap3A_555] {strides = array<i32>} : memref<2x128xi32, #tpu.memory_space<vmem>>, vector<1x16xi32>,
    %swap3A_557 = vector.shape_cast %swap3A_556 : vector<1x16xi32> to vector<16xi32>
    %swap3A_558 = vector.shape_cast %shift_right_logical3A_552 : vector<16xi32> to vector<1x16xi32>
    tpu.vector_store %arg7[%swap3A_554, %swap3A_555], %swap3A_558 {strides = array<i32>} : memref<2x128xi32, #tpu.memory_space<vmem>>, vector<1x16xi32>,
    %get3A_559 = arith.constant 10064 : index
    %get3A_560 = tpu.vector_load %arg5[%get3A_559] {strides = array<i32>} : memref<10112xi32, #tpu.memory_space<vmem>>, vector<16xi32>,
    %get3A_561 = vector.shape_cast %get3A_560 : vector<16xi32> to vector<16xi32>
    %broadcast_in_dim3A_562 = arith.constant 16383 : i32
    %broadcast_in_dim3A_563 = vector.broadcast %broadcast_in_dim3A_562 : i32 to vector<16xi32>
    %and3A_564 = arith.andi %get3A_561, %broadcast_in_dim3A_563 : vector<16xi32>
    %swap3A_565 = arith.constant 0 : i32
    %swap3A_566 = arith.index_cast %swap3A_565 : i32 to index
    %swap3A_567 = arith.constant 80 : index
    %swap3A_568 = tpu.vector_load %arg6[%swap3A_566, %swap3A_567] {strides = array<i32>} : memref<2x128xi32, #tpu.memory_space<vmem>>, vector<1x16xi32>,
    %swap3A_569 = vector.shape_cast %swap3A_568 : vector<1x16xi32> to vector<16xi32>
    %swap3A_570 = vector.shape_cast %and3A_564 : vector<16xi32> to vector<1x16xi32>
    tpu.vector_store %arg6[%swap3A_566, %swap3A_567], %swap3A_570 {strides = array<i32>} : memref<2x128xi32, #tpu.memory_space<vmem>>, vector<1x16xi32>,
    %shift_right_logical3A_571 = arith.constant 14 : i32
    %shift_right_logical3A_572 = vector.broadcast %shift_right_logical3A_571 : i32 to vector<16xi32>
    %shift_right_logical3A_573 = arith.shrui %get3A_561, %shift_right_logical3A_572 : vector<16xi32>
    %swap3A_574 = arith.constant 0 : i32
    %swap3A_575 = arith.index_cast %swap3A_574 : i32 to index
    %swap3A_576 = arith.constant 80 : index
    %swap3A_577 = tpu.vector_load %arg7[%swap3A_575, %swap3A_576] {strides = array<i32>} : memref<2x128xi32, #tpu.memory_space<vmem>>, vector<1x16xi32>,
    %swap3A_578 = vector.shape_cast %swap3A_577 : vector<1x16xi32> to vector<16xi32>
    %swap3A_579 = vector.shape_cast %shift_right_logical3A_573 : vector<16xi32> to vector<1x16xi32>
    tpu.vector_store %arg7[%swap3A_575, %swap3A_576], %swap3A_579 {strides = array<i32>} : memref<2x128xi32, #tpu.memory_space<vmem>>, vector<1x16xi32>,
    %get3A_580 = arith.constant 10080 : index
    %get3A_581 = tpu.vector_load %arg5[%get3A_580] {strides = array<i32>} : memref<10112xi32, #tpu.memory_space<vmem>>, vector<16xi32>,
    %get3A_582 = vector.shape_cast %get3A_581 : vector<16xi32> to vector<16xi32>
    %broadcast_in_dim3A_583 = arith.constant 16383 : i32
    %broadcast_in_dim3A_584 = vector.broadcast %broadcast_in_dim3A_583 : i32 to vector<16xi32>
    %and3A_585 = arith.andi %get3A_582, %broadcast_in_dim3A_584 : vector<16xi32>
    %swap3A_586 = arith.constant 0 : i32
    %swap3A_587 = arith.index_cast %swap3A_586 : i32 to index
    %swap3A_588 = arith.constant 96 : index
    %swap3A_589 = tpu.vector_load %arg6[%swap3A_587, %swap3A_588] {strides = array<i32>} : memref<2x128xi32, #tpu.memory_space<vmem>>, vector<1x16xi32>,
    %swap3A_590 = vector.shape_cast %swap3A_589 : vector<1x16xi32> to vector<16xi32>
    %swap3A_591 = vector.shape_cast %and3A_585 : vector<16xi32> to vector<1x16xi32>
    tpu.vector_store %arg6[%swap3A_587, %swap3A_588], %swap3A_591 {strides = array<i32>} : memref<2x128xi32, #tpu.memory_space<vmem>>, vector<1x16xi32>,
    %shift_right_logical3A_592 = arith.constant 14 : i32
    %shift_right_logical3A_593 = vector.broadcast %shift_right_logical3A_592 : i32 to vector<16xi32>
    %shift_right_logical3A_594 = arith.shrui %get3A_582, %shift_right_logical3A_593 : vector<16xi32>
    %swap3A_595 = arith.constant 0 : i32
    %swap3A_596 = arith.index_cast %swap3A_595 : i32 to index
    %swap3A_597 = arith.constant 96 : index
    %swap3A_598 = tpu.vector_load %arg7[%swap3A_596, %swap3A_597] {strides = array<i32>} : memref<2x128xi32, #tpu.memory_space<vmem>>, vector<1x16xi32>,
    %swap3A_599 = vector.shape_cast %swap3A_598 : vector<1x16xi32> to vector<16xi32>
    %swap3A_600 = vector.shape_cast %shift_right_logical3A_594 : vector<16xi32> to vector<1x16xi32>
    tpu.vector_store %arg7[%swap3A_596, %swap3A_597], %swap3A_600 {strides = array<i32>} : memref<2x128xi32, #tpu.memory_space<vmem>>, vector<1x16xi32>,
    %get3A_601 = arith.constant 10096 : index
    %get3A_602 = tpu.vector_load %arg5[%get3A_601] {strides = array<i32>} : memref<10112xi32, #tpu.memory_space<vmem>>, vector<16xi32>,
    %get3A_603 = vector.shape_cast %get3A_602 : vector<16xi32> to vector<16xi32>
    %broadcast_in_dim3A_604 = arith.constant 16383 : i32
    %broadcast_in_dim3A_605 = vector.broadcast %broadcast_in_dim3A_604 : i32 to vector<16xi32>
    %and3A_606 = arith.andi %get3A_603, %broadcast_in_dim3A_605 : vector<16xi32>
    %swap3A_607 = arith.constant 0 : i32
    %swap3A_608 = arith.index_cast %swap3A_607 : i32 to index
    %swap3A_609 = arith.constant 112 : index
    %swap3A_610 = tpu.vector_load %arg6[%swap3A_608, %swap3A_609] {strides = array<i32>} : memref<2x128xi32, #tpu.memory_space<vmem>>, vector<1x16xi32>,
    %swap3A_611 = vector.shape_cast %swap3A_610 : vector<1x16xi32> to vector<16xi32>
    %swap3A_612 = vector.shape_cast %and3A_606 : vector<16xi32> to vector<1x16xi32>
    tpu.vector_store %arg6[%swap3A_608, %swap3A_609], %swap3A_612 {strides = array<i32>} : memref<2x128xi32, #tpu.memory_space<vmem>>, vector<1x16xi32>,
    %shift_right_logical3A_613 = arith.constant 14 : i32
    %shift_right_logical3A_614 = vector.broadcast %shift_right_logical3A_613 : i32 to vector<16xi32>
    %shift_right_logical3A_615 = arith.shrui %get3A_603, %shift_right_logical3A_614 : vector<16xi32>
    %swap3A_616 = arith.constant 0 : i32
    %swap3A_617 = arith.index_cast %swap3A_616 : i32 to index
    %swap3A_618 = arith.constant 112 : index
    %swap3A_619 = tpu.vector_load %arg7[%swap3A_617, %swap3A_618] {strides = array<i32>} : memref<2x128xi32, #tpu.memory_space<vmem>>, vector<1x16xi32>,
    %swap3A_620 = vector.shape_cast %swap3A_619 : vector<1x16xi32> to vector<16xi32>
    %swap3A_621 = vector.shape_cast %shift_right_logical3A_615 : vector<16xi32> to vector<1x16xi32>
    tpu.vector_store %arg7[%swap3A_617, %swap3A_618], %swap3A_621 {strides = array<i32>} : memref<2x128xi32, #tpu.memory_space<vmem>>, vector<1x16xi32>,
    %dma_start3A_622 = arith.constant 0 : i32
    %dma_start3A_623 = arith.constant 0 : i32
    %dma_start3A_624 = tpu.memref_slice %arg6[%dma_start3A_622, %dma_start3A_623] : memref<2x128xi32, #tpu.memory_space<vmem>> -> memref<1x128xi32, #tpu.memory_space<vmem>>
    %dma_start3A_625 = tpu.memref_squeeze %dma_start3A_624 : memref<1x128xi32, #tpu.memory_space<vmem>> -> memref<128xi32, #tpu.memory_space<vmem>>
    %dma_start3A_626 = arith.constant 0 : i32
    %dma_start3A_627 = arith.constant 0 : i32
    %dma_start3A_628 = tpu.memref_slice %arg2[%dma_start3A_626, %dma_start3A_627] : memref<10112x128xf32, #tpu.memory_space<hbm>> -> memref<10112x128xf32, #tpu.memory_space<hbm>>
    tpu.enqueue_indirect_dma source(%dma_start3A_628 : memref<10112x128xf32, #tpu.memory_space<hbm>>) target(%arg8 : memref<128x128xf32, #tpu.memory_space<vmem>>) offsets(%dma_start3A_625 : memref<128xi32, #tpu.memory_space<vmem>>) semaphore(%arg11 : memref<!tpu.dma_semaphore, #tpu.memory_space<semaphore_mem>>)
    %dma_wait3A_629 = arith.constant 0 : i32
    %dma_wait3A_630 = arith.constant 0 : i32
    %dma_wait3A_631 = tpu.memref_slice %arg6[%dma_wait3A_629, %dma_wait3A_630] : memref<2x128xi32, #tpu.memory_space<vmem>> -> memref<1x128xi32, #tpu.memory_space<vmem>>
    %dma_wait3A_632 = tpu.memref_squeeze %dma_wait3A_631 : memref<1x128xi32, #tpu.memory_space<vmem>> -> memref<128xi32, #tpu.memory_space<vmem>>
    %dma_wait3A_633 = arith.constant 0 : i32
    %dma_wait3A_634 = arith.constant 0 : i32
    %dma_wait3A_635 = tpu.memref_slice %arg2[%dma_wait3A_633, %dma_wait3A_634] : memref<10112x128xf32, #tpu.memory_space<hbm>> -> memref<10112x128xf32, #tpu.memory_space<hbm>>
    tpu.wait_indirect_dma semaphore(%arg12 : memref<!tpu.dma_semaphore, #tpu.memory_space<semaphore_mem>>) src(%dma_wait3A_635 : memref<10112x128xf32, #tpu.memory_space<hbm>>) dst(%arg9 : memref<128x128xf32, #tpu.memory_space<vmem>>)
    %run_scoped3A_636 = arith.constant 1 : i32
    "tpu.region"() ({
      %run_scoped3A_834 = tpu.sem_alloc : memref<!tpu.dma_semaphore, #tpu.memory_space<semaphore_mem>>
      %dma_start3A_835 = arith.constant 0 : i32
      %dma_start3A_836 = tpu.memref_slice %arg7[%run_scoped3A_636, %dma_start3A_835] : memref<2x128xi32, #tpu.memory_space<vmem>> -> memref<1x128xi32, #tpu.memory_space<vmem>>
      %dma_start3A_837 = tpu.memref_squeeze %dma_start3A_836 : memref<1x128xi32, #tpu.memory_space<vmem>> -> memref<128xi32, #tpu.memory_space<vmem>>
      %dma_start3A_838 = arith.constant 0 : i32
      %dma_start3A_839 = arith.constant 0 : i32
      %dma_start3A_840 = tpu.memref_slice %arg10[%dma_start3A_838, %dma_start3A_839] : memref<10112x128xf32, #tpu.memory_space<vmem_shared>> -> memref<10112x128xf32, #tpu.memory_space<vmem_shared>>
      tpu.enqueue_indirect_dma source(%arg9 : memref<128x128xf32, #tpu.memory_space<vmem>>) target(%dma_start3A_840 : memref<10112x128xf32, #tpu.memory_space<vmem_shared>>) offsets(%dma_start3A_837 : memref<128xi32, #tpu.memory_space<vmem>>) semaphore(%run_scoped3A_834 : memref<!tpu.dma_semaphore, #tpu.memory_space<semaphore_mem>>) {add = true}
      %dma_wait3A_841 = arith.constant 0 : i32
      %dma_wait3A_842 = tpu.memref_slice %arg7[%run_scoped3A_636, %dma_wait3A_841] : memref<2x128xi32, #tpu.memory_space<vmem>> -> memref<1x128xi32, #tpu.memory_space<vmem>>
      %dma_wait3A_843 = tpu.memref_squeeze %dma_wait3A_842 : memref<1x128xi32, #tpu.memory_space<vmem>> -> memref<128xi32, #tpu.memory_space<vmem>>
      %dma_wait3A_844 = arith.constant 0 : i32
      %dma_wait3A_845 = arith.constant 0 : i32
      %dma_wait3A_846 = tpu.memref_slice %arg10[%dma_wait3A_844, %dma_wait3A_845] : memref<10112x128xf32, #tpu.memory_space<vmem_shared>> -> memref<10112x128xf32, #tpu.memory_space<vmem_shared>>
      tpu.wait_indirect_dma semaphore(%run_scoped3A_834 : memref<!tpu.dma_semaphore, #tpu.memory_space<semaphore_mem>>) src(%arg9 : memref<128x128xf32, #tpu.memory_space<vmem>>) dst(%dma_wait3A_846 : memref<10112x128xf32, #tpu.memory_space<vmem_shared>>)
      tpu.yield
    }) : () -> ()
    %dma_wait3A_637 = arith.constant 0 : i32
    %dma_wait3A_638 = arith.constant 0 : i32
    %dma_wait3A_639 = tpu.memref_slice %arg6[%dma_wait3A_637, %dma_wait3A_638] : memref<2x128xi32, #tpu.memory_space<vmem>> -> memref<1x128xi32, #tpu.memory_space<vmem>>
    %dma_wait3A_640 = tpu.memref_squeeze %dma_wait3A_639 : memref<1x128xi32, #tpu.memory_space<vmem>> -> memref<128xi32, #tpu.memory_space<vmem>>
    %dma_wait3A_641 = arith.constant 0 : i32
    %dma_wait3A_642 = arith.constant 0 : i32
    %dma_wait3A_643 = tpu.memref_slice %arg2[%dma_wait3A_641, %dma_wait3A_642] : memref<10112x128xf32, #tpu.memory_space<hbm>> -> memref<10112x128xf32, #tpu.memory_space<hbm>>
    tpu.wait_indirect_dma semaphore(%arg11 : memref<!tpu.dma_semaphore, #tpu.memory_space<semaphore_mem>>) src(%dma_wait3A_643 : memref<10112x128xf32, #tpu.memory_space<hbm>>) dst(%arg8 : memref<128x128xf32, #tpu.memory_space<vmem>>)
    %run_scoped3A_644 = arith.constant 0 : i32
    "tpu.region"() ({
      %run_scoped3A_834 = tpu.sem_alloc : memref<!tpu.dma_semaphore, #tpu.memory_space<semaphore_mem>>
      %dma_start3A_835 = arith.constant 0 : i32
      %dma_start3A_836 = tpu.memref_slice %arg7[%run_scoped3A_644, %dma_start3A_835] : memref<2x128xi32, #tpu.memory_space<vmem>> -> memref<1x128xi32, #tpu.memory_space<vmem>>
      %dma_start3A_837 = tpu.memref_squeeze %dma_start3A_836 : memref<1x128xi32, #tpu.memory_space<vmem>> -> memref<128xi32, #tpu.memory_space<vmem>>
      %dma_start3A_838 = arith.constant 0 : i32
      %dma_start3A_839 = arith.constant 0 : i32
      %dma_start3A_840 = tpu.memref_slice %arg10[%dma_start3A_838, %dma_start3A_839] : memref<10112x128xf32, #tpu.memory_space<vmem_shared>> -> memref<10112x128xf32, #tpu.memory_space<vmem_shared>>
      tpu.enqueue_indirect_dma source(%arg8 : memref<128x128xf32, #tpu.memory_space<vmem>>) target(%dma_start3A_840 : memref<10112x128xf32, #tpu.memory_space<vmem_shared>>) offsets(%dma_start3A_837 : memref<128xi32, #tpu.memory_space<vmem>>) semaphore(%run_scoped3A_834 : memref<!tpu.dma_semaphore, #tpu.memory_space<semaphore_mem>>) {add = true}
      %dma_wait3A_841 = arith.constant 0 : i32
      %dma_wait3A_842 = tpu.memref_slice %arg7[%run_scoped3A_644, %dma_wait3A_841] : memref<2x128xi32, #tpu.memory_space<vmem>> -> memref<1x128xi32, #tpu.memory_space<vmem>>
      %dma_wait3A_843 = tpu.memref_squeeze %dma_wait3A_842 : memref<1x128xi32, #tpu.memory_space<vmem>> -> memref<128xi32, #tpu.memory_space<vmem>>
      %dma_wait3A_844 = arith.constant 0 : i32
      %dma_wait3A_845 = arith.constant 0 : i32
      %dma_wait3A_846 = tpu.memref_slice %arg10[%dma_wait3A_844, %dma_wait3A_845] : memref<10112x128xf32, #tpu.memory_space<vmem_shared>> -> memref<10112x128xf32, #tpu.memory_space<vmem_shared>>
      tpu.wait_indirect_dma semaphore(%run_scoped3A_834 : memref<!tpu.dma_semaphore, #tpu.memory_space<semaphore_mem>>) src(%arg8 : memref<128x128xf32, #tpu.memory_space<vmem>>) dst(%dma_wait3A_846 : memref<10112x128xf32, #tpu.memory_space<vmem_shared>>)
      tpu.yield
    }) : () -> ()
    %barrier3A_645 = arith.constant 0 : index
    tpu.barrier barrier_id(%barrier3A_645)
    %mul3A_646 = arith.constant 632 : i32
    %mul3A_647 = arith.muli %arg1, %mul3A_646 : i32
    "tpu.region"() ({
      %run_scoped3A_834 = tpu.sem_alloc : memref<!tpu.dma_semaphore, #tpu.memory_space<semaphore_mem>>
      %dma_start3A_835 = arith.constant 0 : i32
      %dma_start3A_836 = tpu.memref_slice %arg10[%mul3A_647, %dma_start3A_835] : memref<10112x128xf32, #tpu.memory_space<vmem_shared>> -> memref<128x128xf32, #tpu.memory_space<vmem_shared>>
      %dma_start3A_837 = arith.constant 0 : i32
      %dma_start3A_838 = tpu.memref_slice %arg10[%mul3A_647, %dma_start3A_837] : memref<10112x128xf32, #tpu.memory_space<vmem_shared>> -> memref<128x128xf32, #tpu.memory_space<vmem_shared>>
      tpu.enqueue_dma source(%dma_start3A_838 : memref<128x128xf32, #tpu.memory_space<vmem_shared>>) target(%arg8 : memref<128x128xf32, #tpu.memory_space<vmem>>) target_semaphore(%run_scoped3A_834 : memref<!tpu.dma_semaphore, #tpu.memory_space<semaphore_mem>>)
      %dma_wait3A_839 = arith.constant 0 : i32
      %dma_wait3A_840 = tpu.memref_slice %arg10[%mul3A_647, %dma_wait3A_839] : memref<10112x128xf32, #tpu.memory_space<vmem_shared>> -> memref<128x128xf32, #tpu.memory_space<vmem_shared>>
      %dma_wait3A_841 = arith.constant 0 : i32
      %dma_wait3A_842 = tpu.memref_slice %arg10[%mul3A_647, %dma_wait3A_841] : memref<10112x128xf32, #tpu.memory_space<vmem_shared>> -> memref<128x128xf32, #tpu.memory_space<vmem_shared>>
      tpu.wait_dma2 semaphore(%run_scoped3A_834 : memref<!tpu.dma_semaphore, #tpu.memory_space<semaphore_mem>>) src(%dma_wait3A_842 : memref<128x128xf32, #tpu.memory_space<vmem_shared>>) dst(%arg8 : memref<128x128xf32, #tpu.memory_space<vmem>>)
      tpu.yield
    }) : () -> ()
    %mul3A_648 = arith.constant 10112 : i32
    %mul3A_649 = arith.muli %arg0, %mul3A_648 : i32
    %mul3A_650 = arith.constant 632 : i32
    %mul3A_651 = arith.muli %arg1, %mul3A_650 : i32
    %add3A_652 = arith.addi %mul3A_649, %mul3A_651 : i32
    %add3A_653 = arith.constant 0 : i32
    %add3A_654 = arith.addi %add3A_652, %add3A_653 : i32
    %dma_start3A_655 = arith.constant 0 : i32
    %dma_start3A_656 = arith.constant 0 : i32
    %dma_start3A_657 = tpu.memref_slice %arg8[%dma_start3A_655, %dma_start3A_656] : memref<128x128xf32, #tpu.memory_space<vmem>> -> memref<128x128xf32, #tpu.memory_space<vmem>>
    %dma_start3A_658 = arith.constant 0 : i32
    %dma_start3A_659 = tpu.memref_slice %arg4[%add3A_654, %dma_start3A_658] : memref<20224x128xf32, #tpu.memory_space<hbm>> -> memref<128x128xf32, #tpu.memory_space<hbm>>
    %dma_start3A_660 = arith.constant 0 : i32
    %dma_start3A_661 = tpu.memref_slice %arg4[%add3A_654, %dma_start3A_660] : memref<20224x128xf32, #tpu.memory_space<hbm>> -> memref<128x128xf32, #tpu.memory_space<hbm>>
    %dma_start3A_662 = arith.constant 0 : i32
    %dma_start3A_663 = arith.constant 0 : i32
    %dma_start3A_664 = tpu.memref_slice %arg8[%dma_start3A_662, %dma_start3A_663] : memref<128x128xf32, #tpu.memory_space<vmem>> -> memref<128x128xf32, #tpu.memory_space<vmem>>
    tpu.enqueue_dma source(%dma_start3A_664 : memref<128x128xf32, #tpu.memory_space<vmem>>) target(%dma_start3A_661 : memref<128x128xf32, #tpu.memory_space<hbm>>) target_semaphore(%arg11 : memref<!tpu.dma_semaphore, #tpu.memory_space<semaphore_mem>>)
    %mul3A_665 = arith.constant 632 : i32
    %mul3A_666 = arith.muli %arg1, %mul3A_665 : i32
    %add3A_667 = arith.constant 128 : i32
    %add3A_668 = arith.addi %mul3A_666, %add3A_667 : i32
    "tpu.region"() ({
      %run_scoped3A_834 = tpu.sem_alloc : memref<!tpu.dma_semaphore, #tpu.memory_space<semaphore_mem>>
      %dma_start3A_835 = arith.constant 0 : i32
      %dma_start3A_836 = arith.constant 0 : i32
      %dma_start3A_837 = tpu.memref_slice %arg9[%dma_start3A_835, %dma_start3A_836] : memref<128x128xf32, #tpu.memory_space<vmem>> -> memref<128x128xf32, #tpu.memory_space<vmem>>
      %dma_start3A_838 = arith.constant 0 : i32
      %dma_start3A_839 = tpu.memref_slice %arg10[%add3A_668, %dma_start3A_838] : memref<10112x128xf32, #tpu.memory_space<vmem_shared>> -> memref<128x128xf32, #tpu.memory_space<vmem_shared>>
      %dma_start3A_840 = arith.constant 0 : i32
      %dma_start3A_841 = arith.constant 0 : i32
      %dma_start3A_842 = tpu.memref_slice %arg9[%dma_start3A_840, %dma_start3A_841] : memref<128x128xf32, #tpu.memory_space<vmem>> -> memref<128x128xf32, #tpu.memory_space<vmem>>
      %dma_start3A_843 = arith.constant 0 : i32
      %dma_start3A_844 = tpu.memref_slice %arg10[%add3A_668, %dma_start3A_843] : memref<10112x128xf32, #tpu.memory_space<vmem_shared>> -> memref<128x128xf32, #tpu.memory_space<vmem_shared>>
      tpu.enqueue_dma source(%dma_start3A_844 : memref<128x128xf32, #tpu.memory_space<vmem_shared>>) target(%dma_start3A_842 : memref<128x128xf32, #tpu.memory_space<vmem>>) target_semaphore(%run_scoped3A_834 : memref<!tpu.dma_semaphore, #tpu.memory_space<semaphore_mem>>)
      %dma_wait3A_845 = arith.constant 0 : i32
      %dma_wait3A_846 = arith.constant 0 : i32
      %dma_wait3A_847 = tpu.memref_slice %arg9[%dma_wait3A_845, %dma_wait3A_846] : memref<128x128xf32, #tpu.memory_space<vmem>> -> memref<128x128xf32, #tpu.memory_space<vmem>>
      %dma_wait3A_848 = arith.constant 0 : i32
      %dma_wait3A_849 = tpu.memref_slice %arg10[%add3A_668, %dma_wait3A_848] : memref<10112x128xf32, #tpu.memory_space<vmem_shared>> -> memref<128x128xf32, #tpu.memory_space<vmem_shared>>
      %dma_wait3A_850 = arith.constant 0 : i32
      %dma_wait3A_851 = arith.constant 0 : i32
      %dma_wait3A_852 = tpu.memref_slice %arg9[%dma_wait3A_850, %dma_wait3A_851] : memref<128x128xf32, #tpu.memory_space<vmem>> -> memref<128x128xf32, #tpu.memory_space<vmem>>
      %dma_wait3A_853 = arith.constant 0 : i32
      %dma_wait3A_854 = tpu.memref_slice %arg10[%add3A_668, %dma_wait3A_853] : memref<10112x128xf32, #tpu.memory_space<vmem_shared>> -> memref<128x128xf32, #tpu.memory_space<vmem_shared>>
      tpu.wait_dma2 semaphore(%run_scoped3A_834 : memref<!tpu.dma_semaphore, #tpu.memory_space<semaphore_mem>>) src(%dma_wait3A_854 : memref<128x128xf32, #tpu.memory_space<vmem_shared>>) dst(%dma_wait3A_852 : memref<128x128xf32, #tpu.memory_space<vmem>>)
      tpu.yield
    }) : () -> ()
    %mul3A_669 = arith.constant 10112 : i32
    %mul3A_670 = arith.muli %arg0, %mul3A_669 : i32
    %mul3A_671 = arith.constant 632 : i32
    %mul3A_672 = arith.muli %arg1, %mul3A_671 : i32
    %add3A_673 = arith.addi %mul3A_670, %mul3A_672 : i32
    %add3A_674 = arith.constant 0 : i32
    %add3A_675 = arith.addi %add3A_673, %add3A_674 : i32
    %dma_wait3A_676 = arith.constant 0 : i32
    %dma_wait3A_677 = arith.constant 0 : i32
    %dma_wait3A_678 = tpu.memref_slice %arg8[%dma_wait3A_676, %dma_wait3A_677] : memref<128x128xf32, #tpu.memory_space<vmem>> -> memref<128x128xf32, #tpu.memory_space<vmem>>
    %dma_wait3A_679 = arith.constant 0 : i32
    %dma_wait3A_680 = tpu.memref_slice %arg4[%add3A_675, %dma_wait3A_679] : memref<20224x128xf32, #tpu.memory_space<hbm>> -> memref<128x128xf32, #tpu.memory_space<hbm>>
    %dma_wait3A_681 = arith.constant 0 : i32
    %dma_wait3A_682 = tpu.memref_slice %arg4[%add3A_675, %dma_wait3A_681] : memref<20224x128xf32, #tpu.memory_space<hbm>> -> memref<128x128xf32, #tpu.memory_space<hbm>>
    %dma_wait3A_683 = arith.constant 0 : i32
    %dma_wait3A_684 = arith.constant 0 : i32
    %dma_wait3A_685 = tpu.memref_slice %arg8[%dma_wait3A_683, %dma_wait3A_684] : memref<128x128xf32, #tpu.memory_space<vmem>> -> memref<128x128xf32, #tpu.memory_space<vmem>>
    tpu.wait_dma2 semaphore(%arg11 : memref<!tpu.dma_semaphore, #tpu.memory_space<semaphore_mem>>) src(%dma_wait3A_685 : memref<128x128xf32, #tpu.memory_space<vmem>>) dst(%dma_wait3A_682 : memref<128x128xf32, #tpu.memory_space<hbm>>)
    %mul3A_686 = arith.constant 10112 : i32
    %mul3A_687 = arith.muli %arg0, %mul3A_686 : i32
    %mul3A_688 = arith.constant 632 : i32
    %mul3A_689 = arith.muli %arg1, %mul3A_688 : i32
    %add3A_690 = arith.addi %mul3A_687, %mul3A_689 : i32
    %add3A_691 = arith.constant 128 : i32
    %add3A_692 = arith.addi %add3A_690, %add3A_691 : i32
    %dma_start3A_693 = arith.constant 0 : i32
    %dma_start3A_694 = arith.constant 0 : i32
    %dma_start3A_695 = tpu.memref_slice %arg9[%dma_start3A_693, %dma_start3A_694] : memref<128x128xf32, #tpu.memory_space<vmem>> -> memref<128x128xf32, #tpu.memory_space<vmem>>
    %dma_start3A_696 = arith.constant 0 : i32
    %dma_start3A_697 = tpu.memref_slice %arg4[%add3A_692, %dma_start3A_696] : memref<20224x128xf32, #tpu.memory_space<hbm>> -> memref<128x128xf32, #tpu.memory_space<hbm>>
    %dma_start3A_698 = arith.constant 0 : i32
    %dma_start3A_699 = tpu.memref_slice %arg4[%add3A_692, %dma_start3A_698] : memref<20224x128xf32, #tpu.memory_space<hbm>> -> memref<128x128xf32, #tpu.memory_space<hbm>>
    %dma_start3A_700 = arith.constant 0 : i32
    %dma_start3A_701 = arith.constant 0 : i32
    %dma_start3A_702 = tpu.memref_slice %arg9[%dma_start3A_700, %dma_start3A_701] : memref<128x128xf32, #tpu.memory_space<vmem>> -> memref<128x128xf32, #tpu.memory_space<vmem>>
    tpu.enqueue_dma source(%dma_start3A_702 : memref<128x128xf32, #tpu.memory_space<vmem>>) target(%dma_start3A_699 : memref<128x128xf32, #tpu.memory_space<hbm>>) target_semaphore(%arg12 : memref<!tpu.dma_semaphore, #tpu.memory_space<semaphore_mem>>)
    %mul3A_703 = arith.constant 632 : i32
    %mul3A_704 = arith.muli %arg1, %mul3A_703 : i32
    %add3A_705 = arith.constant 256 : i32
    %add3A_706 = arith.addi %mul3A_704, %add3A_705 : i32
    "tpu.region"() ({
      %run_scoped3A_834 = tpu.sem_alloc : memref<!tpu.dma_semaphore, #tpu.memory_space<semaphore_mem>>
      %dma_start3A_835 = arith.constant 0 : i32
      %dma_start3A_836 = arith.constant 0 : i32
      %dma_start3A_837 = tpu.memref_slice %arg8[%dma_start3A_835, %dma_start3A_836] : memref<128x128xf32, #tpu.memory_space<vmem>> -> memref<128x128xf32, #tpu.memory_space<vmem>>
      %dma_start3A_838 = arith.constant 0 : i32
      %dma_start3A_839 = tpu.memref_slice %arg10[%add3A_706, %dma_start3A_838] : memref<10112x128xf32, #tpu.memory_space<vmem_shared>> -> memref<128x128xf32, #tpu.memory_space<vmem_shared>>
      %dma_start3A_840 = arith.constant 0 : i32
      %dma_start3A_841 = arith.constant 0 : i32
      %dma_start3A_842 = tpu.memref_slice %arg8[%dma_start3A_840, %dma_start3A_841] : memref<128x128xf32, #tpu.memory_space<vmem>> -> memref<128x128xf32, #tpu.memory_space<vmem>>
      %dma_start3A_843 = arith.constant 0 : i32
      %dma_start3A_844 = tpu.memref_slice %arg10[%add3A_706, %dma_start3A_843] : memref<10112x128xf32, #tpu.memory_space<vmem_shared>> -> memref<128x128xf32, #tpu.memory_space<vmem_shared>>
      tpu.enqueue_dma source(%dma_start3A_844 : memref<128x128xf32, #tpu.memory_space<vmem_shared>>) target(%dma_start3A_842 : memref<128x128xf32, #tpu.memory_space<vmem>>) target_semaphore(%run_scoped3A_834 : memref<!tpu.dma_semaphore, #tpu.memory_space<semaphore_mem>>)
      %dma_wait3A_845 = arith.constant 0 : i32
      %dma_wait3A_846 = arith.constant 0 : i32
      %dma_wait3A_847 = tpu.memref_slice %arg8[%dma_wait3A_845, %dma_wait3A_846] : memref<128x128xf32, #tpu.memory_space<vmem>> -> memref<128x128xf32, #tpu.memory_space<vmem>>
      %dma_wait3A_848 = arith.constant 0 : i32
      %dma_wait3A_849 = tpu.memref_slice %arg10[%add3A_706, %dma_wait3A_848] : memref<10112x128xf32, #tpu.memory_space<vmem_shared>> -> memref<128x128xf32, #tpu.memory_space<vmem_shared>>
      %dma_wait3A_850 = arith.constant 0 : i32
      %dma_wait3A_851 = arith.constant 0 : i32
      %dma_wait3A_852 = tpu.memref_slice %arg8[%dma_wait3A_850, %dma_wait3A_851] : memref<128x128xf32, #tpu.memory_space<vmem>> -> memref<128x128xf32, #tpu.memory_space<vmem>>
      %dma_wait3A_853 = arith.constant 0 : i32
      %dma_wait3A_854 = tpu.memref_slice %arg10[%add3A_706, %dma_wait3A_853] : memref<10112x128xf32, #tpu.memory_space<vmem_shared>> -> memref<128x128xf32, #tpu.memory_space<vmem_shared>>
      tpu.wait_dma2 semaphore(%run_scoped3A_834 : memref<!tpu.dma_semaphore, #tpu.memory_space<semaphore_mem>>) src(%dma_wait3A_854 : memref<128x128xf32, #tpu.memory_space<vmem_shared>>) dst(%dma_wait3A_852 : memref<128x128xf32, #tpu.memory_space<vmem>>)
      tpu.yield
    }) : () -> ()
    %mul3A_707 = arith.constant 10112 : i32
    %mul3A_708 = arith.muli %arg0, %mul3A_707 : i32
    %mul3A_709 = arith.constant 632 : i32
    %mul3A_710 = arith.muli %arg1, %mul3A_709 : i32
    %add3A_711 = arith.addi %mul3A_708, %mul3A_710 : i32
    %add3A_712 = arith.constant 128 : i32
    %add3A_713 = arith.addi %add3A_711, %add3A_712 : i32
    %dma_wait3A_714 = arith.constant 0 : i32
    %dma_wait3A_715 = arith.constant 0 : i32
    %dma_wait3A_716 = tpu.memref_slice %arg9[%dma_wait3A_714, %dma_wait3A_715] : memref<128x128xf32, #tpu.memory_space<vmem>> -> memref<128x128xf32, #tpu.memory_space<vmem>>
    %dma_wait3A_717 = arith.constant 0 : i32
    %dma_wait3A_718 = tpu.memref_slice %arg4[%add3A_713, %dma_wait3A_717] : memref<20224x128xf32, #tpu.memory_space<hbm>> -> memref<128x128xf32, #tpu.memory_space<hbm>>
    %dma_wait3A_719 = arith.constant 0 : i32
    %dma_wait3A_720 = tpu.memref_slice %arg4[%add3A_713, %dma_wait3A_719] : memref<20224x128xf32, #tpu.memory_space<hbm>> -> memref<128x128xf32, #tpu.memory_space<hbm>>
    %dma_wait3A_721 = arith.constant 0 : i32
    %dma_wait3A_722 = arith.constant 0 : i32
    %dma_wait3A_723 = tpu.memref_slice %arg9[%dma_wait3A_721, %dma_wait3A_722] : memref<128x128xf32, #tpu.memory_space<vmem>> -> memref<128x128xf32, #tpu.memory_space<vmem>>
    tpu.wait_dma2 semaphore(%arg12 : memref<!tpu.dma_semaphore, #tpu.memory_space<semaphore_mem>>) src(%dma_wait3A_723 : memref<128x128xf32, #tpu.memory_space<vmem>>) dst(%dma_wait3A_720 : memref<128x128xf32, #tpu.memory_space<hbm>>)
    %mul3A_724 = arith.constant 10112 : i32
    %mul3A_725 = arith.muli %arg0, %mul3A_724 : i32
    %mul3A_726 = arith.constant 632 : i32
    %mul3A_727 = arith.muli %arg1, %mul3A_726 : i32
    %add3A_728 = arith.addi %mul3A_725, %mul3A_727 : i32
    %add3A_729 = arith.constant 256 : i32
    %add3A_730 = arith.addi %add3A_728, %add3A_729 : i32
    %dma_start3A_731 = arith.constant 0 : i32
    %dma_start3A_732 = arith.constant 0 : i32
    %dma_start3A_733 = tpu.memref_slice %arg8[%dma_start3A_731, %dma_start3A_732] : memref<128x128xf32, #tpu.memory_space<vmem>> -> memref<128x128xf32, #tpu.memory_space<vmem>>
    %dma_start3A_734 = arith.constant 0 : i32
    %dma_start3A_735 = tpu.memref_slice %arg4[%add3A_730, %dma_start3A_734] : memref<20224x128xf32, #tpu.memory_space<hbm>> -> memref<128x128xf32, #tpu.memory_space<hbm>>
    %dma_start3A_736 = arith.constant 0 : i32
    %dma_start3A_737 = tpu.memref_slice %arg4[%add3A_730, %dma_start3A_736] : memref<20224x128xf32, #tpu.memory_space<hbm>> -> memref<128x128xf32, #tpu.memory_space<hbm>>
    %dma_start3A_738 = arith.constant 0 : i32
    %dma_start3A_739 = arith.constant 0 : i32
    %dma_start3A_740 = tpu.memref_slice %arg8[%dma_start3A_738, %dma_start3A_739] : memref<128x128xf32, #tpu.memory_space<vmem>> -> memref<128x128xf32, #tpu.memory_space<vmem>>
    tpu.enqueue_dma source(%dma_start3A_740 : memref<128x128xf32, #tpu.memory_space<vmem>>) target(%dma_start3A_737 : memref<128x128xf32, #tpu.memory_space<hbm>>) target_semaphore(%arg11 : memref<!tpu.dma_semaphore, #tpu.memory_space<semaphore_mem>>)
    %mul3A_741 = arith.constant 632 : i32
    %mul3A_742 = arith.muli %arg1, %mul3A_741 : i32
    %add3A_743 = arith.constant 384 : i32
    %add3A_744 = arith.addi %mul3A_742, %add3A_743 : i32
    "tpu.region"() ({
      %run_scoped3A_834 = tpu.sem_alloc : memref<!tpu.dma_semaphore, #tpu.memory_space<semaphore_mem>>
      %dma_start3A_835 = arith.constant 0 : i32
      %dma_start3A_836 = arith.constant 0 : i32
      %dma_start3A_837 = tpu.memref_slice %arg9[%dma_start3A_835, %dma_start3A_836] : memref<128x128xf32, #tpu.memory_space<vmem>> -> memref<128x128xf32, #tpu.memory_space<vmem>>
      %dma_start3A_838 = arith.constant 0 : i32
      %dma_start3A_839 = tpu.memref_slice %arg10[%add3A_744, %dma_start3A_838] : memref<10112x128xf32, #tpu.memory_space<vmem_shared>> -> memref<128x128xf32, #tpu.memory_space<vmem_shared>>
      %dma_start3A_840 = arith.constant 0 : i32
      %dma_start3A_841 = arith.constant 0 : i32
      %dma_start3A_842 = tpu.memref_slice %arg9[%dma_start3A_840, %dma_start3A_841] : memref<128x128xf32, #tpu.memory_space<vmem>> -> memref<128x128xf32, #tpu.memory_space<vmem>>
      %dma_start3A_843 = arith.constant 0 : i32
      %dma_start3A_844 = tpu.memref_slice %arg10[%add3A_744, %dma_start3A_843] : memref<10112x128xf32, #tpu.memory_space<vmem_shared>> -> memref<128x128xf32, #tpu.memory_space<vmem_shared>>
      tpu.enqueue_dma source(%dma_start3A_844 : memref<128x128xf32, #tpu.memory_space<vmem_shared>>) target(%dma_start3A_842 : memref<128x128xf32, #tpu.memory_space<vmem>>) target_semaphore(%run_scoped3A_834 : memref<!tpu.dma_semaphore, #tpu.memory_space<semaphore_mem>>)
      %dma_wait3A_845 = arith.constant 0 : i32
      %dma_wait3A_846 = arith.constant 0 : i32
      %dma_wait3A_847 = tpu.memref_slice %arg9[%dma_wait3A_845, %dma_wait3A_846] : memref<128x128xf32, #tpu.memory_space<vmem>> -> memref<128x128xf32, #tpu.memory_space<vmem>>
      %dma_wait3A_848 = arith.constant 0 : i32
      %dma_wait3A_849 = tpu.memref_slice %arg10[%add3A_744, %dma_wait3A_848] : memref<10112x128xf32, #tpu.memory_space<vmem_shared>> -> memref<128x128xf32, #tpu.memory_space<vmem_shared>>
      %dma_wait3A_850 = arith.constant 0 : i32
      %dma_wait3A_851 = arith.constant 0 : i32
      %dma_wait3A_852 = tpu.memref_slice %arg9[%dma_wait3A_850, %dma_wait3A_851] : memref<128x128xf32, #tpu.memory_space<vmem>> -> memref<128x128xf32, #tpu.memory_space<vmem>>
      %dma_wait3A_853 = arith.constant 0 : i32
      %dma_wait3A_854 = tpu.memref_slice %arg10[%add3A_744, %dma_wait3A_853] : memref<10112x128xf32, #tpu.memory_space<vmem_shared>> -> memref<128x128xf32, #tpu.memory_space<vmem_shared>>
      tpu.wait_dma2 semaphore(%run_scoped3A_834 : memref<!tpu.dma_semaphore, #tpu.memory_space<semaphore_mem>>) src(%dma_wait3A_854 : memref<128x128xf32, #tpu.memory_space<vmem_shared>>) dst(%dma_wait3A_852 : memref<128x128xf32, #tpu.memory_space<vmem>>)
      tpu.yield
    }) : () -> ()
    %mul3A_745 = arith.constant 10112 : i32
    %mul3A_746 = arith.muli %arg0, %mul3A_745 : i32
    %mul3A_747 = arith.constant 632 : i32
    %mul3A_748 = arith.muli %arg1, %mul3A_747 : i32
    %add3A_749 = arith.addi %mul3A_746, %mul3A_748 : i32
    %add3A_750 = arith.constant 256 : i32
    %add3A_751 = arith.addi %add3A_749, %add3A_750 : i32
    %dma_wait3A_752 = arith.constant 0 : i32
    %dma_wait3A_753 = arith.constant 0 : i32
    %dma_wait3A_754 = tpu.memref_slice %arg8[%dma_wait3A_752, %dma_wait3A_753] : memref<128x128xf32, #tpu.memory_space<vmem>> -> memref<128x128xf32, #tpu.memory_space<vmem>>
    %dma_wait3A_755 = arith.constant 0 : i32
    %dma_wait3A_756 = tpu.memref_slice %arg4[%add3A_751, %dma_wait3A_755] : memref<20224x128xf32, #tpu.memory_space<hbm>> -> memref<128x128xf32, #tpu.memory_space<hbm>>
    %dma_wait3A_757 = arith.constant 0 : i32
    %dma_wait3A_758 = tpu.memref_slice %arg4[%add3A_751, %dma_wait3A_757] : memref<20224x128xf32, #tpu.memory_space<hbm>> -> memref<128x128xf32, #tpu.memory_space<hbm>>
    %dma_wait3A_759 = arith.constant 0 : i32
    %dma_wait3A_760 = arith.constant 0 : i32
    %dma_wait3A_761 = tpu.memref_slice %arg8[%dma_wait3A_759, %dma_wait3A_760] : memref<128x128xf32, #tpu.memory_space<vmem>> -> memref<128x128xf32, #tpu.memory_space<vmem>>
    tpu.wait_dma2 semaphore(%arg11 : memref<!tpu.dma_semaphore, #tpu.memory_space<semaphore_mem>>) src(%dma_wait3A_761 : memref<128x128xf32, #tpu.memory_space<vmem>>) dst(%dma_wait3A_758 : memref<128x128xf32, #tpu.memory_space<hbm>>)
    %mul3A_762 = arith.constant 10112 : i32
    %mul3A_763 = arith.muli %arg0, %mul3A_762 : i32
    %mul3A_764 = arith.constant 632 : i32
    %mul3A_765 = arith.muli %arg1, %mul3A_764 : i32
    %add3A_766 = arith.addi %mul3A_763, %mul3A_765 : i32
    %add3A_767 = arith.constant 384 : i32
    %add3A_768 = arith.addi %add3A_766, %add3A_767 : i32
    %dma_start3A_769 = arith.constant 0 : i32
    %dma_start3A_770 = arith.constant 0 : i32
    %dma_start3A_771 = tpu.memref_slice %arg9[%dma_start3A_769, %dma_start3A_770] : memref<128x128xf32, #tpu.memory_space<vmem>> -> memref<128x128xf32, #tpu.memory_space<vmem>>
    %dma_start3A_772 = arith.constant 0 : i32
    %dma_start3A_773 = tpu.memref_slice %arg4[%add3A_768, %dma_start3A_772] : memref<20224x128xf32, #tpu.memory_space<hbm>> -> memref<128x128xf32, #tpu.memory_space<hbm>>
    %dma_start3A_774 = arith.constant 0 : i32
    %dma_start3A_775 = tpu.memref_slice %arg4[%add3A_768, %dma_start3A_774] : memref<20224x128xf32, #tpu.memory_space<hbm>> -> memref<128x128xf32, #tpu.memory_space<hbm>>
    %dma_start3A_776 = arith.constant 0 : i32
    %dma_start3A_777 = arith.constant 0 : i32
    %dma_start3A_778 = tpu.memref_slice %arg9[%dma_start3A_776, %dma_start3A_777] : memref<128x128xf32, #tpu.memory_space<vmem>> -> memref<128x128xf32, #tpu.memory_space<vmem>>
    tpu.enqueue_dma source(%dma_start3A_778 : memref<128x128xf32, #tpu.memory_space<vmem>>) target(%dma_start3A_775 : memref<128x128xf32, #tpu.memory_space<hbm>>) target_semaphore(%arg12 : memref<!tpu.dma_semaphore, #tpu.memory_space<semaphore_mem>>)
    %mul3A_779 = arith.constant 632 : i32
    %mul3A_780 = arith.muli %arg1, %mul3A_779 : i32
    %add3A_781 = arith.constant 512 : i32
    %add3A_782 = arith.addi %mul3A_780, %add3A_781 : i32
    "tpu.region"() ({
      %run_scoped3A_834 = tpu.sem_alloc : memref<!tpu.dma_semaphore, #tpu.memory_space<semaphore_mem>>
      %dma_start3A_835 = arith.constant 0 : i32
      %dma_start3A_836 = arith.constant 0 : i32
      %dma_start3A_837 = tpu.memref_slice %arg8[%dma_start3A_835, %dma_start3A_836] : memref<128x128xf32, #tpu.memory_space<vmem>> -> memref<120x128xf32, #tpu.memory_space<vmem>>
      %dma_start3A_838 = arith.constant 0 : i32
      %dma_start3A_839 = tpu.memref_slice %arg10[%add3A_782, %dma_start3A_838] : memref<10112x128xf32, #tpu.memory_space<vmem_shared>> -> memref<120x128xf32, #tpu.memory_space<vmem_shared>>
      %dma_start3A_840 = arith.constant 0 : i32
      %dma_start3A_841 = arith.constant 0 : i32
      %dma_start3A_842 = tpu.memref_slice %arg8[%dma_start3A_840, %dma_start3A_841] : memref<128x128xf32, #tpu.memory_space<vmem>> -> memref<120x128xf32, #tpu.memory_space<vmem>>
      %dma_start3A_843 = arith.constant 0 : i32
      %dma_start3A_844 = tpu.memref_slice %arg10[%add3A_782, %dma_start3A_843] : memref<10112x128xf32, #tpu.memory_space<vmem_shared>> -> memref<120x128xf32, #tpu.memory_space<vmem_shared>>
      tpu.enqueue_dma source(%dma_start3A_844 : memref<120x128xf32, #tpu.memory_space<vmem_shared>>) target(%dma_start3A_842 : memref<120x128xf32, #tpu.memory_space<vmem>>) target_semaphore(%run_scoped3A_834 : memref<!tpu.dma_semaphore, #tpu.memory_space<semaphore_mem>>)
      %dma_wait3A_845 = arith.constant 0 : i32
      %dma_wait3A_846 = arith.constant 0 : i32
      %dma_wait3A_847 = tpu.memref_slice %arg8[%dma_wait3A_845, %dma_wait3A_846] : memref<128x128xf32, #tpu.memory_space<vmem>> -> memref<120x128xf32, #tpu.memory_space<vmem>>
      %dma_wait3A_848 = arith.constant 0 : i32
      %dma_wait3A_849 = tpu.memref_slice %arg10[%add3A_782, %dma_wait3A_848] : memref<10112x128xf32, #tpu.memory_space<vmem_shared>> -> memref<120x128xf32, #tpu.memory_space<vmem_shared>>
      %dma_wait3A_850 = arith.constant 0 : i32
      %dma_wait3A_851 = arith.constant 0 : i32
      %dma_wait3A_852 = tpu.memref_slice %arg8[%dma_wait3A_850, %dma_wait3A_851] : memref<128x128xf32, #tpu.memory_space<vmem>> -> memref<120x128xf32, #tpu.memory_space<vmem>>
      %dma_wait3A_853 = arith.constant 0 : i32
      %dma_wait3A_854 = tpu.memref_slice %arg10[%add3A_782, %dma_wait3A_853] : memref<10112x128xf32, #tpu.memory_space<vmem_shared>> -> memref<120x128xf32, #tpu.memory_space<vmem_shared>>
      tpu.wait_dma2 semaphore(%run_scoped3A_834 : memref<!tpu.dma_semaphore, #tpu.memory_space<semaphore_mem>>) src(%dma_wait3A_854 : memref<120x128xf32, #tpu.memory_space<vmem_shared>>) dst(%dma_wait3A_852 : memref<120x128xf32, #tpu.memory_space<vmem>>)
      tpu.yield
    }) : () -> ()
    %mul3A_783 = arith.constant 10112 : i32
    %mul3A_784 = arith.muli %arg0, %mul3A_783 : i32
    %mul3A_785 = arith.constant 632 : i32
    %mul3A_786 = arith.muli %arg1, %mul3A_785 : i32
    %add3A_787 = arith.addi %mul3A_784, %mul3A_786 : i32
    %add3A_788 = arith.constant 384 : i32
    %add3A_789 = arith.addi %add3A_787, %add3A_788 : i32
    %dma_wait3A_790 = arith.constant 0 : i32
    %dma_wait3A_791 = arith.constant 0 : i32
    %dma_wait3A_792 = tpu.memref_slice %arg9[%dma_wait3A_790, %dma_wait3A_791] : memref<128x128xf32, #tpu.memory_space<vmem>> -> memref<128x128xf32, #tpu.memory_space<vmem>>
    %dma_wait3A_793 = arith.constant 0 : i32
    %dma_wait3A_794 = tpu.memref_slice %arg4[%add3A_789, %dma_wait3A_793] : memref<20224x128xf32, #tpu.memory_space<hbm>> -> memref<128x128xf32, #tpu.memory_space<hbm>>
    %dma_wait3A_795 = arith.constant 0 : i32
    %dma_wait3A_796 = tpu.memref_slice %arg4[%add3A_789, %dma_wait3A_795] : memref<20224x128xf32, #tpu.memory_space<hbm>> -> memref<128x128xf32, #tpu.memory_space<hbm>>
    %dma_wait3A_797 = arith.constant 0 : i32
    %dma_wait3A_798 = arith.constant 0 : i32
    %dma_wait3A_799 = tpu.memref_slice %arg9[%dma_wait3A_797, %dma_wait3A_798] : memref<128x128xf32, #tpu.memory_space<vmem>> -> memref<128x128xf32, #tpu.memory_space<vmem>>
    tpu.wait_dma2 semaphore(%arg12 : memref<!tpu.dma_semaphore, #tpu.memory_space<semaphore_mem>>) src(%dma_wait3A_799 : memref<128x128xf32, #tpu.memory_space<vmem>>) dst(%dma_wait3A_796 : memref<128x128xf32, #tpu.memory_space<hbm>>)
    %mul3A_800 = arith.constant 10112 : i32
    %mul3A_801 = arith.muli %arg0, %mul3A_800 : i32
    %mul3A_802 = arith.constant 632 : i32
    %mul3A_803 = arith.muli %arg1, %mul3A_802 : i32
    %add3A_804 = arith.addi %mul3A_801, %mul3A_803 : i32
    %add3A_805 = arith.constant 512 : i32
    %add3A_806 = arith.addi %add3A_804, %add3A_805 : i32
    %dma_start3A_807 = arith.constant 0 : i32
    %dma_start3A_808 = arith.constant 0 : i32
    %dma_start3A_809 = tpu.memref_slice %arg8[%dma_start3A_807, %dma_start3A_808] : memref<128x128xf32, #tpu.memory_space<vmem>> -> memref<120x128xf32, #tpu.memory_space<vmem>>
    %dma_start3A_810 = arith.constant 0 : i32
    %dma_start3A_811 = tpu.memref_slice %arg4[%add3A_806, %dma_start3A_810] : memref<20224x128xf32, #tpu.memory_space<hbm>> -> memref<120x128xf32, #tpu.memory_space<hbm>>
    %dma_start3A_812 = arith.constant 0 : i32
    %dma_start3A_813 = tpu.memref_slice %arg4[%add3A_806, %dma_start3A_812] : memref<20224x128xf32, #tpu.memory_space<hbm>> -> memref<120x128xf32, #tpu.memory_space<hbm>>
    %dma_start3A_814 = arith.constant 0 : i32
    %dma_start3A_815 = arith.constant 0 : i32
    %dma_start3A_816 = tpu.memref_slice %arg8[%dma_start3A_814, %dma_start3A_815] : memref<128x128xf32, #tpu.memory_space<vmem>> -> memref<120x128xf32, #tpu.memory_space<vmem>>
    tpu.enqueue_dma source(%dma_start3A_816 : memref<120x128xf32, #tpu.memory_space<vmem>>) target(%dma_start3A_813 : memref<120x128xf32, #tpu.memory_space<hbm>>) target_semaphore(%arg11 : memref<!tpu.dma_semaphore, #tpu.memory_space<semaphore_mem>>)
    %mul3A_817 = arith.constant 10112 : i32
    %mul3A_818 = arith.muli %arg0, %mul3A_817 : i32
    %mul3A_819 = arith.constant 632 : i32
    %mul3A_820 = arith.muli %arg1, %mul3A_819 : i32
    %add3A_821 = arith.addi %mul3A_818, %mul3A_820 : i32
    %add3A_822 = arith.constant 512 : i32
    %add3A_823 = arith.addi %add3A_821, %add3A_822 : i32
    %dma_wait3A_824 = arith.constant 0 : i32
    %dma_wait3A_825 = arith.constant 0 : i32
    %dma_wait3A_826 = tpu.memref_slice %arg8[%dma_wait3A_824, %dma_wait3A_825] : memref<128x128xf32, #tpu.memory_space<vmem>> -> memref<120x128xf32, #tpu.memory_space<vmem>>
    %dma_wait3A_827 = arith.constant 0 : i32
    %dma_wait3A_828 = tpu.memref_slice %arg4[%add3A_823, %dma_wait3A_827] : memref<20224x128xf32, #tpu.memory_space<hbm>> -> memref<120x128xf32, #tpu.memory_space<hbm>>
    %dma_wait3A_829 = arith.constant 0 : i32
    %dma_wait3A_830 = tpu.memref_slice %arg4[%add3A_823, %dma_wait3A_829] : memref<20224x128xf32, #tpu.memory_space<hbm>> -> memref<120x128xf32, #tpu.memory_space<hbm>>
    %dma_wait3A_831 = arith.constant 0 : i32
    %dma_wait3A_832 = arith.constant 0 : i32
    %dma_wait3A_833 = tpu.memref_slice %arg8[%dma_wait3A_831, %dma_wait3A_832] : memref<128x128xf32, #tpu.memory_space<vmem>> -> memref<120x128xf32, #tpu.memory_space<vmem>>
    tpu.wait_dma2 semaphore(%arg11 : memref<!tpu.dma_semaphore, #tpu.memory_space<semaphore_mem>>) src(%dma_wait3A_833 : memref<120x128xf32, #tpu.memory_space<vmem>>) dst(%dma_wait3A_830 : memref<120x128xf32, #tpu.memory_space<hbm>>)
    return
  }
}

module attributes {stable_mosaic.version = 14 : i64} {
  func.func @_pack_body(%arg0: memref<2x320000xi32, #tpu.memory_space<vmem>>, %arg1: memref<323584xi32, #tpu.memory_space<vmem>>) attributes {dimension_semantics = [], scalar_prefetch = 0 : i64, scratch_operands = 0 : i64, tpu.core_type = #tpu.core_type<tc>} {
    %get3A = arith.constant 0 : index
    %get3A_0 = arith.constant 0 : index
    %get3A_1 = vector.load %arg0[%get3A, %get3A_0] : memref<2x320000xi32, #tpu.memory_space<vmem>>, vector<1x320000xi32>
    %get3A_2 = arith.constant 1 : index
    %get3A_3 = arith.constant 0 : index
    %get3A_4 = vector.load %arg0[%get3A_2, %get3A_3] : memref<2x320000xi32, #tpu.memory_space<vmem>>, vector<1x320000xi32>
    %shift_left3A = arith.constant 14 : i32
    %shift_left3A_5 = vector.broadcast %shift_left3A : i32 to vector<1x320000xi32>
    %shift_left3A_6 = arith.shli %get3A_4, %shift_left3A_5 : vector<1x320000xi32>
    %or3A = arith.ori %shift_left3A_6, %get3A_1 : vector<1x320000xi32>
    %iota3A = tpu.iota {dimensions = array<i32: 1>} : vector<1x3584xi32>
    %jit3A = arith.constant 112 : i32
    %eq3A = arith.constant 0 : i32
    %eq3A_7 = arith.cmpi eq, %jit3A, %eq3A : i32
    %jit3A_8 = arith.constant 1 : i32
    %select_n3A = arith.select %eq3A_7, %jit3A_8, %jit3A : i32
    %rem3A = vector.broadcast %select_n3A : i32 to vector<1x3584xi32>
    %rem3A_9 = arith.remsi %iota3A, %rem3A : vector<1x3584xi32>
    %ne3A = arith.constant 0 : i32
    %ne3A_10 = vector.broadcast %ne3A : i32 to vector<1x3584xi32>
    %ne3A_11 = arith.cmpi ne, %rem3A_9, %ne3A_10 : vector<1x3584xi32>
    %lt3A = arith.constant 0 : i32
    %lt3A_12 = vector.broadcast %lt3A : i32 to vector<1x3584xi32>
    %lt3A_13 = arith.cmpi slt, %rem3A_9, %lt3A_12 : vector<1x3584xi32>
    %lt3A_14 = arith.constant 0 : i32
    %lt3A_15 = arith.cmpi slt, %select_n3A, %lt3A_14 : i32
    %ne3A_16 = vector.broadcast %lt3A_15 : i1 to vector<1x3584xi1>
    %ne3A_17 = vector.broadcast %ne3A_16 : vector<1x3584xi1> to vector<1x3584xi1>
    %ne3A_18 = arith.xori %lt3A_13, %ne3A_17 : vector<1x3584xi1>
    %and3A = arith.andi %ne3A_18, %ne3A_11 : vector<1x3584xi1>
    %add3A = vector.broadcast %select_n3A : i32 to vector<1x3584xi32>
    %add3A_19 = arith.addi %rem3A_9, %add3A : vector<1x3584xi32>
    %select_n3A_20 = arith.select %and3A, %add3A_19, %rem3A_9 : vector<1x3584xi1>, vector<1x3584xi32>
    %add3A_21 = arith.constant 10000 : i32
    %add3A_22 = vector.broadcast %add3A_21 : i32 to vector<1x3584xi32>
    %add3A_23 = arith.addi %add3A_22, %select_n3A_20 : vector<1x3584xi32>
    %shift_left3A_24 = arith.constant 14 : i32
    %shift_left3A_25 = vector.broadcast %shift_left3A_24 : i32 to vector<1x3584xi32>
    %shift_left3A_26 = arith.shli %add3A_23, %shift_left3A_25 : vector<1x3584xi32>
    %jit3A_27 = arith.constant 8192 : i32
    %eq3A_28 = arith.constant 0 : i32
    %eq3A_29 = arith.cmpi eq, %jit3A_27, %eq3A_28 : i32
    %jit3A_30 = arith.constant 1 : i32
    %select_n3A_31 = arith.select %eq3A_29, %jit3A_30, %jit3A_27 : i32
    %rem3A_32 = vector.broadcast %select_n3A_31 : i32 to vector<1x3584xi32>
    %rem3A_33 = arith.remsi %iota3A, %rem3A_32 : vector<1x3584xi32>
    %ne3A_34 = arith.constant 0 : i32
    %ne3A_35 = vector.broadcast %ne3A_34 : i32 to vector<1x3584xi32>
    %ne3A_36 = arith.cmpi ne, %rem3A_33, %ne3A_35 : vector<1x3584xi32>
    %lt3A_37 = arith.constant 0 : i32
    %lt3A_38 = vector.broadcast %lt3A_37 : i32 to vector<1x3584xi32>
    %lt3A_39 = arith.cmpi slt, %rem3A_33, %lt3A_38 : vector<1x3584xi32>
    %lt3A_40 = arith.constant 0 : i32
    %lt3A_41 = arith.cmpi slt, %select_n3A_31, %lt3A_40 : i32
    %ne3A_42 = vector.broadcast %lt3A_41 : i1 to vector<1x3584xi1>
    %ne3A_43 = vector.broadcast %ne3A_42 : vector<1x3584xi1> to vector<1x3584xi1>
    %ne3A_44 = arith.xori %lt3A_39, %ne3A_43 : vector<1x3584xi1>
    %and3A_45 = arith.andi %ne3A_44, %ne3A_36 : vector<1x3584xi1>
    %add3A_46 = vector.broadcast %select_n3A_31 : i32 to vector<1x3584xi32>
    %add3A_47 = arith.addi %rem3A_33, %add3A_46 : vector<1x3584xi32>
    %select_n3A_48 = arith.select %and3A_45, %add3A_47, %rem3A_33 : vector<1x3584xi1>, vector<1x3584xi32>
    %or3A_49 = arith.ori %shift_left3A_26, %select_n3A_48 : vector<1x3584xi32>
    %concatenate3A = tpu.concatenate %or3A, %or3A_49 in 1 : vector<1x320000xi32>, vector<1x3584xi32> -> vector<1x323584xi32>
    %reshape3A = vector.shape_cast %concatenate3A : vector<1x323584xi32> to vector<323584xi32>
    %swap3A = arith.constant 0 : index
    %swap3A_50 = vector.load %arg1[%swap3A] : memref<323584xi32, #tpu.memory_space<vmem>>, vector<323584xi32>
    tpu.vector_store %arg1[%swap3A], %reshape3A {strides = array<i32>} : memref<323584xi32, #tpu.memory_space<vmem>>, vector<323584xi32>,
    return
  }
}

module attributes {stable_mosaic.version = 14 : i64} {
  func.func @_mm_scale_body(%arg0: i32, %arg1: memref<1264x128xf32, #tpu.memory_space<vmem>>, %arg2: memref<128x128xf32, #tpu.memory_space<vmem>>, %arg3: memref<1x2x1264xf32, #tpu.memory_space<vmem>>, %arg4: memref<1264x128xf32, #tpu.memory_space<vmem>>) attributes {dimension_semantics = [#tpu.dimension_semantics<arbitrary>], iteration_bounds = array<i64: 8>, scalar_prefetch = 0 : i64, scratch_operands = 0 : i64, tpu.core_type = #tpu.core_type<tc>, window_params = [{transform_indices = @transform_0, window_bounds = array<i64: 1264, 128>}, {pipeline_mode = #tpu.pipeline_mode<synchronous>, transform_indices = @transform_1, window_bounds = array<i64: 128, 128>}, {transform_indices = @transform_2, window_bounds = array<i64: 1, 2, 1264>}, {transform_indices = @transform_3, window_bounds = array<i64: 1264, 128>}]} {
    %get3A = arith.constant 0 : index
    %get3A_0 = arith.constant 0 : index
    %get3A_1 = vector.load %arg1[%get3A, %get3A_0] : memref<1264x128xf32, #tpu.memory_space<vmem>>, vector<1264x128xf32>
    %get3A_2 = arith.constant 0 : index
    %get3A_3 = arith.constant 0 : index
    %get3A_4 = vector.load %arg2[%get3A_2, %get3A_3] : memref<128x128xf32, #tpu.memory_space<vmem>>, vector<128x128xf32>
    %dot_general3A = arith.constant dense<0.000000e+00> : vector<1264x128xf32>
    %dot_general3A_5 = tpu.matmul %get3A_1, %get3A_4, %dot_general3A {dimension_numbers = #tpu.dot_dimension_numbers<[1], [0], [0], [1], [0, 0, 1, 1], [], []>, transpose_lhs_hint = false} : vector<1264x128xf32>, vector<128x128xf32>, vector<1264x128xf32> -> vector<1264x128xf32>
    %get3A_6 = arith.constant 0 : index
    %get3A_7 = arith.constant 0 : index
    %get3A_8 = arith.constant 0 : index
    %get3A_9 = vector.load %arg3[%get3A_6, %get3A_7, %get3A_8] : memref<1x2x1264xf32, #tpu.memory_space<vmem>>, vector<1x1x1264xf32>
    %get3A_10 = vector.shape_cast %get3A_9 : vector<1x1x1264xf32> to vector<1x1264xf32>
    %get3A_11 = arith.constant 0 : index
    %get3A_12 = arith.constant 1 : index
    %get3A_13 = arith.constant 0 : index
    %get3A_14 = vector.load %arg3[%get3A_11, %get3A_12, %get3A_13] : memref<1x2x1264xf32, #tpu.memory_space<vmem>>, vector<1x1x1264xf32>
    %get3A_15 = vector.shape_cast %get3A_14 : vector<1x1x1264xf32> to vector<1x1264xf32>
    %add3A = arith.addf %get3A_10, %get3A_15 : vector<1x1264xf32>
    %add3A_16 = arith.constant 1.000000e+00 : f32
    %add3A_17 = vector.broadcast %add3A_16 : f32 to vector<1x1264xf32>
    %add3A_18 = arith.addf %add3A, %add3A_17 : vector<1x1264xf32>
    %rsqrt3A = math.rsqrt %add3A_18 : vector<1x1264xf32>
    %transpose3A = tpu.transpose %rsqrt3A, [1, 0] : vector<1x1264xf32> -> vector<1264x1xf32>
    %mul3A = vector.broadcast %transpose3A : vector<1264x1xf32> to vector<1264x128xf32>
    %mul3A_19 = arith.mulf %dot_general3A_5, %mul3A : vector<1264x128xf32>
    %swap3A = arith.constant 0 : index
    %swap3A_20 = arith.constant 0 : index
    %swap3A_21 = vector.load %arg4[%swap3A, %swap3A_20] : memref<1264x128xf32, #tpu.memory_space<vmem>>, vector<1264x128xf32>
    tpu.vector_store %arg4[%swap3A, %swap3A_20], %mul3A_19 {strides = array<i32>} : memref<1264x128xf32, #tpu.memory_space<vmem>>, vector<1264x128xf32>,
    return
  }
  func.func @transform_0(%arg0: i32) -> (i32, i32) {
    %c0_i32 = arith.constant 0 : i32
    %c0_i32_0 = arith.constant 0 : i32
    return %arg0, %c0_i32 : i32, i32
  }
  func.func @transform_1(%arg0: i32) -> (i32, i32) {
    %c0_i32 = arith.constant 0 : i32
    %c0_i32_0 = arith.constant 0 : i32
    %c0_i32_1 = arith.constant 0 : i32
    return %c0_i32, %c0_i32_0 : i32, i32
  }
  func.func @transform_2(%arg0: i32) -> (i32, i32, i32) {
    %c0_i32 = arith.constant 0 : i32
    %c0_i32_0 = arith.constant 0 : i32
    %c0_i32_1 = arith.constant 0 : i32
    return %arg0, %c0_i32, %c0_i32_0 : i32, i32, i32
  }
  func.func @transform_3(%arg0: i32) -> (i32, i32) {
    %c0_i32 = arith.constant 0 : i32
    %c0_i32_0 = arith.constant 0 : i32
    return %arg0, %c0_i32 : i32, i32
  }
}

module attributes {stable_mosaic.version = 14 : i64} {
  func.func @_comb_mm_body(%arg0: i32, %arg1: memref<1264x128xf32, #tpu.memory_space<vmem>>, %arg2: memref<1264x128xf32, #tpu.memory_space<vmem>>, %arg3: memref<1264x128xf32, #tpu.memory_space<vmem>>, %arg4: memref<1x2x1264xf32, #tpu.memory_space<vmem>>, %arg5: memref<1x128xf32, #tpu.memory_space<vmem>>, %arg6: memref<128x128xf32, #tpu.memory_space<vmem>>, %arg7: memref<1264x128xf32, #tpu.memory_space<vmem>>) attributes {dimension_semantics = [#tpu.dimension_semantics<arbitrary>], iteration_bounds = array<i64: 8>, scalar_prefetch = 0 : i64, scratch_operands = 0 : i64, tpu.core_type = #tpu.core_type<tc>, window_params = [{transform_indices = @transform_0, window_bounds = array<i64: 1264, 128>}, {transform_indices = @transform_1, window_bounds = array<i64: 1264, 128>}, {transform_indices = @transform_2, window_bounds = array<i64: 1264, 128>}, {transform_indices = @transform_3, window_bounds = array<i64: 1, 2, 1264>}, {pipeline_mode = #tpu.pipeline_mode<synchronous>, transform_indices = @transform_4, window_bounds = array<i64: 1, 128>}, {pipeline_mode = #tpu.pipeline_mode<synchronous>, transform_indices = @transform_5, window_bounds = array<i64: 128, 128>}, {transform_indices = @transform_6, window_bounds = array<i64: 1264, 128>}]} {
    %get3A = arith.constant 0 : index
    %get3A_0 = arith.constant 0 : index
    %get3A_1 = arith.constant 0 : index
    %get3A_2 = vector.load %arg4[%get3A, %get3A_0, %get3A_1] : memref<1x2x1264xf32, #tpu.memory_space<vmem>>, vector<1x1x1264xf32>
    %get3A_3 = vector.shape_cast %get3A_2 : vector<1x1x1264xf32> to vector<1x1264xf32>
    %get3A_4 = arith.constant 0 : index
    %get3A_5 = arith.constant 1 : index
    %get3A_6 = arith.constant 0 : index
    %get3A_7 = vector.load %arg4[%get3A_4, %get3A_5, %get3A_6] : memref<1x2x1264xf32, #tpu.memory_space<vmem>>, vector<1x1x1264xf32>
    %get3A_8 = vector.shape_cast %get3A_7 : vector<1x1x1264xf32> to vector<1x1264xf32>
    %add3A = arith.addf %get3A_3, %get3A_8 : vector<1x1264xf32>
    %add3A_9 = arith.constant 1.000000e+00 : f32
    %add3A_10 = vector.broadcast %add3A_9 : f32 to vector<1x1264xf32>
    %add3A_11 = arith.addf %add3A, %add3A_10 : vector<1x1264xf32>
    %rsqrt3A = math.rsqrt %add3A_11 : vector<1x1264xf32>
    %transpose3A = tpu.transpose %rsqrt3A, [1, 0] : vector<1x1264xf32> -> vector<1264x1xf32>
    %get3A_12 = arith.constant 0 : index
    %get3A_13 = arith.constant 0 : index
    %get3A_14 = vector.load %arg1[%get3A_12, %get3A_13] : memref<1264x128xf32, #tpu.memory_space<vmem>>, vector<1264x128xf32>
    %get3A_15 = arith.constant 0 : index
    %get3A_16 = arith.constant 0 : index
    %get3A_17 = vector.load %arg2[%get3A_15, %get3A_16] : memref<1264x128xf32, #tpu.memory_space<vmem>>, vector<1264x128xf32>
    %add3A_18 = arith.addf %get3A_14, %get3A_17 : vector<1264x128xf32>
    %get3A_19 = arith.constant 0 : index
    %get3A_20 = arith.constant 0 : index
    %get3A_21 = vector.load %arg3[%get3A_19, %get3A_20] : memref<1264x128xf32, #tpu.memory_space<vmem>>, vector<1264x128xf32>
    %add3A_22 = arith.addf %add3A_18, %get3A_21 : vector<1264x128xf32>
    %mul3A = vector.broadcast %transpose3A : vector<1264x1xf32> to vector<1264x128xf32>
    %mul3A_23 = arith.mulf %add3A_22, %mul3A : vector<1264x128xf32>
    %get3A_24 = arith.constant 0 : index
    %get3A_25 = arith.constant 0 : index
    %get3A_26 = vector.load %arg5[%get3A_24, %get3A_25] : memref<1x128xf32, #tpu.memory_space<vmem>>, vector<1x128xf32>
    %add3A_27 = vector.broadcast %get3A_26 : vector<1x128xf32> to vector<1264x128xf32>
    %add3A_28 = arith.addf %mul3A_23, %add3A_27 : vector<1264x128xf32>
    %max3A = arith.constant 0.000000e+00 : f32
    %max3A_29 = vector.broadcast %max3A : f32 to vector<1264x128xf32>
    %max3A_30 = arith.maximumf %add3A_28, %max3A_29 : vector<1264x128xf32>
    %get3A_31 = arith.constant 0 : index
    %get3A_32 = arith.constant 0 : index
    %get3A_33 = vector.load %arg6[%get3A_31, %get3A_32] : memref<128x128xf32, #tpu.memory_space<vmem>>, vector<128x128xf32>
    %dot_general3A = arith.constant dense<0.000000e+00> : vector<1264x128xf32>
    %dot_general3A_34 = tpu.matmul %max3A_30, %get3A_33, %dot_general3A {dimension_numbers = #tpu.dot_dimension_numbers<[1], [0], [0], [1], [0, 0, 1, 1], [], []>, transpose_lhs_hint = false} : vector<1264x128xf32>, vector<128x128xf32>, vector<1264x128xf32> -> vector<1264x128xf32>
    %mul3A_35 = vector.broadcast %transpose3A : vector<1264x1xf32> to vector<1264x128xf32>
    %mul3A_36 = arith.mulf %dot_general3A_34, %mul3A_35 : vector<1264x128xf32>
    %swap3A = arith.constant 0 : index
    %swap3A_37 = arith.constant 0 : index
    %swap3A_38 = vector.load %arg7[%swap3A, %swap3A_37] : memref<1264x128xf32, #tpu.memory_space<vmem>>, vector<1264x128xf32>
    tpu.vector_store %arg7[%swap3A, %swap3A_37], %mul3A_36 {strides = array<i32>} : memref<1264x128xf32, #tpu.memory_space<vmem>>, vector<1264x128xf32>,
    return
  }
  func.func @transform_0(%arg0: i32) -> (i32, i32) {
    %c0_i32 = arith.constant 0 : i32
    %c0_i32_0 = arith.constant 0 : i32
    return %arg0, %c0_i32 : i32, i32
  }
  func.func @transform_1(%arg0: i32) -> (i32, i32) {
    %add3A = arith.constant 8 : i32
    %add3A_0 = arith.addi %arg0, %add3A : i32
    %c0_i32 = arith.constant 0 : i32
    %c0_i32_1 = arith.constant 0 : i32
    return %add3A_0, %c0_i32 : i32, i32
  }
  func.func @transform_2(%arg0: i32) -> (i32, i32) {
    %c0_i32 = arith.constant 0 : i32
    %c0_i32_0 = arith.constant 0 : i32
    return %arg0, %c0_i32 : i32, i32
  }
  func.func @transform_3(%arg0: i32) -> (i32, i32, i32) {
    %c0_i32 = arith.constant 0 : i32
    %c0_i32_0 = arith.constant 0 : i32
    %c0_i32_1 = arith.constant 0 : i32
    return %arg0, %c0_i32, %c0_i32_0 : i32, i32, i32
  }
  func.func @transform_4(%arg0: i32) -> (i32, i32) {
    %c0_i32 = arith.constant 0 : i32
    %c0_i32_0 = arith.constant 0 : i32
    %c0_i32_1 = arith.constant 0 : i32
    return %c0_i32, %c0_i32_0 : i32, i32
  }
  func.func @transform_5(%arg0: i32) -> (i32, i32) {
    %c0_i32 = arith.constant 0 : i32
    %c0_i32_0 = arith.constant 0 : i32
    %c0_i32_1 = arith.constant 0 : i32
    return %c0_i32, %c0_i32_0 : i32, i32
  }
  func.func @transform_6(%arg0: i32) -> (i32, i32) {
    %c0_i32 = arith.constant 0 : i32
    %c0_i32_0 = arith.constant 0 : i32
    return %arg0, %c0_i32 : i32, i32
  }
}

module attributes {stable_mosaic.version = 14 : i64} {
  func.func @_final_body(%arg0: i32, %arg1: memref<1264x128xf32, #tpu.memory_space<vmem>>, %arg2: memref<1264x128xf32, #tpu.memory_space<vmem>>, %arg3: memref<1264x128xf32, #tpu.memory_space<vmem>>, %arg4: memref<1x2x1264xf32, #tpu.memory_space<vmem>>, %arg5: memref<1x128xf32, #tpu.memory_space<vmem>>, %arg6: memref<128x8xf32, #tpu.memory_space<vmem>>, %arg7: memref<1x8xf32, #tpu.memory_space<vmem>>, %arg8: memref<1264x8xf32, #tpu.memory_space<vmem>>) attributes {dimension_semantics = [#tpu.dimension_semantics<arbitrary>], iteration_bounds = array<i64: 8>, scalar_prefetch = 0 : i64, scratch_operands = 0 : i64, tpu.core_type = #tpu.core_type<tc>, window_params = [{transform_indices = @transform_0, window_bounds = array<i64: 1264, 128>}, {transform_indices = @transform_1, window_bounds = array<i64: 1264, 128>}, {transform_indices = @transform_2, window_bounds = array<i64: 1264, 128>}, {transform_indices = @transform_3, window_bounds = array<i64: 1, 2, 1264>}, {pipeline_mode = #tpu.pipeline_mode<synchronous>, transform_indices = @transform_4, window_bounds = array<i64: 1, 128>}, {pipeline_mode = #tpu.pipeline_mode<synchronous>, transform_indices = @transform_5, window_bounds = array<i64: 128, 8>}, {pipeline_mode = #tpu.pipeline_mode<synchronous>, transform_indices = @transform_6, window_bounds = array<i64: 1, 8>}, {transform_indices = @transform_7, window_bounds = array<i64: 1264, 8>}]} {
    %get3A = arith.constant 0 : index
    %get3A_0 = arith.constant 0 : index
    %get3A_1 = arith.constant 0 : index
    %get3A_2 = vector.load %arg4[%get3A, %get3A_0, %get3A_1] : memref<1x2x1264xf32, #tpu.memory_space<vmem>>, vector<1x1x1264xf32>
    %get3A_3 = vector.shape_cast %get3A_2 : vector<1x1x1264xf32> to vector<1x1264xf32>
    %get3A_4 = arith.constant 0 : index
    %get3A_5 = arith.constant 1 : index
    %get3A_6 = arith.constant 0 : index
    %get3A_7 = vector.load %arg4[%get3A_4, %get3A_5, %get3A_6] : memref<1x2x1264xf32, #tpu.memory_space<vmem>>, vector<1x1x1264xf32>
    %get3A_8 = vector.shape_cast %get3A_7 : vector<1x1x1264xf32> to vector<1x1264xf32>
    %add3A = arith.addf %get3A_3, %get3A_8 : vector<1x1264xf32>
    %add3A_9 = arith.constant 1.000000e+00 : f32
    %add3A_10 = vector.broadcast %add3A_9 : f32 to vector<1x1264xf32>
    %add3A_11 = arith.addf %add3A, %add3A_10 : vector<1x1264xf32>
    %rsqrt3A = math.rsqrt %add3A_11 : vector<1x1264xf32>
    %transpose3A = tpu.transpose %rsqrt3A, [1, 0] : vector<1x1264xf32> -> vector<1264x1xf32>
    %get3A_12 = arith.constant 0 : index
    %get3A_13 = arith.constant 0 : index
    %get3A_14 = vector.load %arg1[%get3A_12, %get3A_13] : memref<1264x128xf32, #tpu.memory_space<vmem>>, vector<1264x128xf32>
    %get3A_15 = arith.constant 0 : index
    %get3A_16 = arith.constant 0 : index
    %get3A_17 = vector.load %arg2[%get3A_15, %get3A_16] : memref<1264x128xf32, #tpu.memory_space<vmem>>, vector<1264x128xf32>
    %add3A_18 = arith.addf %get3A_14, %get3A_17 : vector<1264x128xf32>
    %get3A_19 = arith.constant 0 : index
    %get3A_20 = arith.constant 0 : index
    %get3A_21 = vector.load %arg3[%get3A_19, %get3A_20] : memref<1264x128xf32, #tpu.memory_space<vmem>>, vector<1264x128xf32>
    %add3A_22 = arith.addf %add3A_18, %get3A_21 : vector<1264x128xf32>
    %mul3A = vector.broadcast %transpose3A : vector<1264x1xf32> to vector<1264x128xf32>
    %mul3A_23 = arith.mulf %add3A_22, %mul3A : vector<1264x128xf32>
    %get3A_24 = arith.constant 0 : index
    %get3A_25 = arith.constant 0 : index
    %get3A_26 = vector.load %arg5[%get3A_24, %get3A_25] : memref<1x128xf32, #tpu.memory_space<vmem>>, vector<1x128xf32>
    %add3A_27 = vector.broadcast %get3A_26 : vector<1x128xf32> to vector<1264x128xf32>
    %add3A_28 = arith.addf %mul3A_23, %add3A_27 : vector<1264x128xf32>
    %max3A = arith.constant 0.000000e+00 : f32
    %max3A_29 = vector.broadcast %max3A : f32 to vector<1264x128xf32>
    %max3A_30 = arith.maximumf %add3A_28, %max3A_29 : vector<1264x128xf32>
    %get3A_31 = arith.constant 0 : index
    %get3A_32 = arith.constant 0 : index
    %get3A_33 = vector.load %arg6[%get3A_31, %get3A_32] : memref<128x8xf32, #tpu.memory_space<vmem>>, vector<128x8xf32>
    %dot_general3A = arith.constant dense<0.000000e+00> : vector<1264x8xf32>
    %dot_general3A_34 = tpu.matmul %max3A_30, %get3A_33, %dot_general3A {dimension_numbers = #tpu.dot_dimension_numbers<[1], [0], [0], [1], [0, 0, 1, 1], [], []>, transpose_lhs_hint = false} : vector<1264x128xf32>, vector<128x8xf32>, vector<1264x8xf32> -> vector<1264x8xf32>
    %get3A_35 = arith.constant 0 : index
    %get3A_36 = arith.constant 0 : index
    %get3A_37 = vector.load %arg7[%get3A_35, %get3A_36] : memref<1x8xf32, #tpu.memory_space<vmem>>, vector<1x8xf32>
    %add3A_38 = vector.broadcast %get3A_37 : vector<1x8xf32> to vector<1264x8xf32>
    %add3A_39 = arith.addf %dot_general3A_34, %add3A_38 : vector<1264x8xf32>
    %swap3A = arith.constant 0 : index
    %swap3A_40 = arith.constant 0 : index
    %swap3A_41 = vector.load %arg8[%swap3A, %swap3A_40] : memref<1264x8xf32, #tpu.memory_space<vmem>>, vector<1264x8xf32>
    tpu.vector_store %arg8[%swap3A, %swap3A_40], %add3A_39 {strides = array<i32>} : memref<1264x8xf32, #tpu.memory_space<vmem>>, vector<1264x8xf32>,
    return
  }
  func.func @transform_0(%arg0: i32) -> (i32, i32) {
    %c0_i32 = arith.constant 0 : i32
    %c0_i32_0 = arith.constant 0 : i32
    return %arg0, %c0_i32 : i32, i32
  }
  func.func @transform_1(%arg0: i32) -> (i32, i32) {
    %add3A = arith.constant 8 : i32
    %add3A_0 = arith.addi %arg0, %add3A : i32
    %c0_i32 = arith.constant 0 : i32
    %c0_i32_1 = arith.constant 0 : i32
    return %add3A_0, %c0_i32 : i32, i32
  }
  func.func @transform_2(%arg0: i32) -> (i32, i32) {
    %c0_i32 = arith.constant 0 : i32
    %c0_i32_0 = arith.constant 0 : i32
    return %arg0, %c0_i32 : i32, i32
  }
  func.func @transform_3(%arg0: i32) -> (i32, i32, i32) {
    %c0_i32 = arith.constant 0 : i32
    %c0_i32_0 = arith.constant 0 : i32
    %c0_i32_1 = arith.constant 0 : i32
    return %arg0, %c0_i32, %c0_i32_0 : i32, i32, i32
  }
  func.func @transform_4(%arg0: i32) -> (i32, i32) {
    %c0_i32 = arith.constant 0 : i32
    %c0_i32_0 = arith.constant 0 : i32
    %c0_i32_1 = arith.constant 0 : i32
    return %c0_i32, %c0_i32_0 : i32, i32
  }
  func.func @transform_5(%arg0: i32) -> (i32, i32) {
    %c0_i32 = arith.constant 0 : i32
    %c0_i32_0 = arith.constant 0 : i32
    %c0_i32_1 = arith.constant 0 : i32
    return %c0_i32, %c0_i32_0 : i32, i32
  }
  func.func @transform_6(%arg0: i32) -> (i32, i32) {
    %c0_i32 = arith.constant 0 : i32
    %c0_i32_0 = arith.constant 0 : i32
    %c0_i32_1 = arith.constant 0 : i32
    return %c0_i32, %c0_i32_0 : i32, i32
  }
  func.func @transform_7(%arg0: i32) -> (i32, i32) {
    %c0_i32 = arith.constant 0 : i32
    %c0_i32_0 = arith.constant 0 : i32
    return %arg0, %c0_i32 : i32, i32
  }
}

</mosaic_0001>

<sc_bundles>
// kernel: kernel.12.cloned.1.call-start
scs
__scs_entry_jumppad:
0x0: {  	(pc) =	sbr.rel $0x88, $3  }
0x1: {  	(tag) =	ssettag $0x0;
	lr =	simm.s32 $0x1  }
0x2: {  	[smem:$0x3F99] =	sst lr;
	_ =	strace $0xD0000000  }
0x3: {  	_ = 	snop  }
0x4: {  	_ = 	snop  }
0x5: {  	_ = 	snop  }
0x6: {  	_ = 	snop  }
0x7: {  	_ = 	snop  }
__scs_overlays_trampoline_lowered:
0x8: {  	[smem:$0x3FA8] =	sst s0  }
0x9: {  	[smem:$0x3FA9] =	sst s1  }
0xa: {  	[smem:$0x3FAA] =	sst s2  }
0xb: {  	[smem:$0x3FAB] =	sst s3  }
0xc: {  	[smem:$0x3FAC] =	sst s4  }
0xd: {  	[smem:$0x3FAD] =	sst s5  }
0xe: {  	[smem:$0x3FAE] =	sst s6  }
0xf: {  	[smem:$0x3FAF] =	sst s7  }
0x10: {  	[smem:$0x3FB0] =	sst s8  }
0x11: {  	[smem:$0x3FB1] =	sst s9;
	s0 =	simm.s32 @!p0 $0x0  }
0x12: {  	s1 =	sld [smem:$0x3F97];
	s0 =	simm.s32 @p0 $0x1  }
0x13: {  	[smem:$0x3FB2] =	sst s0;
	s0 =	simm.s32 @!p1 $0x0  }
0x14: {  	s2 =	sld [smem:$0x3F96];
	s0 =	simm.s32 @p1 $0x1  }
0x15: {  	[smem:$0x3FB3] =	sst s0;
	s0 =	simm.s32 @!p2 $0x0  }
0x16: {  	s3 =	sld [smem:$0x3FDB];
	s0 =	simm.s32 @p2 $0x1  }
0x17: {  	s4 =	simm.s32 $0x1BF5;
	[smem:$0x3FB5] =	sst s0  }
0x18: {  	s0 =	sld [smem:$0x3F98];
	_ =	swait.ge [sflag:s4], $0x0  }
0x19: {  	s7 =	sld [smem:$0x3F99]  }
0x1a: {  	s8 =	sadd.s32 $0xFFFFE003, lr  }
0x1b: {  	s9 =	sadd.s32 $0xFFFFFEF7, lr;
	s5 =	simm.s32 $0xFFFFFFFF;
	p2 =	slt.u32 s8, $0xFFFFF086  }
0x1c: {  	p1 =	slt.u32 s9, $0xF7A;
	s5 =	simm.s32 @!p2 $0x0  }
0x1d: {  	s5 =	simm.s32 @p1 $0x1;
	p0 =	seq.s32 s7, s2  }
0x1e: {  	s7 =	smul.u32 @!p0 $0xF7A, s2;
	p2 =	seq.s32 @!p0 s5, $0x0  }
0x1f: {  	s9 =	smul.u32 $0xF7A, s1;
	s8 =	simm.s32 @!p0 $0x1BF5;
	p2 =	por !p2, p0  }
0x20: {  	[sflag:s8] =	ssyncset.s32 @!p0 $0xFFFFF086;
	s6 =	sadd.s32 @!p0 s3, s7;
	s7 =	simm.s32 @!p0 $0x108  }
0x21: {  	s3 =	sadd.s32 s3, s9;
	s6 =	sadd.s32 @!p0 $0x88, s6;
	s7 =	simm.s32 @p2 $0x1082  }
0x22: {  	[simem:s7], [sflag:s8] =	dma.local @!p0 [hbm:s6], $0xF7A  }
0x23: {  	s9 =	sor.u32 $0xD0000000, s2;
	s6 =	simm.s32 $0x108;
	_ =	swait.ge @!p0 [sflag:s8], $0x0  }
0x24: {  	s3 =	sadd.s32 $0x88, s3;
	s6 =	simm.s32 @!p1 $0x1082;
	[sflag:s4] =	ssyncset.s32 $0xFFFFF086  }
0x25: {  	[simem:s6], [sflag:s4] =	dma.local [hbm:s3], $0xF7A  }
0x26: {  	[smem:$0x3F99] =	sst s1;
	(tag) =	ssettag s2;
	_ =	strace s9  }
0x27: {  	s1 =	sld [smem:$0x3FA9]  }
0x28: {  	s2 =	sld [smem:$0x3FAA]  }
0x29: {  	s4 =	sld [smem:$0x3FAC]  }
0x2a: {  	p0 =	seq.s32 s5, $0x0;
	s5 =	sld [smem:$0x3FAD]  }
0x2b: {  	s6 =	sld [smem:$0x3FAE]  }
0x2c: {  	s7 =	sld [smem:$0x3FAF]  }
0x2d: {  	s3 =	simm.s32 $0x108;
	s8 =	sld [smem:$0x3FB0]  }
0x2e: {  	s3 =	simm.s32 @!p0 $0x1082;
	s9 =	sld [smem:$0x3FB1]  }
0x2f: {  	lr =	sadd.s32 s0, s3;
	s0 =	sld [smem:$0x3FA8]  }
0x30: {  	s3 =	sld [smem:$0x3FAB]  }
0x31: {  	[smem:$0x3FB4] =	sst s10  }
0x32: {  	s10 =	sld [smem:$0x3FB2];
	_ =	sdelay $0x3  }
0x33: {  	p0 =	seq.s32 s10, $0x1;
	s10 =	sld [smem:$0x3FB4];
	_ =	sdelay $0x3  }
0x34: {  	[smem:$0x3FB4] =	sst s10  }
0x35: {  	s10 =	sld [smem:$0x3FB3];
	_ =	sdelay $0x3  }
0x36: {  	p1 =	seq.s32 s10, $0x1;
	s10 =	sld [smem:$0x3FB4];
	_ =	sdelay $0x3  }
0x37: {  	[smem:$0x3FB4] =	sst s10  }
0x38: {  	s10 =	sld [smem:$0x3FB5]  }
0x39: {  	_ = 	snop;
	(pc) =	sbr.ind lr, $3  }
0x3a: {  	_ = 	snop  }
0x3b: {  	_ = 	snop  }
0x3c: {  	p2 =	seq.s32 s10, $0x1;
	s10 =	sld [smem:$0x3FB4]  }
0x3d: {  	_ =	shalt  }
0x3e: {  	_ =	shalt  }
0x3f: {  	_ =	shalt  }
0x40: {  	_ =	shalt  }
0x41: {  	_ =	shalt  }
0x42: {  	_ =	shalt  }
0x43: {  	_ =	shalt  }
0x44: {  	_ =	shalt  }
0x45: {  	_ =	shalt  }
0x46: {  	_ =	shalt  }
0x47: {  	_ =	shalt  }
0x48: {  	_ =	shalt  }
0x49: {  	_ =	shalt  }
0x4a: {  	_ =	shalt  }
0x4b: {  	_ =	shalt  }
0x4c: {  	_ =	shalt  }
0x4d: {  	_ =	shalt  }
0x4e: {  	_ =	shalt  }
0x4f: {  	_ =	shalt  }
0x50: {  	_ =	shalt  }
0x51: {  	_ =	shalt  }
0x52: {  	_ =	shalt  }
0x53: {  	_ =	shalt  }
0x54: {  	_ =	shalt  }
0x55: {  	_ =	shalt  }
0x56: {  	_ =	shalt  }
0x57: {  	_ =	shalt  }
0x58: {  	_ =	shalt  }
0x59: {  	_ =	shalt  }
0x5a: {  	_ =	shalt  }
0x5b: {  	_ =	shalt  }
0x5c: {  	_ =	shalt  }
0x5d: {  	_ =	shalt  }
0x5e: {  	_ =	shalt  }
0x5f: {  	_ =	shalt  }
0x60: {  	_ =	shalt  }
0x61: {  	_ =	shalt  }
0x62: {  	_ =	shalt  }
0x63: {  	_ =	shalt  }
0x64: {  	_ =	shalt  }
0x65: {  	_ =	shalt  }
0x66: {  	_ =	shalt  }
0x67: {  	_ =	shalt  }
0x68: {  	_ =	shalt  }
0x69: {  	_ =	shalt  }
0x6a: {  	_ =	shalt  }
0x6b: {  	_ =	shalt  }
0x6c: {  	_ =	shalt  }
0x6d: {  	_ =	shalt  }
0x6e: {  	_ =	shalt  }
0x6f: {  	_ =	shalt  }
0x70: {  	_ =	shalt  }
0x71: {  	_ =	shalt  }
0x72: {  	_ =	shalt  }
0x73: {  	_ =	shalt  }
0x74: {  	_ =	shalt  }
0x75: {  	_ =	shalt  }
0x76: {  	_ =	shalt  }
0x77: {  	_ =	shalt  }
0x78: {  	_ =	shalt  }
0x79: {  	_ =	shalt  }
0x7a: {  	_ =	shalt  }
0x7b: {  	_ =	shalt  }
0x7c: {  	_ =	shalt  }
0x7d: {  	_ =	shalt  }
0x7e: {  	_ =	shalt  }
0x7f: {  	_ =	shalt  }
0x80: {  	_ =	shalt  }
0x81: {  	_ =	shalt  }
0x82: {  	_ =	shalt  }
0x83: {  	_ =	shalt  }
0x84: {  	_ =	shalt  }
0x85: {  	_ =	shalt  }
0x86: {  	_ =	shalt  }
0x87: {  	_ =	shalt  }
.Lfunc_end0:
.L_simem_size_0:
called_computation.1_lowered:
.L_overlay_start_0:
0x88: {  	s2 =	sld [smem:$0x3FD9]  }
0x89: {  	s3 =	sld [smem:$0x3FFE];
	_ =	sdelay $0x1  }
0x8a: {  	s1 =	srdreg.scid  }
0x8b: {  	s0 =	sand.u32 $0x1, s1  }
0x8c: {  	s16 =	sshll.u32 s0, $0xA;
	s2 =	sadd.s32 s3, s2  }
0x8d: {  	s2 =	sadd.s32 s2, s16  }
0x8e: {  	[smem:$0x3FC0] =	sst s2  }
0x8f: {  	_ = 	snop  }
0x90: {  	(tm) =	ssettm $0x1  }
0x91: {  	s17 =	sld [smem:$0x3FFB];
	_ =	sdelay $0x3  }
0x92: {  	_ =	strace s17  }
0x93: {  	s2 =	sld [smem:$0x3FFC];
	_ =	sdelay $0x3  }
0x94: {  	_ =	strace s2  }
0x95: {  	s2 =	sld [smem:$0x3FFD];
	_ =	sdelay $0x3  }
0x96: {  	_ =	strace s2  }
0x97: {  	_ =	strace $0x8FFFFFFF  }
0x98: {  	s18 =	sld [smem:$0x3FDB];
	_ =	sdelay $0x1  }
0x99: {  	s19 =	simm.s32 $_scs_section_size  }
0x9a: {  	s4 =	simm.s32 $_size__tile_overlayer_lowered;
	s5 =	simm.s32 $_tile_overlayer_lowered  }
0x9b: {  	s22 =	simm.s32 $0x1BFF;
	s21 =	sshll.u32 s5, $0x1;
	s2 =	sadd.s32 s19, s18  }
0x9c: {  	s6 =	simm.s32 $0x0;
	s20 =	sshll.u32 s4, $0x1;
	s4 =	sadd.s32 s21, s2  }
0x9d: {  	[timem:s6], [sflag:s22] =	dma.local [hbm:s4], s20  }
0x9e: {  	_ =	swait.ge [sflag:s22], s20  }
0x9f: {  	s3 =	ssub.s32 $0x0, s20;
	[sflag:s22] =	ssyncset.done $0x0  }
0xa0: {  	[sflag:s22] =	ssyncadd.s32 s3;
	_ =	sdelay $0x1  }
0xa1: {  	s23 =	simm.s32 $0x1B8B  }
0xa2: {  	_ =	swait.ge [sflag:s23], $0x1  }
0xa3: {  	[sflag:s23] =	ssyncset.done $0x0  }
0xa4: {  	s25 =	simm.s32 $0x1B8E;
	s24 =	sld [smem:$0x3FFE];
	[sflag:s23] =	ssyncadd.s32 $0xFFFFFFFF  }
0xa5: {  	s26 =	simm.s32 $execute0_lowered;
	[smem:$0x3FD2] =	sst s25  }
0xa6: {  	s4 =	sshll.u32 s26, $0x1;
	_ =	strace $0x80000049;
	[dreg:$0x1] =	wrdreg $0xFFFFFFFF  }
0xa7: {  	s28 =	simm.s32 $_size_execute0_lowered;
	s2 =	sadd.s32 s2, s4;
	[dreg:$0x0] =	wrdreg $0x0  }
0xa8: {  	s4 =	sshll.u32 s28, $0x1;
	[dreg:$0x2] =	wrdreg s2  }
0xa9: {  	[dreg:$0x3] =	wrdreg s4  }
0xaa: {  	[dreg:$0x4] =	wrdreg $0xC0  }
0xab: {  	_ =	task [dreg:s6], $0x5FFFF  }
0xac: {  	[dreg:$0x1] =	wrdreg $0xFFFFFFFF  }
0xad: {  	[dreg:$0x0] =	wrdreg $0x60  }
0xae: {  	[dreg:$0x2] =	wrdreg s24  }
0xaf: {  	[dreg:$0x3] =	wrdreg $0xA9800  }
0xb0: {  	[dreg:$0x4] =	wrdreg $0x9  }
0xb1: {  	_ =	task.clear_ibuf [dreg:s6], $0x5FFFF;
	_ =	strace $0x90000049  }
0xb2: {  	s29 =	simm.s32 $0x9;
	_ =	strace $0x8000004B  }
0xb3: {  	_ =	swait.ge [sflag:s29], $0x1  }
0xb4: {  	[sflag:s29] =	ssyncadd.s32 $0xFFFFFFFF  }
0xb5: {  	_ =	strace $0x9000004B  }
0xb6: {  	_ =	sfence  }
0xb7: {  	s30 =	sld [smem:$0x0];
	_ =	sdelay $0x2  }
0xb8: {  	s31 =	sshll.u32 s1, $0xD;
	s1 =	sshrl.u32 s1, $0x2  }
0xb9: {  	s3 =	sand.u32 $0x4000, s31;
	s1 =	sadd.s32 s1, s30  }
0xba: {  	s0 =	sor.u32 s3, s0;
	s1 =	sshll.u32 s1, $0x11  }
0xbb: {  	s0 =	sor.u32 s1, s0  }
0xbc: {  	s0 =	sadd.s32 $0x8F2B, s0  }
0xbd: {  	[sflag:s0] =	ssyncadd.remote.s32 $0x1  }
0xbe: {  	_ =	sfence.sel $0xFFFF  }
0xbf: {  	[dreg:$0x0] =	wrdreg $0xFFFFFFFF;
	(pc) =	sbr.abs _section_cstart, $3  }
0xc0: {  	[dreg:$0x1] =	wrdreg $0xFFFFFFFF  }
0xc1: {  	_ =	task.clear_ibuf [dreg:s6], $0x2FFFF;
	_ =	strace $0x9FFFFFFF  }
0xc2: {  	(tm) =	ssettm $0x7FFFFFFF  }
0xc3: {  	_ =	shalt  }
tec
execute0_lowered:
.L_overlay_start_1:
0x0: {  	(tag) =	ssettag $0x1  }
0x1: {  	s0 =	srdreg.scid;
	s6 =	rddreg [dreg:$0x0]  }
0x2: {  	s2 =	rddreg [dreg:$0x1];
	s3 =	simm.s32 $0x0;
	s17 =	simm.s32 $0x2980  }
0x3: {  	s18 =	simm.s32 $0x3;
	s19 =	simm.s32 $0x2;
	s20 =	simm.s32 $0x80  }
0x4: {  	s21 =	simm.s32 $0x2780;
	s22 =	simm.s32 $0x2800;
	s23 =	simm.s32 $0x6980  }
0x5: {  	s24 =	simm.s32 $0x1;
	s25 =	simm.s32 $0x2880;
	s28 =	simm.s32 $0x2900  }
0x6: {  	s29 =	simm.s32 $0x0;
	s5 =	sand.u32 $0x1, s0;
	s0 =	stileid.u32  }
0x7: {  	[smem:$0x7FF] =	sst s3;
	s4 =	sadd.s32 $0xC400, s6;
	s8 =	smul.u32 $0x278, s0  }
0x8: {  	s1 =	sshll.u32 s5, $0x4;
	s9 =	smul.u32 $0x2780, s5;
	_ =	strace $0x8000004A  }
0x9: {  	s10 =	smul.u32 $0x4F000, s0;
	s26 =	ssub.s32 $0x2, s5;
	s1 =	sor.u32 s0, s1  }
0xa: {  	s31 =	sshrl.u32 s26, $0x1;
	s7 =	smul.u32 $0x4F0, s1;
	s8 =	sadd.s32 s8, s9  }
0xb: {  	s30 =	sshrl.u32 s10, $0x2;
	s16 =	ssub.s32 s26, s31;
	s26 =	simm.s32 $0x4  }
0xc: {  	s8 =	sshll.u32 s8, $0x4;
	s5 =	sadd.s32 s30, s2;
	s16 =	smax.u32 s16, $0x1  }
0xd: {  	s7 =	sadd.s32 s7, s6;
	s15 =	sadd.s32 s8, s6;
	s8 =	sadd.s32 $0x8000, s5  }
0xe: {  	s9 =	sadd.s32 $0xC000, s5;
	s10 =	sadd.s32 $0x10000, s5;
	s6 =	sadd.s32 $0x2600, s7  }
0xf: {  	s7 =	sadd.s32 $0x4000, s5;
	s11 =	sadd.s32 $0x33C00, s15;
	s12 =	sadd.s32 $0x34400, s15  }
0x10: {  	v0 =	vimm.f32 $0.0e+00;
	s13 =	sadd.s32 $0x34C00, s15;
	s14 =	sadd.s32 $0x35400, s15;
	s15 =	sadd.s32 $0x35C00, s15  }
.LBB2_1:
0x11: {  	[tilespmem:s3], [sflag:$0x2] =	stream.linear.gather [hbm4b:s6+s3], $0x2780, $0x38;
	[tilespmem:$0x1E580] =	vst v63  }
0x12: {  	s30 =	simm.s32 $0x0;
	s31 =	simm.s32 $0x200  }
.LBB2_2:
0x13: {  	p0 =	sne.s32 s31, $0xFE00;
	[tilespmem:s30+$0x29F0] =	vst v0  }
0x14: {  	[tilespmem:s30+$0x2980] =	vst v0  }
0x15: {  	[tilespmem:s30+$0x2990] =	vst v0  }
.Ltmp0:
0x16: {  	[tilespmem:s30+$0x29A0] =	vst v0;
	(pc) =	sbr.rel @p0 .LBB2_2-.Ltmp0, $4  }
0x17: {  	[tilespmem:s30+$0x29B0] =	vst v0  }
0x18: {  	[tilespmem:s30+$0x29C0] =	vst v0  }
0x19: {  	[tilespmem:s30+$0x29D0] =	vst v0  }
0x1a: {  	[tilespmem:s30+$0x29E0] =	vst v0;
	s30 =	sshra.s32 s31, $0x2;
	s31 =	sadd.s32 $0x200, s31  }
0x1b: {  	[tilespmem:s30+$0x29F0] =	vst v0  }
0x1c: {  	[tilespmem:s30+$0x2980] =	vst v0  }
0x1d: {  	[tilespmem:s30+$0x2990] =	vst v0  }
0x1e: {  	[tilespmem:s30+$0x29A0] =	vst v0  }
0x1f: {  	[tilespmem:s30+$0x29B0] =	vst v0  }
0x20: {  	[tilespmem:s30+$0x29C0] =	vst v0  }
0x21: {  	[tilespmem:s30+$0x29D0] =	vst v0  }
0x22: {  	[tilespmem:s30+$0x29E0] =	vst v0  }
0x23: {  	[spmem:s5] =	stream.linear.scatter [tilespmem:s17], [sflag:$0x3], $0x4000, $0x38;
	[tilespmem:$0x1E580] =	vst v63  }
0x24: {  	_ = 	snop  }
0x25: {  	[spmem:s7] =	stream.linear.scatter [tilespmem:s17], [sflag:$0x3], $0x4000, $0x38;
	[tilespmem:$0x1E580] =	vst v63  }
0x26: {  	_ = 	snop  }
0x27: {  	[spmem:s8] =	stream.linear.scatter [tilespmem:s17], [sflag:$0x3], $0x4000, $0x38;
	[tilespmem:$0x1E580] =	vst v63  }
0x28: {  	_ = 	snop  }
0x29: {  	[spmem:s9] =	stream.linear.scatter [tilespmem:s17], [sflag:$0x3], $0x4000, $0x38;
	[tilespmem:$0x1E580] =	vst v63  }
0x2a: {  	_ = 	snop  }
0x2b: {  	[spmem:s10] =	stream.linear.scatter [tilespmem:s17], [sflag:$0x3], $0x3C00, $0x38;
	[tilespmem:$0x1E580] =	vst v63  }
0x2c: {  	_ =	swait.ge [sflag:s18], $0x4000  }
0x2d: {  	[sflag:s18] =	ssyncset.done $0x0  }
0x2e: {  	[sflag:s18] =	ssyncadd.s32 $0xFFFFC000  }
0x2f: {  	_ =	swait.ge [sflag:s18], $0x4000  }
0x30: {  	[sflag:s18] =	ssyncset.done $0x0  }
0x31: {  	[sflag:s18] =	ssyncadd.s32 $0xFFFFC000  }
0x32: {  	_ =	swait.ge [sflag:s18], $0x4000  }
0x33: {  	[sflag:s18] =	ssyncset.done $0x0  }
0x34: {  	[sflag:s18] =	ssyncadd.s32 $0xFFFFC000  }
0x35: {  	_ =	swait.ge [sflag:s18], $0x4000  }
0x36: {  	[sflag:s18] =	ssyncset.done $0x0  }
0x37: {  	[sflag:s18] =	ssyncadd.s32 $0xFFFFC000  }
0x38: {  	_ =	swait.ge [sflag:s18], $0x3C00  }
0x39: {  	[sflag:s18] =	ssyncset.done $0x0  }
0x3a: {  	[sflag:s18] =	ssyncadd.s32 $0xFFFFC400  }
0x3b: {  	_ =	swait.ge [sflag:s19], $0x2780  }
0x3c: {  	[sflag:s19] =	ssyncset.done $0x0  }
0x3d: {  	[sflag:s19] =	ssyncadd.s32 $0xFFFFD880  }
0x3e: {  	[bflag:$0x0] =	sbarrier.arrive $0xFFFF  }
0x3f: {  	v1 =	vld [tilespmem:$0x0];
	_ =	sdelay $0x1  }
0x40: {  	v2 =	vld [tilespmem:$0x10];
	_ =	sdelay $0x1  }
0x41: {  	v3 =	vld [tilespmem:$0x20]  }
0x42: {  	v4 =	vand.u32 $0x3FFF, v1  }
0x43: {  	v59 =	vld [tilespmem:$0x30];
	v1 =	vshrl.u32 v1, $0xE;
	[tilespmem:$0x2780] =	vst v4  }
0x44: {  	[tilespmem:$0x2880] =	vst v1;
	v1 =	vand.u32 $0x3FFF, v2  }
0x45: {  	[tilespmem:$0x2790] =	vst v1;
	v1 =	vshrl.u32 v2, $0xE;
	v2 =	vld [tilespmem:$0x40]  }
0x46: {  	[tilespmem:$0x2890] =	vst v1;
	v1 =	vand.u32 $0x3FFF, v3  }
0x47: {  	[tilespmem:$0x27A0] =	vst v1;
	v1 =	vshrl.u32 v3, $0xE;
	v3 =	vld [tilespmem:$0x50]  }
0x48: {  	[tilespmem:$0x28A0] =	vst v1;
	v1 =	vand.u32 $0x3FFF, v59  }
0x49: {  	v60 =	vld [tilespmem:$0x60];
	[tilespmem:$0x27B0] =	vst v1;
	v1 =	vshrl.u32 v59, $0xE  }
0x4a: {  	[tilespmem:$0x28B0] =	vst v1;
	v1 =	vand.u32 $0x3FFF, v2  }
0x4b: {  	[tilespmem:$0x27C0] =	vst v1;
	v1 =	vshrl.u32 v2, $0xE;
	v2 =	vld [tilespmem:$0x70]  }
0x4c: {  	[tilespmem:$0x28C0] =	vst v1;
	v1 =	vand.u32 $0x3FFF, v3  }
0x4d: {  	[tilespmem:$0x27D0] =	vst v1;
	v1 =	vshrl.u32 v3, $0xE  }
0x4e: {  	[tilespmem:$0x28D0] =	vst v1;
	v1 =	vand.u32 $0x3FFF, v60  }
0x4f: {  	[tilespmem:$0x27E0] =	vst v1;
	v1 =	vshrl.u32 v60, $0xE  }
0x50: {  	[tilespmem:$0x28E0] =	vst v1;
	v1 =	vand.u32 $0x3FFF, v2  }
0x51: {  	[tilespmem:$0x27F0] =	vst v1;
	v1 =	vshrl.u32 v2, $0xE  }
0x52: {  	[tilespmem:$0x28F0] =	vst v1  }
0x53: {  	[tilespmem:s17], [sflag:$0x1] =	stream.indirect.gather [hbm4b:s4+s20], $0x80, s21, s20, $0xb8;
	[tilespmem:$0x1E580] =	vst v63  }
0x54: {  	v1 =	vld [tilespmem:$0x80];
	_ =	sdelay $0x1  }
0x55: {  	v2 =	vld [tilespmem:$0x90];
	_ =	sdelay $0x1  }
0x56: {  	v3 =	vld [tilespmem:$0xA0]  }
0x57: {  	v61 =	vand.u32 $0x3FFF, v1  }
0x58: {  	v62 =	vld [tilespmem:$0xB0];
	v1 =	vshrl.u32 v1, $0xE;
	[tilespmem:$0x2800] =	vst v61  }
0x59: {  	[tilespmem:$0x2900] =	vst v1;
	v1 =	vand.u32 $0x3FFF, v2  }
0x5a: {  	[tilespmem:$0x2810] =	vst v1;
	v1 =	vshrl.u32 v2, $0xE;
	v2 =	vld [tilespmem:$0xC0]  }
0x5b: {  	[tilespmem:$0x2910] =	vst v1;
	v1 =	vand.u32 $0x3FFF, v3  }
0x5c: {  	[tilespmem:$0x2820] =	vst v1;
	v1 =	vshrl.u32 v3, $0xE;
	v3 =	vld [tilespmem:$0xD0]  }
0x5d: {  	[tilespmem:$0x2920] =	vst v1;
	v1 =	vand.u32 $0x3FFF, v62  }
0x5e: {  	v63 =	vld [tilespmem:$0xE0];
	[tilespmem:$0x2830] =	vst v1;
	v1 =	vshrl.u32 v62, $0xE  }
0x5f: {  	[tilespmem:$0x2930] =	vst v1;
	v1 =	vand.u32 $0x3FFF, v2  }
0x60: {  	[tilespmem:$0x2840] =	vst v1;
	v1 =	vshrl.u32 v2, $0xE;
	v2 =	vld [tilespmem:$0xF0]  }
0x61: {  	[tilespmem:$0x2940] =	vst v1;
	v1 =	vand.u32 $0x3FFF, v3  }
0x62: {  	[tilespmem:$0x2850] =	vst v1;
	v1 =	vshrl.u32 v3, $0xE  }
0x63: {  	[tilespmem:$0x2950] =	vst v1;
	v1 =	vand.u32 $0x3FFF, v63  }
0x64: {  	[tilespmem:$0x2860] =	vst v1;
	v1 =	vshrl.u32 v63, $0xE  }
0x65: {  	[tilespmem:$0x2960] =	vst v1;
	v1 =	vand.u32 $0x3FFF, v2  }
0x66: {  	[tilespmem:$0x2870] =	vst v1;
	v1 =	vshrl.u32 v2, $0xE  }
0x67: {  	[tilespmem:$0x2970] =	vst v1  }
0x68: {  	[tilespmem:s23], [sflag:$0x2] =	stream.indirect.gather [hbm4b:s4+s20], $0x80, s22, s20, $0xb8;
	[tilespmem:$0x1E580] =	vst v63  }
0x69: {  	_ =	swait.ge [sflag:s24], $0x4000  }
0x6a: {  	[sflag:s24] =	ssyncset.done $0x0  }
0x6b: {  	[sflag:s24] =	ssyncadd.s32 $0xFFFFC000  }
0x6c: {  	[spmem:s2] =	stream.indirect.scatter.add.f32 [tilespmem:s17], [sflag:$0x4], $0x80, s25, s20, $0xb8;
	[tilespmem:$0x1E580] =	vst v63  }
0x6d: {  	_ =	swait.ge [sflag:s26], $0x4000  }
0x6e: {  	[sflag:s26] =	ssyncset.done $0x0  }
0x6f: {  	s30 =	simm.s32 $0x1F0;
	[sflag:s26] =	ssyncadd.s32 $0xFFFFC000  }
0x70: {  	v1 =	vld [tilespmem:s30+$0xFFFFFF10];
	_ =	sdelay $0x4  }
0x71: {  	v2 =	vand.u32 $0x3FFF, v1  }
0x72: {  	v1 =	vshrl.u32 v1, $0xE;
	[tilespmem:$0x2780] =	vst v2  }
0x73: {  	[tilespmem:$0x2880] =	vst v1  }
0x74: {  	v1 =	vld [tilespmem:s30+$0xFFFFFF20];
	_ =	sdelay $0x4  }
0x75: {  	v2 =	vand.u32 $0x3FFF, v1  }
0x76: {  	v1 =	vshrl.u32 v1, $0xE;
	[tilespmem:$0x2790] =	vst v2  }
0x77: {  	[tilespmem:$0x2890] =	vst v1  }
0x78: {  	v1 =	vld [tilespmem:s30+$0xFFFFFF30];
	_ =	sdelay $0x4  }
0x79: {  	v2 =	vand.u32 $0x3FFF, v1  }
0x7a: {  	v1 =	vshrl.u32 v1, $0xE;
	[tilespmem:$0x27A0] =	vst v2  }
0x7b: {  	[tilespmem:$0x28A0] =	vst v1  }
0x7c: {  	v1 =	vld [tilespmem:s30+$0xFFFFFF40];
	_ =	sdelay $0x4  }
0x7d: {  	v2 =	vand.u32 $0x3FFF, v1  }
0x7e: {  	v1 =	vshrl.u32 v1, $0xE;
	[tilespmem:$0x27B0] =	vst v2  }
0x7f: {  	[tilespmem:$0x28B0] =	vst v1  }
0x80: {  	v1 =	vld [tilespmem:s30+$0xFFFFFF50];
	_ =	sdelay $0x4  }
0x81: {  	v2 =	vand.u32 $0x3FFF, v1  }
0x82: {  	v1 =	vshrl.u32 v1, $0xE;
	[tilespmem:$0x27C0] =	vst v2  }
0x83: {  	[tilespmem:$0x28C0] =	vst v1  }
0x84: {  	v1 =	vld [tilespmem:s30+$0xFFFFFF60];
	_ =	sdelay $0x4  }
0x85: {  	v2 =	vand.u32 $0x3FFF, v1  }
0x86: {  	v1 =	vshrl.u32 v1, $0xE;
	[tilespmem:$0x27D0] =	vst v2  }
0x87: {  	[tilespmem:$0x28D0] =	vst v1  }
0x88: {  	v1 =	vld [tilespmem:s30+$0xFFFFFF70];
	_ =	sdelay $0x4  }
0x89: {  	v2 =	vand.u32 $0x3FFF, v1  }
0x8a: {  	v1 =	vshrl.u32 v1, $0xE;
	[tilespmem:$0x27E0] =	vst v2  }
0x8b: {  	[tilespmem:$0x28E0] =	vst v1  }
0x8c: {  	v1 =	vld [tilespmem:s30+$0xFFFFFF80];
	_ =	sdelay $0x4  }
0x8d: {  	v2 =	vand.u32 $0x3FFF, v1  }
0x8e: {  	v1 =	vshrl.u32 v1, $0xE;
	[tilespmem:$0x27F0] =	vst v2  }
0x8f: {  	[tilespmem:$0x28F0] =	vst v1  }
0x90: {  	[tilespmem:s17], [sflag:$0x1] =	stream.indirect.gather [hbm4b:s4+s20], $0x80, s21, s20, $0xb8;
	[tilespmem:$0x1E580] =	vst v63  }
0x91: {  	_ =	swait.ge [sflag:s19], $0x4000  }
0x92: {  	[sflag:s19] =	ssyncset.done $0x0  }
0x93: {  	[sflag:s19] =	ssyncadd.s32 $0xFFFFC000  }
0x94: {  	[spmem:s2] =	stream.indirect.scatter.add.f32 [tilespmem:s23], [sflag:$0x4], $0x80, s28, s20, $0xb8;
	[tilespmem:$0x1E580] =	vst v63  }
0x95: {  	_ =	swait.ge [sflag:s26], $0x4000  }
0x96: {  	[sflag:s26] =	ssyncset.done $0x0  }
0x97: {  	[sflag:s26] =	ssyncadd.s32 $0xFFFFC000  }
0x98: {  	v1 =	vld [tilespmem:s30+$0xFFFFFF90];
	_ =	sdelay $0x4  }
0x99: {  	v2 =	vand.u32 $0x3FFF, v1  }
0x9a: {  	v1 =	vshrl.u32 v1, $0xE;
	[tilespmem:$0x2800] =	vst v2  }
0x9b: {  	[tilespmem:$0x2900] =	vst v1  }
0x9c: {  	v1 =	vld [tilespmem:s30+$0xFFFFFFA0];
	_ =	sdelay $0x4  }
0x9d: {  	v2 =	vand.u32 $0x3FFF, v1  }
0x9e: {  	v1 =	vshrl.u32 v1, $0xE;
	[tilespmem:$0x2810] =	vst v2  }
0x9f: {  	[tilespmem:$0x2910] =	vst v1  }
0xa0: {  	v1 =	vld [tilespmem:s30+$0xFFFFFFB0];
	_ =	sdelay $0x4  }
0xa1: {  	v2 =	vand.u32 $0x3FFF, v1  }
0xa2: {  	v1 =	vshrl.u32 v1, $0xE;
	[tilespmem:$0x2820] =	vst v2  }
0xa3: {  	[tilespmem:$0x2920] =	vst v1  }
0xa4: {  	v1 =	vld [tilespmem:s30+$0xFFFFFFC0];
	_ =	sdelay $0x4  }
0xa5: {  	v2 =	vand.u32 $0x3FFF, v1  }
0xa6: {  	v1 =	vshrl.u32 v1, $0xE;
	[tilespmem:$0x2830] =	vst v2  }
0xa7: {  	[tilespmem:$0x2930] =	vst v1  }
0xa8: {  	v1 =	vld [tilespmem:s30+$0xFFFFFFD0];
	_ =	sdelay $0x4  }
0xa9: {  	v2 =	vand.u32 $0x3FFF, v1  }
0xaa: {  	v1 =	vshrl.u32 v1, $0xE;
	[tilespmem:$0x2840] =	vst v2  }
0xab: {  	[tilespmem:$0x2940] =	vst v1  }
0xac: {  	v1 =	vld [tilespmem:s30+$0xFFFFFFE0];
	_ =	sdelay $0x4  }
0xad: {  	v2 =	vand.u32 $0x3FFF, v1  }
0xae: {  	v1 =	vshrl.u32 v1, $0xE;
	[tilespmem:$0x2850] =	vst v2  }
0xaf: {  	s31 =	simm.s32 $0xBC0;
	[tilespmem:$0x2950] =	vst v1  }
.LBB2_4:
0xb0: {  	p0 =	sne.s32 s31, $0x9BC0;
	v1 =	vld [tilespmem:s30+$0xFFFFFFF0];
	s1 =	smov.u32 s31;
	s31 =	sadd.s32 $0x400, s31  }
0xb1: {  	_ =	sdelay $0x3  }
0xb2: {  	v2 =	vand.u32 $0x3FFF, v1;
	v1 =	vshrl.u32 v1, $0xE  }
0xb3: {  	[tilespmem:$0x2860] =	vst v2  }
0xb4: {  	[tilespmem:$0x2960] =	vst v1  }
0xb5: {  	v1 =	vld [tilespmem:s30+$0x0];
	_ =	sdelay $0x4  }
0xb6: {  	v2 =	vand.u32 $0x3FFF, v1;
	v1 =	vshrl.u32 v1, $0xE  }
0xb7: {  	[tilespmem:$0x2870] =	vst v2  }
0xb8: {  	[tilespmem:$0x2970] =	vst v1  }
0xb9: {  	[tilespmem:s23], [sflag:$0x2] =	stream.indirect.gather [hbm4b:s4+s20], $0x80, s22, s20, $0xb8;
	[tilespmem:$0x1E580] =	vst v63  }
0xba: {  	_ =	swait.ge [sflag:s24], $0x4000  }
0xbb: {  	[sflag:s24] =	ssyncset.done $0x0  }
0xbc: {  	[sflag:s24] =	ssyncadd.s32 $0xFFFFC000  }
0xbd: {  	[spmem:s2] =	stream.indirect.scatter.add.f32 [tilespmem:s17], [sflag:$0x4], $0x80, s25, s20, $0xb8;
	[tilespmem:$0x1E580] =	vst v63  }
0xbe: {  	_ =	swait.ge [sflag:s26], $0x4000  }
0xbf: {  	[sflag:s26] =	ssyncset.done $0x0  }
0xc0: {  	s30 =	sshra.s32 s1, $0x2;
	[sflag:s26] =	ssyncadd.s32 $0xFFFFC000  }
0xc1: {  	v1 =	vld [tilespmem:s30+$0xFFFFFF10];
	_ =	sdelay $0x4  }
0xc2: {  	v2 =	vand.u32 $0x3FFF, v1;
	v1 =	vshrl.u32 v1, $0xE  }
0xc3: {  	[tilespmem:$0x2780] =	vst v2  }
0xc4: {  	[tilespmem:$0x2880] =	vst v1  }
0xc5: {  	v1 =	vld [tilespmem:s30+$0xFFFFFF20];
	_ =	sdelay $0x4  }
0xc6: {  	v2 =	vand.u32 $0x3FFF, v1;
	v1 =	vshrl.u32 v1, $0xE  }
0xc7: {  	[tilespmem:$0x2790] =	vst v2  }
0xc8: {  	[tilespmem:$0x2890] =	vst v1  }
0xc9: {  	v1 =	vld [tilespmem:s30+$0xFFFFFF30];
	_ =	sdelay $0x4  }
0xca: {  	v2 =	vand.u32 $0x3FFF, v1;
	v1 =	vshrl.u32 v1, $0xE  }
0xcb: {  	[tilespmem:$0x27A0] =	vst v2  }
0xcc: {  	[tilespmem:$0x28A0] =	vst v1  }
0xcd: {  	v1 =	vld [tilespmem:s30+$0xFFFFFF40];
	_ =	sdelay $0x4  }
0xce: {  	v2 =	vand.u32 $0x3FFF, v1;
	v1 =	vshrl.u32 v1, $0xE  }
0xcf: {  	[tilespmem:$0x27B0] =	vst v2  }
0xd0: {  	[tilespmem:$0x28B0] =	vst v1  }
0xd1: {  	v1 =	vld [tilespmem:s30+$0xFFFFFF50];
	_ =	sdelay $0x4  }
0xd2: {  	v2 =	vand.u32 $0x3FFF, v1;
	v1 =	vshrl.u32 v1, $0xE  }
0xd3: {  	[tilespmem:$0x27C0] =	vst v2  }
0xd4: {  	[tilespmem:$0x28C0] =	vst v1  }
0xd5: {  	v1 =	vld [tilespmem:s30+$0xFFFFFF60];
	_ =	sdelay $0x4  }
0xd6: {  	v2 =	vand.u32 $0x3FFF, v1;
	v1 =	vshrl.u32 v1, $0xE  }
0xd7: {  	[tilespmem:$0x27D0] =	vst v2  }
0xd8: {  	[tilespmem:$0x28D0] =	vst v1  }
0xd9: {  	v1 =	vld [tilespmem:s30+$0xFFFFFF70];
	_ =	sdelay $0x4  }
0xda: {  	v2 =	vand.u32 $0x3FFF, v1;
	v1 =	vshrl.u32 v1, $0xE  }
0xdb: {  	[tilespmem:$0x27E0] =	vst v2  }
0xdc: {  	[tilespmem:$0x28E0] =	vst v1  }
0xdd: {  	v1 =	vld [tilespmem:s30+$0xFFFFFF80];
	_ =	sdelay $0x4  }
0xde: {  	v2 =	vand.u32 $0x3FFF, v1;
	v1 =	vshrl.u32 v1, $0xE  }
0xdf: {  	[tilespmem:$0x27F0] =	vst v2  }
0xe0: {  	[tilespmem:$0x28F0] =	vst v1  }
0xe1: {  	[tilespmem:s17], [sflag:$0x1] =	stream.indirect.gather [hbm4b:s4+s20], $0x80, s21, s20, $0xb8;
	[tilespmem:$0x1E580] =	vst v63  }
0xe2: {  	_ =	swait.ge [sflag:s19], $0x4000  }
0xe3: {  	[sflag:s19] =	ssyncset.done $0x0  }
0xe4: {  	[sflag:s19] =	ssyncadd.s32 $0xFFFFC000  }
0xe5: {  	[spmem:s2] =	stream.indirect.scatter.add.f32 [tilespmem:s23], [sflag:$0x4], $0x80, s28, s20, $0xb8;
	[tilespmem:$0x1E580] =	vst v63  }
0xe6: {  	_ =	swait.ge [sflag:s26], $0x4000  }
0xe7: {  	[sflag:s26] =	ssyncset.done $0x0  }
0xe8: {  	[sflag:s26] =	ssyncadd.s32 $0xFFFFC000  }
0xe9: {  	v1 =	vld [tilespmem:s30+$0xFFFFFF90];
	_ =	sdelay $0x4  }
0xea: {  	v2 =	vand.u32 $0x3FFF, v1;
	v1 =	vshrl.u32 v1, $0xE  }
0xeb: {  	[tilespmem:$0x2800] =	vst v2  }
0xec: {  	[tilespmem:$0x2900] =	vst v1  }
0xed: {  	v1 =	vld [tilespmem:s30+$0xFFFFFFA0];
	_ =	sdelay $0x4  }
0xee: {  	v2 =	vand.u32 $0x3FFF, v1;
	v1 =	vshrl.u32 v1, $0xE  }
0xef: {  	[tilespmem:$0x2810] =	vst v2  }
0xf0: {  	[tilespmem:$0x2910] =	vst v1  }
0xf1: {  	v1 =	vld [tilespmem:s30+$0xFFFFFFB0];
	_ =	sdelay $0x4  }
0xf2: {  	v2 =	vand.u32 $0x3FFF, v1;
	v1 =	vshrl.u32 v1, $0xE  }
0xf3: {  	[tilespmem:$0x2820] =	vst v2  }
0xf4: {  	[tilespmem:$0x2920] =	vst v1  }
0xf5: {  	v1 =	vld [tilespmem:s30+$0xFFFFFFC0];
	_ =	sdelay $0x4  }
0xf6: {  	v2 =	vand.u32 $0x3FFF, v1;
	v1 =	vshrl.u32 v1, $0xE  }
0xf7: {  	[tilespmem:$0x2830] =	vst v2  }
0xf8: {  	[tilespmem:$0x2930] =	vst v1  }
0xf9: {  	v1 =	vld [tilespmem:s30+$0xFFFFFFD0];
	_ =	sdelay $0x4  }
0xfa: {  	v2 =	vand.u32 $0x3FFF, v1;
	v1 =	vshrl.u32 v1, $0xE  }
0xfb: {  	[tilespmem:$0x2840] =	vst v2  }
0xfc: {  	[tilespmem:$0x2940] =	vst v1  }
0xfd: {  	v1 =	vld [tilespmem:s30+$0xFFFFFFE0];
	_ =	sdelay $0x2  }
.Ltmp1:
0xfe: {  	(pc) =	sbr.rel @p0 .LBB2_4-.Ltmp1, $4  }
0xff: {  	_ = 	snop  }
0x100: {  	v2 =	vand.u32 $0x3FFF, v1;
	v1 =	vshrl.u32 v1, $0xE  }
0x101: {  	[tilespmem:$0x2850] =	vst v2  }
0x102: {  	[tilespmem:$0x2950] =	vst v1  }
0x103: {  	v1 =	vld [tilespmem:s30+$0xFFFFFFF0];
	_ =	sdelay $0x4  }
0x104: {  	v2 =	vand.u32 $0x3FFF, v1  }
0x105: {  	v1 =	vshrl.u32 v1, $0xE;
	[tilespmem:$0x2860] =	vst v2  }
0x106: {  	[tilespmem:$0x2960] =	vst v1  }
0x107: {  	v1 =	vld [tilespmem:s30+$0x0];
	_ =	sdelay $0x4  }
0x108: {  	v2 =	vand.u32 $0x3FFF, v1  }
0x109: {  	v1 =	vshrl.u32 v1, $0xE;
	[tilespmem:$0x2870] =	vst v2  }
0x10a: {  	[tilespmem:$0x2970] =	vst v1  }
0x10b: {  	[tilespmem:s23], [sflag:$0x2] =	stream.indirect.gather [hbm4b:s4+s20], $0x80, s22, s20, $0xb8;
	[tilespmem:$0x1E580] =	vst v63  }
0x10c: {  	_ =	swait.ge [sflag:s24], $0x4000  }
0x10d: {  	[sflag:s24] =	ssyncset.done $0x0  }
0x10e: {  	[sflag:s24] =	ssyncadd.s32 $0xFFFFC000  }
0x10f: {  	[spmem:s2] =	stream.indirect.scatter.add.f32 [tilespmem:s17], [sflag:$0x4], $0x80, s25, s20, $0xb8;
	[tilespmem:$0x1E580] =	vst v63  }
0x110: {  	_ =	swait.ge [sflag:s26], $0x4000  }
0x111: {  	[sflag:s26] =	ssyncset.done $0x0  }
0x112: {  	[sflag:s26] =	ssyncadd.s32 $0xFFFFC000  }
0x113: {  	v1 =	vld [tilespmem:$0x2700];
	_ =	sdelay $0x1  }
0x114: {  	v2 =	vld [tilespmem:$0x2710];
	_ =	sdelay $0x1  }
0x115: {  	v3 =	vld [tilespmem:$0x2720]  }
0x116: {  	v4 =	vand.u32 $0x3FFF, v1  }
0x117: {  	v62 =	vld [tilespmem:$0x2730];
	v1 =	vshrl.u32 v1, $0xE;
	[tilespmem:$0x2780] =	vst v4  }
0x118: {  	[tilespmem:$0x2880] =	vst v1;
	v1 =	vand.u32 $0x3FFF, v2  }
0x119: {  	[tilespmem:$0x2790] =	vst v1;
	v1 =	vshrl.u32 v2, $0xE;
	v2 =	vld [tilespmem:$0x2740]  }
0x11a: {  	[tilespmem:$0x2890] =	vst v1;
	v1 =	vand.u32 $0x3FFF, v3  }
0x11b: {  	[tilespmem:$0x27A0] =	vst v1;
	v1 =	vshrl.u32 v3, $0xE;
	v3 =	vld [tilespmem:$0x2750]  }
0x11c: {  	[tilespmem:$0x28A0] =	vst v1;
	v1 =	vand.u32 $0x3FFF, v62  }
0x11d: {  	v63 =	vld [tilespmem:$0x2760];
	[tilespmem:$0x27B0] =	vst v1;
	v1 =	vshrl.u32 v62, $0xE  }
0x11e: {  	[tilespmem:$0x28B0] =	vst v1;
	v1 =	vand.u32 $0x3FFF, v2  }
0x11f: {  	[tilespmem:$0x27C0] =	vst v1;
	v1 =	vshrl.u32 v2, $0xE;
	v2 =	vld [tilespmem:$0x2770]  }
0x120: {  	[tilespmem:$0x28C0] =	vst v1;
	v1 =	vand.u32 $0x3FFF, v3  }
0x121: {  	[tilespmem:$0x27D0] =	vst v1;
	v1 =	vshrl.u32 v3, $0xE  }
0x122: {  	[tilespmem:$0x28D0] =	vst v1;
	v1 =	vand.u32 $0x3FFF, v63  }
0x123: {  	[tilespmem:$0x27E0] =	vst v1;
	v1 =	vshrl.u32 v63, $0xE  }
0x124: {  	[tilespmem:$0x28E0] =	vst v1;
	v1 =	vand.u32 $0x3FFF, v2  }
0x125: {  	[tilespmem:$0x27F0] =	vst v1;
	v1 =	vshrl.u32 v2, $0xE  }
0x126: {  	[tilespmem:$0x28F0] =	vst v1  }
0x127: {  	[tilespmem:s17], [sflag:$0x1] =	stream.indirect.gather [hbm4b:s4+s20], $0x80, s21, s20, $0xb8;
	[tilespmem:$0x1E580] =	vst v63  }
0x128: {  	_ =	swait.ge [sflag:s19], $0x4000  }
0x129: {  	[sflag:s19] =	ssyncset.done $0x0  }
0x12a: {  	[sflag:s19] =	ssyncadd.s32 $0xFFFFC000  }
0x12b: {  	[spmem:s2] =	stream.indirect.scatter.add.f32 [tilespmem:s23], [sflag:$0x4], $0x80, s28, s20, $0xb8;
	[tilespmem:$0x1E580] =	vst v63  }
0x12c: {  	_ =	swait.ge [sflag:s26], $0x4000  }
0x12d: {  	[sflag:s26] =	ssyncset.done $0x0  }
0x12e: {  	[sflag:s26] =	ssyncadd.s32 $0xFFFFC000  }
0x12f: {  	_ =	swait.ge [sflag:s24], $0x4000  }
0x130: {  	[sflag:s24] =	ssyncset.done $0x0  }
0x131: {  	[sflag:s24] =	ssyncadd.s32 $0xFFFFC000  }
0x132: {  	[spmem:s2] =	stream.indirect.scatter.add.f32 [tilespmem:s17], [sflag:$0x4], $0x80, s25, s20, $0xb8;
	[tilespmem:$0x1E580] =	vst v63  }
0x133: {  	_ =	swait.ge [sflag:s26], $0x4000  }
0x134: {  	[sflag:s26] =	ssyncset.done $0x0  }
0x135: {  	[sflag:s26] =	ssyncadd.s32 $0xFFFFC000  }
0x136: {  	[bflag:$0x0] =	sbarrier.arrive $0xFFFF  }
0x137: {  	[tilespmem:s17], [sflag:$0x4] =	stream.linear.gather [spmem:s5], $0x4000, $0x38;
	[tilespmem:$0x1E580] =	vst v63  }
0x138: {  	_ =	swait.ge [sflag:s26], $0x4000  }
0x139: {  	[sflag:s26] =	ssyncset.done $0x0  }
0x13a: {  	[sflag:s26] =	ssyncadd.s32 $0xFFFFC000  }
0x13b: {  	[hbm4b:s11+s3] =	stream.linear.scatter [tilespmem:s17], [sflag:$0x1], $0x4000, $0x38;
	[tilespmem:$0x1E580] =	vst v63  }
0x13c: {  	_ = 	snop  }
0x13d: {  	[tilespmem:s23], [sflag:$0x4] =	stream.linear.gather [spmem:s7], $0x4000, $0x38;
	[tilespmem:$0x1E580] =	vst v63  }
0x13e: {  	_ =	swait.ge [sflag:s26], $0x4000  }
0x13f: {  	[sflag:s26] =	ssyncset.done $0x0  }
0x140: {  	[sflag:s26] =	ssyncadd.s32 $0xFFFFC000  }
0x141: {  	_ =	swait.ge [sflag:s24], $0x4000  }
0x142: {  	[sflag:s24] =	ssyncset.done $0x0  }
0x143: {  	[sflag:s24] =	ssyncadd.s32 $0xFFFFC000  }
0x144: {  	[hbm4b:s12+s3] =	stream.linear.scatter [tilespmem:s23], [sflag:$0x2], $0x4000, $0x38;
	[tilespmem:$0x1E580] =	vst v63  }
0x145: {  	_ = 	snop  }
0x146: {  	[tilespmem:s17], [sflag:$0x4] =	stream.linear.gather [spmem:s8], $0x4000, $0x38;
	[tilespmem:$0x1E580] =	vst v63  }
0x147: {  	_ =	swait.ge [sflag:s26], $0x4000  }
0x148: {  	[sflag:s26] =	ssyncset.done $0x0  }
0x149: {  	[sflag:s26] =	ssyncadd.s32 $0xFFFFC000  }
0x14a: {  	_ =	swait.ge [sflag:s19], $0x4000  }
0x14b: {  	[sflag:s19] =	ssyncset.done $0x0  }
0x14c: {  	[sflag:s19] =	ssyncadd.s32 $0xFFFFC000  }
0x14d: {  	[hbm4b:s13+s3] =	stream.linear.scatter [tilespmem:s17], [sflag:$0x1], $0x4000, $0x38;
	[tilespmem:$0x1E580] =	vst v63  }
0x14e: {  	_ = 	snop  }
0x14f: {  	[tilespmem:s23], [sflag:$0x4] =	stream.linear.gather [spmem:s9], $0x4000, $0x38;
	[tilespmem:$0x1E580] =	vst v63  }
0x150: {  	_ =	swait.ge [sflag:s26], $0x4000  }
0x151: {  	[sflag:s26] =	ssyncset.done $0x0  }
0x152: {  	[sflag:s26] =	ssyncadd.s32 $0xFFFFC000  }
0x153: {  	_ =	swait.ge [sflag:s24], $0x4000  }
0x154: {  	[sflag:s24] =	ssyncset.done $0x0  }
0x155: {  	[sflag:s24] =	ssyncadd.s32 $0xFFFFC000  }
0x156: {  	[hbm4b:s14+s3] =	stream.linear.scatter [tilespmem:s23], [sflag:$0x2], $0x4000, $0x38;
	[tilespmem:$0x1E580] =	vst v63  }
0x157: {  	_ = 	snop  }
0x158: {  	[tilespmem:s17], [sflag:$0x4] =	stream.linear.gather [spmem:s10], $0x3C00, $0x38;
	[tilespmem:$0x1E580] =	vst v63  }
0x159: {  	_ =	swait.ge [sflag:s26], $0x3C00  }
0x15a: {  	[sflag:s26] =	ssyncset.done $0x0  }
0x15b: {  	[sflag:s26] =	ssyncadd.s32 $0xFFFFC400  }
0x15c: {  	s29 =	sadd.s32 $0x1, s29;
	_ =	swait.ge [sflag:s19], $0x4000  }
0x15d: {  	p0 =	sne.s32 s29, s16;
	[sflag:s19] =	ssyncset.done $0x0  }
.Ltmp2:
0x15e: {  	[sflag:s19] =	ssyncadd.s32 $0xFFFFC000;
	(pc) =	sbr.rel @p0 .LBB2_1-.Ltmp2, $4  }
0x15f: {  	[hbm4b:s15+s3] =	stream.linear.scatter [tilespmem:s17], [sflag:$0x1], $0x3C00, $0x38;
	[tilespmem:$0x1E580] =	vst v63  }
0x160: {  	_ =	swait.ge [sflag:s24], $0x3C00  }
0x161: {  	[sflag:s24] =	ssyncset.done $0x0  }
0x162: {  	[sflag:s24] =	ssyncadd.s32 $0xFFFFC400  }
0x163: {  	_ =	sfence.sel $0x180000  }
0x164: {  	[bflag:$0x0] =	sbarrier.arrive $0xFFFF  }
0x165: {  	_ =	strace $0x9000004A  }
0x166: {  	[bflag:$0x2] =	sbarrier.arrive $0xFFFF  }
0x167: {  	p0 =	sne.s32 s0, $0x0;
	s0 =	rddreg [dreg:$0x2]  }
0x168: {  	s0 =	sadd.s32 @!p0 $0x100000, s0  }
0x169: {  	[sflag:s0] =	ssyncadd.tile.s32 @!p0 $0x1;
	_ =	shalt  }
.Lfunc_end2:
_tile_overlayer_lowered:
.L_overlay_start_2:
0x16a: {  	(tag) =	ssettag $0x2  }
0x16b: {  	s0 =	rddreg [dreg:$0x0];
	s2 =	stileid.u32  }
0x16c: {  	s1 =	rddreg [dreg:$0x1];
	p0 =	sne.s32 s2, $0x0  }
0x16d: {  	s3 =	rddreg [dreg:$0x2];
	[bflag:$0x3] =	sbarrier.arrive $0xFFFF;
	s2 =	simm.s32 @!p0 $0x1C04  }
0x16e: {  	[timem:s3], [sflag:s2] =	dma.local @!p0 [hbm:s0], s1  }
0x16f: {  	s0 =	simm.s32 @!p0 $0x4  }
0x170: {  	_ =	swait.ge @!p0 [sflag:s0], s1  }
0x171: {  	s1 =	ssub.s32 @!p0 $0x0, s1;
	[sflag:s0] =	ssyncset.done @!p0 $0x0  }
0x172: {  	[sflag:s0] =	ssyncadd.s32 @!p0 s1  }
0x173: {  	[bflag:$0x3] =	sbarrier.arrive $0xFFFF  }
0x174: {  	_ =	shalt  }

// kernel: kernel.15.cloned.1.call-start
scs
__scs_entry_jumppad:
0x0: {  	(pc) =	sbr.rel $0x88, $3  }
0x1: {  	(tag) =	ssettag $0x0;
	lr =	simm.s32 $0x1  }
0x2: {  	[smem:$0x3F99] =	sst lr;
	_ =	strace $0xD0000000  }
0x3: {  	_ = 	snop  }
0x4: {  	_ = 	snop  }
0x5: {  	_ = 	snop  }
0x6: {  	_ = 	snop  }
0x7: {  	_ = 	snop  }
__scs_overlays_trampoline_lowered:
0x8: {  	[smem:$0x3FA8] =	sst s0  }
0x9: {  	[smem:$0x3FA9] =	sst s1  }
0xa: {  	[smem:$0x3FAA] =	sst s2  }
0xb: {  	[smem:$0x3FAB] =	sst s3  }
0xc: {  	[smem:$0x3FAC] =	sst s4  }
0xd: {  	[smem:$0x3FAD] =	sst s5  }
0xe: {  	[smem:$0x3FAE] =	sst s6  }
0xf: {  	[smem:$0x3FAF] =	sst s7  }
0x10: {  	[smem:$0x3FB0] =	sst s8  }
0x11: {  	[smem:$0x3FB1] =	sst s9;
	s0 =	simm.s32 @!p0 $0x0  }
0x12: {  	s1 =	sld [smem:$0x3F97];
	s0 =	simm.s32 @p0 $0x1  }
0x13: {  	[smem:$0x3FB2] =	sst s0;
	s0 =	simm.s32 @!p1 $0x0  }
0x14: {  	s2 =	sld [smem:$0x3F96];
	s0 =	simm.s32 @p1 $0x1  }
0x15: {  	[smem:$0x3FB3] =	sst s0;
	s0 =	simm.s32 @!p2 $0x0  }
0x16: {  	s3 =	sld [smem:$0x3FDB];
	s0 =	simm.s32 @p2 $0x1  }
0x17: {  	s4 =	simm.s32 $0x1BF5;
	[smem:$0x3FB5] =	sst s0  }
0x18: {  	s0 =	sld [smem:$0x3F98];
	_ =	swait.ge [sflag:s4], $0x0  }
0x19: {  	s7 =	sld [smem:$0x3F99]  }
0x1a: {  	s8 =	sadd.s32 $0xFFFFE003, lr  }
0x1b: {  	s9 =	sadd.s32 $0xFFFFFEF7, lr;
	s5 =	simm.s32 $0xFFFFFFFF;
	p2 =	slt.u32 s8, $0xFFFFF086  }
0x1c: {  	p1 =	slt.u32 s9, $0xF7A;
	s5 =	simm.s32 @!p2 $0x0  }
0x1d: {  	s5 =	simm.s32 @p1 $0x1;
	p0 =	seq.s32 s7, s2  }
0x1e: {  	s7 =	smul.u32 @!p0 $0xF7A, s2;
	p2 =	seq.s32 @!p0 s5, $0x0  }
0x1f: {  	s9 =	smul.u32 $0xF7A, s1;
	s8 =	simm.s32 @!p0 $0x1BF5;
	p2 =	por !p2, p0  }
0x20: {  	[sflag:s8] =	ssyncset.s32 @!p0 $0xFFFFF086;
	s6 =	sadd.s32 @!p0 s3, s7;
	s7 =	simm.s32 @!p0 $0x108  }
0x21: {  	s3 =	sadd.s32 s3, s9;
	s6 =	sadd.s32 @!p0 $0x88, s6;
	s7 =	simm.s32 @p2 $0x1082  }
0x22: {  	[simem:s7], [sflag:s8] =	dma.local @!p0 [hbm:s6], $0xF7A  }
0x23: {  	s9 =	sor.u32 $0xD0000000, s2;
	s6 =	simm.s32 $0x108;
	_ =	swait.ge @!p0 [sflag:s8], $0x0  }
0x24: {  	s3 =	sadd.s32 $0x88, s3;
	s6 =	simm.s32 @!p1 $0x1082;
	[sflag:s4] =	ssyncset.s32 $0xFFFFF086  }
0x25: {  	[simem:s6], [sflag:s4] =	dma.local [hbm:s3], $0xF7A  }
0x26: {  	[smem:$0x3F99] =	sst s1;
	(tag) =	ssettag s2;
	_ =	strace s9  }
0x27: {  	s1 =	sld [smem:$0x3FA9]  }
0x28: {  	s2 =	sld [smem:$0x3FAA]  }
0x29: {  	s4 =	sld [smem:$0x3FAC]  }
0x2a: {  	p0 =	seq.s32 s5, $0x0;
	s5 =	sld [smem:$0x3FAD]  }
0x2b: {  	s6 =	sld [smem:$0x3FAE]  }
0x2c: {  	s7 =	sld [smem:$0x3FAF]  }
0x2d: {  	s3 =	simm.s32 $0x108;
	s8 =	sld [smem:$0x3FB0]  }
0x2e: {  	s3 =	simm.s32 @!p0 $0x1082;
	s9 =	sld [smem:$0x3FB1]  }
0x2f: {  	lr =	sadd.s32 s0, s3;
	s0 =	sld [smem:$0x3FA8]  }
0x30: {  	s3 =	sld [smem:$0x3FAB]  }
0x31: {  	[smem:$0x3FB4] =	sst s10  }
0x32: {  	s10 =	sld [smem:$0x3FB2];
	_ =	sdelay $0x3  }
0x33: {  	p0 =	seq.s32 s10, $0x1;
	s10 =	sld [smem:$0x3FB4];
	_ =	sdelay $0x3  }
0x34: {  	[smem:$0x3FB4] =	sst s10  }
0x35: {  	s10 =	sld [smem:$0x3FB3];
	_ =	sdelay $0x3  }
0x36: {  	p1 =	seq.s32 s10, $0x1;
	s10 =	sld [smem:$0x3FB4];
	_ =	sdelay $0x3  }
0x37: {  	[smem:$0x3FB4] =	sst s10  }
0x38: {  	s10 =	sld [smem:$0x3FB5]  }
0x39: {  	_ = 	snop;
	(pc) =	sbr.ind lr, $3  }
0x3a: {  	_ = 	snop  }
0x3b: {  	_ = 	snop  }
0x3c: {  	p2 =	seq.s32 s10, $0x1;
	s10 =	sld [smem:$0x3FB4]  }
0x3d: {  	_ =	shalt  }
0x3e: {  	_ =	shalt  }
0x3f: {  	_ =	shalt  }
0x40: {  	_ =	shalt  }
0x41: {  	_ =	shalt  }
0x42: {  	_ =	shalt  }
0x43: {  	_ =	shalt  }
0x44: {  	_ =	shalt  }
0x45: {  	_ =	shalt  }
0x46: {  	_ =	shalt  }
0x47: {  	_ =	shalt  }
0x48: {  	_ =	shalt  }
0x49: {  	_ =	shalt  }
0x4a: {  	_ =	shalt  }
0x4b: {  	_ =	shalt  }
0x4c: {  	_ =	shalt  }
0x4d: {  	_ =	shalt  }
0x4e: {  	_ =	shalt  }
0x4f: {  	_ =	shalt  }
0x50: {  	_ =	shalt  }
0x51: {  	_ =	shalt  }
0x52: {  	_ =	shalt  }
0x53: {  	_ =	shalt  }
0x54: {  	_ =	shalt  }
0x55: {  	_ =	shalt  }
0x56: {  	_ =	shalt  }
0x57: {  	_ =	shalt  }
0x58: {  	_ =	shalt  }
0x59: {  	_ =	shalt  }
0x5a: {  	_ =	shalt  }
0x5b: {  	_ =	shalt  }
0x5c: {  	_ =	shalt  }
0x5d: {  	_ =	shalt  }
0x5e: {  	_ =	shalt  }
0x5f: {  	_ =	shalt  }
0x60: {  	_ =	shalt  }
0x61: {  	_ =	shalt  }
0x62: {  	_ =	shalt  }
0x63: {  	_ =	shalt  }
0x64: {  	_ =	shalt  }
0x65: {  	_ =	shalt  }
0x66: {  	_ =	shalt  }
0x67: {  	_ =	shalt  }
0x68: {  	_ =	shalt  }
0x69: {  	_ =	shalt  }
0x6a: {  	_ =	shalt  }
0x6b: {  	_ =	shalt  }
0x6c: {  	_ =	shalt  }
0x6d: {  	_ =	shalt  }
0x6e: {  	_ =	shalt  }
0x6f: {  	_ =	shalt  }
0x70: {  	_ =	shalt  }
0x71: {  	_ =	shalt  }
0x72: {  	_ =	shalt  }
0x73: {  	_ =	shalt  }
0x74: {  	_ =	shalt  }
0x75: {  	_ =	shalt  }
0x76: {  	_ =	shalt  }
0x77: {  	_ =	shalt  }
0x78: {  	_ =	shalt  }
0x79: {  	_ =	shalt  }
0x7a: {  	_ =	shalt  }
0x7b: {  	_ =	shalt  }
0x7c: {  	_ =	shalt  }
0x7d: {  	_ =	shalt  }
0x7e: {  	_ =	shalt  }
0x7f: {  	_ =	shalt  }
0x80: {  	_ =	shalt  }
0x81: {  	_ =	shalt  }
0x82: {  	_ =	shalt  }
0x83: {  	_ =	shalt  }
0x84: {  	_ =	shalt  }
0x85: {  	_ =	shalt  }
0x86: {  	_ =	shalt  }
0x87: {  	_ =	shalt  }
.Lfunc_end0:
.L_simem_size_0:
called_computation.2_lowered:
.L_overlay_start_0:
0x88: {  	s2 =	sld [smem:$0x3FD9]  }
0x89: {  	s3 =	sld [smem:$0x3FFE];
	_ =	sdelay $0x1  }
0x8a: {  	s1 =	srdreg.scid  }
0x8b: {  	s0 =	sand.u32 $0x1, s1  }
0x8c: {  	s16 =	sshll.u32 s0, $0xA;
	s2 =	sadd.s32 s3, s2  }
0x8d: {  	s2 =	sadd.s32 s2, s16  }
0x8e: {  	[smem:$0x3FC0] =	sst s2  }
0x8f: {  	_ = 	snop  }
0x90: {  	(tm) =	ssettm $0x1  }
0x91: {  	s17 =	sld [smem:$0x3FFB];
	_ =	sdelay $0x3  }
0x92: {  	_ =	strace s17  }
0x93: {  	s2 =	sld [smem:$0x3FFC];
	_ =	sdelay $0x3  }
0x94: {  	_ =	strace s2  }
0x95: {  	s2 =	sld [smem:$0x3FFD];
	_ =	sdelay $0x3  }
0x96: {  	_ =	strace s2  }
0x97: {  	_ =	strace $0x8FFFFFFF  }
0x98: {  	s18 =	sld [smem:$0x3FDB];
	_ =	sdelay $0x1  }
0x99: {  	s19 =	simm.s32 $_scs_section_size  }
0x9a: {  	s4 =	simm.s32 $_size__tile_overlayer_lowered;
	s5 =	simm.s32 $_tile_overlayer_lowered  }
0x9b: {  	s22 =	simm.s32 $0x1BFF;
	s21 =	sshll.u32 s5, $0x1;
	s2 =	sadd.s32 s19, s18  }
0x9c: {  	s6 =	simm.s32 $0x0;
	s20 =	sshll.u32 s4, $0x1;
	s4 =	sadd.s32 s21, s2  }
0x9d: {  	[timem:s6], [sflag:s22] =	dma.local [hbm:s4], s20  }
0x9e: {  	_ =	swait.ge [sflag:s22], s20  }
0x9f: {  	s3 =	ssub.s32 $0x0, s20;
	[sflag:s22] =	ssyncset.done $0x0  }
0xa0: {  	[sflag:s22] =	ssyncadd.s32 s3;
	_ =	sdelay $0x1  }
0xa1: {  	s23 =	simm.s32 $0x1B8B  }
0xa2: {  	_ =	swait.ge [sflag:s23], $0x1  }
0xa3: {  	[sflag:s23] =	ssyncset.done $0x0  }
0xa4: {  	s25 =	simm.s32 $0x1B8E;
	s24 =	sld [smem:$0x3FFE];
	[sflag:s23] =	ssyncadd.s32 $0xFFFFFFFF  }
0xa5: {  	s26 =	simm.s32 $execute0_lowered;
	[smem:$0x3FD2] =	sst s25  }
0xa6: {  	s4 =	sshll.u32 s26, $0x1;
	_ =	strace $0x8000004C;
	[dreg:$0x1] =	wrdreg $0xFFFFFFFF  }
0xa7: {  	s28 =	simm.s32 $_size_execute0_lowered;
	s2 =	sadd.s32 s2, s4;
	[dreg:$0x0] =	wrdreg $0x0  }
0xa8: {  	s4 =	sshll.u32 s28, $0x1;
	[dreg:$0x2] =	wrdreg s2  }
0xa9: {  	[dreg:$0x3] =	wrdreg s4  }
0xaa: {  	[dreg:$0x4] =	wrdreg $0xC0  }
0xab: {  	_ =	task [dreg:s6], $0x5FFFF  }
0xac: {  	[dreg:$0x1] =	wrdreg $0xFFFFFFFF  }
0xad: {  	[dreg:$0x0] =	wrdreg $0x60  }
0xae: {  	[dreg:$0x2] =	wrdreg s24  }
0xaf: {  	[dreg:$0x3] =	wrdreg $0xA9800  }
0xb0: {  	[dreg:$0x4] =	wrdreg $0x9  }
0xb1: {  	_ =	task.clear_ibuf [dreg:s6], $0x5FFFF;
	_ =	strace $0x9000004C  }
0xb2: {  	s29 =	simm.s32 $0x9;
	_ =	strace $0x8000004E  }
0xb3: {  	_ =	swait.ge [sflag:s29], $0x1  }
0xb4: {  	[sflag:s29] =	ssyncadd.s32 $0xFFFFFFFF  }
0xb5: {  	_ =	strace $0x9000004E  }
0xb6: {  	_ =	sfence  }
0xb7: {  	s30 =	sld [smem:$0x0];
	_ =	sdelay $0x2  }
0xb8: {  	s31 =	sshll.u32 s1, $0xD;
	s1 =	sshrl.u32 s1, $0x2  }
0xb9: {  	s3 =	sand.u32 $0x4000, s31;
	s1 =	sadd.s32 s1, s30  }
0xba: {  	s0 =	sor.u32 s3, s0;
	s1 =	sshll.u32 s1, $0x11  }
0xbb: {  	s0 =	sor.u32 s1, s0  }
0xbc: {  	s0 =	sadd.s32 $0x8F2B, s0  }
0xbd: {  	[sflag:s0] =	ssyncadd.remote.s32 $0x1  }
0xbe: {  	_ =	sfence.sel $0xFFFF  }
0xbf: {  	[dreg:$0x0] =	wrdreg $0xFFFFFFFF;
	(pc) =	sbr.abs _section_cstart, $3  }
0xc0: {  	[dreg:$0x1] =	wrdreg $0xFFFFFFFF  }
0xc1: {  	_ =	task.clear_ibuf [dreg:s6], $0x2FFFF;
	_ =	strace $0x9FFFFFFF  }
0xc2: {  	(tm) =	ssettm $0x7FFFFFFF  }
0xc3: {  	_ =	shalt  }
tec
execute0_lowered:
.L_overlay_start_1:
0x0: {  	(tag) =	ssettag $0x1  }
0x1: {  	s0 =	srdreg.scid;
	s6 =	rddreg [dreg:$0x0]  }
0x2: {  	s2 =	rddreg [dreg:$0x1];
	s3 =	simm.s32 $0x0;
	s17 =	simm.s32 $0x2980  }
0x3: {  	s18 =	simm.s32 $0x3;
	s19 =	simm.s32 $0x2;
	s20 =	simm.s32 $0x80  }
0x4: {  	s21 =	simm.s32 $0x2780;
	s22 =	simm.s32 $0x2800;
	s23 =	simm.s32 $0x6980  }
0x5: {  	s24 =	simm.s32 $0x1;
	s25 =	simm.s32 $0x2880;
	s28 =	simm.s32 $0x2900  }
0x6: {  	s29 =	simm.s32 $0x0;
	s5 =	sand.u32 $0x1, s0;
	s0 =	stileid.u32  }
0x7: {  	[smem:$0x7FF] =	sst s3;
	s4 =	sadd.s32 $0xC400, s6;
	s8 =	smul.u32 $0x278, s0  }
0x8: {  	s1 =	sshll.u32 s5, $0x4;
	s9 =	smul.u32 $0x2780, s5;
	_ =	strace $0x8000004D  }
0x9: {  	s10 =	smul.u32 $0x4F000, s0;
	s26 =	ssub.s32 $0x2, s5;
	s1 =	sor.u32 s0, s1  }
0xa: {  	s31 =	sshrl.u32 s26, $0x1;
	s7 =	smul.u32 $0x4F0, s1;
	s8 =	sadd.s32 s8, s9  }
0xb: {  	s30 =	sshrl.u32 s10, $0x2;
	s16 =	ssub.s32 s26, s31;
	s26 =	simm.s32 $0x4  }
0xc: {  	s8 =	sshll.u32 s8, $0x4;
	s5 =	sadd.s32 s30, s2;
	s16 =	smax.u32 s16, $0x1  }
0xd: {  	s7 =	sadd.s32 s7, s6;
	s15 =	sadd.s32 s8, s6;
	s8 =	sadd.s32 $0x8000, s5  }
0xe: {  	s9 =	sadd.s32 $0xC000, s5;
	s10 =	sadd.s32 $0x10000, s5;
	s6 =	sadd.s32 $0x2600, s7  }
0xf: {  	s7 =	sadd.s32 $0x4000, s5;
	s11 =	sadd.s32 $0x33C00, s15;
	s12 =	sadd.s32 $0x34400, s15  }
0x10: {  	v0 =	vimm.f32 $0.0e+00;
	s13 =	sadd.s32 $0x34C00, s15;
	s14 =	sadd.s32 $0x35400, s15;
	s15 =	sadd.s32 $0x35C00, s15  }
.LBB2_1:
0x11: {  	[tilespmem:s3], [sflag:$0x2] =	stream.linear.gather [hbm4b:s6+s3], $0x2780, $0x38;
	[tilespmem:$0x1E580] =	vst v63  }
0x12: {  	s30 =	simm.s32 $0x0;
	s31 =	simm.s32 $0x200  }
.LBB2_2:
0x13: {  	p0 =	sne.s32 s31, $0xFE00;
	[tilespmem:s30+$0x29F0] =	vst v0  }
0x14: {  	[tilespmem:s30+$0x2980] =	vst v0  }
0x15: {  	[tilespmem:s30+$0x2990] =	vst v0  }
.Ltmp0:
0x16: {  	[tilespmem:s30+$0x29A0] =	vst v0;
	(pc) =	sbr.rel @p0 .LBB2_2-.Ltmp0, $4  }
0x17: {  	[tilespmem:s30+$0x29B0] =	vst v0  }
0x18: {  	[tilespmem:s30+$0x29C0] =	vst v0  }
0x19: {  	[tilespmem:s30+$0x29D0] =	vst v0  }
0x1a: {  	[tilespmem:s30+$0x29E0] =	vst v0;
	s30 =	sshra.s32 s31, $0x2;
	s31 =	sadd.s32 $0x200, s31  }
0x1b: {  	[tilespmem:s30+$0x29F0] =	vst v0  }
0x1c: {  	[tilespmem:s30+$0x2980] =	vst v0  }
0x1d: {  	[tilespmem:s30+$0x2990] =	vst v0  }
0x1e: {  	[tilespmem:s30+$0x29A0] =	vst v0  }
0x1f: {  	[tilespmem:s30+$0x29B0] =	vst v0  }
0x20: {  	[tilespmem:s30+$0x29C0] =	vst v0  }
0x21: {  	[tilespmem:s30+$0x29D0] =	vst v0  }
0x22: {  	[tilespmem:s30+$0x29E0] =	vst v0  }
0x23: {  	[spmem:s5] =	stream.linear.scatter [tilespmem:s17], [sflag:$0x3], $0x4000, $0x38;
	[tilespmem:$0x1E580] =	vst v63  }
0x24: {  	_ = 	snop  }
0x25: {  	[spmem:s7] =	stream.linear.scatter [tilespmem:s17], [sflag:$0x3], $0x4000, $0x38;
	[tilespmem:$0x1E580] =	vst v63  }
0x26: {  	_ = 	snop  }
0x27: {  	[spmem:s8] =	stream.linear.scatter [tilespmem:s17], [sflag:$0x3], $0x4000, $0x38;
	[tilespmem:$0x1E580] =	vst v63  }
0x28: {  	_ = 	snop  }
0x29: {  	[spmem:s9] =	stream.linear.scatter [tilespmem:s17], [sflag:$0x3], $0x4000, $0x38;
	[tilespmem:$0x1E580] =	vst v63  }
0x2a: {  	_ = 	snop  }
0x2b: {  	[spmem:s10] =	stream.linear.scatter [tilespmem:s17], [sflag:$0x3], $0x3C00, $0x38;
	[tilespmem:$0x1E580] =	vst v63  }
0x2c: {  	_ =	swait.ge [sflag:s18], $0x4000  }
0x2d: {  	[sflag:s18] =	ssyncset.done $0x0  }
0x2e: {  	[sflag:s18] =	ssyncadd.s32 $0xFFFFC000  }
0x2f: {  	_ =	swait.ge [sflag:s18], $0x4000  }
0x30: {  	[sflag:s18] =	ssyncset.done $0x0  }
0x31: {  	[sflag:s18] =	ssyncadd.s32 $0xFFFFC000  }
0x32: {  	_ =	swait.ge [sflag:s18], $0x4000  }
0x33: {  	[sflag:s18] =	ssyncset.done $0x0  }
0x34: {  	[sflag:s18] =	ssyncadd.s32 $0xFFFFC000  }
0x35: {  	_ =	swait.ge [sflag:s18], $0x4000  }
0x36: {  	[sflag:s18] =	ssyncset.done $0x0  }
0x37: {  	[sflag:s18] =	ssyncadd.s32 $0xFFFFC000  }
0x38: {  	_ =	swait.ge [sflag:s18], $0x3C00  }
0x39: {  	[sflag:s18] =	ssyncset.done $0x0  }
0x3a: {  	[sflag:s18] =	ssyncadd.s32 $0xFFFFC400  }
0x3b: {  	_ =	swait.ge [sflag:s19], $0x2780  }
0x3c: {  	[sflag:s19] =	ssyncset.done $0x0  }
0x3d: {  	[sflag:s19] =	ssyncadd.s32 $0xFFFFD880  }
0x3e: {  	[bflag:$0x0] =	sbarrier.arrive $0xFFFF  }
0x3f: {  	v1 =	vld [tilespmem:$0x0];
	_ =	sdelay $0x1  }
0x40: {  	v2 =	vld [tilespmem:$0x10];
	_ =	sdelay $0x1  }
0x41: {  	v3 =	vld [tilespmem:$0x20]  }
0x42: {  	v4 =	vand.u32 $0x3FFF, v1  }
0x43: {  	v59 =	vld [tilespmem:$0x30];
	v1 =	vshrl.u32 v1, $0xE;
	[tilespmem:$0x2780] =	vst v4  }
0x44: {  	[tilespmem:$0x2880] =	vst v1;
	v1 =	vand.u32 $0x3FFF, v2  }
0x45: {  	[tilespmem:$0x2790] =	vst v1;
	v1 =	vshrl.u32 v2, $0xE;
	v2 =	vld [tilespmem:$0x40]  }
0x46: {  	[tilespmem:$0x2890] =	vst v1;
	v1 =	vand.u32 $0x3FFF, v3  }
0x47: {  	[tilespmem:$0x27A0] =	vst v1;
	v1 =	vshrl.u32 v3, $0xE;
	v3 =	vld [tilespmem:$0x50]  }
0x48: {  	[tilespmem:$0x28A0] =	vst v1;
	v1 =	vand.u32 $0x3FFF, v59  }
0x49: {  	v60 =	vld [tilespmem:$0x60];
	[tilespmem:$0x27B0] =	vst v1;
	v1 =	vshrl.u32 v59, $0xE  }
0x4a: {  	[tilespmem:$0x28B0] =	vst v1;
	v1 =	vand.u32 $0x3FFF, v2  }
0x4b: {  	[tilespmem:$0x27C0] =	vst v1;
	v1 =	vshrl.u32 v2, $0xE;
	v2 =	vld [tilespmem:$0x70]  }
0x4c: {  	[tilespmem:$0x28C0] =	vst v1;
	v1 =	vand.u32 $0x3FFF, v3  }
0x4d: {  	[tilespmem:$0x27D0] =	vst v1;
	v1 =	vshrl.u32 v3, $0xE  }
0x4e: {  	[tilespmem:$0x28D0] =	vst v1;
	v1 =	vand.u32 $0x3FFF, v60  }
0x4f: {  	[tilespmem:$0x27E0] =	vst v1;
	v1 =	vshrl.u32 v60, $0xE  }
0x50: {  	[tilespmem:$0x28E0] =	vst v1;
	v1 =	vand.u32 $0x3FFF, v2  }
0x51: {  	[tilespmem:$0x27F0] =	vst v1;
	v1 =	vshrl.u32 v2, $0xE  }
0x52: {  	[tilespmem:$0x28F0] =	vst v1  }
0x53: {  	[tilespmem:s17], [sflag:$0x1] =	stream.indirect.gather [hbm4b:s4+s20], $0x80, s21, s20, $0xb8;
	[tilespmem:$0x1E580] =	vst v63  }
0x54: {  	v1 =	vld [tilespmem:$0x80];
	_ =	sdelay $0x1  }
0x55: {  	v2 =	vld [tilespmem:$0x90];
	_ =	sdelay $0x1  }
0x56: {  	v3 =	vld [tilespmem:$0xA0]  }
0x57: {  	v61 =	vand.u32 $0x3FFF, v1  }
0x58: {  	v62 =	vld [tilespmem:$0xB0];
	v1 =	vshrl.u32 v1, $0xE;
	[tilespmem:$0x2800] =	vst v61  }
0x59: {  	[tilespmem:$0x2900] =	vst v1;
	v1 =	vand.u32 $0x3FFF, v2  }
0x5a: {  	[tilespmem:$0x2810] =	vst v1;
	v1 =	vshrl.u32 v2, $0xE;
	v2 =	vld [tilespmem:$0xC0]  }
0x5b: {  	[tilespmem:$0x2910] =	vst v1;
	v1 =	vand.u32 $0x3FFF, v3  }
0x5c: {  	[tilespmem:$0x2820] =	vst v1;
	v1 =	vshrl.u32 v3, $0xE;
	v3 =	vld [tilespmem:$0xD0]  }
0x5d: {  	[tilespmem:$0x2920] =	vst v1;
	v1 =	vand.u32 $0x3FFF, v62  }
0x5e: {  	v63 =	vld [tilespmem:$0xE0];
	[tilespmem:$0x2830] =	vst v1;
	v1 =	vshrl.u32 v62, $0xE  }
0x5f: {  	[tilespmem:$0x2930] =	vst v1;
	v1 =	vand.u32 $0x3FFF, v2  }
0x60: {  	[tilespmem:$0x2840] =	vst v1;
	v1 =	vshrl.u32 v2, $0xE;
	v2 =	vld [tilespmem:$0xF0]  }
0x61: {  	[tilespmem:$0x2940] =	vst v1;
	v1 =	vand.u32 $0x3FFF, v3  }
0x62: {  	[tilespmem:$0x2850] =	vst v1;
	v1 =	vshrl.u32 v3, $0xE  }
0x63: {  	[tilespmem:$0x2950] =	vst v1;
	v1 =	vand.u32 $0x3FFF, v63  }
0x64: {  	[tilespmem:$0x2860] =	vst v1;
	v1 =	vshrl.u32 v63, $0xE  }
0x65: {  	[tilespmem:$0x2960] =	vst v1;
	v1 =	vand.u32 $0x3FFF, v2  }
0x66: {  	[tilespmem:$0x2870] =	vst v1;
	v1 =	vshrl.u32 v2, $0xE  }
0x67: {  	[tilespmem:$0x2970] =	vst v1  }
0x68: {  	[tilespmem:s23], [sflag:$0x2] =	stream.indirect.gather [hbm4b:s4+s20], $0x80, s22, s20, $0xb8;
	[tilespmem:$0x1E580] =	vst v63  }
0x69: {  	_ =	swait.ge [sflag:s24], $0x4000  }
0x6a: {  	[sflag:s24] =	ssyncset.done $0x0  }
0x6b: {  	[sflag:s24] =	ssyncadd.s32 $0xFFFFC000  }
0x6c: {  	[spmem:s2] =	stream.indirect.scatter.add.f32 [tilespmem:s17], [sflag:$0x4], $0x80, s25, s20, $0xb8;
	[tilespmem:$0x1E580] =	vst v63  }
0x6d: {  	_ =	swait.ge [sflag:s26], $0x4000  }
0x6e: {  	[sflag:s26] =	ssyncset.done $0x0  }
0x6f: {  	s30 =	simm.s32 $0x1F0;
	[sflag:s26] =	ssyncadd.s32 $0xFFFFC000  }
0x70: {  	v1 =	vld [tilespmem:s30+$0xFFFFFF10];
	_ =	sdelay $0x4  }
0x71: {  	v2 =	vand.u32 $0x3FFF, v1  }
0x72: {  	v1 =	vshrl.u32 v1, $0xE;
	[tilespmem:$0x2780] =	vst v2  }
0x73: {  	[tilespmem:$0x2880] =	vst v1  }
0x74: {  	v1 =	vld [tilespmem:s30+$0xFFFFFF20];
	_ =	sdelay $0x4  }
0x75: {  	v2 =	vand.u32 $0x3FFF, v1  }
0x76: {  	v1 =	vshrl.u32 v1, $0xE;
	[tilespmem:$0x2790] =	vst v2  }
0x77: {  	[tilespmem:$0x2890] =	vst v1  }
0x78: {  	v1 =	vld [tilespmem:s30+$0xFFFFFF30];
	_ =	sdelay $0x4  }
0x79: {  	v2 =	vand.u32 $0x3FFF, v1  }
0x7a: {  	v1 =	vshrl.u32 v1, $0xE;
	[tilespmem:$0x27A0] =	vst v2  }
0x7b: {  	[tilespmem:$0x28A0] =	vst v1  }
0x7c: {  	v1 =	vld [tilespmem:s30+$0xFFFFFF40];
	_ =	sdelay $0x4  }
0x7d: {  	v2 =	vand.u32 $0x3FFF, v1  }
0x7e: {  	v1 =	vshrl.u32 v1, $0xE;
	[tilespmem:$0x27B0] =	vst v2  }
0x7f: {  	[tilespmem:$0x28B0] =	vst v1  }
0x80: {  	v1 =	vld [tilespmem:s30+$0xFFFFFF50];
	_ =	sdelay $0x4  }
0x81: {  	v2 =	vand.u32 $0x3FFF, v1  }
0x82: {  	v1 =	vshrl.u32 v1, $0xE;
	[tilespmem:$0x27C0] =	vst v2  }
0x83: {  	[tilespmem:$0x28C0] =	vst v1  }
0x84: {  	v1 =	vld [tilespmem:s30+$0xFFFFFF60];
	_ =	sdelay $0x4  }
0x85: {  	v2 =	vand.u32 $0x3FFF, v1  }
0x86: {  	v1 =	vshrl.u32 v1, $0xE;
	[tilespmem:$0x27D0] =	vst v2  }
0x87: {  	[tilespmem:$0x28D0] =	vst v1  }
0x88: {  	v1 =	vld [tilespmem:s30+$0xFFFFFF70];
	_ =	sdelay $0x4  }
0x89: {  	v2 =	vand.u32 $0x3FFF, v1  }
0x8a: {  	v1 =	vshrl.u32 v1, $0xE;
	[tilespmem:$0x27E0] =	vst v2  }
0x8b: {  	[tilespmem:$0x28E0] =	vst v1  }
0x8c: {  	v1 =	vld [tilespmem:s30+$0xFFFFFF80];
	_ =	sdelay $0x4  }
0x8d: {  	v2 =	vand.u32 $0x3FFF, v1  }
0x8e: {  	v1 =	vshrl.u32 v1, $0xE;
	[tilespmem:$0x27F0] =	vst v2  }
0x8f: {  	[tilespmem:$0x28F0] =	vst v1  }
0x90: {  	[tilespmem:s17], [sflag:$0x1] =	stream.indirect.gather [hbm4b:s4+s20], $0x80, s21, s20, $0xb8;
	[tilespmem:$0x1E580] =	vst v63  }
0x91: {  	_ =	swait.ge [sflag:s19], $0x4000  }
0x92: {  	[sflag:s19] =	ssyncset.done $0x0  }
0x93: {  	[sflag:s19] =	ssyncadd.s32 $0xFFFFC000  }
0x94: {  	[spmem:s2] =	stream.indirect.scatter.add.f32 [tilespmem:s23], [sflag:$0x4], $0x80, s28, s20, $0xb8;
	[tilespmem:$0x1E580] =	vst v63  }
0x95: {  	_ =	swait.ge [sflag:s26], $0x4000  }
0x96: {  	[sflag:s26] =	ssyncset.done $0x0  }
0x97: {  	[sflag:s26] =	ssyncadd.s32 $0xFFFFC000  }
0x98: {  	v1 =	vld [tilespmem:s30+$0xFFFFFF90];
	_ =	sdelay $0x4  }
0x99: {  	v2 =	vand.u32 $0x3FFF, v1  }
0x9a: {  	v1 =	vshrl.u32 v1, $0xE;
	[tilespmem:$0x2800] =	vst v2  }
0x9b: {  	[tilespmem:$0x2900] =	vst v1  }
0x9c: {  	v1 =	vld [tilespmem:s30+$0xFFFFFFA0];
	_ =	sdelay $0x4  }
0x9d: {  	v2 =	vand.u32 $0x3FFF, v1  }
0x9e: {  	v1 =	vshrl.u32 v1, $0xE;
	[tilespmem:$0x2810] =	vst v2  }
0x9f: {  	[tilespmem:$0x2910] =	vst v1  }
0xa0: {  	v1 =	vld [tilespmem:s30+$0xFFFFFFB0];
	_ =	sdelay $0x4  }
0xa1: {  	v2 =	vand.u32 $0x3FFF, v1  }
0xa2: {  	v1 =	vshrl.u32 v1, $0xE;
	[tilespmem:$0x2820] =	vst v2  }
0xa3: {  	[tilespmem:$0x2920] =	vst v1  }
0xa4: {  	v1 =	vld [tilespmem:s30+$0xFFFFFFC0];
	_ =	sdelay $0x4  }
0xa5: {  	v2 =	vand.u32 $0x3FFF, v1  }
0xa6: {  	v1 =	vshrl.u32 v1, $0xE;
	[tilespmem:$0x2830] =	vst v2  }
0xa7: {  	[tilespmem:$0x2930] =	vst v1  }
0xa8: {  	v1 =	vld [tilespmem:s30+$0xFFFFFFD0];
	_ =	sdelay $0x4  }
0xa9: {  	v2 =	vand.u32 $0x3FFF, v1  }
0xaa: {  	v1 =	vshrl.u32 v1, $0xE;
	[tilespmem:$0x2840] =	vst v2  }
0xab: {  	[tilespmem:$0x2940] =	vst v1  }
0xac: {  	v1 =	vld [tilespmem:s30+$0xFFFFFFE0];
	_ =	sdelay $0x4  }
0xad: {  	v2 =	vand.u32 $0x3FFF, v1  }
0xae: {  	v1 =	vshrl.u32 v1, $0xE;
	[tilespmem:$0x2850] =	vst v2  }
0xaf: {  	s31 =	simm.s32 $0xBC0;
	[tilespmem:$0x2950] =	vst v1  }
.LBB2_4:
0xb0: {  	p0 =	sne.s32 s31, $0x9BC0;
	v1 =	vld [tilespmem:s30+$0xFFFFFFF0];
	s1 =	smov.u32 s31;
	s31 =	sadd.s32 $0x400, s31  }
0xb1: {  	_ =	sdelay $0x3  }
0xb2: {  	v2 =	vand.u32 $0x3FFF, v1;
	v1 =	vshrl.u32 v1, $0xE  }
0xb3: {  	[tilespmem:$0x2860] =	vst v2  }
0xb4: {  	[tilespmem:$0x2960] =	vst v1  }
0xb5: {  	v1 =	vld [tilespmem:s30+$0x0];
	_ =	sdelay $0x4  }
0xb6: {  	v2 =	vand.u32 $0x3FFF, v1;
	v1 =	vshrl.u32 v1, $0xE  }
0xb7: {  	[tilespmem:$0x2870] =	vst v2  }
0xb8: {  	[tilespmem:$0x2970] =	vst v1  }
0xb9: {  	[tilespmem:s23], [sflag:$0x2] =	stream.indirect.gather [hbm4b:s4+s20], $0x80, s22, s20, $0xb8;
	[tilespmem:$0x1E580] =	vst v63  }
0xba: {  	_ =	swait.ge [sflag:s24], $0x4000  }
0xbb: {  	[sflag:s24] =	ssyncset.done $0x0  }
0xbc: {  	[sflag:s24] =	ssyncadd.s32 $0xFFFFC000  }
0xbd: {  	[spmem:s2] =	stream.indirect.scatter.add.f32 [tilespmem:s17], [sflag:$0x4], $0x80, s25, s20, $0xb8;
	[tilespmem:$0x1E580] =	vst v63  }
0xbe: {  	_ =	swait.ge [sflag:s26], $0x4000  }
0xbf: {  	[sflag:s26] =	ssyncset.done $0x0  }
0xc0: {  	s30 =	sshra.s32 s1, $0x2;
	[sflag:s26] =	ssyncadd.s32 $0xFFFFC000  }
0xc1: {  	v1 =	vld [tilespmem:s30+$0xFFFFFF10];
	_ =	sdelay $0x4  }
0xc2: {  	v2 =	vand.u32 $0x3FFF, v1;
	v1 =	vshrl.u32 v1, $0xE  }
0xc3: {  	[tilespmem:$0x2780] =	vst v2  }
0xc4: {  	[tilespmem:$0x2880] =	vst v1  }
0xc5: {  	v1 =	vld [tilespmem:s30+$0xFFFFFF20];
	_ =	sdelay $0x4  }
0xc6: {  	v2 =	vand.u32 $0x3FFF, v1;
	v1 =	vshrl.u32 v1, $0xE  }
0xc7: {  	[tilespmem:$0x2790] =	vst v2  }
0xc8: {  	[tilespmem:$0x2890] =	vst v1  }
0xc9: {  	v1 =	vld [tilespmem:s30+$0xFFFFFF30];
	_ =	sdelay $0x4  }
0xca: {  	v2 =	vand.u32 $0x3FFF, v1;
	v1 =	vshrl.u32 v1, $0xE  }
0xcb: {  	[tilespmem:$0x27A0] =	vst v2  }
0xcc: {  	[tilespmem:$0x28A0] =	vst v1  }
0xcd: {  	v1 =	vld [tilespmem:s30+$0xFFFFFF40];
	_ =	sdelay $0x4  }
0xce: {  	v2 =	vand.u32 $0x3FFF, v1;
	v1 =	vshrl.u32 v1, $0xE  }
0xcf: {  	[tilespmem:$0x27B0] =	vst v2  }
0xd0: {  	[tilespmem:$0x28B0] =	vst v1  }
0xd1: {  	v1 =	vld [tilespmem:s30+$0xFFFFFF50];
	_ =	sdelay $0x4  }
0xd2: {  	v2 =	vand.u32 $0x3FFF, v1;
	v1 =	vshrl.u32 v1, $0xE  }
0xd3: {  	[tilespmem:$0x27C0] =	vst v2  }
0xd4: {  	[tilespmem:$0x28C0] =	vst v1  }
0xd5: {  	v1 =	vld [tilespmem:s30+$0xFFFFFF60];
	_ =	sdelay $0x4  }
0xd6: {  	v2 =	vand.u32 $0x3FFF, v1;
	v1 =	vshrl.u32 v1, $0xE  }
0xd7: {  	[tilespmem:$0x27D0] =	vst v2  }
0xd8: {  	[tilespmem:$0x28D0] =	vst v1  }
0xd9: {  	v1 =	vld [tilespmem:s30+$0xFFFFFF70];
	_ =	sdelay $0x4  }
0xda: {  	v2 =	vand.u32 $0x3FFF, v1;
	v1 =	vshrl.u32 v1, $0xE  }
0xdb: {  	[tilespmem:$0x27E0] =	vst v2  }
0xdc: {  	[tilespmem:$0x28E0] =	vst v1  }
0xdd: {  	v1 =	vld [tilespmem:s30+$0xFFFFFF80];
	_ =	sdelay $0x4  }
0xde: {  	v2 =	vand.u32 $0x3FFF, v1;
	v1 =	vshrl.u32 v1, $0xE  }
0xdf: {  	[tilespmem:$0x27F0] =	vst v2  }
0xe0: {  	[tilespmem:$0x28F0] =	vst v1  }
0xe1: {  	[tilespmem:s17], [sflag:$0x1] =	stream.indirect.gather [hbm4b:s4+s20], $0x80, s21, s20, $0xb8;
	[tilespmem:$0x1E580] =	vst v63  }
0xe2: {  	_ =	swait.ge [sflag:s19], $0x4000  }
0xe3: {  	[sflag:s19] =	ssyncset.done $0x0  }
0xe4: {  	[sflag:s19] =	ssyncadd.s32 $0xFFFFC000  }
0xe5: {  	[spmem:s2] =	stream.indirect.scatter.add.f32 [tilespmem:s23], [sflag:$0x4], $0x80, s28, s20, $0xb8;
	[tilespmem:$0x1E580] =	vst v63  }
0xe6: {  	_ =	swait.ge [sflag:s26], $0x4000  }
0xe7: {  	[sflag:s26] =	ssyncset.done $0x0  }
0xe8: {  	[sflag:s26] =	ssyncadd.s32 $0xFFFFC000  }
0xe9: {  	v1 =	vld [tilespmem:s30+$0xFFFFFF90];
	_ =	sdelay $0x4  }
0xea: {  	v2 =	vand.u32 $0x3FFF, v1;
	v1 =	vshrl.u32 v1, $0xE  }
0xeb: {  	[tilespmem:$0x2800] =	vst v2  }
0xec: {  	[tilespmem:$0x2900] =	vst v1  }
0xed: {  	v1 =	vld [tilespmem:s30+$0xFFFFFFA0];
	_ =	sdelay $0x4  }
0xee: {  	v2 =	vand.u32 $0x3FFF, v1;
	v1 =	vshrl.u32 v1, $0xE  }
0xef: {  	[tilespmem:$0x2810] =	vst v2  }
0xf0: {  	[tilespmem:$0x2910] =	vst v1  }
0xf1: {  	v1 =	vld [tilespmem:s30+$0xFFFFFFB0];
	_ =	sdelay $0x4  }
0xf2: {  	v2 =	vand.u32 $0x3FFF, v1;
	v1 =	vshrl.u32 v1, $0xE  }
0xf3: {  	[tilespmem:$0x2820] =	vst v2  }
0xf4: {  	[tilespmem:$0x2920] =	vst v1  }
0xf5: {  	v1 =	vld [tilespmem:s30+$0xFFFFFFC0];
	_ =	sdelay $0x4  }
0xf6: {  	v2 =	vand.u32 $0x3FFF, v1;
	v1 =	vshrl.u32 v1, $0xE  }
0xf7: {  	[tilespmem:$0x2830] =	vst v2  }
0xf8: {  	[tilespmem:$0x2930] =	vst v1  }
0xf9: {  	v1 =	vld [tilespmem:s30+$0xFFFFFFD0];
	_ =	sdelay $0x4  }
0xfa: {  	v2 =	vand.u32 $0x3FFF, v1;
	v1 =	vshrl.u32 v1, $0xE  }
0xfb: {  	[tilespmem:$0x2840] =	vst v2  }
0xfc: {  	[tilespmem:$0x2940] =	vst v1  }
0xfd: {  	v1 =	vld [tilespmem:s30+$0xFFFFFFE0];
	_ =	sdelay $0x2  }
.Ltmp1:
0xfe: {  	(pc) =	sbr.rel @p0 .LBB2_4-.Ltmp1, $4  }
0xff: {  	_ = 	snop  }
0x100: {  	v2 =	vand.u32 $0x3FFF, v1;
	v1 =	vshrl.u32 v1, $0xE  }
0x101: {  	[tilespmem:$0x2850] =	vst v2  }
0x102: {  	[tilespmem:$0x2950] =	vst v1  }
0x103: {  	v1 =	vld [tilespmem:s30+$0xFFFFFFF0];
	_ =	sdelay $0x4  }
0x104: {  	v2 =	vand.u32 $0x3FFF, v1  }
0x105: {  	v1 =	vshrl.u32 v1, $0xE;
	[tilespmem:$0x2860] =	vst v2  }
0x106: {  	[tilespmem:$0x2960] =	vst v1  }
0x107: {  	v1 =	vld [tilespmem:s30+$0x0];
	_ =	sdelay $0x4  }
0x108: {  	v2 =	vand.u32 $0x3FFF, v1  }
0x109: {  	v1 =	vshrl.u32 v1, $0xE;
	[tilespmem:$0x2870] =	vst v2  }
0x10a: {  	[tilespmem:$0x2970] =	vst v1  }
0x10b: {  	[tilespmem:s23], [sflag:$0x2] =	stream.indirect.gather [hbm4b:s4+s20], $0x80, s22, s20, $0xb8;
	[tilespmem:$0x1E580] =	vst v63  }
0x10c: {  	_ =	swait.ge [sflag:s24], $0x4000  }
0x10d: {  	[sflag:s24] =	ssyncset.done $0x0  }
0x10e: {  	[sflag:s24] =	ssyncadd.s32 $0xFFFFC000  }
0x10f: {  	[spmem:s2] =	stream.indirect.scatter.add.f32 [tilespmem:s17], [sflag:$0x4], $0x80, s25, s20, $0xb8;
	[tilespmem:$0x1E580] =	vst v63  }
0x110: {  	_ =	swait.ge [sflag:s26], $0x4000  }
0x111: {  	[sflag:s26] =	ssyncset.done $0x0  }
0x112: {  	[sflag:s26] =	ssyncadd.s32 $0xFFFFC000  }
0x113: {  	v1 =	vld [tilespmem:$0x2700];
	_ =	sdelay $0x1  }
0x114: {  	v2 =	vld [tilespmem:$0x2710];
	_ =	sdelay $0x1  }
0x115: {  	v3 =	vld [tilespmem:$0x2720]  }
0x116: {  	v4 =	vand.u32 $0x3FFF, v1  }
0x117: {  	v62 =	vld [tilespmem:$0x2730];
	v1 =	vshrl.u32 v1, $0xE;
	[tilespmem:$0x2780] =	vst v4  }
0x118: {  	[tilespmem:$0x2880] =	vst v1;
	v1 =	vand.u32 $0x3FFF, v2  }
0x119: {  	[tilespmem:$0x2790] =	vst v1;
	v1 =	vshrl.u32 v2, $0xE;
	v2 =	vld [tilespmem:$0x2740]  }
0x11a: {  	[tilespmem:$0x2890] =	vst v1;
	v1 =	vand.u32 $0x3FFF, v3  }
0x11b: {  	[tilespmem:$0x27A0] =	vst v1;
	v1 =	vshrl.u32 v3, $0xE;
	v3 =	vld [tilespmem:$0x2750]  }
0x11c: {  	[tilespmem:$0x28A0] =	vst v1;
	v1 =	vand.u32 $0x3FFF, v62  }
0x11d: {  	v63 =	vld [tilespmem:$0x2760];
	[tilespmem:$0x27B0] =	vst v1;
	v1 =	vshrl.u32 v62, $0xE  }
0x11e: {  	[tilespmem:$0x28B0] =	vst v1;
	v1 =	vand.u32 $0x3FFF, v2  }
0x11f: {  	[tilespmem:$0x27C0] =	vst v1;
	v1 =	vshrl.u32 v2, $0xE;
	v2 =	vld [tilespmem:$0x2770]  }
0x120: {  	[tilespmem:$0x28C0] =	vst v1;
	v1 =	vand.u32 $0x3FFF, v3  }
0x121: {  	[tilespmem:$0x27D0] =	vst v1;
	v1 =	vshrl.u32 v3, $0xE  }
0x122: {  	[tilespmem:$0x28D0] =	vst v1;
	v1 =	vand.u32 $0x3FFF, v63  }
0x123: {  	[tilespmem:$0x27E0] =	vst v1;
	v1 =	vshrl.u32 v63, $0xE  }
0x124: {  	[tilespmem:$0x28E0] =	vst v1;
	v1 =	vand.u32 $0x3FFF, v2  }
0x125: {  	[tilespmem:$0x27F0] =	vst v1;
	v1 =	vshrl.u32 v2, $0xE  }
0x126: {  	[tilespmem:$0x28F0] =	vst v1  }
0x127: {  	[tilespmem:s17], [sflag:$0x1] =	stream.indirect.gather [hbm4b:s4+s20], $0x80, s21, s20, $0xb8;
	[tilespmem:$0x1E580] =	vst v63  }
0x128: {  	_ =	swait.ge [sflag:s19], $0x4000  }
0x129: {  	[sflag:s19] =	ssyncset.done $0x0  }
0x12a: {  	[sflag:s19] =	ssyncadd.s32 $0xFFFFC000  }
0x12b: {  	[spmem:s2] =	stream.indirect.scatter.add.f32 [tilespmem:s23], [sflag:$0x4], $0x80, s28, s20, $0xb8;
	[tilespmem:$0x1E580] =	vst v63  }
0x12c: {  	_ =	swait.ge [sflag:s26], $0x4000  }
0x12d: {  	[sflag:s26] =	ssyncset.done $0x0  }
0x12e: {  	[sflag:s26] =	ssyncadd.s32 $0xFFFFC000  }
0x12f: {  	_ =	swait.ge [sflag:s24], $0x4000  }
0x130: {  	[sflag:s24] =	ssyncset.done $0x0  }
0x131: {  	[sflag:s24] =	ssyncadd.s32 $0xFFFFC000  }
0x132: {  	[spmem:s2] =	stream.indirect.scatter.add.f32 [tilespmem:s17], [sflag:$0x4], $0x80, s25, s20, $0xb8;
	[tilespmem:$0x1E580] =	vst v63  }
0x133: {  	_ =	swait.ge [sflag:s26], $0x4000  }
0x134: {  	[sflag:s26] =	ssyncset.done $0x0  }
0x135: {  	[sflag:s26] =	ssyncadd.s32 $0xFFFFC000  }
0x136: {  	[bflag:$0x0] =	sbarrier.arrive $0xFFFF  }
0x137: {  	[tilespmem:s17], [sflag:$0x4] =	stream.linear.gather [spmem:s5], $0x4000, $0x38;
	[tilespmem:$0x1E580] =	vst v63  }
0x138: {  	_ =	swait.ge [sflag:s26], $0x4000  }
0x139: {  	[sflag:s26] =	ssyncset.done $0x0  }
0x13a: {  	[sflag:s26] =	ssyncadd.s32 $0xFFFFC000  }
0x13b: {  	[hbm4b:s11+s3] =	stream.linear.scatter [tilespmem:s17], [sflag:$0x1], $0x4000, $0x38;
	[tilespmem:$0x1E580] =	vst v63  }
0x13c: {  	_ = 	snop  }
0x13d: {  	[tilespmem:s23], [sflag:$0x4] =	stream.linear.gather [spmem:s7], $0x4000, $0x38;
	[tilespmem:$0x1E580] =	vst v63  }
0x13e: {  	_ =	swait.ge [sflag:s26], $0x4000  }
0x13f: {  	[sflag:s26] =	ssyncset.done $0x0  }
0x140: {  	[sflag:s26] =	ssyncadd.s32 $0xFFFFC000  }
0x141: {  	_ =	swait.ge [sflag:s24], $0x4000  }
0x142: {  	[sflag:s24] =	ssyncset.done $0x0  }
0x143: {  	[sflag:s24] =	ssyncadd.s32 $0xFFFFC000  }
0x144: {  	[hbm4b:s12+s3] =	stream.linear.scatter [tilespmem:s23], [sflag:$0x2], $0x4000, $0x38;
	[tilespmem:$0x1E580] =	vst v63  }
0x145: {  	_ = 	snop  }
0x146: {  	[tilespmem:s17], [sflag:$0x4] =	stream.linear.gather [spmem:s8], $0x4000, $0x38;
	[tilespmem:$0x1E580] =	vst v63  }
0x147: {  	_ =	swait.ge [sflag:s26], $0x4000  }
0x148: {  	[sflag:s26] =	ssyncset.done $0x0  }
0x149: {  	[sflag:s26] =	ssyncadd.s32 $0xFFFFC000  }
0x14a: {  	_ =	swait.ge [sflag:s19], $0x4000  }
0x14b: {  	[sflag:s19] =	ssyncset.done $0x0  }
0x14c: {  	[sflag:s19] =	ssyncadd.s32 $0xFFFFC000  }
0x14d: {  	[hbm4b:s13+s3] =	stream.linear.scatter [tilespmem:s17], [sflag:$0x1], $0x4000, $0x38;
	[tilespmem:$0x1E580] =	vst v63  }
0x14e: {  	_ = 	snop  }
0x14f: {  	[tilespmem:s23], [sflag:$0x4] =	stream.linear.gather [spmem:s9], $0x4000, $0x38;
	[tilespmem:$0x1E580] =	vst v63  }
0x150: {  	_ =	swait.ge [sflag:s26], $0x4000  }
0x151: {  	[sflag:s26] =	ssyncset.done $0x0  }
0x152: {  	[sflag:s26] =	ssyncadd.s32 $0xFFFFC000  }
0x153: {  	_ =	swait.ge [sflag:s24], $0x4000  }
0x154: {  	[sflag:s24] =	ssyncset.done $0x0  }
0x155: {  	[sflag:s24] =	ssyncadd.s32 $0xFFFFC000  }
0x156: {  	[hbm4b:s14+s3] =	stream.linear.scatter [tilespmem:s23], [sflag:$0x2], $0x4000, $0x38;
	[tilespmem:$0x1E580] =	vst v63  }
0x157: {  	_ = 	snop  }
0x158: {  	[tilespmem:s17], [sflag:$0x4] =	stream.linear.gather [spmem:s10], $0x3C00, $0x38;
	[tilespmem:$0x1E580] =	vst v63  }
0x159: {  	_ =	swait.ge [sflag:s26], $0x3C00  }
0x15a: {  	[sflag:s26] =	ssyncset.done $0x0  }
0x15b: {  	[sflag:s26] =	ssyncadd.s32 $0xFFFFC400  }
0x15c: {  	s29 =	sadd.s32 $0x1, s29;
	_ =	swait.ge [sflag:s19], $0x4000  }
0x15d: {  	p0 =	sne.s32 s29, s16;
	[sflag:s19] =	ssyncset.done $0x0  }
.Ltmp2:
0x15e: {  	[sflag:s19] =	ssyncadd.s32 $0xFFFFC000;
	(pc) =	sbr.rel @p0 .LBB2_1-.Ltmp2, $4  }
0x15f: {  	[hbm4b:s15+s3] =	stream.linear.scatter [tilespmem:s17], [sflag:$0x1], $0x3C00, $0x38;
	[tilespmem:$0x1E580] =	vst v63  }
0x160: {  	_ =	swait.ge [sflag:s24], $0x3C00  }
0x161: {  	[sflag:s24] =	ssyncset.done $0x0  }
0x162: {  	[sflag:s24] =	ssyncadd.s32 $0xFFFFC400  }
0x163: {  	_ =	sfence.sel $0x180000  }
0x164: {  	[bflag:$0x0] =	sbarrier.arrive $0xFFFF  }
0x165: {  	_ =	strace $0x9000004D  }
0x166: {  	[bflag:$0x2] =	sbarrier.arrive $0xFFFF  }
0x167: {  	p0 =	sne.s32 s0, $0x0;
	s0 =	rddreg [dreg:$0x2]  }
0x168: {  	s0 =	sadd.s32 @!p0 $0x100000, s0  }
0x169: {  	[sflag:s0] =	ssyncadd.tile.s32 @!p0 $0x1;
	_ =	shalt  }
.Lfunc_end2:
_tile_overlayer_lowered:
.L_overlay_start_2:
0x16a: {  	(tag) =	ssettag $0x2  }
0x16b: {  	s0 =	rddreg [dreg:$0x0];
	s2 =	stileid.u32  }
0x16c: {  	s1 =	rddreg [dreg:$0x1];
	p0 =	sne.s32 s2, $0x0  }
0x16d: {  	s3 =	rddreg [dreg:$0x2];
	[bflag:$0x3] =	sbarrier.arrive $0xFFFF;
	s2 =	simm.s32 @!p0 $0x1C04  }
0x16e: {  	[timem:s3], [sflag:s2] =	dma.local @!p0 [hbm:s0], s1  }
0x16f: {  	s0 =	simm.s32 @!p0 $0x4  }
0x170: {  	_ =	swait.ge @!p0 [sflag:s0], s1  }
0x171: {  	s1 =	ssub.s32 @!p0 $0x0, s1;
	[sflag:s0] =	ssyncset.done @!p0 $0x0  }
0x172: {  	[sflag:s0] =	ssyncadd.s32 @!p0 s1  }
0x173: {  	[bflag:$0x3] =	sbarrier.arrive $0xFFFF  }
0x174: {  	_ =	shalt  }

// kernel: kernel.9.cloned.1.call-start
scs
__scs_entry_jumppad:
0x0: {  	(pc) =	sbr.rel $0x88, $3  }
0x1: {  	(tag) =	ssettag $0x0;
	lr =	simm.s32 $0x1  }
0x2: {  	[smem:$0x3F99] =	sst lr;
	_ =	strace $0xD0000000  }
0x3: {  	_ = 	snop  }
0x4: {  	_ = 	snop  }
0x5: {  	_ = 	snop  }
0x6: {  	_ = 	snop  }
0x7: {  	_ = 	snop  }
__scs_overlays_trampoline_lowered:
0x8: {  	[smem:$0x3FA8] =	sst s0  }
0x9: {  	[smem:$0x3FA9] =	sst s1  }
0xa: {  	[smem:$0x3FAA] =	sst s2  }
0xb: {  	[smem:$0x3FAB] =	sst s3  }
0xc: {  	[smem:$0x3FAC] =	sst s4  }
0xd: {  	[smem:$0x3FAD] =	sst s5  }
0xe: {  	[smem:$0x3FAE] =	sst s6  }
0xf: {  	[smem:$0x3FAF] =	sst s7  }
0x10: {  	[smem:$0x3FB0] =	sst s8  }
0x11: {  	[smem:$0x3FB1] =	sst s9;
	s0 =	simm.s32 @!p0 $0x0  }
0x12: {  	s1 =	sld [smem:$0x3F97];
	s0 =	simm.s32 @p0 $0x1  }
0x13: {  	[smem:$0x3FB2] =	sst s0;
	s0 =	simm.s32 @!p1 $0x0  }
0x14: {  	s2 =	sld [smem:$0x3F96];
	s0 =	simm.s32 @p1 $0x1  }
0x15: {  	[smem:$0x3FB3] =	sst s0;
	s0 =	simm.s32 @!p2 $0x0  }
0x16: {  	s3 =	sld [smem:$0x3FDB];
	s0 =	simm.s32 @p2 $0x1  }
0x17: {  	s4 =	simm.s32 $0x1BF5;
	[smem:$0x3FB5] =	sst s0  }
0x18: {  	s0 =	sld [smem:$0x3F98];
	_ =	swait.ge [sflag:s4], $0x0  }
0x19: {  	s7 =	sld [smem:$0x3F99]  }
0x1a: {  	s8 =	sadd.s32 $0xFFFFE003, lr  }
0x1b: {  	s9 =	sadd.s32 $0xFFFFFEF7, lr;
	s5 =	simm.s32 $0xFFFFFFFF;
	p2 =	slt.u32 s8, $0xFFFFF086  }
0x1c: {  	p1 =	slt.u32 s9, $0xF7A;
	s5 =	simm.s32 @!p2 $0x0  }
0x1d: {  	s5 =	simm.s32 @p1 $0x1;
	p0 =	seq.s32 s7, s2  }
0x1e: {  	s7 =	smul.u32 @!p0 $0xF7A, s2;
	p2 =	seq.s32 @!p0 s5, $0x0  }
0x1f: {  	s9 =	smul.u32 $0xF7A, s1;
	s8 =	simm.s32 @!p0 $0x1BF5;
	p2 =	por !p2, p0  }
0x20: {  	[sflag:s8] =	ssyncset.s32 @!p0 $0xFFFFF086;
	s6 =	sadd.s32 @!p0 s3, s7;
	s7 =	simm.s32 @!p0 $0x108  }
0x21: {  	s3 =	sadd.s32 s3, s9;
	s6 =	sadd.s32 @!p0 $0x88, s6;
	s7 =	simm.s32 @p2 $0x1082  }
0x22: {  	[simem:s7], [sflag:s8] =	dma.local @!p0 [hbm:s6], $0xF7A  }
0x23: {  	s9 =	sor.u32 $0xD0000000, s2;
	s6 =	simm.s32 $0x108;
	_ =	swait.ge @!p0 [sflag:s8], $0x0  }
0x24: {  	s3 =	sadd.s32 $0x88, s3;
	s6 =	simm.s32 @!p1 $0x1082;
	[sflag:s4] =	ssyncset.s32 $0xFFFFF086  }
0x25: {  	[simem:s6], [sflag:s4] =	dma.local [hbm:s3], $0xF7A  }
0x26: {  	[smem:$0x3F99] =	sst s1;
	(tag) =	ssettag s2;
	_ =	strace s9  }
0x27: {  	s1 =	sld [smem:$0x3FA9]  }
0x28: {  	s2 =	sld [smem:$0x3FAA]  }
0x29: {  	s4 =	sld [smem:$0x3FAC]  }
0x2a: {  	p0 =	seq.s32 s5, $0x0;
	s5 =	sld [smem:$0x3FAD]  }
0x2b: {  	s6 =	sld [smem:$0x3FAE]  }
0x2c: {  	s7 =	sld [smem:$0x3FAF]  }
0x2d: {  	s3 =	simm.s32 $0x108;
	s8 =	sld [smem:$0x3FB0]  }
0x2e: {  	s3 =	simm.s32 @!p0 $0x1082;
	s9 =	sld [smem:$0x3FB1]  }
0x2f: {  	lr =	sadd.s32 s0, s3;
	s0 =	sld [smem:$0x3FA8]  }
0x30: {  	s3 =	sld [smem:$0x3FAB]  }
0x31: {  	[smem:$0x3FB4] =	sst s10  }
0x32: {  	s10 =	sld [smem:$0x3FB2];
	_ =	sdelay $0x3  }
0x33: {  	p0 =	seq.s32 s10, $0x1;
	s10 =	sld [smem:$0x3FB4];
	_ =	sdelay $0x3  }
0x34: {  	[smem:$0x3FB4] =	sst s10  }
0x35: {  	s10 =	sld [smem:$0x3FB3];
	_ =	sdelay $0x3  }
0x36: {  	p1 =	seq.s32 s10, $0x1;
	s10 =	sld [smem:$0x3FB4];
	_ =	sdelay $0x3  }
0x37: {  	[smem:$0x3FB4] =	sst s10  }
0x38: {  	s10 =	sld [smem:$0x3FB5]  }
0x39: {  	_ = 	snop;
	(pc) =	sbr.ind lr, $3  }
0x3a: {  	_ = 	snop  }
0x3b: {  	_ = 	snop  }
0x3c: {  	p2 =	seq.s32 s10, $0x1;
	s10 =	sld [smem:$0x3FB4]  }
0x3d: {  	_ =	shalt  }
0x3e: {  	_ =	shalt  }
0x3f: {  	_ =	shalt  }
0x40: {  	_ =	shalt  }
0x41: {  	_ =	shalt  }
0x42: {  	_ =	shalt  }
0x43: {  	_ =	shalt  }
0x44: {  	_ =	shalt  }
0x45: {  	_ =	shalt  }
0x46: {  	_ =	shalt  }
0x47: {  	_ =	shalt  }
0x48: {  	_ =	shalt  }
0x49: {  	_ =	shalt  }
0x4a: {  	_ =	shalt  }
0x4b: {  	_ =	shalt  }
0x4c: {  	_ =	shalt  }
0x4d: {  	_ =	shalt  }
0x4e: {  	_ =	shalt  }
0x4f: {  	_ =	shalt  }
0x50: {  	_ =	shalt  }
0x51: {  	_ =	shalt  }
0x52: {  	_ =	shalt  }
0x53: {  	_ =	shalt  }
0x54: {  	_ =	shalt  }
0x55: {  	_ =	shalt  }
0x56: {  	_ =	shalt  }
0x57: {  	_ =	shalt  }
0x58: {  	_ =	shalt  }
0x59: {  	_ =	shalt  }
0x5a: {  	_ =	shalt  }
0x5b: {  	_ =	shalt  }
0x5c: {  	_ =	shalt  }
0x5d: {  	_ =	shalt  }
0x5e: {  	_ =	shalt  }
0x5f: {  	_ =	shalt  }
0x60: {  	_ =	shalt  }
0x61: {  	_ =	shalt  }
0x62: {  	_ =	shalt  }
0x63: {  	_ =	shalt  }
0x64: {  	_ =	shalt  }
0x65: {  	_ =	shalt  }
0x66: {  	_ =	shalt  }
0x67: {  	_ =	shalt  }
0x68: {  	_ =	shalt  }
0x69: {  	_ =	shalt  }
0x6a: {  	_ =	shalt  }
0x6b: {  	_ =	shalt  }
0x6c: {  	_ =	shalt  }
0x6d: {  	_ =	shalt  }
0x6e: {  	_ =	shalt  }
0x6f: {  	_ =	shalt  }
0x70: {  	_ =	shalt  }
0x71: {  	_ =	shalt  }
0x72: {  	_ =	shalt  }
0x73: {  	_ =	shalt  }
0x74: {  	_ =	shalt  }
0x75: {  	_ =	shalt  }
0x76: {  	_ =	shalt  }
0x77: {  	_ =	shalt  }
0x78: {  	_ =	shalt  }
0x79: {  	_ =	shalt  }
0x7a: {  	_ =	shalt  }
0x7b: {  	_ =	shalt  }
0x7c: {  	_ =	shalt  }
0x7d: {  	_ =	shalt  }
0x7e: {  	_ =	shalt  }
0x7f: {  	_ =	shalt  }
0x80: {  	_ =	shalt  }
0x81: {  	_ =	shalt  }
0x82: {  	_ =	shalt  }
0x83: {  	_ =	shalt  }
0x84: {  	_ =	shalt  }
0x85: {  	_ =	shalt  }
0x86: {  	_ =	shalt  }
0x87: {  	_ =	shalt  }
.Lfunc_end0:
.L_simem_size_0:
called_computation_lowered:
.L_overlay_start_0:
0x88: {  	s2 =	sld [smem:$0x3FD9]  }
0x89: {  	s3 =	sld [smem:$0x3FFE];
	_ =	sdelay $0x1  }
0x8a: {  	s1 =	srdreg.scid  }
0x8b: {  	s0 =	sand.u32 $0x1, s1  }
0x8c: {  	s17 =	sshll.u32 s0, $0xA;
	s2 =	sadd.s32 s3, s2  }
0x8d: {  	s2 =	sadd.s32 s2, s17  }
0x8e: {  	[smem:$0x3FC0] =	sst s2  }
0x8f: {  	_ = 	snop  }
0x90: {  	s2 =	sld [smem:$0x3FD0];
	(tm) =	ssettm $0x1  }
0x91: {  	s18 =	sld [smem:$0x3FFB];
	_ =	sdelay $0x3  }
0x92: {  	_ =	strace s18  }
0x93: {  	s3 =	sld [smem:$0x3FFC];
	_ =	sdelay $0x3  }
0x94: {  	_ =	strace s3  }
0x95: {  	s3 =	sld [smem:$0x3FFD];
	_ =	sdelay $0x3  }
0x96: {  	_ =	strace s3  }
0x97: {  	_ =	strace $0x8FFFFFFF  }
0x98: {  	s19 =	sld [smem:$0x3FDB];
	_ =	sdelay $0x1  }
0x99: {  	s4 =	simm.s32 $_scs_section_size  }
0x9a: {  	s5 =	simm.s32 $_size__tile_overlayer_lowered;
	s6 =	simm.s32 $_tile_overlayer_lowered  }
0x9b: {  	s22 =	simm.s32 $0x1BFF;
	s21 =	sshll.u32 s6, $0x1;
	s3 =	sadd.s32 s4, s19  }
0x9c: {  	s7 =	simm.s32 $0x0;
	s20 =	sshll.u32 s5, $0x1;
	s5 =	sadd.s32 s21, s3  }
0x9d: {  	[timem:s7], [sflag:s22] =	dma.local [hbm:s5], s20  }
0x9e: {  	_ =	swait.ge [sflag:s22], s20  }
0x9f: {  	s4 =	ssub.s32 $0x0, s20;
	[sflag:s22] =	ssyncset.done $0x0  }
0xa0: {  	[sflag:s22] =	ssyncadd.s32 s4;
	_ =	sdelay $0x1  }
0xa1: {  	s23 =	simm.s32 $0x1B8B  }
0xa2: {  	_ =	swait.ge [sflag:s23], $0x1  }
0xa3: {  	[sflag:s23] =	ssyncset.done $0x0  }
0xa4: {  	s25 =	simm.s32 $0x1B8E;
	s24 =	sld [smem:$0x3FFE];
	[sflag:s23] =	ssyncadd.s32 $0xFFFFFFFF  }
0xa5: {  	s26 =	simm.s32 $execute0_lowered;
	[smem:$0x3FD2] =	sst s25  }
0xa6: {  	s5 =	sshll.u32 s26, $0x1;
	_ =	strace $0x80000046;
	[dreg:$0x1] =	wrdreg $0xFFFFFFFF  }
0xa7: {  	s28 =	simm.s32 $_size_execute0_lowered;
	s3 =	sadd.s32 s3, s5;
	[dreg:$0x0] =	wrdreg $0x0  }
0xa8: {  	s5 =	sshll.u32 s28, $0x1;
	[dreg:$0x2] =	wrdreg s3  }
0xa9: {  	[dreg:$0x3] =	wrdreg s5  }
0xaa: {  	[dreg:$0x4] =	wrdreg $0xC0  }
0xab: {  	_ =	task [dreg:s7], $0x5FFFF  }
0xac: {  	[dreg:$0x1] =	wrdreg $0xFFFFFFFF  }
0xad: {  	[dreg:$0x0] =	wrdreg $0x60  }
0xae: {  	[dreg:$0x2] =	wrdreg s24  }
0xaf: {  	[dreg:$0x3] =	wrdreg s2  }
0xb0: {  	[dreg:$0x4] =	wrdreg $0x77800  }
0xb1: {  	[dreg:$0x5] =	wrdreg $0x9  }
0xb2: {  	_ =	task.clear_ibuf [dreg:s7], $0x6FFFF;
	_ =	strace $0x90000046  }
0xb3: {  	s29 =	simm.s32 $0x9;
	_ =	strace $0x80000048  }
0xb4: {  	_ =	swait.ge [sflag:s29], $0x1  }
0xb5: {  	[sflag:s29] =	ssyncadd.s32 $0xFFFFFFFF  }
0xb6: {  	_ =	strace $0x90000048  }
0xb7: {  	_ =	sfence  }
0xb8: {  	s30 =	sld [smem:$0x0];
	_ =	sdelay $0x2  }
0xb9: {  	s31 =	sshll.u32 s1, $0xD;
	s1 =	sshrl.u32 s1, $0x2  }
0xba: {  	s3 =	sand.u32 $0x4000, s31;
	s1 =	sadd.s32 s1, s30  }
0xbb: {  	s0 =	sor.u32 s3, s0;
	s1 =	sshll.u32 s1, $0x11  }
0xbc: {  	s0 =	sor.u32 s1, s0  }
0xbd: {  	s0 =	sadd.s32 $0x8F2B, s0  }
0xbe: {  	[sflag:s0] =	ssyncadd.remote.s32 $0x1  }
0xbf: {  	_ =	sfence.sel $0xFFFF  }
0xc0: {  	[dreg:$0x0] =	wrdreg $0xFFFFFFFF;
	(pc) =	sbr.abs _section_cstart, $3  }
0xc1: {  	[dreg:$0x1] =	wrdreg $0xFFFFFFFF  }
0xc2: {  	_ =	task.clear_ibuf [dreg:s7], $0x2FFFF;
	_ =	strace $0x9FFFFFFF  }
0xc3: {  	(tm) =	ssettm $0x7FFFFFFF  }
tec
execute0_lowered:
.L_overlay_start_1:
0x0: {  	(tag) =	ssettag $0x1  }
0x1: {  	s3 =	rddreg [dreg:$0x0]  }
0x2: {  	s0 =	srdreg.scid;
	s4 =	rddreg [dreg:$0x1]  }
0x3: {  	s1 =	rddreg [dreg:$0x2];
	s6 =	stileid.u32;
	s10 =	simm.s32 $0x1  }
0x4: {  	s5 =	sand.u32 $0x1, s0;
	s0 =	rddreg [dreg:$0x3];
	p0 =	sne.s32 s6, $0x0  }
0x5: {  	s2 =	sshll.u32 s5, $0x4;
	s8 =	ssub.s32 $0x2, s5;
	s5 =	smul.u32 $0x4F0, s5  }
0x6: {  	s7 =	sor.u32 s6, s2;
	s2 =	simm.s32 $0x0;
	s9 =	sshrl.u32 s8, $0x1  }
0x7: {  	s6 =	simm.s32 $0x5000;
	s7 =	smul.u32 $0x4F0, s7;
	[smem:$0x7FF] =	sst s2  }
0x8: {  	s31 =	ssub.s32 s8, s9;
	s4 =	sadd.s32 s4, s5;
	s8 =	simm.s32 $0x80  }
0x9: {  	s9 =	simm.s32 $0x4F80;
	_ =	strace $0x80000047;
	s3 =	sadd.s32 s7, s3  }
0xa: {  	v0 =	vimm.f32 $0.0e+00;
	v1 =	vimm.f32 $1.000000000e+00;
	s5 =	smax.u32 s31, $0x1;
	s7 =	simm.s32 $0x2;
	s3 =	sadd.s32 $0x2600, s3  }
.LBB2_1:
.Ltmp0:
0xb: {  	(pc) =	sbr.rel @p0 .LBB2_5-.Ltmp0, $1  }
0xc: {  	_ =	sdelay $0x3  }
0xd: {  	s11 =	simm.s32 $0x40;
	s12 =	simm.s32 $0x0  }
.LBB2_3:
0xe: {  	p1 =	sne.s32 s11, $0x9DC0;
	[tilespmem:s12+$0x5000] =	vst v0;
	s12 =	smov.u32 s11;
	s11 =	sadd.s32 $0x40, s11  }
.Ltmp1:
0xf: {  	(pc) =	sbr.rel @p1 .LBB2_3-.Ltmp1, $2  }
0x10: {  	_ =	sdelay $0x2  }
0x11: {  	s12 =	sshra.s32 s12, $0x2  }
0x12: {  	[tilespmem:s12+$0x5000] =	vst v0  }
0x13: {  	[spmem:s1] =	stream.linear.scatter [tilespmem:s6], [sflag:$0x2], $0x2780, $0x38;
	[tilespmem:$0x79F8] =	vst v63  }
0x14: {  	_ =	swait.ge [sflag:s7], $0x2780  }
0x15: {  	[sflag:s7] =	ssyncset.done $0x0  }
0x16: {  	[sflag:s7] =	ssyncadd.s32 $0xFFFFD880  }
.LBB2_5:
0x17: {  	[tilespmem:$0x4F80] =	vst v1  }
0x18: {  	[tilespmem:$0x4F90] =	vst v1  }
0x19: {  	[tilespmem:$0x4FA0] =	vst v1  }
0x1a: {  	[tilespmem:$0x4FB0] =	vst v1  }
0x1b: {  	[tilespmem:$0x4FC0] =	vst v1  }
0x1c: {  	[tilespmem:$0x4FD0] =	vst v1  }
0x1d: {  	[tilespmem:$0x4FE0] =	vst v1  }
0x1e: {  	[tilespmem:$0x4FF0] =	vst v1;
	s11 =	simm.s32 $0x0  }
0x1f: {  	[tilespmem:s11], [sflag:$0x2] =	stream.linear.gather [hbm4b:s3+s11], $0x2780, $0x38;
	[tilespmem:$0x79F8] =	vst v63  }
0x20: {  	_ =	swait.ge [sflag:s7], $0x2780  }
0x21: {  	[sflag:s7] =	ssyncset.done $0x0  }
0x22: {  	s12 =	simm.s32 $0x0;
	[sflag:s7] =	ssyncadd.s32 $0xFFFFD880  }
0x23: {  	v3 =	vld [tilespmem:s12+$0x70]  }
0x24: {  	v6 =	vld [tilespmem:s12+$0x0]  }
0x25: {  	v7 =	vld [tilespmem:s12+$0x10]  }
0x26: {  	v5 =	vld [tilespmem:s12+$0x20]  }
0x27: {  	v4 =	vld [tilespmem:s12+$0x30]  }
0x28: {  	v2 =	vld [tilespmem:s12+$0x40];
	v8 =	vshrl.u32 v3, $0xE  }
0x29: {  	v3 =	vld [tilespmem:s12+$0x50];
	v6 =	vshrl.u32 v6, $0xE;
	[tilespmem:s12+$0x27F0] =	vst v8  }
0x2a: {  	s13 =	simm.s32 $0x400;
	s11 =	simm.s32 $0x80;
	v7 =	vshrl.u32 v7, $0xE;
	[tilespmem:s12+$0x2780] =	vst v6;
	v6 =	vld [tilespmem:s12+$0x60]  }
.LBB2_6:
0x2b: {  	p1 =	sne.s32 s13, $0x9C00;
	v8 =	vld [tilespmem:s11+$0x70];
	[tilespmem:s12+$0x2790] =	vst v7;
	v5 =	vshrl.u32 v5, $0xE  }
0x2c: {  	v7 =	vld [tilespmem:s11+$0x0];
	[tilespmem:s12+$0x27A0] =	vst v5;
	v4 =	vshrl.u32 v4, $0xE  }
0x2d: {  	v9 =	vld [tilespmem:s11+$0x10];
	[tilespmem:s12+$0x27B0] =	vst v4;
	v2 =	vshrl.u32 v2, $0xE  }
.Ltmp2:
0x2e: {  	v5 =	vld [tilespmem:s11+$0x20];
	[tilespmem:s12+$0x27C0] =	vst v2;
	v2 =	vshrl.u32 v3, $0xE;
	(pc) =	sbr.rel @p1 .LBB2_6-.Ltmp2, $4  }
0x2f: {  	v4 =	vld [tilespmem:s11+$0x30];
	[tilespmem:s12+$0x27D0] =	vst v2;
	v3 =	vshrl.u32 v6, $0xE  }
0x30: {  	v2 =	vld [tilespmem:s11+$0x40];
	v6 =	vshrl.u32 v8, $0xE;
	[tilespmem:s12+$0x27E0] =	vst v3;
	s12 =	smov.u32 s11  }
0x31: {  	v7 =	vshrl.u32 v7, $0xE;
	v3 =	vld [tilespmem:s12+$0x50];
	[tilespmem:s12+$0x27F0] =	vst v6  }
0x32: {  	s11 =	sshra.s32 s13, $0x2;
	s13 =	sadd.s32 $0x200, s13;
	[tilespmem:s12+$0x2780] =	vst v7;
	v7 =	vshrl.u32 v9, $0xE;
	v6 =	vld [tilespmem:s12+$0x60]  }
0x33: {  	v8 =	vld [tilespmem:s11+$0x70];
	[tilespmem:s12+$0x2790] =	vst v7;
	v5 =	vshrl.u32 v5, $0xE  }
0x34: {  	v7 =	vld [tilespmem:s11+$0x0];
	[tilespmem:s12+$0x27A0] =	vst v5;
	v4 =	vshrl.u32 v4, $0xE  }
0x35: {  	v5 =	vld [tilespmem:s11+$0x10];
	[tilespmem:s12+$0x27B0] =	vst v4;
	v2 =	vshrl.u32 v2, $0xE  }
0x36: {  	v4 =	vld [tilespmem:s11+$0x20];
	[tilespmem:s12+$0x27C0] =	vst v2;
	v2 =	vshrl.u32 v3, $0xE  }
0x37: {  	v3 =	vld [tilespmem:s11+$0x30];
	[tilespmem:s12+$0x27D0] =	vst v2;
	v2 =	vshrl.u32 v6, $0xE  }
0x38: {  	v61 =	vld [tilespmem:s11+$0x40];
	[tilespmem:s12+$0x27E0] =	vst v2;
	v2 =	vshrl.u32 v8, $0xE  }
0x39: {  	v62 =	vld [tilespmem:s11+$0x50];
	v7 =	vshrl.u32 v7, $0xE;
	[tilespmem:s11+$0x27F0] =	vst v2  }
0x3a: {  	v63 =	vld [tilespmem:s11+$0x60];
	[tilespmem:s11+$0x2780] =	vst v7;
	v2 =	vshrl.u32 v5, $0xE  }
0x3b: {  	[tilespmem:s11+$0x2790] =	vst v2;
	v2 =	vshrl.u32 v4, $0xE  }
0x3c: {  	[tilespmem:s11+$0x27A0] =	vst v2;
	v2 =	vshrl.u32 v3, $0xE  }
0x3d: {  	[tilespmem:s11+$0x27B0] =	vst v2;
	v2 =	vshrl.u32 v61, $0xE  }
0x3e: {  	[tilespmem:s11+$0x27C0] =	vst v2;
	v2 =	vshrl.u32 v62, $0xE  }
0x3f: {  	[tilespmem:s11+$0x27D0] =	vst v2;
	v2 =	vshrl.u32 v63, $0xE  }
0x40: {  	[tilespmem:s11+$0x27E0] =	vst v2  }
0x41: {  	s11 =	simm.s32 $0x0;
	[bflag:$0x0] =	sbarrier.arrive $0xFFFF  }
.LBB2_8:
0x42: {  	p1 =	sne.s32 s11, $0x9C00  }
.Ltmp3:
0x43: {  	_ = 	snop;
	(pc) =	sbr.rel @p1 .LBB2_8-.Ltmp3, $4  }
0x44: {  	_ = 	snop  }
0x45: {  	s12 =	sshra.s32 s11, $0x2  }
0x46: {  	s11 =	sadd.s32 $0x200, s11;
	s12 =	sadd.s32 $0x2780, s12  }
0x47: {  	[spmem:s1] =	stream.indirect.scatter.add.f32 [tilespmem:s9], [sflag:$0x1], $0x1, s12, s8, $0xb8;
	[tilespmem:$0x79F8] =	vst v63  }
0x48: {  	_ =	swait.ge [sflag:s10], $0x80  }
0x49: {  	s11 =	simm.s32 $0x4E;
	[sflag:s10] =	ssyncset.done $0x0  }
.LBB2_10:
0x4a: {  	p1 =	sne.s32 s11, $0x1;
	s11 =	sadd.s32 $0xFFFFFFFF, s11;
	[sflag:s10] =	ssyncadd.s32 $0xFFFFFF80  }
.Ltmp4:
0x4b: {  	(pc) =	sbr.rel @p1 .LBB2_10-.Ltmp4, $3  }
0x4c: {  	_ =	sdelay $0x1  }
0x4d: {  	_ =	swait.ge [sflag:s10], $0x80  }
0x4e: {  	[sflag:s10] =	ssyncset.done $0x0  }
0x4f: {  	[sflag:s10] =	ssyncadd.s32 $0xFFFFFF80  }
0x50: {  	s11 =	simm.s32 @!p0 $0x5000;
	s12 =	simm.s32 @!p0 $0x2;
	[bflag:$0x0] =	sbarrier.arrive $0xFFFF  }
0x51: {  	[tilespmem:s11], [sflag:$0x2] =	stream.linear.gather @!p0 [spmem:s1], $0x2780, $0x38;
	[tilespmem:$0x79F8] =	vst v63  }
0x52: {  	s2 =	sadd.s32 $0x1, s2;
	_ =	swait.ge @!p0 [sflag:s12], $0x2780  }
0x53: {  	p1 =	sne.s32 s2, s5;
	[sflag:s12] =	ssyncset.done @!p0 $0x0  }
.Ltmp5:
0x54: {  	s13 =	simm.s32 @!p0 $0x0;
	[sflag:s12] =	ssyncadd.s32 @!p0 $0xFFFFD880;
	(pc) =	sbr.rel @p1 .LBB2_1-.Ltmp5, $4  }
0x55: {  	[hbm4b:s4+s13] =	stream.linear.scatter @!p0 [tilespmem:s11], [sflag:$0x2], $0x2780, $0x38;
	[tilespmem:$0x79F8] =	vst v63  }
0x56: {  	_ =	swait.ge @!p0 [sflag:s12], $0x2780  }
0x57: {  	[sflag:s12] =	ssyncset.done @!p0 $0x0  }
0x58: {  	[sflag:s12] =	ssyncadd.s32 @!p0 $0xFFFFD880  }
0x59: {  	_ =	sfence.sel $0x180000  }
0x5a: {  	[bflag:$0x0] =	sbarrier.arrive $0xFFFF  }
0x5b: {  	_ =	strace $0x90000047  }
0x5c: {  	s0 =	sadd.s32 @!p0 $0x100000, s0;
	[bflag:$0x2] =	sbarrier.arrive $0xFFFF  }
0x5d: {  	[sflag:s0] =	ssyncadd.tile.s32 @!p0 $0x1;
	_ =	shalt  }
.Lfunc_end2:
_tile_overlayer_lowered:
.L_overlay_start_2:
0x5e: {  	(tag) =	ssettag $0x2  }
0x5f: {  	s0 =	rddreg [dreg:$0x0];
	s2 =	stileid.u32  }
0x60: {  	s1 =	rddreg [dreg:$0x1];
	p0 =	sne.s32 s2, $0x0  }
0x61: {  	s3 =	rddreg [dreg:$0x2];
	[bflag:$0x3] =	sbarrier.arrive $0xFFFF;
	s2 =	simm.s32 @!p0 $0x1C02  }
0x62: {  	[timem:s3], [sflag:s2] =	dma.local @!p0 [hbm:s0], s1  }
0x63: {  	s0 =	simm.s32 @!p0 $0x2  }
0x64: {  	_ =	swait.ge @!p0 [sflag:s0], s1  }
0x65: {  	s1 =	ssub.s32 @!p0 $0x0, s1;
	[sflag:s0] =	ssyncset.done @!p0 $0x0  }
0x66: {  	[sflag:s0] =	ssyncadd.s32 @!p0 s1  }
0x67: {  	[bflag:$0x3] =	sbarrier.arrive $0xFFFF  }
0x68: {  	_ =	shalt  }

</sc_bundles>
